<compile_context>
chip_gen: v7x
topology: tpu7x:2x2x1
jax: 0.10.2.dev20260603
libtpu: 0.0.44.dev20260713+nightly
codegen_flags: <defaults>
</compile_context>

<pallas_src>
import jax
import jax.numpy as jnp
from jax import lax
from jax.experimental import pallas as pl
from jax.experimental.pallas import tpu as pltpu
from jax.experimental.pallas import tpu_sc as plsc

BATCH = 16384
NENT = 1000000
EDIM = 64
RDIM = 32
NREL = 1000
WROW = EDIM * RDIM + 128
NC = 2
NS = 16
NW = NC * NS
ROWS_PER_TILE = BATCH // NW
BLOCK = 128
N_BLOCKS = ROWS_PER_TILE // BLOCK
SUB = 8
N_SUB = BLOCK // SUB

_PIB = jax.lax.GatherScatterMode.PROMISE_IN_BOUNDS
_GATHER_DNUMS = lax.GatherDimensionNumbers(
    offset_dims=(), collapsed_slice_dims=(0,), start_index_map=(0,))


def _bcast(vec, lane):
    idx = jnp.broadcast_to(jnp.asarray(lane, jnp.int32), (16,))[:, None]
    return lax.gather(vec, idx, _GATHER_DNUMS, slice_sizes=(1,), mode=_PIB)


def _sc_body(h_hbm, r_hbm, p_hbm, n_hbm, ent_hbm, wre_hbm,
             diff_hbm, reg_hbm,
             h_idx, r_idx, p_idx, n_idx,
             h_buf, p_buf, n_buf, w_buf, score_buf, reg_stage,
             sem, sem_w0, sem_w1):
    wid = lax.axis_index("s") * NC + lax.axis_index("c")
    base = wid * ROWS_PER_TILE
    zeros = jnp.zeros((16,), jnp.float32)

    def make_row_body(wslot):
        def row_body(i, rc):
            racc0, racc1, s = rc
            j = s * SUB + i
            uq = []
            vq = []
            for q in range(4):
                off = q * 16
                hq = h_buf[j, pl.ds(off, 16)]
                pq = p_buf[j, pl.ds(off, 16)]
                nq = n_buf[j, pl.ds(off, 16)]
                uq.append(hq - pq)
                vq.append(hq - nq)
                racc0 = racc0 + hq * hq + pq * pq + nq * nq
            re0 = w_buf[wslot, i, pl.ds(2048, 16)]
            re1 = w_buf[wslot, i, pl.ds(2064, 16)]
            racc1 = racc1 + re0 * re0 + re1 * re1
            ap0 = re0
            ap1 = re1
            an0 = re0
            an1 = re1
            for d in range(EDIM):
                w0 = w_buf[wslot, i, pl.ds(d * RDIM, 16)]
                w1 = w_buf[wslot, i, pl.ds(d * RDIM + 16, 16)]
                ub = _bcast(uq[d // 16], d % 16)
                vb = _bcast(vq[d // 16], d % 16)
                ap0 = ap0 + ub * w0
                ap1 = ap1 + ub * w1
                an0 = an0 + vb * w0
                an1 = an1 + vb * w1
            spn = ap0 * ap0 + ap1 * ap1 - an0 * an0 - an1 * an1
            score_buf[j, :] = spn
            return (racc0, racc1, s)
        return row_body

    _row0 = make_row_body(0)
    _row1 = make_row_body(1)

    def fire_w(s, wslot, wsem):
        pltpu.async_copy(wre_hbm.at[r_idx.at[pl.ds(s * SUB, SUB)]],
                         w_buf.at[wslot], wsem)

    def drain_w(wslot, wsem):
        pltpu.make_async_copy(wre_hbm.at[pl.ds(0, SUB)],
                              w_buf.at[wslot], wsem).wait()

    def block_body(b, carry):
        racc0, racc1 = carry
        row0 = base + b * BLOCK
        c1 = pltpu.async_copy(h_hbm.at[pl.ds(row0, BLOCK)], h_idx, sem)
        c2 = pltpu.async_copy(r_hbm.at[pl.ds(row0, BLOCK)], r_idx, sem)
        c3 = pltpu.async_copy(p_hbm.at[pl.ds(row0, BLOCK)], p_idx, sem)
        c4 = pltpu.async_copy(n_hbm.at[pl.ds(row0, BLOCK)], n_idx, sem)
        c1.wait(); c2.wait(); c3.wait(); c4.wait()
        g1 = pltpu.async_copy(ent_hbm.at[h_idx], h_buf, sem)
        g2 = pltpu.async_copy(ent_hbm.at[p_idx], p_buf, sem)
        g3 = pltpu.async_copy(ent_hbm.at[n_idx], n_buf, sem)
        fire_w(0, 0, sem_w0)
        g1.wait(); g2.wait(); g3.wait()

        def pair_body(k, rc):
            racc0, racc1 = rc
            s_even = 2 * k
            fire_w(s_even + 1, 1, sem_w1)
            drain_w(0, sem_w0)
            racc0, racc1, _ = lax.fori_loop(0, SUB, _row0,
                                            (racc0, racc1, s_even))
            @pl.when(k < N_SUB // 2 - 1)
            def _():
                fire_w(s_even + 2, 0, sem_w0)
            drain_w(1, sem_w1)
            racc0, racc1, _ = lax.fori_loop(0, SUB, _row1,
                                            (racc0, racc1, s_even + 1))
            return (racc0, racc1)

        racc0, racc1 = lax.fori_loop(0, N_SUB // 2, pair_body,
                                     (racc0, racc1))
        pltpu.sync_copy(score_buf, diff_hbm.at[pl.ds(row0, BLOCK)])
        return (racc0, racc1)

    racc0, racc1 = lax.fori_loop(0, N_BLOCKS, block_body, (zeros, zeros))
    reg_stage[pl.ds(0, 16)] = racc0
    reg_stage[pl.ds(16, 16)] = racc1
    for k in range(2, 8):
        reg_stage[pl.ds(k * 16, 16)] = zeros
    pltpu.sync_copy(reg_stage, reg_hbm.at[wid])


def _tc_body(diff_ref, reg_ref, out_ref):
    spn = diff_ref[...]
    z = 0.5 * jnp.sum(spn, axis=1, keepdims=True)
    nz = -z
    softplus = jnp.maximum(nz, 0.0) + jnp.log1p(jnp.exp(-jnp.abs(nz)))
    kg = jnp.sum(softplus) * (1.0 / BATCH)
    regt = jnp.sum(reg_ref[...]) * (1.0 / (2.0 * BATCH))
    out_ref[0, 0] = kg + 0.01 * regt


def kernel(h, r, pos_t, neg_t, entity_embed, relation_embed, relation_weight):
    ent128 = jnp.dot(entity_embed, jnp.eye(EDIM, 128, dtype=jnp.float32),
                     precision=jax.lax.Precision.DEFAULT)
    wre = jnp.concatenate(
        [relation_weight.reshape(NREL, EDIM * RDIM),
         jnp.pad(relation_embed, ((0, 0), (0, 128 - RDIM)))], axis=1)
    mesh = plsc.VectorSubcoreMesh(core_axis_name="c", subcore_axis_name="s")
    sc = pl.kernel(
        _sc_body,
        mesh=mesh,
        out_type=(
            jax.ShapeDtypeStruct((BATCH, 16), jnp.float32),
            jax.ShapeDtypeStruct((NW, 128), jnp.float32),
        ),
        scratch_types=[
            pltpu.VMEM((BLOCK,), jnp.int32),
            pltpu.VMEM((BLOCK,), jnp.int32),
            pltpu.VMEM((BLOCK,), jnp.int32),
            pltpu.VMEM((BLOCK,), jnp.int32),
            pltpu.VMEM((BLOCK, 128), jnp.float32),
            pltpu.VMEM((BLOCK, 128), jnp.float32),
            pltpu.VMEM((BLOCK, 128), jnp.float32),
            pltpu.VMEM((2, SUB, WROW), jnp.float32),
            pltpu.VMEM((BLOCK, 16), jnp.float32),
            pltpu.VMEM((128,), jnp.float32),
            pltpu.SemaphoreType.DMA,
            pltpu.SemaphoreType.DMA,
            pltpu.SemaphoreType.DMA,
        ],
    )
    diff, reg = sc(h, r, pos_t, neg_t, ent128, wre)
    out = pl.pallas_call(
        _tc_body,
        out_shape=jax.ShapeDtypeStruct((1, 1), jnp.float32),
        out_specs=pl.BlockSpec(memory_space=pltpu.SMEM),
    )(diff, reg)
    return out[0, 0]

# --- scband reference (transcript-rebuilt; emitter-appended) ---
"""Pipeline reference for scband-kgemodel-59734405152886 (READ-ONLY COPY).

The authoritative reference and input builder live on the scoring server;
editing this copy changes nothing except your own understanding.
"""

import jax, jax.numpy as jnp
import numpy as np

N_ENTITIES = 1000000
N_RELATIONS = 1000
ENTITY_DIM = 64
RELATION_DIM = 32
REG_LAMBDA = 0.01
BATCH = 16384


def setup_inputs(seed: int = 0) -> dict:
    key = jax.random.key(seed)
    k1, k2, k3, k4, k5, k6, k7 = jax.random.split(key, 7)
    h = jax.random.randint(k1, (BATCH,), 0, N_ENTITIES, dtype=jnp.int64 if jax.config.jax_enable_x64 else jnp.int32)
    r = jax.random.randint(k2, (BATCH,), 0, N_RELATIONS, dtype=jnp.int64 if jax.config.jax_enable_x64 else jnp.int32)
    pos_t = jax.random.randint(k3, (BATCH,), 0, N_ENTITIES, dtype=jnp.int64 if jax.config.jax_enable_x64 else jnp.int32)
    neg_t = jax.random.randint(k4, (BATCH,), 0, N_ENTITIES, dtype=jnp.int64 if jax.config.jax_enable_x64 else jnp.int32)
    entity_embed = jax.random.normal(k5, (N_ENTITIES, ENTITY_DIM), dtype=jnp.float32)
    relation_embed = jax.random.normal(k6, (N_RELATIONS, RELATION_DIM), dtype=jnp.float32)
    # xavier_uniform with gain for relu: gain * sqrt(6/(fan_in+fan_out))
    gain = float(np.sqrt(2.0))
    bound = gain * float(np.sqrt(6.0 / (ENTITY_DIM + RELATION_DIM)))
    relation_weight = jax.random.uniform(k7, (N_RELATIONS, ENTITY_DIM, RELATION_DIM), dtype=jnp.float32, minval=-bound, maxval=bound)
    return {"h": h, "r": r, "pos_t": pos_t, "neg_t": neg_t,
            "entity_embed": entity_embed, "relation_embed": relation_embed,
            "relation_weight": relation_weight}


def _L2_norm(x):
    return jnp.sum(x ** 2, axis=1) / 2.0


def _L2_norm_mean(x):
    return jnp.mean(_L2_norm(x))


def _bmm_select(A, B, index):
    # A: float [M, D1]; B: [N, D1, D2]; index: int [M] -> [M, D2]
    BB = jnp.take(B, index, axis=0)
    return jnp.einsum('md,mde->me', A, BB)


def reference(h, r, pos_t, neg_t, entity_embed, relation_embed, relation_weight):
    h_embed = jnp.take(entity_embed, h, axis=0)
    r_embed = jnp.take(relation_embed, r, axis=0)
    pos_t_embed = jnp.take(entity_embed, pos_t, axis=0)
    neg_t_embed = jnp.take(entity_embed, neg_t, axis=0)
    h_vec = _bmm_select(h_embed, relation_weight, r)
    pos_t_vec = _bmm_select(pos_t_embed, relation_weight, r)
    neg_t_vec = _bmm_select(neg_t_embed, relation_weight, r)
    pos_score = _L2_norm(h_vec + r_embed - pos_t_vec)
    neg_score = _L2_norm(h_vec + r_embed - neg_t_vec)
    kg_loss = -jax.nn.log_sigmoid(pos_score - neg_score)
    kg_loss = jnp.mean(kg_loss)
    kg_reg_loss = (_L2_norm_mean(h_embed) + _L2_norm_mean(r_embed)
                   + _L2_norm_mean(pos_t_embed) + _L2_norm_mean(neg_t_embed))
    loss = kg_loss + REG_LAMBDA * kg_reg_loss
    return loss

if __name__ == "__main__":
    import jax
    _d = setup_inputs()
    print(jax.jit(kernel)(*tuple(_d.values())))

</pallas_src>

<mosaic_0001>
#map = affine_map<(d0, d1) -> (0)>
#map1 = affine_map<(d0, d1) -> (0, 0)>
module attributes {stable_mosaic.version = 14 : i64} {
  func.func @_sc_body(%arg0: i32, %arg1: i32, %arg2: memref<16384xi32, #tpu.memory_space<hbm>>, %arg3: memref<16384xi32, #tpu.memory_space<hbm>>, %arg4: memref<16384xi32, #tpu.memory_space<hbm>>, %arg5: memref<16384xi32, #tpu.memory_space<hbm>>, %arg6: memref<1000000x128xf32, #tpu.memory_space<hbm>>, %arg7: memref<1000x2176xf32, #tpu.memory_space<hbm>>, %arg8: memref<16384x16xf32, #tpu.memory_space<hbm>>, %arg9: memref<32x128xf32, #tpu.memory_space<hbm>>, %arg10: memref<128xi32, #tpu.memory_space<vmem>>, %arg11: memref<128xi32, #tpu.memory_space<vmem>>, %arg12: memref<128xi32, #tpu.memory_space<vmem>>, %arg13: memref<128xi32, #tpu.memory_space<vmem>>, %arg14: memref<128x128xf32, #tpu.memory_space<vmem>>, %arg15: memref<128x128xf32, #tpu.memory_space<vmem>>, %arg16: memref<128x128xf32, #tpu.memory_space<vmem>>, %arg17: memref<2x8x2176xf32, #tpu.memory_space<vmem>>, %arg18: memref<128x16xf32, #tpu.memory_space<vmem>>, %arg19: memref<128xf32, #tpu.memory_space<vmem>>, %arg20: memref<!tpu.dma_semaphore, #tpu.memory_space<semaphore_mem>>, %arg21: memref<!tpu.dma_semaphore, #tpu.memory_space<semaphore_mem>>, %arg22: memref<!tpu.dma_semaphore, #tpu.memory_space<semaphore_mem>>) attributes {dimension_semantics = [#tpu.dimension_semantics<core_parallel>, #tpu.dimension_semantics<subcore_parallel>], iteration_bounds = array<i64: 2, 16>, scalar_prefetch = 0 : i64, scratch_operands = 13 : i64, tpu.core_type = #tpu.core_type<sc_vector_subcore>, window_params = [{transform_indices = #map}, {transform_indices = #map}, {transform_indices = #map}, {transform_indices = #map}, {transform_indices = #map1}, {transform_indices = #map1}, {transform_indices = #map1}, {transform_indices = #map1}]} {
    %mul3A = arith.constant 2 : i32
    %mul3A_0 = arith.muli %arg1, %mul3A : i32
    %add3A = arith.addi %mul3A_0, %arg0 : i32
    %mul3A_1 = arith.constant 512 : i32
    %mul3A_2 = arith.muli %add3A, %mul3A_1 : i32
    %broadcast_in_dim3A = arith.constant 0.000000e+00 : f32
    %broadcast_in_dim3A_3 = vector.broadcast %broadcast_in_dim3A : f32 to vector<16xf32>
    %scan3A = arith.constant 0 : i32
    %scan3A_4 = arith.constant 4 : i32
    %scan3A_5 = arith.addi %scan3A, %scan3A_4 : i32
    %scan3A_6 = arith.constant 1 : i32
    %scan3A_7:2 = scf.for %scan3A_40 = %scan3A to %scan3A_5 step %scan3A_6 iter_args(%scan3A_41 = %broadcast_in_dim3A_3, %scan3A_42 = %broadcast_in_dim3A_3) -> (vector<16xf32>, vector<16xf32>)  : i32 {
      %mul3A_43 = arith.constant 128 : i32
      %mul3A_44 = arith.muli %scan3A_40, %mul3A_43 : i32
      %add3A_45 = arith.addi %mul3A_2, %mul3A_44 : i32
      %dma_start3A = tpu.memref_slice %arg2[%add3A_45] : memref<16384xi32, #tpu.memory_space<hbm>> -> memref<128xi32, #tpu.memory_space<hbm>>
      %dma_start3A_46 = tpu.memref_slice %arg2[%add3A_45] : memref<16384xi32, #tpu.memory_space<hbm>> -> memref<128xi32, #tpu.memory_space<hbm>>
      tpu.enqueue_dma source(%dma_start3A_46 : memref<128xi32, #tpu.memory_space<hbm>>) target(%arg10 : memref<128xi32, #tpu.memory_space<vmem>>) target_semaphore(%arg20 : memref<!tpu.dma_semaphore, #tpu.memory_space<semaphore_mem>>)
      %dma_start3A_47 = tpu.memref_slice %arg3[%add3A_45] : memref<16384xi32, #tpu.memory_space<hbm>> -> memref<128xi32, #tpu.memory_space<hbm>>
      %dma_start3A_48 = tpu.memref_slice %arg3[%add3A_45] : memref<16384xi32, #tpu.memory_space<hbm>> -> memref<128xi32, #tpu.memory_space<hbm>>
      tpu.enqueue_dma source(%dma_start3A_48 : memref<128xi32, #tpu.memory_space<hbm>>) target(%arg11 : memref<128xi32, #tpu.memory_space<vmem>>) target_semaphore(%arg20 : memref<!tpu.dma_semaphore, #tpu.memory_space<semaphore_mem>>)
      %dma_start3A_49 = tpu.memref_slice %arg4[%add3A_45] : memref<16384xi32, #tpu.memory_space<hbm>> -> memref<128xi32, #tpu.memory_space<hbm>>
      %dma_start3A_50 = tpu.memref_slice %arg4[%add3A_45] : memref<16384xi32, #tpu.memory_space<hbm>> -> memref<128xi32, #tpu.memory_space<hbm>>
      tpu.enqueue_dma source(%dma_start3A_50 : memref<128xi32, #tpu.memory_space<hbm>>) target(%arg12 : memref<128xi32, #tpu.memory_space<vmem>>) target_semaphore(%arg20 : memref<!tpu.dma_semaphore, #tpu.memory_space<semaphore_mem>>)
      %dma_start3A_51 = tpu.memref_slice %arg5[%add3A_45] : memref<16384xi32, #tpu.memory_space<hbm>> -> memref<128xi32, #tpu.memory_space<hbm>>
      %dma_start3A_52 = tpu.memref_slice %arg5[%add3A_45] : memref<16384xi32, #tpu.memory_space<hbm>> -> memref<128xi32, #tpu.memory_space<hbm>>
      tpu.enqueue_dma source(%dma_start3A_52 : memref<128xi32, #tpu.memory_space<hbm>>) target(%arg13 : memref<128xi32, #tpu.memory_space<vmem>>) target_semaphore(%arg20 : memref<!tpu.dma_semaphore, #tpu.memory_space<semaphore_mem>>)
      %dma_wait3A = tpu.memref_slice %arg2[%add3A_45] : memref<16384xi32, #tpu.memory_space<hbm>> -> memref<128xi32, #tpu.memory_space<hbm>>
      %dma_wait3A_53 = tpu.memref_slice %arg2[%add3A_45] : memref<16384xi32, #tpu.memory_space<hbm>> -> memref<128xi32, #tpu.memory_space<hbm>>
      tpu.wait_dma2 semaphore(%arg20 : memref<!tpu.dma_semaphore, #tpu.memory_space<semaphore_mem>>) src(%dma_wait3A_53 : memref<128xi32, #tpu.memory_space<hbm>>) dst(%arg10 : memref<128xi32, #tpu.memory_space<vmem>>)
      %dma_wait3A_54 = tpu.memref_slice %arg3[%add3A_45] : memref<16384xi32, #tpu.memory_space<hbm>> -> memref<128xi32, #tpu.memory_space<hbm>>
      %dma_wait3A_55 = tpu.memref_slice %arg3[%add3A_45] : memref<16384xi32, #tpu.memory_space<hbm>> -> memref<128xi32, #tpu.memory_space<hbm>>
      tpu.wait_dma2 semaphore(%arg20 : memref<!tpu.dma_semaphore, #tpu.memory_space<semaphore_mem>>) src(%dma_wait3A_55 : memref<128xi32, #tpu.memory_space<hbm>>) dst(%arg11 : memref<128xi32, #tpu.memory_space<vmem>>)
      %dma_wait3A_56 = tpu.memref_slice %arg4[%add3A_45] : memref<16384xi32, #tpu.memory_space<hbm>> -> memref<128xi32, #tpu.memory_space<hbm>>
      %dma_wait3A_57 = tpu.memref_slice %arg4[%add3A_45] : memref<16384xi32, #tpu.memory_space<hbm>> -> memref<128xi32, #tpu.memory_space<hbm>>
      tpu.wait_dma2 semaphore(%arg20 : memref<!tpu.dma_semaphore, #tpu.memory_space<semaphore_mem>>) src(%dma_wait3A_57 : memref<128xi32, #tpu.memory_space<hbm>>) dst(%arg12 : memref<128xi32, #tpu.memory_space<vmem>>)
      %dma_wait3A_58 = tpu.memref_slice %arg5[%add3A_45] : memref<16384xi32, #tpu.memory_space<hbm>> -> memref<128xi32, #tpu.memory_space<hbm>>
      %dma_wait3A_59 = tpu.memref_slice %arg5[%add3A_45] : memref<16384xi32, #tpu.memory_space<hbm>> -> memref<128xi32, #tpu.memory_space<hbm>>
      tpu.wait_dma2 semaphore(%arg20 : memref<!tpu.dma_semaphore, #tpu.memory_space<semaphore_mem>>) src(%dma_wait3A_59 : memref<128xi32, #tpu.memory_space<hbm>>) dst(%arg13 : memref<128xi32, #tpu.memory_space<vmem>>)
      %dma_start3A_60 = arith.constant 0 : i32
      %dma_start3A_61 = arith.constant 0 : i32
      %dma_start3A_62 = tpu.memref_slice %arg6[%dma_start3A_60, %dma_start3A_61] : memref<1000000x128xf32, #tpu.memory_space<hbm>> -> memref<1000000x128xf32, #tpu.memory_space<hbm>>
      tpu.enqueue_indirect_dma source(%dma_start3A_62 : memref<1000000x128xf32, #tpu.memory_space<hbm>>) target(%arg14 : memref<128x128xf32, #tpu.memory_space<vmem>>) offsets(%arg10 : memref<128xi32, #tpu.memory_space<vmem>>) semaphore(%arg20 : memref<!tpu.dma_semaphore, #tpu.memory_space<semaphore_mem>>)
      %dma_start3A_63 = arith.constant 0 : i32
      %dma_start3A_64 = arith.constant 0 : i32
      %dma_start3A_65 = tpu.memref_slice %arg6[%dma_start3A_63, %dma_start3A_64] : memref<1000000x128xf32, #tpu.memory_space<hbm>> -> memref<1000000x128xf32, #tpu.memory_space<hbm>>
      tpu.enqueue_indirect_dma source(%dma_start3A_65 : memref<1000000x128xf32, #tpu.memory_space<hbm>>) target(%arg15 : memref<128x128xf32, #tpu.memory_space<vmem>>) offsets(%arg12 : memref<128xi32, #tpu.memory_space<vmem>>) semaphore(%arg20 : memref<!tpu.dma_semaphore, #tpu.memory_space<semaphore_mem>>)
      %dma_start3A_66 = arith.constant 0 : i32
      %dma_start3A_67 = arith.constant 0 : i32
      %dma_start3A_68 = tpu.memref_slice %arg6[%dma_start3A_66, %dma_start3A_67] : memref<1000000x128xf32, #tpu.memory_space<hbm>> -> memref<1000000x128xf32, #tpu.memory_space<hbm>>
      tpu.enqueue_indirect_dma source(%dma_start3A_68 : memref<1000000x128xf32, #tpu.memory_space<hbm>>) target(%arg16 : memref<128x128xf32, #tpu.memory_space<vmem>>) offsets(%arg13 : memref<128xi32, #tpu.memory_space<vmem>>) semaphore(%arg20 : memref<!tpu.dma_semaphore, #tpu.memory_space<semaphore_mem>>)
      %dma_start3A_69 = arith.constant 0 : i32
      %dma_start3A_70 = arith.constant 0 : i32
      %dma_start3A_71 = arith.constant 0 : i32
      %dma_start3A_72 = tpu.memref_slice %arg17[%dma_start3A_69, %dma_start3A_70, %dma_start3A_71] : memref<2x8x2176xf32, #tpu.memory_space<vmem>> -> memref<1x8x2176xf32, #tpu.memory_space<vmem>>
      %dma_start3A_73 = tpu.memref_squeeze %dma_start3A_72 : memref<1x8x2176xf32, #tpu.memory_space<vmem>> -> memref<8x2176xf32, #tpu.memory_space<vmem>>
      %dma_start3A_74 = arith.constant 0 : i32
      %dma_start3A_75 = tpu.memref_slice %arg11[%dma_start3A_74] : memref<128xi32, #tpu.memory_space<vmem>> -> memref<8xi32, #tpu.memory_space<vmem>>
      %dma_start3A_76 = arith.constant 0 : i32
      %dma_start3A_77 = arith.constant 0 : i32
      %dma_start3A_78 = tpu.memref_slice %arg7[%dma_start3A_76, %dma_start3A_77] : memref<1000x2176xf32, #tpu.memory_space<hbm>> -> memref<1000x2176xf32, #tpu.memory_space<hbm>>
      tpu.enqueue_indirect_dma source(%dma_start3A_78 : memref<1000x2176xf32, #tpu.memory_space<hbm>>) target(%dma_start3A_73 : memref<8x2176xf32, #tpu.memory_space<vmem>>) offsets(%dma_start3A_75 : memref<8xi32, #tpu.memory_space<vmem>>) semaphore(%arg21 : memref<!tpu.dma_semaphore, #tpu.memory_space<semaphore_mem>>)
      %dma_wait3A_79 = arith.constant 0 : i32
      %dma_wait3A_80 = arith.constant 0 : i32
      %dma_wait3A_81 = tpu.memref_slice %arg6[%dma_wait3A_79, %dma_wait3A_80] : memref<1000000x128xf32, #tpu.memory_space<hbm>> -> memref<1000000x128xf32, #tpu.memory_space<hbm>>
      tpu.wait_indirect_dma semaphore(%arg20 : memref<!tpu.dma_semaphore, #tpu.memory_space<semaphore_mem>>) src(%dma_wait3A_81 : memref<1000000x128xf32, #tpu.memory_space<hbm>>) dst(%arg14 : memref<128x128xf32, #tpu.memory_space<vmem>>)
      %dma_wait3A_82 = arith.constant 0 : i32
      %dma_wait3A_83 = arith.constant 0 : i32
      %dma_wait3A_84 = tpu.memref_slice %arg6[%dma_wait3A_82, %dma_wait3A_83] : memref<1000000x128xf32, #tpu.memory_space<hbm>> -> memref<1000000x128xf32, #tpu.memory_space<hbm>>
      tpu.wait_indirect_dma semaphore(%arg20 : memref<!tpu.dma_semaphore, #tpu.memory_space<semaphore_mem>>) src(%dma_wait3A_84 : memref<1000000x128xf32, #tpu.memory_space<hbm>>) dst(%arg15 : memref<128x128xf32, #tpu.memory_space<vmem>>)
      %dma_wait3A_85 = arith.constant 0 : i32
      %dma_wait3A_86 = arith.constant 0 : i32
      %dma_wait3A_87 = tpu.memref_slice %arg6[%dma_wait3A_85, %dma_wait3A_86] : memref<1000000x128xf32, #tpu.memory_space<hbm>> -> memref<1000000x128xf32, #tpu.memory_space<hbm>>
      tpu.wait_indirect_dma semaphore(%arg20 : memref<!tpu.dma_semaphore, #tpu.memory_space<semaphore_mem>>) src(%dma_wait3A_87 : memref<1000000x128xf32, #tpu.memory_space<hbm>>) dst(%arg16 : memref<128x128xf32, #tpu.memory_space<vmem>>)
      %scan3A_88 = arith.constant 0 : i32
      %scan3A_89 = arith.constant 8 : i32
      %scan3A_90 = arith.addi %scan3A_88, %scan3A_89 : i32
      %scan3A_91 = arith.constant 1 : i32
      %scan3A_92:2 = scf.for %scan3A_94 = %scan3A_88 to %scan3A_90 step %scan3A_91 iter_args(%scan3A_95 = %scan3A_41, %scan3A_96 = %scan3A_42) -> (vector<16xf32>, vector<16xf32>)  : i32 {
        %mul3A_97 = arith.constant 2 : i32
        %mul3A_98 = arith.muli %mul3A_97, %scan3A_94 : i32
        %add3A_99 = arith.constant 1 : i32
        %add3A_100 = arith.addi %mul3A_98, %add3A_99 : i32
        %mul3A_101 = arith.constant 8 : i32
        %mul3A_102 = arith.muli %add3A_100, %mul3A_101 : i32
        %dma_start3A_103 = arith.constant 1 : i32
        %dma_start3A_104 = arith.constant 0 : i32
        %dma_start3A_105 = arith.constant 0 : i32
        %dma_start3A_106 = tpu.memref_slice %arg17[%dma_start3A_103, %dma_start3A_104, %dma_start3A_105] : memref<2x8x2176xf32, #tpu.memory_space<vmem>> -> memref<1x8x2176xf32, #tpu.memory_space<vmem>>
        %dma_start3A_107 = tpu.memref_squeeze %dma_start3A_106 : memref<1x8x2176xf32, #tpu.memory_space<vmem>> -> memref<8x2176xf32, #tpu.memory_space<vmem>>
        %dma_start3A_108 = tpu.memref_slice %arg11[%mul3A_102] : memref<128xi32, #tpu.memory_space<vmem>> -> memref<8xi32, #tpu.memory_space<vmem>>
        %dma_start3A_109 = arith.constant 0 : i32
        %dma_start3A_110 = arith.constant 0 : i32
        %dma_start3A_111 = tpu.memref_slice %arg7[%dma_start3A_109, %dma_start3A_110] : memref<1000x2176xf32, #tpu.memory_space<hbm>> -> memref<1000x2176xf32, #tpu.memory_space<hbm>>
        tpu.enqueue_indirect_dma source(%dma_start3A_111 : memref<1000x2176xf32, #tpu.memory_space<hbm>>) target(%dma_start3A_107 : memref<8x2176xf32, #tpu.memory_space<vmem>>) offsets(%dma_start3A_108 : memref<8xi32, #tpu.memory_space<vmem>>) semaphore(%arg22 : memref<!tpu.dma_semaphore, #tpu.memory_space<semaphore_mem>>)
        %dma_wait3A_112 = arith.constant 0 : i32
        %dma_wait3A_113 = arith.constant 0 : i32
        %dma_wait3A_114 = arith.constant 0 : i32
        %dma_wait3A_115 = tpu.memref_slice %arg17[%dma_wait3A_112, %dma_wait3A_113, %dma_wait3A_114] : memref<2x8x2176xf32, #tpu.memory_space<vmem>> -> memref<1x8x2176xf32, #tpu.memory_space<vmem>>
        %dma_wait3A_116 = tpu.memref_squeeze %dma_wait3A_115 : memref<1x8x2176xf32, #tpu.memory_space<vmem>> -> memref<8x2176xf32, #tpu.memory_space<vmem>>
        %dma_wait3A_117 = arith.constant 0 : i32
        %dma_wait3A_118 = arith.constant 0 : i32
        %dma_wait3A_119 = tpu.memref_slice %arg7[%dma_wait3A_117, %dma_wait3A_118] : memref<1000x2176xf32, #tpu.memory_space<hbm>> -> memref<8x2176xf32, #tpu.memory_space<hbm>>
        %dma_wait3A_120 = arith.constant 0 : i32
        %dma_wait3A_121 = arith.constant 0 : i32
        %dma_wait3A_122 = tpu.memref_slice %arg17[%dma_wait3A_112, %dma_wait3A_120, %dma_wait3A_121] : memref<2x8x2176xf32, #tpu.memory_space<vmem>> -> memref<1x8x2176xf32, #tpu.memory_space<vmem>>
        %dma_wait3A_123 = tpu.memref_squeeze %dma_wait3A_122 : memref<1x8x2176xf32, #tpu.memory_space<vmem>> -> memref<8x2176xf32, #tpu.memory_space<vmem>>
        %dma_wait3A_124 = arith.constant 0 : i32
        %dma_wait3A_125 = arith.constant 0 : i32
        %dma_wait3A_126 = tpu.memref_slice %arg7[%dma_wait3A_124, %dma_wait3A_125] : memref<1000x2176xf32, #tpu.memory_space<hbm>> -> memref<8x2176xf32, #tpu.memory_space<hbm>>
        tpu.wait_dma2 semaphore(%arg21 : memref<!tpu.dma_semaphore, #tpu.memory_space<semaphore_mem>>) src(%dma_wait3A_126 : memref<8x2176xf32, #tpu.memory_space<hbm>>) dst(%dma_wait3A_123 : memref<8x2176xf32, #tpu.memory_space<vmem>>)
        %scan3A_127 = arith.constant 0 : i32
        %scan3A_128 = arith.constant 8 : i32
        %scan3A_129 = arith.addi %scan3A_127, %scan3A_128 : i32
        %scan3A_130 = arith.constant 1 : i32
        %scan3A_131:2 = scf.for %scan3A_158 = %scan3A_127 to %scan3A_129 step %scan3A_130 iter_args(%scan3A_159 = %scan3A_95, %scan3A_160 = %scan3A_96) -> (vector<16xf32>, vector<16xf32>)  : i32 {
          %mul3A_161 = arith.constant 8 : i32
          %mul3A_162 = arith.muli %mul3A_98, %mul3A_161 : i32
          %add3A_163 = arith.addi %mul3A_162, %scan3A_158 : i32
          %get3A = arith.index_cast %add3A_163 : i32 to index
          %get3A_164 = arith.constant 0 : index
          %get3A_165 = tpu.vector_load %arg14[%get3A, %get3A_164] {strides = array<i32>} : memref<128x128xf32, #tpu.memory_space<vmem>>, vector<1x16xf32>,
          %get3A_166 = vector.shape_cast %get3A_165 : vector<1x16xf32> to vector<16xf32>
          %get3A_167 = arith.index_cast %add3A_163 : i32 to index
          %get3A_168 = arith.constant 0 : index
          %get3A_169 = tpu.vector_load %arg15[%get3A_167, %get3A_168] {strides = array<i32>} : memref<128x128xf32, #tpu.memory_space<vmem>>, vector<1x16xf32>,
          %get3A_170 = vector.shape_cast %get3A_169 : vector<1x16xf32> to vector<16xf32>
          %get3A_171 = arith.index_cast %add3A_163 : i32 to index
          %get3A_172 = arith.constant 0 : index
          %get3A_173 = tpu.vector_load %arg16[%get3A_171, %get3A_172] {strides = array<i32>} : memref<128x128xf32, #tpu.memory_space<vmem>>, vector<1x16xf32>,
          %get3A_174 = vector.shape_cast %get3A_173 : vector<1x16xf32> to vector<16xf32>
          %sub3A = arith.subf %get3A_166, %get3A_170 : vector<16xf32>
          %sub3A_175 = arith.subf %get3A_166, %get3A_174 : vector<16xf32>
          %mul3A_176 = arith.mulf %get3A_166, %get3A_166 : vector<16xf32>
          %add3A_177 = arith.addf %scan3A_159, %mul3A_176 : vector<16xf32>
          %mul3A_178 = arith.mulf %get3A_170, %get3A_170 : vector<16xf32>
          %add3A_179 = arith.addf %add3A_177, %mul3A_178 : vector<16xf32>
          %mul3A_180 = arith.mulf %get3A_174, %get3A_174 : vector<16xf32>
          %add3A_181 = arith.addf %add3A_179, %mul3A_180 : vector<16xf32>
          %get3A_182 = arith.index_cast %add3A_163 : i32 to index
          %get3A_183 = arith.constant 16 : index
          %get3A_184 = tpu.vector_load %arg14[%get3A_182, %get3A_183] {strides = array<i32>} : memref<128x128xf32, #tpu.memory_space<vmem>>, vector<1x16xf32>,
          %get3A_185 = vector.shape_cast %get3A_184 : vector<1x16xf32> to vector<16xf32>
          %get3A_186 = arith.index_cast %add3A_163 : i32 to index
          %get3A_187 = arith.constant 16 : index
          %get3A_188 = tpu.vector_load %arg15[%get3A_186, %get3A_187] {strides = array<i32>} : memref<128x128xf32, #tpu.memory_space<vmem>>, vector<1x16xf32>,
          %get3A_189 = vector.shape_cast %get3A_188 : vector<1x16xf32> to vector<16xf32>
          %get3A_190 = arith.index_cast %add3A_163 : i32 to index
          %get3A_191 = arith.constant 16 : index
          %get3A_192 = tpu.vector_load %arg16[%get3A_190, %get3A_191] {strides = array<i32>} : memref<128x128xf32, #tpu.memory_space<vmem>>, vector<1x16xf32>,
          %get3A_193 = vector.shape_cast %get3A_192 : vector<1x16xf32> to vector<16xf32>
          %sub3A_194 = arith.subf %get3A_185, %get3A_189 : vector<16xf32>
          %sub3A_195 = arith.subf %get3A_185, %get3A_193 : vector<16xf32>
          %mul3A_196 = arith.mulf %get3A_185, %get3A_185 : vector<16xf32>
          %add3A_197 = arith.addf %add3A_181, %mul3A_196 : vector<16xf32>
          %mul3A_198 = arith.mulf %get3A_189, %get3A_189 : vector<16xf32>
          %add3A_199 = arith.addf %add3A_197, %mul3A_198 : vector<16xf32>
          %mul3A_200 = arith.mulf %get3A_193, %get3A_193 : vector<16xf32>
          %add3A_201 = arith.addf %add3A_199, %mul3A_200 : vector<16xf32>
          %get3A_202 = arith.index_cast %add3A_163 : i32 to index
          %get3A_203 = arith.constant 32 : index
          %get3A_204 = tpu.vector_load %arg14[%get3A_202, %get3A_203] {strides = array<i32>} : memref<128x128xf32, #tpu.memory_space<vmem>>, vector<1x16xf32>,
          %get3A_205 = vector.shape_cast %get3A_204 : vector<1x16xf32> to vector<16xf32>
          %get3A_206 = arith.index_cast %add3A_163 : i32 to index
          %get3A_207 = arith.constant 32 : index
          %get3A_208 = tpu.vector_load %arg15[%get3A_206, %get3A_207] {strides = array<i32>} : memref<128x128xf32, #tpu.memory_space<vmem>>, vector<1x16xf32>,
          %get3A_209 = vector.shape_cast %get3A_208 : vector<1x16xf32> to vector<16xf32>
          %get3A_210 = arith.index_cast %add3A_163 : i32 to index
          %get3A_211 = arith.constant 32 : index
          %get3A_212 = tpu.vector_load %arg16[%get3A_210, %get3A_211] {strides = array<i32>} : memref<128x128xf32, #tpu.memory_space<vmem>>, vector<1x16xf32>,
          %get3A_213 = vector.shape_cast %get3A_212 : vector<1x16xf32> to vector<16xf32>
          %sub3A_214 = arith.subf %get3A_205, %get3A_209 : vector<16xf32>
          %sub3A_215 = arith.subf %get3A_205, %get3A_213 : vector<16xf32>
          %mul3A_216 = arith.mulf %get3A_205, %get3A_205 : vector<16xf32>
          %add3A_217 = arith.addf %add3A_201, %mul3A_216 : vector<16xf32>
          %mul3A_218 = arith.mulf %get3A_209, %get3A_209 : vector<16xf32>
          %add3A_219 = arith.addf %add3A_217, %mul3A_218 : vector<16xf32>
          %mul3A_220 = arith.mulf %get3A_213, %get3A_213 : vector<16xf32>
          %add3A_221 = arith.addf %add3A_219, %mul3A_220 : vector<16xf32>
          %get3A_222 = arith.index_cast %add3A_163 : i32 to index
          %get3A_223 = arith.constant 48 : index
          %get3A_224 = tpu.vector_load %arg14[%get3A_222, %get3A_223] {strides = array<i32>} : memref<128x128xf32, #tpu.memory_space<vmem>>, vector<1x16xf32>,
          %get3A_225 = vector.shape_cast %get3A_224 : vector<1x16xf32> to vector<16xf32>
          %get3A_226 = arith.index_cast %add3A_163 : i32 to index
          %get3A_227 = arith.constant 48 : index
          %get3A_228 = tpu.vector_load %arg15[%get3A_226, %get3A_227] {strides = array<i32>} : memref<128x128xf32, #tpu.memory_space<vmem>>, vector<1x16xf32>,
          %get3A_229 = vector.shape_cast %get3A_228 : vector<1x16xf32> to vector<16xf32>
          %get3A_230 = arith.index_cast %add3A_163 : i32 to index
          %get3A_231 = arith.constant 48 : index
          %get3A_232 = tpu.vector_load %arg16[%get3A_230, %get3A_231] {strides = array<i32>} : memref<128x128xf32, #tpu.memory_space<vmem>>, vector<1x16xf32>,
          %get3A_233 = vector.shape_cast %get3A_232 : vector<1x16xf32> to vector<16xf32>
          %sub3A_234 = arith.subf %get3A_225, %get3A_229 : vector<16xf32>
          %sub3A_235 = arith.subf %get3A_225, %get3A_233 : vector<16xf32>
          %mul3A_236 = arith.mulf %get3A_225, %get3A_225 : vector<16xf32>
          %add3A_237 = arith.addf %add3A_221, %mul3A_236 : vector<16xf32>
          %mul3A_238 = arith.mulf %get3A_229, %get3A_229 : vector<16xf32>
          %add3A_239 = arith.addf %add3A_237, %mul3A_238 : vector<16xf32>
          %mul3A_240 = arith.mulf %get3A_233, %get3A_233 : vector<16xf32>
          %add3A_241 = arith.addf %add3A_239, %mul3A_240 : vector<16xf32>
          %get3A_242 = arith.constant 0 : i32
          %get3A_243 = arith.index_cast %get3A_242 : i32 to index
          %get3A_244 = arith.index_cast %scan3A_158 : i32 to index
          %get3A_245 = arith.constant 2048 : index
          %get3A_246 = tpu.vector_load %arg17[%get3A_243, %get3A_244, %get3A_245] {strides = array<i32>} : memref<2x8x2176xf32, #tpu.memory_space<vmem>>, vector<1x1x16xf32>,
          %get3A_247 = vector.shape_cast %get3A_246 : vector<1x1x16xf32> to vector<16xf32>
          %get3A_248 = arith.constant 0 : i32
          %get3A_249 = arith.index_cast %get3A_248 : i32 to index
          %get3A_250 = arith.index_cast %scan3A_158 : i32 to index
          %get3A_251 = arith.constant 2064 : index
          %get3A_252 = tpu.vector_load %arg17[%get3A_249, %get3A_250, %get3A_251] {strides = array<i32>} : memref<2x8x2176xf32, #tpu.memory_space<vmem>>, vector<1x1x16xf32>,
          %get3A_253 = vector.shape_cast %get3A_252 : vector<1x1x16xf32> to vector<16xf32>
          %mul3A_254 = arith.mulf %get3A_247, %get3A_247 : vector<16xf32>
          %add3A_255 = arith.addf %scan3A_160, %mul3A_254 : vector<16xf32>
          %mul3A_256 = arith.mulf %get3A_253, %get3A_253 : vector<16xf32>
          %add3A_257 = arith.addf %add3A_255, %mul3A_256 : vector<16xf32>
          %get3A_258 = arith.constant 0 : i32
          %get3A_259 = arith.index_cast %get3A_258 : i32 to index
          %get3A_260 = arith.index_cast %scan3A_158 : i32 to index
          %get3A_261 = arith.constant 0 : index
          %get3A_262 = tpu.vector_load %arg17[%get3A_259, %get3A_260, %get3A_261] {strides = array<i32>} : memref<2x8x2176xf32, #tpu.memory_space<vmem>>, vector<1x1x16xf32>,
          %get3A_263 = vector.shape_cast %get3A_262 : vector<1x1x16xf32> to vector<16xf32>
          %get3A_264 = arith.constant 0 : i32
          %get3A_265 = arith.index_cast %get3A_264 : i32 to index
          %get3A_266 = arith.index_cast %scan3A_158 : i32 to index
          %get3A_267 = arith.constant 16 : index
          %get3A_268 = tpu.vector_load %arg17[%get3A_265, %get3A_266, %get3A_267] {strides = array<i32>} : memref<2x8x2176xf32, #tpu.memory_space<vmem>>, vector<1x1x16xf32>,
          %get3A_269 = vector.shape_cast %get3A_268 : vector<1x1x16xf32> to vector<16xf32>
          %broadcast_in_dim3A_270 = arith.constant 0 : i32
          %broadcast_in_dim3A_271 = vector.broadcast %broadcast_in_dim3A_270 : i32 to vector<16xi32>
          %broadcast_in_dim3A_272 = vector.shape_cast %broadcast_in_dim3A_271 : vector<16xi32> to vector<16x1xi32>
          %gather3A = vector.shape_cast %broadcast_in_dim3A_272 : vector<16x1xi32> to vector<16xi32>
          %gather3A_273 = tpu.dynamic_gather %sub3A[%gather3A] in [0] : vector<16xf32>, vector<16xi32> -> vector<16xf32>
          %broadcast_in_dim3A_274 = arith.constant 0 : i32
          %broadcast_in_dim3A_275 = vector.broadcast %broadcast_in_dim3A_274 : i32 to vector<16xi32>
          %broadcast_in_dim3A_276 = vector.shape_cast %broadcast_in_dim3A_275 : vector<16xi32> to vector<16x1xi32>
          %gather3A_277 = vector.shape_cast %broadcast_in_dim3A_276 : vector<16x1xi32> to vector<16xi32>
          %gather3A_278 = tpu.dynamic_gather %sub3A_175[%gather3A_277] in [0] : vector<16xf32>, vector<16xi32> -> vector<16xf32>
          %mul3A_279 = arith.mulf %gather3A_273, %get3A_263 : vector<16xf32>
          %add3A_280 = arith.addf %get3A_247, %mul3A_279 : vector<16xf32>
          %mul3A_281 = arith.mulf %gather3A_273, %get3A_269 : vector<16xf32>
          %add3A_282 = arith.addf %get3A_253, %mul3A_281 : vector<16xf32>
          %mul3A_283 = arith.mulf %gather3A_278, %get3A_263 : vector<16xf32>
          %add3A_284 = arith.addf %get3A_247, %mul3A_283 : vector<16xf32>
          %mul3A_285 = arith.mulf %gather3A_278, %get3A_269 : vector<16xf32>
          %add3A_286 = arith.addf %get3A_253, %mul3A_285 : vector<16xf32>
          %get3A_287 = arith.constant 0 : i32
          %get3A_288 = arith.index_cast %get3A_287 : i32 to index
          %get3A_289 = arith.index_cast %scan3A_158 : i32 to index
          %get3A_290 = arith.constant 32 : index
          %get3A_291 = tpu.vector_load %arg17[%get3A_288, %get3A_289, %get3A_290] {strides = array<i32>} : memref<2x8x2176xf32, #tpu.memory_space<vmem>>, vector<1x1x16xf32>,
          %get3A_292 = vector.shape_cast %get3A_291 : vector<1x1x16xf32> to vector<16xf32>
          %get3A_293 = arith.constant 0 : i32
          %get3A_294 = arith.index_cast %get3A_293 : i32 to index
          %get3A_295 = arith.index_cast %scan3A_158 : i32 to index
          %get3A_296 = arith.constant 48 : index
          %get3A_297 = tpu.vector_load %arg17[%get3A_294, %get3A_295, %get3A_296] {strides = array<i32>} : memref<2x8x2176xf32, #tpu.memory_space<vmem>>, vector<1x1x16xf32>,
          %get3A_298 = vector.shape_cast %get3A_297 : vector<1x1x16xf32> to vector<16xf32>
          %broadcast_in_dim3A_299 = arith.constant 1 : i32
          %broadcast_in_dim3A_300 = vector.broadcast %broadcast_in_dim3A_299 : i32 to vector<16xi32>
          %broadcast_in_dim3A_301 = vector.shape_cast %broadcast_in_dim3A_300 : vector<16xi32> to vector<16x1xi32>
          %gather3A_302 = vector.shape_cast %broadcast_in_dim3A_301 : vector<16x1xi32> to vector<16xi32>
          %gather3A_303 = tpu.dynamic_gather %sub3A[%gather3A_302] in [0] : vector<16xf32>, vector<16xi32> -> vector<16xf32>
          %broadcast_in_dim3A_304 = arith.constant 1 : i32
          %broadcast_in_dim3A_305 = vector.broadcast %broadcast_in_dim3A_304 : i32 to vector<16xi32>
          %broadcast_in_dim3A_306 = vector.shape_cast %broadcast_in_dim3A_305 : vector<16xi32> to vector<16x1xi32>
          %gather3A_307 = vector.shape_cast %broadcast_in_dim3A_306 : vector<16x1xi32> to vector<16xi32>
          %gather3A_308 = tpu.dynamic_gather %sub3A_175[%gather3A_307] in [0] : vector<16xf32>, vector<16xi32> -> vector<16xf32>
          %mul3A_309 = arith.mulf %gather3A_303, %get3A_292 : vector<16xf32>
          %add3A_310 = arith.addf %add3A_280, %mul3A_309 : vector<16xf32>
          %mul3A_311 = arith.mulf %gather3A_303, %get3A_298 : vector<16xf32>
          %add3A_312 = arith.addf %add3A_282, %mul3A_311 : vector<16xf32>
          %mul3A_313 = arith.mulf %gather3A_308, %get3A_292 : vector<16xf32>
          %add3A_314 = arith.addf %add3A_284, %mul3A_313 : vector<16xf32>
          %mul3A_315 = arith.mulf %gather3A_308, %get3A_298 : vector<16xf32>
          %add3A_316 = arith.addf %add3A_286, %mul3A_315 : vector<16xf32>
          %get3A_317 = arith.constant 0 : i32
          %get3A_318 = arith.index_cast %get3A_317 : i32 to index
          %get3A_319 = arith.index_cast %scan3A_158 : i32 to index
          %get3A_320 = arith.constant 64 : index
          %get3A_321 = tpu.vector_load %arg17[%get3A_318, %get3A_319, %get3A_320] {strides = array<i32>} : memref<2x8x2176xf32, #tpu.memory_space<vmem>>, vector<1x1x16xf32>,
          %get3A_322 = vector.shape_cast %get3A_321 : vector<1x1x16xf32> to vector<16xf32>
          %get3A_323 = arith.constant 0 : i32
          %get3A_324 = arith.index_cast %get3A_323 : i32 to index
          %get3A_325 = arith.index_cast %scan3A_158 : i32 to index
          %get3A_326 = arith.constant 80 : index
          %get3A_327 = tpu.vector_load %arg17[%get3A_324, %get3A_325, %get3A_326] {strides = array<i32>} : memref<2x8x2176xf32, #tpu.memory_space<vmem>>, vector<1x1x16xf32>,
          %get3A_328 = vector.shape_cast %get3A_327 : vector<1x1x16xf32> to vector<16xf32>
          %broadcast_in_dim3A_329 = arith.constant 2 : i32
          %broadcast_in_dim3A_330 = vector.broadcast %broadcast_in_dim3A_329 : i32 to vector<16xi32>
          %broadcast_in_dim3A_331 = vector.shape_cast %broadcast_in_dim3A_330 : vector<16xi32> to vector<16x1xi32>
          %gather3A_332 = vector.shape_cast %broadcast_in_dim3A_331 : vector<16x1xi32> to vector<16xi32>
          %gather3A_333 = tpu.dynamic_gather %sub3A[%gather3A_332] in [0] : vector<16xf32>, vector<16xi32> -> vector<16xf32>
          %broadcast_in_dim3A_334 = arith.constant 2 : i32
          %broadcast_in_dim3A_335 = vector.broadcast %broadcast_in_dim3A_334 : i32 to vector<16xi32>
          %broadcast_in_dim3A_336 = vector.shape_cast %broadcast_in_dim3A_335 : vector<16xi32> to vector<16x1xi32>
          %gather3A_337 = vector.shape_cast %broadcast_in_dim3A_336 : vector<16x1xi32> to vector<16xi32>
          %gather3A_338 = tpu.dynamic_gather %sub3A_175[%gather3A_337] in [0] : vector<16xf32>, vector<16xi32> -> vector<16xf32>
          %mul3A_339 = arith.mulf %gather3A_333, %get3A_322 : vector<16xf32>
          %add3A_340 = arith.addf %add3A_310, %mul3A_339 : vector<16xf32>
          %mul3A_341 = arith.mulf %gather3A_333, %get3A_328 : vector<16xf32>
          %add3A_342 = arith.addf %add3A_312, %mul3A_341 : vector<16xf32>
          %mul3A_343 = arith.mulf %gather3A_338, %get3A_322 : vector<16xf32>
          %add3A_344 = arith.addf %add3A_314, %mul3A_343 : vector<16xf32>
          %mul3A_345 = arith.mulf %gather3A_338, %get3A_328 : vector<16xf32>
          %add3A_346 = arith.addf %add3A_316, %mul3A_345 : vector<16xf32>
          %get3A_347 = arith.constant 0 : i32
          %get3A_348 = arith.index_cast %get3A_347 : i32 to index
          %get3A_349 = arith.index_cast %scan3A_158 : i32 to index
          %get3A_350 = arith.constant 96 : index
          %get3A_351 = tpu.vector_load %arg17[%get3A_348, %get3A_349, %get3A_350] {strides = array<i32>} : memref<2x8x2176xf32, #tpu.memory_space<vmem>>, vector<1x1x16xf32>,
          %get3A_352 = vector.shape_cast %get3A_351 : vector<1x1x16xf32> to vector<16xf32>
          %get3A_353 = arith.constant 0 : i32
          %get3A_354 = arith.index_cast %get3A_353 : i32 to index
          %get3A_355 = arith.index_cast %scan3A_158 : i32 to index
          %get3A_356 = arith.constant 112 : index
          %get3A_357 = tpu.vector_load %arg17[%get3A_354, %get3A_355, %get3A_356] {strides = array<i32>} : memref<2x8x2176xf32, #tpu.memory_space<vmem>>, vector<1x1x16xf32>,
          %get3A_358 = vector.shape_cast %get3A_357 : vector<1x1x16xf32> to vector<16xf32>
          %broadcast_in_dim3A_359 = arith.constant 3 : i32
          %broadcast_in_dim3A_360 = vector.broadcast %broadcast_in_dim3A_359 : i32 to vector<16xi32>
          %broadcast_in_dim3A_361 = vector.shape_cast %broadcast_in_dim3A_360 : vector<16xi32> to vector<16x1xi32>
          %gather3A_362 = vector.shape_cast %broadcast_in_dim3A_361 : vector<16x1xi32> to vector<16xi32>
          %gather3A_363 = tpu.dynamic_gather %sub3A[%gather3A_362] in [0] : vector<16xf32>, vector<16xi32> -> vector<16xf32>
          %broadcast_in_dim3A_364 = arith.constant 3 : i32
          %broadcast_in_dim3A_365 = vector.broadcast %broadcast_in_dim3A_364 : i32 to vector<16xi32>
          %broadcast_in_dim3A_366 = vector.shape_cast %broadcast_in_dim3A_365 : vector<16xi32> to vector<16x1xi32>
          %gather3A_367 = vector.shape_cast %broadcast_in_dim3A_366 : vector<16x1xi32> to vector<16xi32>
          %gather3A_368 = tpu.dynamic_gather %sub3A_175[%gather3A_367] in [0] : vector<16xf32>, vector<16xi32> -> vector<16xf32>
          %mul3A_369 = arith.mulf %gather3A_363, %get3A_352 : vector<16xf32>
          %add3A_370 = arith.addf %add3A_340, %mul3A_369 : vector<16xf32>
          %mul3A_371 = arith.mulf %gather3A_363, %get3A_358 : vector<16xf32>
          %add3A_372 = arith.addf %add3A_342, %mul3A_371 : vector<16xf32>
          %mul3A_373 = arith.mulf %gather3A_368, %get3A_352 : vector<16xf32>
          %add3A_374 = arith.addf %add3A_344, %mul3A_373 : vector<16xf32>
          %mul3A_375 = arith.mulf %gather3A_368, %get3A_358 : vector<16xf32>
          %add3A_376 = arith.addf %add3A_346, %mul3A_375 : vector<16xf32>
          %get3A_377 = arith.constant 0 : i32
          %get3A_378 = arith.index_cast %get3A_377 : i32 to index
          %get3A_379 = arith.index_cast %scan3A_158 : i32 to index
          %get3A_380 = arith.constant 128 : index
          %get3A_381 = tpu.vector_load %arg17[%get3A_378, %get3A_379, %get3A_380] {strides = array<i32>} : memref<2x8x2176xf32, #tpu.memory_space<vmem>>, vector<1x1x16xf32>,
          %get3A_382 = vector.shape_cast %get3A_381 : vector<1x1x16xf32> to vector<16xf32>
          %get3A_383 = arith.constant 0 : i32
          %get3A_384 = arith.index_cast %get3A_383 : i32 to index
          %get3A_385 = arith.index_cast %scan3A_158 : i32 to index
          %get3A_386 = arith.constant 144 : index
          %get3A_387 = tpu.vector_load %arg17[%get3A_384, %get3A_385, %get3A_386] {strides = array<i32>} : memref<2x8x2176xf32, #tpu.memory_space<vmem>>, vector<1x1x16xf32>,
          %get3A_388 = vector.shape_cast %get3A_387 : vector<1x1x16xf32> to vector<16xf32>
          %broadcast_in_dim3A_389 = arith.constant 4 : i32
          %broadcast_in_dim3A_390 = vector.broadcast %broadcast_in_dim3A_389 : i32 to vector<16xi32>
          %broadcast_in_dim3A_391 = vector.shape_cast %broadcast_in_dim3A_390 : vector<16xi32> to vector<16x1xi32>
          %gather3A_392 = vector.shape_cast %broadcast_in_dim3A_391 : vector<16x1xi32> to vector<16xi32>
          %gather3A_393 = tpu.dynamic_gather %sub3A[%gather3A_392] in [0] : vector<16xf32>, vector<16xi32> -> vector<16xf32>
          %broadcast_in_dim3A_394 = arith.constant 4 : i32
          %broadcast_in_dim3A_395 = vector.broadcast %broadcast_in_dim3A_394 : i32 to vector<16xi32>
          %broadcast_in_dim3A_396 = vector.shape_cast %broadcast_in_dim3A_395 : vector<16xi32> to vector<16x1xi32>
          %gather3A_397 = vector.shape_cast %broadcast_in_dim3A_396 : vector<16x1xi32> to vector<16xi32>
          %gather3A_398 = tpu.dynamic_gather %sub3A_175[%gather3A_397] in [0] : vector<16xf32>, vector<16xi32> -> vector<16xf32>
          %mul3A_399 = arith.mulf %gather3A_393, %get3A_382 : vector<16xf32>
          %add3A_400 = arith.addf %add3A_370, %mul3A_399 : vector<16xf32>
          %mul3A_401 = arith.mulf %gather3A_393, %get3A_388 : vector<16xf32>
          %add3A_402 = arith.addf %add3A_372, %mul3A_401 : vector<16xf32>
          %mul3A_403 = arith.mulf %gather3A_398, %get3A_382 : vector<16xf32>
          %add3A_404 = arith.addf %add3A_374, %mul3A_403 : vector<16xf32>
          %mul3A_405 = arith.mulf %gather3A_398, %get3A_388 : vector<16xf32>
          %add3A_406 = arith.addf %add3A_376, %mul3A_405 : vector<16xf32>
          %get3A_407 = arith.constant 0 : i32
          %get3A_408 = arith.index_cast %get3A_407 : i32 to index
          %get3A_409 = arith.index_cast %scan3A_158 : i32 to index
          %get3A_410 = arith.constant 160 : index
          %get3A_411 = tpu.vector_load %arg17[%get3A_408, %get3A_409, %get3A_410] {strides = array<i32>} : memref<2x8x2176xf32, #tpu.memory_space<vmem>>, vector<1x1x16xf32>,
          %get3A_412 = vector.shape_cast %get3A_411 : vector<1x1x16xf32> to vector<16xf32>
          %get3A_413 = arith.constant 0 : i32
          %get3A_414 = arith.index_cast %get3A_413 : i32 to index
          %get3A_415 = arith.index_cast %scan3A_158 : i32 to index
          %get3A_416 = arith.constant 176 : index
          %get3A_417 = tpu.vector_load %arg17[%get3A_414, %get3A_415, %get3A_416] {strides = array<i32>} : memref<2x8x2176xf32, #tpu.memory_space<vmem>>, vector<1x1x16xf32>,
          %get3A_418 = vector.shape_cast %get3A_417 : vector<1x1x16xf32> to vector<16xf32>
          %broadcast_in_dim3A_419 = arith.constant 5 : i32
          %broadcast_in_dim3A_420 = vector.broadcast %broadcast_in_dim3A_419 : i32 to vector<16xi32>
          %broadcast_in_dim3A_421 = vector.shape_cast %broadcast_in_dim3A_420 : vector<16xi32> to vector<16x1xi32>
          %gather3A_422 = vector.shape_cast %broadcast_in_dim3A_421 : vector<16x1xi32> to vector<16xi32>
          %gather3A_423 = tpu.dynamic_gather %sub3A[%gather3A_422] in [0] : vector<16xf32>, vector<16xi32> -> vector<16xf32>
          %broadcast_in_dim3A_424 = arith.constant 5 : i32
          %broadcast_in_dim3A_425 = vector.broadcast %broadcast_in_dim3A_424 : i32 to vector<16xi32>
          %broadcast_in_dim3A_426 = vector.shape_cast %broadcast_in_dim3A_425 : vector<16xi32> to vector<16x1xi32>
          %gather3A_427 = vector.shape_cast %broadcast_in_dim3A_426 : vector<16x1xi32> to vector<16xi32>
          %gather3A_428 = tpu.dynamic_gather %sub3A_175[%gather3A_427] in [0] : vector<16xf32>, vector<16xi32> -> vector<16xf32>
          %mul3A_429 = arith.mulf %gather3A_423, %get3A_412 : vector<16xf32>
          %add3A_430 = arith.addf %add3A_400, %mul3A_429 : vector<16xf32>
          %mul3A_431 = arith.mulf %gather3A_423, %get3A_418 : vector<16xf32>
          %add3A_432 = arith.addf %add3A_402, %mul3A_431 : vector<16xf32>
          %mul3A_433 = arith.mulf %gather3A_428, %get3A_412 : vector<16xf32>
          %add3A_434 = arith.addf %add3A_404, %mul3A_433 : vector<16xf32>
          %mul3A_435 = arith.mulf %gather3A_428, %get3A_418 : vector<16xf32>
          %add3A_436 = arith.addf %add3A_406, %mul3A_435 : vector<16xf32>
          %get3A_437 = arith.constant 0 : i32
          %get3A_438 = arith.index_cast %get3A_437 : i32 to index
          %get3A_439 = arith.index_cast %scan3A_158 : i32 to index
          %get3A_440 = arith.constant 192 : index
          %get3A_441 = tpu.vector_load %arg17[%get3A_438, %get3A_439, %get3A_440] {strides = array<i32>} : memref<2x8x2176xf32, #tpu.memory_space<vmem>>, vector<1x1x16xf32>,
          %get3A_442 = vector.shape_cast %get3A_441 : vector<1x1x16xf32> to vector<16xf32>
          %get3A_443 = arith.constant 0 : i32
          %get3A_444 = arith.index_cast %get3A_443 : i32 to index
          %get3A_445 = arith.index_cast %scan3A_158 : i32 to index
          %get3A_446 = arith.constant 208 : index
          %get3A_447 = tpu.vector_load %arg17[%get3A_444, %get3A_445, %get3A_446] {strides = array<i32>} : memref<2x8x2176xf32, #tpu.memory_space<vmem>>, vector<1x1x16xf32>,
          %get3A_448 = vector.shape_cast %get3A_447 : vector<1x1x16xf32> to vector<16xf32>
          %broadcast_in_dim3A_449 = arith.constant 6 : i32
          %broadcast_in_dim3A_450 = vector.broadcast %broadcast_in_dim3A_449 : i32 to vector<16xi32>
          %broadcast_in_dim3A_451 = vector.shape_cast %broadcast_in_dim3A_450 : vector<16xi32> to vector<16x1xi32>
          %gather3A_452 = vector.shape_cast %broadcast_in_dim3A_451 : vector<16x1xi32> to vector<16xi32>
          %gather3A_453 = tpu.dynamic_gather %sub3A[%gather3A_452] in [0] : vector<16xf32>, vector<16xi32> -> vector<16xf32>
          %broadcast_in_dim3A_454 = arith.constant 6 : i32
          %broadcast_in_dim3A_455 = vector.broadcast %broadcast_in_dim3A_454 : i32 to vector<16xi32>
          %broadcast_in_dim3A_456 = vector.shape_cast %broadcast_in_dim3A_455 : vector<16xi32> to vector<16x1xi32>
          %gather3A_457 = vector.shape_cast %broadcast_in_dim3A_456 : vector<16x1xi32> to vector<16xi32>
          %gather3A_458 = tpu.dynamic_gather %sub3A_175[%gather3A_457] in [0] : vector<16xf32>, vector<16xi32> -> vector<16xf32>
          %mul3A_459 = arith.mulf %gather3A_453, %get3A_442 : vector<16xf32>
          %add3A_460 = arith.addf %add3A_430, %mul3A_459 : vector<16xf32>
          %mul3A_461 = arith.mulf %gather3A_453, %get3A_448 : vector<16xf32>
          %add3A_462 = arith.addf %add3A_432, %mul3A_461 : vector<16xf32>
          %mul3A_463 = arith.mulf %gather3A_458, %get3A_442 : vector<16xf32>
          %add3A_464 = arith.addf %add3A_434, %mul3A_463 : vector<16xf32>
          %mul3A_465 = arith.mulf %gather3A_458, %get3A_448 : vector<16xf32>
          %add3A_466 = arith.addf %add3A_436, %mul3A_465 : vector<16xf32>
          %get3A_467 = arith.constant 0 : i32
          %get3A_468 = arith.index_cast %get3A_467 : i32 to index
          %get3A_469 = arith.index_cast %scan3A_158 : i32 to index
          %get3A_470 = arith.constant 224 : index
          %get3A_471 = tpu.vector_load %arg17[%get3A_468, %get3A_469, %get3A_470] {strides = array<i32>} : memref<2x8x2176xf32, #tpu.memory_space<vmem>>, vector<1x1x16xf32>,
          %get3A_472 = vector.shape_cast %get3A_471 : vector<1x1x16xf32> to vector<16xf32>
          %get3A_473 = arith.constant 0 : i32
          %get3A_474 = arith.index_cast %get3A_473 : i32 to index
          %get3A_475 = arith.index_cast %scan3A_158 : i32 to index
          %get3A_476 = arith.constant 240 : index
          %get3A_477 = tpu.vector_load %arg17[%get3A_474, %get3A_475, %get3A_476] {strides = array<i32>} : memref<2x8x2176xf32, #tpu.memory_space<vmem>>, vector<1x1x16xf32>,
          %get3A_478 = vector.shape_cast %get3A_477 : vector<1x1x16xf32> to vector<16xf32>
          %broadcast_in_dim3A_479 = arith.constant 7 : i32
          %broadcast_in_dim3A_480 = vector.broadcast %broadcast_in_dim3A_479 : i32 to vector<16xi32>
          %broadcast_in_dim3A_481 = vector.shape_cast %broadcast_in_dim3A_480 : vector<16xi32> to vector<16x1xi32>
          %gather3A_482 = vector.shape_cast %broadcast_in_dim3A_481 : vector<16x1xi32> to vector<16xi32>
          %gather3A_483 = tpu.dynamic_gather %sub3A[%gather3A_482] in [0] : vector<16xf32>, vector<16xi32> -> vector<16xf32>
          %broadcast_in_dim3A_484 = arith.constant 7 : i32
          %broadcast_in_dim3A_485 = vector.broadcast %broadcast_in_dim3A_484 : i32 to vector<16xi32>
          %broadcast_in_dim3A_486 = vector.shape_cast %broadcast_in_dim3A_485 : vector<16xi32> to vector<16x1xi32>
          %gather3A_487 = vector.shape_cast %broadcast_in_dim3A_486 : vector<16x1xi32> to vector<16xi32>
          %gather3A_488 = tpu.dynamic_gather %sub3A_175[%gather3A_487] in [0] : vector<16xf32>, vector<16xi32> -> vector<16xf32>
          %mul3A_489 = arith.mulf %gather3A_483, %get3A_472 : vector<16xf32>
          %add3A_490 = arith.addf %add3A_460, %mul3A_489 : vector<16xf32>
          %mul3A_491 = arith.mulf %gather3A_483, %get3A_478 : vector<16xf32>
          %add3A_492 = arith.addf %add3A_462, %mul3A_491 : vector<16xf32>
          %mul3A_493 = arith.mulf %gather3A_488, %get3A_472 : vector<16xf32>
          %add3A_494 = arith.addf %add3A_464, %mul3A_493 : vector<16xf32>
          %mul3A_495 = arith.mulf %gather3A_488, %get3A_478 : vector<16xf32>
          %add3A_496 = arith.addf %add3A_466, %mul3A_495 : vector<16xf32>
          %get3A_497 = arith.constant 0 : i32
          %get3A_498 = arith.index_cast %get3A_497 : i32 to index
          %get3A_499 = arith.index_cast %scan3A_158 : i32 to index
          %get3A_500 = arith.constant 256 : index
          %get3A_501 = tpu.vector_load %arg17[%get3A_498, %get3A_499, %get3A_500] {strides = array<i32>} : memref<2x8x2176xf32, #tpu.memory_space<vmem>>, vector<1x1x16xf32>,
          %get3A_502 = vector.shape_cast %get3A_501 : vector<1x1x16xf32> to vector<16xf32>
          %get3A_503 = arith.constant 0 : i32
          %get3A_504 = arith.index_cast %get3A_503 : i32 to index
          %get3A_505 = arith.index_cast %scan3A_158 : i32 to index
          %get3A_506 = arith.constant 272 : index
          %get3A_507 = tpu.vector_load %arg17[%get3A_504, %get3A_505, %get3A_506] {strides = array<i32>} : memref<2x8x2176xf32, #tpu.memory_space<vmem>>, vector<1x1x16xf32>,
          %get3A_508 = vector.shape_cast %get3A_507 : vector<1x1x16xf32> to vector<16xf32>
          %broadcast_in_dim3A_509 = arith.constant 8 : i32
          %broadcast_in_dim3A_510 = vector.broadcast %broadcast_in_dim3A_509 : i32 to vector<16xi32>
          %broadcast_in_dim3A_511 = vector.shape_cast %broadcast_in_dim3A_510 : vector<16xi32> to vector<16x1xi32>
          %gather3A_512 = vector.shape_cast %broadcast_in_dim3A_511 : vector<16x1xi32> to vector<16xi32>
          %gather3A_513 = tpu.dynamic_gather %sub3A[%gather3A_512] in [0] : vector<16xf32>, vector<16xi32> -> vector<16xf32>
          %broadcast_in_dim3A_514 = arith.constant 8 : i32
          %broadcast_in_dim3A_515 = vector.broadcast %broadcast_in_dim3A_514 : i32 to vector<16xi32>
          %broadcast_in_dim3A_516 = vector.shape_cast %broadcast_in_dim3A_515 : vector<16xi32> to vector<16x1xi32>
          %gather3A_517 = vector.shape_cast %broadcast_in_dim3A_516 : vector<16x1xi32> to vector<16xi32>
          %gather3A_518 = tpu.dynamic_gather %sub3A_175[%gather3A_517] in [0] : vector<16xf32>, vector<16xi32> -> vector<16xf32>
          %mul3A_519 = arith.mulf %gather3A_513, %get3A_502 : vector<16xf32>
          %add3A_520 = arith.addf %add3A_490, %mul3A_519 : vector<16xf32>
          %mul3A_521 = arith.mulf %gather3A_513, %get3A_508 : vector<16xf32>
          %add3A_522 = arith.addf %add3A_492, %mul3A_521 : vector<16xf32>
          %mul3A_523 = arith.mulf %gather3A_518, %get3A_502 : vector<16xf32>
          %add3A_524 = arith.addf %add3A_494, %mul3A_523 : vector<16xf32>
          %mul3A_525 = arith.mulf %gather3A_518, %get3A_508 : vector<16xf32>
          %add3A_526 = arith.addf %add3A_496, %mul3A_525 : vector<16xf32>
          %get3A_527 = arith.constant 0 : i32
          %get3A_528 = arith.index_cast %get3A_527 : i32 to index
          %get3A_529 = arith.index_cast %scan3A_158 : i32 to index
          %get3A_530 = arith.constant 288 : index
          %get3A_531 = tpu.vector_load %arg17[%get3A_528, %get3A_529, %get3A_530] {strides = array<i32>} : memref<2x8x2176xf32, #tpu.memory_space<vmem>>, vector<1x1x16xf32>,
          %get3A_532 = vector.shape_cast %get3A_531 : vector<1x1x16xf32> to vector<16xf32>
          %get3A_533 = arith.constant 0 : i32
          %get3A_534 = arith.index_cast %get3A_533 : i32 to index
          %get3A_535 = arith.index_cast %scan3A_158 : i32 to index
          %get3A_536 = arith.constant 304 : index
          %get3A_537 = tpu.vector_load %arg17[%get3A_534, %get3A_535, %get3A_536] {strides = array<i32>} : memref<2x8x2176xf32, #tpu.memory_space<vmem>>, vector<1x1x16xf32>,
          %get3A_538 = vector.shape_cast %get3A_537 : vector<1x1x16xf32> to vector<16xf32>
          %broadcast_in_dim3A_539 = arith.constant 9 : i32
          %broadcast_in_dim3A_540 = vector.broadcast %broadcast_in_dim3A_539 : i32 to vector<16xi32>
          %broadcast_in_dim3A_541 = vector.shape_cast %broadcast_in_dim3A_540 : vector<16xi32> to vector<16x1xi32>
          %gather3A_542 = vector.shape_cast %broadcast_in_dim3A_541 : vector<16x1xi32> to vector<16xi32>
          %gather3A_543 = tpu.dynamic_gather %sub3A[%gather3A_542] in [0] : vector<16xf32>, vector<16xi32> -> vector<16xf32>
          %broadcast_in_dim3A_544 = arith.constant 9 : i32
          %broadcast_in_dim3A_545 = vector.broadcast %broadcast_in_dim3A_544 : i32 to vector<16xi32>
          %broadcast_in_dim3A_546 = vector.shape_cast %broadcast_in_dim3A_545 : vector<16xi32> to vector<16x1xi32>
          %gather3A_547 = vector.shape_cast %broadcast_in_dim3A_546 : vector<16x1xi32> to vector<16xi32>
          %gather3A_548 = tpu.dynamic_gather %sub3A_175[%gather3A_547] in [0] : vector<16xf32>, vector<16xi32> -> vector<16xf32>
          %mul3A_549 = arith.mulf %gather3A_543, %get3A_532 : vector<16xf32>
          %add3A_550 = arith.addf %add3A_520, %mul3A_549 : vector<16xf32>
          %mul3A_551 = arith.mulf %gather3A_543, %get3A_538 : vector<16xf32>
          %add3A_552 = arith.addf %add3A_522, %mul3A_551 : vector<16xf32>
          %mul3A_553 = arith.mulf %gather3A_548, %get3A_532 : vector<16xf32>
          %add3A_554 = arith.addf %add3A_524, %mul3A_553 : vector<16xf32>
          %mul3A_555 = arith.mulf %gather3A_548, %get3A_538 : vector<16xf32>
          %add3A_556 = arith.addf %add3A_526, %mul3A_555 : vector<16xf32>
          %get3A_557 = arith.constant 0 : i32
          %get3A_558 = arith.index_cast %get3A_557 : i32 to index
          %get3A_559 = arith.index_cast %scan3A_158 : i32 to index
          %get3A_560 = arith.constant 320 : index
          %get3A_561 = tpu.vector_load %arg17[%get3A_558, %get3A_559, %get3A_560] {strides = array<i32>} : memref<2x8x2176xf32, #tpu.memory_space<vmem>>, vector<1x1x16xf32>,
          %get3A_562 = vector.shape_cast %get3A_561 : vector<1x1x16xf32> to vector<16xf32>
          %get3A_563 = arith.constant 0 : i32
          %get3A_564 = arith.index_cast %get3A_563 : i32 to index
          %get3A_565 = arith.index_cast %scan3A_158 : i32 to index
          %get3A_566 = arith.constant 336 : index
          %get3A_567 = tpu.vector_load %arg17[%get3A_564, %get3A_565, %get3A_566] {strides = array<i32>} : memref<2x8x2176xf32, #tpu.memory_space<vmem>>, vector<1x1x16xf32>,
          %get3A_568 = vector.shape_cast %get3A_567 : vector<1x1x16xf32> to vector<16xf32>
          %broadcast_in_dim3A_569 = arith.constant 10 : i32
          %broadcast_in_dim3A_570 = vector.broadcast %broadcast_in_dim3A_569 : i32 to vector<16xi32>
          %broadcast_in_dim3A_571 = vector.shape_cast %broadcast_in_dim3A_570 : vector<16xi32> to vector<16x1xi32>
          %gather3A_572 = vector.shape_cast %broadcast_in_dim3A_571 : vector<16x1xi32> to vector<16xi32>
          %gather3A_573 = tpu.dynamic_gather %sub3A[%gather3A_572] in [0] : vector<16xf32>, vector<16xi32> -> vector<16xf32>
          %broadcast_in_dim3A_574 = arith.constant 10 : i32
          %broadcast_in_dim3A_575 = vector.broadcast %broadcast_in_dim3A_574 : i32 to vector<16xi32>
          %broadcast_in_dim3A_576 = vector.shape_cast %broadcast_in_dim3A_575 : vector<16xi32> to vector<16x1xi32>
          %gather3A_577 = vector.shape_cast %broadcast_in_dim3A_576 : vector<16x1xi32> to vector<16xi32>
          %gather3A_578 = tpu.dynamic_gather %sub3A_175[%gather3A_577] in [0] : vector<16xf32>, vector<16xi32> -> vector<16xf32>
          %mul3A_579 = arith.mulf %gather3A_573, %get3A_562 : vector<16xf32>
          %add3A_580 = arith.addf %add3A_550, %mul3A_579 : vector<16xf32>
          %mul3A_581 = arith.mulf %gather3A_573, %get3A_568 : vector<16xf32>
          %add3A_582 = arith.addf %add3A_552, %mul3A_581 : vector<16xf32>
          %mul3A_583 = arith.mulf %gather3A_578, %get3A_562 : vector<16xf32>
          %add3A_584 = arith.addf %add3A_554, %mul3A_583 : vector<16xf32>
          %mul3A_585 = arith.mulf %gather3A_578, %get3A_568 : vector<16xf32>
          %add3A_586 = arith.addf %add3A_556, %mul3A_585 : vector<16xf32>
          %get3A_587 = arith.constant 0 : i32
          %get3A_588 = arith.index_cast %get3A_587 : i32 to index
          %get3A_589 = arith.index_cast %scan3A_158 : i32 to index
          %get3A_590 = arith.constant 352 : index
          %get3A_591 = tpu.vector_load %arg17[%get3A_588, %get3A_589, %get3A_590] {strides = array<i32>} : memref<2x8x2176xf32, #tpu.memory_space<vmem>>, vector<1x1x16xf32>,
          %get3A_592 = vector.shape_cast %get3A_591 : vector<1x1x16xf32> to vector<16xf32>
          %get3A_593 = arith.constant 0 : i32
          %get3A_594 = arith.index_cast %get3A_593 : i32 to index
          %get3A_595 = arith.index_cast %scan3A_158 : i32 to index
          %get3A_596 = arith.constant 368 : index
          %get3A_597 = tpu.vector_load %arg17[%get3A_594, %get3A_595, %get3A_596] {strides = array<i32>} : memref<2x8x2176xf32, #tpu.memory_space<vmem>>, vector<1x1x16xf32>,
          %get3A_598 = vector.shape_cast %get3A_597 : vector<1x1x16xf32> to vector<16xf32>
          %broadcast_in_dim3A_599 = arith.constant 11 : i32
          %broadcast_in_dim3A_600 = vector.broadcast %broadcast_in_dim3A_599 : i32 to vector<16xi32>
          %broadcast_in_dim3A_601 = vector.shape_cast %broadcast_in_dim3A_600 : vector<16xi32> to vector<16x1xi32>
          %gather3A_602 = vector.shape_cast %broadcast_in_dim3A_601 : vector<16x1xi32> to vector<16xi32>
          %gather3A_603 = tpu.dynamic_gather %sub3A[%gather3A_602] in [0] : vector<16xf32>, vector<16xi32> -> vector<16xf32>
          %broadcast_in_dim3A_604 = arith.constant 11 : i32
          %broadcast_in_dim3A_605 = vector.broadcast %broadcast_in_dim3A_604 : i32 to vector<16xi32>
          %broadcast_in_dim3A_606 = vector.shape_cast %broadcast_in_dim3A_605 : vector<16xi32> to vector<16x1xi32>
          %gather3A_607 = vector.shape_cast %broadcast_in_dim3A_606 : vector<16x1xi32> to vector<16xi32>
          %gather3A_608 = tpu.dynamic_gather %sub3A_175[%gather3A_607] in [0] : vector<16xf32>, vector<16xi32> -> vector<16xf32>
          %mul3A_609 = arith.mulf %gather3A_603, %get3A_592 : vector<16xf32>
          %add3A_610 = arith.addf %add3A_580, %mul3A_609 : vector<16xf32>
          %mul3A_611 = arith.mulf %gather3A_603, %get3A_598 : vector<16xf32>
          %add3A_612 = arith.addf %add3A_582, %mul3A_611 : vector<16xf32>
          %mul3A_613 = arith.mulf %gather3A_608, %get3A_592 : vector<16xf32>
          %add3A_614 = arith.addf %add3A_584, %mul3A_613 : vector<16xf32>
          %mul3A_615 = arith.mulf %gather3A_608, %get3A_598 : vector<16xf32>
          %add3A_616 = arith.addf %add3A_586, %mul3A_615 : vector<16xf32>
          %get3A_617 = arith.constant 0 : i32
          %get3A_618 = arith.index_cast %get3A_617 : i32 to index
          %get3A_619 = arith.index_cast %scan3A_158 : i32 to index
          %get3A_620 = arith.constant 384 : index
          %get3A_621 = tpu.vector_load %arg17[%get3A_618, %get3A_619, %get3A_620] {strides = array<i32>} : memref<2x8x2176xf32, #tpu.memory_space<vmem>>, vector<1x1x16xf32>,
          %get3A_622 = vector.shape_cast %get3A_621 : vector<1x1x16xf32> to vector<16xf32>
          %get3A_623 = arith.constant 0 : i32
          %get3A_624 = arith.index_cast %get3A_623 : i32 to index
          %get3A_625 = arith.index_cast %scan3A_158 : i32 to index
          %get3A_626 = arith.constant 400 : index
          %get3A_627 = tpu.vector_load %arg17[%get3A_624, %get3A_625, %get3A_626] {strides = array<i32>} : memref<2x8x2176xf32, #tpu.memory_space<vmem>>, vector<1x1x16xf32>,
          %get3A_628 = vector.shape_cast %get3A_627 : vector<1x1x16xf32> to vector<16xf32>
          %broadcast_in_dim3A_629 = arith.constant 12 : i32
          %broadcast_in_dim3A_630 = vector.broadcast %broadcast_in_dim3A_629 : i32 to vector<16xi32>
          %broadcast_in_dim3A_631 = vector.shape_cast %broadcast_in_dim3A_630 : vector<16xi32> to vector<16x1xi32>
          %gather3A_632 = vector.shape_cast %broadcast_in_dim3A_631 : vector<16x1xi32> to vector<16xi32>
          %gather3A_633 = tpu.dynamic_gather %sub3A[%gather3A_632] in [0] : vector<16xf32>, vector<16xi32> -> vector<16xf32>
          %broadcast_in_dim3A_634 = arith.constant 12 : i32
          %broadcast_in_dim3A_635 = vector.broadcast %broadcast_in_dim3A_634 : i32 to vector<16xi32>
          %broadcast_in_dim3A_636 = vector.shape_cast %broadcast_in_dim3A_635 : vector<16xi32> to vector<16x1xi32>
          %gather3A_637 = vector.shape_cast %broadcast_in_dim3A_636 : vector<16x1xi32> to vector<16xi32>
          %gather3A_638 = tpu.dynamic_gather %sub3A_175[%gather3A_637] in [0] : vector<16xf32>, vector<16xi32> -> vector<16xf32>
          %mul3A_639 = arith.mulf %gather3A_633, %get3A_622 : vector<16xf32>
          %add3A_640 = arith.addf %add3A_610, %mul3A_639 : vector<16xf32>
          %mul3A_641 = arith.mulf %gather3A_633, %get3A_628 : vector<16xf32>
          %add3A_642 = arith.addf %add3A_612, %mul3A_641 : vector<16xf32>
          %mul3A_643 = arith.mulf %gather3A_638, %get3A_622 : vector<16xf32>
          %add3A_644 = arith.addf %add3A_614, %mul3A_643 : vector<16xf32>
          %mul3A_645 = arith.mulf %gather3A_638, %get3A_628 : vector<16xf32>
          %add3A_646 = arith.addf %add3A_616, %mul3A_645 : vector<16xf32>
          %get3A_647 = arith.constant 0 : i32
          %get3A_648 = arith.index_cast %get3A_647 : i32 to index
          %get3A_649 = arith.index_cast %scan3A_158 : i32 to index
          %get3A_650 = arith.constant 416 : index
          %get3A_651 = tpu.vector_load %arg17[%get3A_648, %get3A_649, %get3A_650] {strides = array<i32>} : memref<2x8x2176xf32, #tpu.memory_space<vmem>>, vector<1x1x16xf32>,
          %get3A_652 = vector.shape_cast %get3A_651 : vector<1x1x16xf32> to vector<16xf32>
          %get3A_653 = arith.constant 0 : i32
          %get3A_654 = arith.index_cast %get3A_653 : i32 to index
          %get3A_655 = arith.index_cast %scan3A_158 : i32 to index
          %get3A_656 = arith.constant 432 : index
          %get3A_657 = tpu.vector_load %arg17[%get3A_654, %get3A_655, %get3A_656] {strides = array<i32>} : memref<2x8x2176xf32, #tpu.memory_space<vmem>>, vector<1x1x16xf32>,
          %get3A_658 = vector.shape_cast %get3A_657 : vector<1x1x16xf32> to vector<16xf32>
          %broadcast_in_dim3A_659 = arith.constant 13 : i32
          %broadcast_in_dim3A_660 = vector.broadcast %broadcast_in_dim3A_659 : i32 to vector<16xi32>
          %broadcast_in_dim3A_661 = vector.shape_cast %broadcast_in_dim3A_660 : vector<16xi32> to vector<16x1xi32>
          %gather3A_662 = vector.shape_cast %broadcast_in_dim3A_661 : vector<16x1xi32> to vector<16xi32>
          %gather3A_663 = tpu.dynamic_gather %sub3A[%gather3A_662] in [0] : vector<16xf32>, vector<16xi32> -> vector<16xf32>
          %broadcast_in_dim3A_664 = arith.constant 13 : i32
          %broadcast_in_dim3A_665 = vector.broadcast %broadcast_in_dim3A_664 : i32 to vector<16xi32>
          %broadcast_in_dim3A_666 = vector.shape_cast %broadcast_in_dim3A_665 : vector<16xi32> to vector<16x1xi32>
          %gather3A_667 = vector.shape_cast %broadcast_in_dim3A_666 : vector<16x1xi32> to vector<16xi32>
          %gather3A_668 = tpu.dynamic_gather %sub3A_175[%gather3A_667] in [0] : vector<16xf32>, vector<16xi32> -> vector<16xf32>
          %mul3A_669 = arith.mulf %gather3A_663, %get3A_652 : vector<16xf32>
          %add3A_670 = arith.addf %add3A_640, %mul3A_669 : vector<16xf32>
          %mul3A_671 = arith.mulf %gather3A_663, %get3A_658 : vector<16xf32>
          %add3A_672 = arith.addf %add3A_642, %mul3A_671 : vector<16xf32>
          %mul3A_673 = arith.mulf %gather3A_668, %get3A_652 : vector<16xf32>
          %add3A_674 = arith.addf %add3A_644, %mul3A_673 : vector<16xf32>
          %mul3A_675 = arith.mulf %gather3A_668, %get3A_658 : vector<16xf32>
          %add3A_676 = arith.addf %add3A_646, %mul3A_675 : vector<16xf32>
          %get3A_677 = arith.constant 0 : i32
          %get3A_678 = arith.index_cast %get3A_677 : i32 to index
          %get3A_679 = arith.index_cast %scan3A_158 : i32 to index
          %get3A_680 = arith.constant 448 : index
          %get3A_681 = tpu.vector_load %arg17[%get3A_678, %get3A_679, %get3A_680] {strides = array<i32>} : memref<2x8x2176xf32, #tpu.memory_space<vmem>>, vector<1x1x16xf32>,
          %get3A_682 = vector.shape_cast %get3A_681 : vector<1x1x16xf32> to vector<16xf32>
          %get3A_683 = arith.constant 0 : i32
          %get3A_684 = arith.index_cast %get3A_683 : i32 to index
          %get3A_685 = arith.index_cast %scan3A_158 : i32 to index
          %get3A_686 = arith.constant 464 : index
          %get3A_687 = tpu.vector_load %arg17[%get3A_684, %get3A_685, %get3A_686] {strides = array<i32>} : memref<2x8x2176xf32, #tpu.memory_space<vmem>>, vector<1x1x16xf32>,
          %get3A_688 = vector.shape_cast %get3A_687 : vector<1x1x16xf32> to vector<16xf32>
          %broadcast_in_dim3A_689 = arith.constant 14 : i32
          %broadcast_in_dim3A_690 = vector.broadcast %broadcast_in_dim3A_689 : i32 to vector<16xi32>
          %broadcast_in_dim3A_691 = vector.shape_cast %broadcast_in_dim3A_690 : vector<16xi32> to vector<16x1xi32>
          %gather3A_692 = vector.shape_cast %broadcast_in_dim3A_691 : vector<16x1xi32> to vector<16xi32>
          %gather3A_693 = tpu.dynamic_gather %sub3A[%gather3A_692] in [0] : vector<16xf32>, vector<16xi32> -> vector<16xf32>
          %broadcast_in_dim3A_694 = arith.constant 14 : i32
          %broadcast_in_dim3A_695 = vector.broadcast %broadcast_in_dim3A_694 : i32 to vector<16xi32>
          %broadcast_in_dim3A_696 = vector.shape_cast %broadcast_in_dim3A_695 : vector<16xi32> to vector<16x1xi32>
          %gather3A_697 = vector.shape_cast %broadcast_in_dim3A_696 : vector<16x1xi32> to vector<16xi32>
          %gather3A_698 = tpu.dynamic_gather %sub3A_175[%gather3A_697] in [0] : vector<16xf32>, vector<16xi32> -> vector<16xf32>
          %mul3A_699 = arith.mulf %gather3A_693, %get3A_682 : vector<16xf32>
          %add3A_700 = arith.addf %add3A_670, %mul3A_699 : vector<16xf32>
          %mul3A_701 = arith.mulf %gather3A_693, %get3A_688 : vector<16xf32>
          %add3A_702 = arith.addf %add3A_672, %mul3A_701 : vector<16xf32>
          %mul3A_703 = arith.mulf %gather3A_698, %get3A_682 : vector<16xf32>
          %add3A_704 = arith.addf %add3A_674, %mul3A_703 : vector<16xf32>
          %mul3A_705 = arith.mulf %gather3A_698, %get3A_688 : vector<16xf32>
          %add3A_706 = arith.addf %add3A_676, %mul3A_705 : vector<16xf32>
          %get3A_707 = arith.constant 0 : i32
          %get3A_708 = arith.index_cast %get3A_707 : i32 to index
          %get3A_709 = arith.index_cast %scan3A_158 : i32 to index
          %get3A_710 = arith.constant 480 : index
          %get3A_711 = tpu.vector_load %arg17[%get3A_708, %get3A_709, %get3A_710] {strides = array<i32>} : memref<2x8x2176xf32, #tpu.memory_space<vmem>>, vector<1x1x16xf32>,
          %get3A_712 = vector.shape_cast %get3A_711 : vector<1x1x16xf32> to vector<16xf32>
          %get3A_713 = arith.constant 0 : i32
          %get3A_714 = arith.index_cast %get3A_713 : i32 to index
          %get3A_715 = arith.index_cast %scan3A_158 : i32 to index
          %get3A_716 = arith.constant 496 : index
          %get3A_717 = tpu.vector_load %arg17[%get3A_714, %get3A_715, %get3A_716] {strides = array<i32>} : memref<2x8x2176xf32, #tpu.memory_space<vmem>>, vector<1x1x16xf32>,
          %get3A_718 = vector.shape_cast %get3A_717 : vector<1x1x16xf32> to vector<16xf32>
          %broadcast_in_dim3A_719 = arith.constant 15 : i32
          %broadcast_in_dim3A_720 = vector.broadcast %broadcast_in_dim3A_719 : i32 to vector<16xi32>
          %broadcast_in_dim3A_721 = vector.shape_cast %broadcast_in_dim3A_720 : vector<16xi32> to vector<16x1xi32>
          %gather3A_722 = vector.shape_cast %broadcast_in_dim3A_721 : vector<16x1xi32> to vector<16xi32>
          %gather3A_723 = tpu.dynamic_gather %sub3A[%gather3A_722] in [0] : vector<16xf32>, vector<16xi32> -> vector<16xf32>
          %broadcast_in_dim3A_724 = arith.constant 15 : i32
          %broadcast_in_dim3A_725 = vector.broadcast %broadcast_in_dim3A_724 : i32 to vector<16xi32>
          %broadcast_in_dim3A_726 = vector.shape_cast %broadcast_in_dim3A_725 : vector<16xi32> to vector<16x1xi32>
          %gather3A_727 = vector.shape_cast %broadcast_in_dim3A_726 : vector<16x1xi32> to vector<16xi32>
          %gather3A_728 = tpu.dynamic_gather %sub3A_175[%gather3A_727] in [0] : vector<16xf32>, vector<16xi32> -> vector<16xf32>
          %mul3A_729 = arith.mulf %gather3A_723, %get3A_712 : vector<16xf32>
          %add3A_730 = arith.addf %add3A_700, %mul3A_729 : vector<16xf32>
          %mul3A_731 = arith.mulf %gather3A_723, %get3A_718 : vector<16xf32>
          %add3A_732 = arith.addf %add3A_702, %mul3A_731 : vector<16xf32>
          %mul3A_733 = arith.mulf %gather3A_728, %get3A_712 : vector<16xf32>
          %add3A_734 = arith.addf %add3A_704, %mul3A_733 : vector<16xf32>
          %mul3A_735 = arith.mulf %gather3A_728, %get3A_718 : vector<16xf32>
          %add3A_736 = arith.addf %add3A_706, %mul3A_735 : vector<16xf32>
          %get3A_737 = arith.constant 0 : i32
          %get3A_738 = arith.index_cast %get3A_737 : i32 to index
          %get3A_739 = arith.index_cast %scan3A_158 : i32 to index
          %get3A_740 = arith.constant 512 : index
          %get3A_741 = tpu.vector_load %arg17[%get3A_738, %get3A_739, %get3A_740] {strides = array<i32>} : memref<2x8x2176xf32, #tpu.memory_space<vmem>>, vector<1x1x16xf32>,
          %get3A_742 = vector.shape_cast %get3A_741 : vector<1x1x16xf32> to vector<16xf32>
          %get3A_743 = arith.constant 0 : i32
          %get3A_744 = arith.index_cast %get3A_743 : i32 to index
          %get3A_745 = arith.index_cast %scan3A_158 : i32 to index
          %get3A_746 = arith.constant 528 : index
          %get3A_747 = tpu.vector_load %arg17[%get3A_744, %get3A_745, %get3A_746] {strides = array<i32>} : memref<2x8x2176xf32, #tpu.memory_space<vmem>>, vector<1x1x16xf32>,
          %get3A_748 = vector.shape_cast %get3A_747 : vector<1x1x16xf32> to vector<16xf32>
          %broadcast_in_dim3A_749 = arith.constant 0 : i32
          %broadcast_in_dim3A_750 = vector.broadcast %broadcast_in_dim3A_749 : i32 to vector<16xi32>
          %broadcast_in_dim3A_751 = vector.shape_cast %broadcast_in_dim3A_750 : vector<16xi32> to vector<16x1xi32>
          %gather3A_752 = vector.shape_cast %broadcast_in_dim3A_751 : vector<16x1xi32> to vector<16xi32>
          %gather3A_753 = tpu.dynamic_gather %sub3A_194[%gather3A_752] in [0] : vector<16xf32>, vector<16xi32> -> vector<16xf32>
          %broadcast_in_dim3A_754 = arith.constant 0 : i32
          %broadcast_in_dim3A_755 = vector.broadcast %broadcast_in_dim3A_754 : i32 to vector<16xi32>
          %broadcast_in_dim3A_756 = vector.shape_cast %broadcast_in_dim3A_755 : vector<16xi32> to vector<16x1xi32>
          %gather3A_757 = vector.shape_cast %broadcast_in_dim3A_756 : vector<16x1xi32> to vector<16xi32>
          %gather3A_758 = tpu.dynamic_gather %sub3A_195[%gather3A_757] in [0] : vector<16xf32>, vector<16xi32> -> vector<16xf32>
          %mul3A_759 = arith.mulf %gather3A_753, %get3A_742 : vector<16xf32>
          %add3A_760 = arith.addf %add3A_730, %mul3A_759 : vector<16xf32>
          %mul3A_761 = arith.mulf %gather3A_753, %get3A_748 : vector<16xf32>
          %add3A_762 = arith.addf %add3A_732, %mul3A_761 : vector<16xf32>
          %mul3A_763 = arith.mulf %gather3A_758, %get3A_742 : vector<16xf32>
          %add3A_764 = arith.addf %add3A_734, %mul3A_763 : vector<16xf32>
          %mul3A_765 = arith.mulf %gather3A_758, %get3A_748 : vector<16xf32>
          %add3A_766 = arith.addf %add3A_736, %mul3A_765 : vector<16xf32>
          %get3A_767 = arith.constant 0 : i32
          %get3A_768 = arith.index_cast %get3A_767 : i32 to index
          %get3A_769 = arith.index_cast %scan3A_158 : i32 to index
          %get3A_770 = arith.constant 544 : index
          %get3A_771 = tpu.vector_load %arg17[%get3A_768, %get3A_769, %get3A_770] {strides = array<i32>} : memref<2x8x2176xf32, #tpu.memory_space<vmem>>, vector<1x1x16xf32>,
          %get3A_772 = vector.shape_cast %get3A_771 : vector<1x1x16xf32> to vector<16xf32>
          %get3A_773 = arith.constant 0 : i32
          %get3A_774 = arith.index_cast %get3A_773 : i32 to index
          %get3A_775 = arith.index_cast %scan3A_158 : i32 to index
          %get3A_776 = arith.constant 560 : index
          %get3A_777 = tpu.vector_load %arg17[%get3A_774, %get3A_775, %get3A_776] {strides = array<i32>} : memref<2x8x2176xf32, #tpu.memory_space<vmem>>, vector<1x1x16xf32>,
          %get3A_778 = vector.shape_cast %get3A_777 : vector<1x1x16xf32> to vector<16xf32>
          %broadcast_in_dim3A_779 = arith.constant 1 : i32
          %broadcast_in_dim3A_780 = vector.broadcast %broadcast_in_dim3A_779 : i32 to vector<16xi32>
          %broadcast_in_dim3A_781 = vector.shape_cast %broadcast_in_dim3A_780 : vector<16xi32> to vector<16x1xi32>
          %gather3A_782 = vector.shape_cast %broadcast_in_dim3A_781 : vector<16x1xi32> to vector<16xi32>
          %gather3A_783 = tpu.dynamic_gather %sub3A_194[%gather3A_782] in [0] : vector<16xf32>, vector<16xi32> -> vector<16xf32>
          %broadcast_in_dim3A_784 = arith.constant 1 : i32
          %broadcast_in_dim3A_785 = vector.broadcast %broadcast_in_dim3A_784 : i32 to vector<16xi32>
          %broadcast_in_dim3A_786 = vector.shape_cast %broadcast_in_dim3A_785 : vector<16xi32> to vector<16x1xi32>
          %gather3A_787 = vector.shape_cast %broadcast_in_dim3A_786 : vector<16x1xi32> to vector<16xi32>
          %gather3A_788 = tpu.dynamic_gather %sub3A_195[%gather3A_787] in [0] : vector<16xf32>, vector<16xi32> -> vector<16xf32>
          %mul3A_789 = arith.mulf %gather3A_783, %get3A_772 : vector<16xf32>
          %add3A_790 = arith.addf %add3A_760, %mul3A_789 : vector<16xf32>
          %mul3A_791 = arith.mulf %gather3A_783, %get3A_778 : vector<16xf32>
          %add3A_792 = arith.addf %add3A_762, %mul3A_791 : vector<16xf32>
          %mul3A_793 = arith.mulf %gather3A_788, %get3A_772 : vector<16xf32>
          %add3A_794 = arith.addf %add3A_764, %mul3A_793 : vector<16xf32>
          %mul3A_795 = arith.mulf %gather3A_788, %get3A_778 : vector<16xf32>
          %add3A_796 = arith.addf %add3A_766, %mul3A_795 : vector<16xf32>
          %get3A_797 = arith.constant 0 : i32
          %get3A_798 = arith.index_cast %get3A_797 : i32 to index
          %get3A_799 = arith.index_cast %scan3A_158 : i32 to index
          %get3A_800 = arith.constant 576 : index
          %get3A_801 = tpu.vector_load %arg17[%get3A_798, %get3A_799, %get3A_800] {strides = array<i32>} : memref<2x8x2176xf32, #tpu.memory_space<vmem>>, vector<1x1x16xf32>,
          %get3A_802 = vector.shape_cast %get3A_801 : vector<1x1x16xf32> to vector<16xf32>
          %get3A_803 = arith.constant 0 : i32
          %get3A_804 = arith.index_cast %get3A_803 : i32 to index
          %get3A_805 = arith.index_cast %scan3A_158 : i32 to index
          %get3A_806 = arith.constant 592 : index
          %get3A_807 = tpu.vector_load %arg17[%get3A_804, %get3A_805, %get3A_806] {strides = array<i32>} : memref<2x8x2176xf32, #tpu.memory_space<vmem>>, vector<1x1x16xf32>,
          %get3A_808 = vector.shape_cast %get3A_807 : vector<1x1x16xf32> to vector<16xf32>
          %broadcast_in_dim3A_809 = arith.constant 2 : i32
          %broadcast_in_dim3A_810 = vector.broadcast %broadcast_in_dim3A_809 : i32 to vector<16xi32>
          %broadcast_in_dim3A_811 = vector.shape_cast %broadcast_in_dim3A_810 : vector<16xi32> to vector<16x1xi32>
          %gather3A_812 = vector.shape_cast %broadcast_in_dim3A_811 : vector<16x1xi32> to vector<16xi32>
          %gather3A_813 = tpu.dynamic_gather %sub3A_194[%gather3A_812] in [0] : vector<16xf32>, vector<16xi32> -> vector<16xf32>
          %broadcast_in_dim3A_814 = arith.constant 2 : i32
          %broadcast_in_dim3A_815 = vector.broadcast %broadcast_in_dim3A_814 : i32 to vector<16xi32>
          %broadcast_in_dim3A_816 = vector.shape_cast %broadcast_in_dim3A_815 : vector<16xi32> to vector<16x1xi32>
          %gather3A_817 = vector.shape_cast %broadcast_in_dim3A_816 : vector<16x1xi32> to vector<16xi32>
          %gather3A_818 = tpu.dynamic_gather %sub3A_195[%gather3A_817] in [0] : vector<16xf32>, vector<16xi32> -> vector<16xf32>
          %mul3A_819 = arith.mulf %gather3A_813, %get3A_802 : vector<16xf32>
          %add3A_820 = arith.addf %add3A_790, %mul3A_819 : vector<16xf32>
          %mul3A_821 = arith.mulf %gather3A_813, %get3A_808 : vector<16xf32>
          %add3A_822 = arith.addf %add3A_792, %mul3A_821 : vector<16xf32>
          %mul3A_823 = arith.mulf %gather3A_818, %get3A_802 : vector<16xf32>
          %add3A_824 = arith.addf %add3A_794, %mul3A_823 : vector<16xf32>
          %mul3A_825 = arith.mulf %gather3A_818, %get3A_808 : vector<16xf32>
          %add3A_826 = arith.addf %add3A_796, %mul3A_825 : vector<16xf32>
          %get3A_827 = arith.constant 0 : i32
          %get3A_828 = arith.index_cast %get3A_827 : i32 to index
          %get3A_829 = arith.index_cast %scan3A_158 : i32 to index
          %get3A_830 = arith.constant 608 : index
          %get3A_831 = tpu.vector_load %arg17[%get3A_828, %get3A_829, %get3A_830] {strides = array<i32>} : memref<2x8x2176xf32, #tpu.memory_space<vmem>>, vector<1x1x16xf32>,
          %get3A_832 = vector.shape_cast %get3A_831 : vector<1x1x16xf32> to vector<16xf32>
          %get3A_833 = arith.constant 0 : i32
          %get3A_834 = arith.index_cast %get3A_833 : i32 to index
          %get3A_835 = arith.index_cast %scan3A_158 : i32 to index
          %get3A_836 = arith.constant 624 : index
          %get3A_837 = tpu.vector_load %arg17[%get3A_834, %get3A_835, %get3A_836] {strides = array<i32>} : memref<2x8x2176xf32, #tpu.memory_space<vmem>>, vector<1x1x16xf32>,
          %get3A_838 = vector.shape_cast %get3A_837 : vector<1x1x16xf32> to vector<16xf32>
          %broadcast_in_dim3A_839 = arith.constant 3 : i32
          %broadcast_in_dim3A_840 = vector.broadcast %broadcast_in_dim3A_839 : i32 to vector<16xi32>
          %broadcast_in_dim3A_841 = vector.shape_cast %broadcast_in_dim3A_840 : vector<16xi32> to vector<16x1xi32>
          %gather3A_842 = vector.shape_cast %broadcast_in_dim3A_841 : vector<16x1xi32> to vector<16xi32>
          %gather3A_843 = tpu.dynamic_gather %sub3A_194[%gather3A_842] in [0] : vector<16xf32>, vector<16xi32> -> vector<16xf32>
          %broadcast_in_dim3A_844 = arith.constant 3 : i32
          %broadcast_in_dim3A_845 = vector.broadcast %broadcast_in_dim3A_844 : i32 to vector<16xi32>
          %broadcast_in_dim3A_846 = vector.shape_cast %broadcast_in_dim3A_845 : vector<16xi32> to vector<16x1xi32>
          %gather3A_847 = vector.shape_cast %broadcast_in_dim3A_846 : vector<16x1xi32> to vector<16xi32>
          %gather3A_848 = tpu.dynamic_gather %sub3A_195[%gather3A_847] in [0] : vector<16xf32>, vector<16xi32> -> vector<16xf32>
          %mul3A_849 = arith.mulf %gather3A_843, %get3A_832 : vector<16xf32>
          %add3A_850 = arith.addf %add3A_820, %mul3A_849 : vector<16xf32>
          %mul3A_851 = arith.mulf %gather3A_843, %get3A_838 : vector<16xf32>
          %add3A_852 = arith.addf %add3A_822, %mul3A_851 : vector<16xf32>
          %mul3A_853 = arith.mulf %gather3A_848, %get3A_832 : vector<16xf32>
          %add3A_854 = arith.addf %add3A_824, %mul3A_853 : vector<16xf32>
          %mul3A_855 = arith.mulf %gather3A_848, %get3A_838 : vector<16xf32>
          %add3A_856 = arith.addf %add3A_826, %mul3A_855 : vector<16xf32>
          %get3A_857 = arith.constant 0 : i32
          %get3A_858 = arith.index_cast %get3A_857 : i32 to index
          %get3A_859 = arith.index_cast %scan3A_158 : i32 to index
          %get3A_860 = arith.constant 640 : index
          %get3A_861 = tpu.vector_load %arg17[%get3A_858, %get3A_859, %get3A_860] {strides = array<i32>} : memref<2x8x2176xf32, #tpu.memory_space<vmem>>, vector<1x1x16xf32>,
          %get3A_862 = vector.shape_cast %get3A_861 : vector<1x1x16xf32> to vector<16xf32>
          %get3A_863 = arith.constant 0 : i32
          %get3A_864 = arith.index_cast %get3A_863 : i32 to index
          %get3A_865 = arith.index_cast %scan3A_158 : i32 to index
          %get3A_866 = arith.constant 656 : index
          %get3A_867 = tpu.vector_load %arg17[%get3A_864, %get3A_865, %get3A_866] {strides = array<i32>} : memref<2x8x2176xf32, #tpu.memory_space<vmem>>, vector<1x1x16xf32>,
          %get3A_868 = vector.shape_cast %get3A_867 : vector<1x1x16xf32> to vector<16xf32>
          %broadcast_in_dim3A_869 = arith.constant 4 : i32
          %broadcast_in_dim3A_870 = vector.broadcast %broadcast_in_dim3A_869 : i32 to vector<16xi32>
          %broadcast_in_dim3A_871 = vector.shape_cast %broadcast_in_dim3A_870 : vector<16xi32> to vector<16x1xi32>
          %gather3A_872 = vector.shape_cast %broadcast_in_dim3A_871 : vector<16x1xi32> to vector<16xi32>
          %gather3A_873 = tpu.dynamic_gather %sub3A_194[%gather3A_872] in [0] : vector<16xf32>, vector<16xi32> -> vector<16xf32>
          %broadcast_in_dim3A_874 = arith.constant 4 : i32
          %broadcast_in_dim3A_875 = vector.broadcast %broadcast_in_dim3A_874 : i32 to vector<16xi32>
          %broadcast_in_dim3A_876 = vector.shape_cast %broadcast_in_dim3A_875 : vector<16xi32> to vector<16x1xi32>
          %gather3A_877 = vector.shape_cast %broadcast_in_dim3A_876 : vector<16x1xi32> to vector<16xi32>
          %gather3A_878 = tpu.dynamic_gather %sub3A_195[%gather3A_877] in [0] : vector<16xf32>, vector<16xi32> -> vector<16xf32>
          %mul3A_879 = arith.mulf %gather3A_873, %get3A_862 : vector<16xf32>
          %add3A_880 = arith.addf %add3A_850, %mul3A_879 : vector<16xf32>
          %mul3A_881 = arith.mulf %gather3A_873, %get3A_868 : vector<16xf32>
          %add3A_882 = arith.addf %add3A_852, %mul3A_881 : vector<16xf32>
          %mul3A_883 = arith.mulf %gather3A_878, %get3A_862 : vector<16xf32>
          %add3A_884 = arith.addf %add3A_854, %mul3A_883 : vector<16xf32>
          %mul3A_885 = arith.mulf %gather3A_878, %get3A_868 : vector<16xf32>
          %add3A_886 = arith.addf %add3A_856, %mul3A_885 : vector<16xf32>
          %get3A_887 = arith.constant 0 : i32
          %get3A_888 = arith.index_cast %get3A_887 : i32 to index
          %get3A_889 = arith.index_cast %scan3A_158 : i32 to index
          %get3A_890 = arith.constant 672 : index
          %get3A_891 = tpu.vector_load %arg17[%get3A_888, %get3A_889, %get3A_890] {strides = array<i32>} : memref<2x8x2176xf32, #tpu.memory_space<vmem>>, vector<1x1x16xf32>,
          %get3A_892 = vector.shape_cast %get3A_891 : vector<1x1x16xf32> to vector<16xf32>
          %get3A_893 = arith.constant 0 : i32
          %get3A_894 = arith.index_cast %get3A_893 : i32 to index
          %get3A_895 = arith.index_cast %scan3A_158 : i32 to index
          %get3A_896 = arith.constant 688 : index
          %get3A_897 = tpu.vector_load %arg17[%get3A_894, %get3A_895, %get3A_896] {strides = array<i32>} : memref<2x8x2176xf32, #tpu.memory_space<vmem>>, vector<1x1x16xf32>,
          %get3A_898 = vector.shape_cast %get3A_897 : vector<1x1x16xf32> to vector<16xf32>
          %broadcast_in_dim3A_899 = arith.constant 5 : i32
          %broadcast_in_dim3A_900 = vector.broadcast %broadcast_in_dim3A_899 : i32 to vector<16xi32>
          %broadcast_in_dim3A_901 = vector.shape_cast %broadcast_in_dim3A_900 : vector<16xi32> to vector<16x1xi32>
          %gather3A_902 = vector.shape_cast %broadcast_in_dim3A_901 : vector<16x1xi32> to vector<16xi32>
          %gather3A_903 = tpu.dynamic_gather %sub3A_194[%gather3A_902] in [0] : vector<16xf32>, vector<16xi32> -> vector<16xf32>
          %broadcast_in_dim3A_904 = arith.constant 5 : i32
          %broadcast_in_dim3A_905 = vector.broadcast %broadcast_in_dim3A_904 : i32 to vector<16xi32>
          %broadcast_in_dim3A_906 = vector.shape_cast %broadcast_in_dim3A_905 : vector<16xi32> to vector<16x1xi32>
          %gather3A_907 = vector.shape_cast %broadcast_in_dim3A_906 : vector<16x1xi32> to vector<16xi32>
          %gather3A_908 = tpu.dynamic_gather %sub3A_195[%gather3A_907] in [0] : vector<16xf32>, vector<16xi32> -> vector<16xf32>
          %mul3A_909 = arith.mulf %gather3A_903, %get3A_892 : vector<16xf32>
          %add3A_910 = arith.addf %add3A_880, %mul3A_909 : vector<16xf32>
          %mul3A_911 = arith.mulf %gather3A_903, %get3A_898 : vector<16xf32>
          %add3A_912 = arith.addf %add3A_882, %mul3A_911 : vector<16xf32>
          %mul3A_913 = arith.mulf %gather3A_908, %get3A_892 : vector<16xf32>
          %add3A_914 = arith.addf %add3A_884, %mul3A_913 : vector<16xf32>
          %mul3A_915 = arith.mulf %gather3A_908, %get3A_898 : vector<16xf32>
          %add3A_916 = arith.addf %add3A_886, %mul3A_915 : vector<16xf32>
          %get3A_917 = arith.constant 0 : i32
          %get3A_918 = arith.index_cast %get3A_917 : i32 to index
          %get3A_919 = arith.index_cast %scan3A_158 : i32 to index
          %get3A_920 = arith.constant 704 : index
          %get3A_921 = tpu.vector_load %arg17[%get3A_918, %get3A_919, %get3A_920] {strides = array<i32>} : memref<2x8x2176xf32, #tpu.memory_space<vmem>>, vector<1x1x16xf32>,
          %get3A_922 = vector.shape_cast %get3A_921 : vector<1x1x16xf32> to vector<16xf32>
          %get3A_923 = arith.constant 0 : i32
          %get3A_924 = arith.index_cast %get3A_923 : i32 to index
          %get3A_925 = arith.index_cast %scan3A_158 : i32 to index
          %get3A_926 = arith.constant 720 : index
          %get3A_927 = tpu.vector_load %arg17[%get3A_924, %get3A_925, %get3A_926] {strides = array<i32>} : memref<2x8x2176xf32, #tpu.memory_space<vmem>>, vector<1x1x16xf32>,
          %get3A_928 = vector.shape_cast %get3A_927 : vector<1x1x16xf32> to vector<16xf32>
          %broadcast_in_dim3A_929 = arith.constant 6 : i32
          %broadcast_in_dim3A_930 = vector.broadcast %broadcast_in_dim3A_929 : i32 to vector<16xi32>
          %broadcast_in_dim3A_931 = vector.shape_cast %broadcast_in_dim3A_930 : vector<16xi32> to vector<16x1xi32>
          %gather3A_932 = vector.shape_cast %broadcast_in_dim3A_931 : vector<16x1xi32> to vector<16xi32>
          %gather3A_933 = tpu.dynamic_gather %sub3A_194[%gather3A_932] in [0] : vector<16xf32>, vector<16xi32> -> vector<16xf32>
          %broadcast_in_dim3A_934 = arith.constant 6 : i32
          %broadcast_in_dim3A_935 = vector.broadcast %broadcast_in_dim3A_934 : i32 to vector<16xi32>
          %broadcast_in_dim3A_936 = vector.shape_cast %broadcast_in_dim3A_935 : vector<16xi32> to vector<16x1xi32>
          %gather3A_937 = vector.shape_cast %broadcast_in_dim3A_936 : vector<16x1xi32> to vector<16xi32>
          %gather3A_938 = tpu.dynamic_gather %sub3A_195[%gather3A_937] in [0] : vector<16xf32>, vector<16xi32> -> vector<16xf32>
          %mul3A_939 = arith.mulf %gather3A_933, %get3A_922 : vector<16xf32>
          %add3A_940 = arith.addf %add3A_910, %mul3A_939 : vector<16xf32>
          %mul3A_941 = arith.mulf %gather3A_933, %get3A_928 : vector<16xf32>
          %add3A_942 = arith.addf %add3A_912, %mul3A_941 : vector<16xf32>
          %mul3A_943 = arith.mulf %gather3A_938, %get3A_922 : vector<16xf32>
          %add3A_944 = arith.addf %add3A_914, %mul3A_943 : vector<16xf32>
          %mul3A_945 = arith.mulf %gather3A_938, %get3A_928 : vector<16xf32>
          %add3A_946 = arith.addf %add3A_916, %mul3A_945 : vector<16xf32>
          %get3A_947 = arith.constant 0 : i32
          %get3A_948 = arith.index_cast %get3A_947 : i32 to index
          %get3A_949 = arith.index_cast %scan3A_158 : i32 to index
          %get3A_950 = arith.constant 736 : index
          %get3A_951 = tpu.vector_load %arg17[%get3A_948, %get3A_949, %get3A_950] {strides = array<i32>} : memref<2x8x2176xf32, #tpu.memory_space<vmem>>, vector<1x1x16xf32>,
          %get3A_952 = vector.shape_cast %get3A_951 : vector<1x1x16xf32> to vector<16xf32>
          %get3A_953 = arith.constant 0 : i32
          %get3A_954 = arith.index_cast %get3A_953 : i32 to index
          %get3A_955 = arith.index_cast %scan3A_158 : i32 to index
          %get3A_956 = arith.constant 752 : index
          %get3A_957 = tpu.vector_load %arg17[%get3A_954, %get3A_955, %get3A_956] {strides = array<i32>} : memref<2x8x2176xf32, #tpu.memory_space<vmem>>, vector<1x1x16xf32>,
          %get3A_958 = vector.shape_cast %get3A_957 : vector<1x1x16xf32> to vector<16xf32>
          %broadcast_in_dim3A_959 = arith.constant 7 : i32
          %broadcast_in_dim3A_960 = vector.broadcast %broadcast_in_dim3A_959 : i32 to vector<16xi32>
          %broadcast_in_dim3A_961 = vector.shape_cast %broadcast_in_dim3A_960 : vector<16xi32> to vector<16x1xi32>
          %gather3A_962 = vector.shape_cast %broadcast_in_dim3A_961 : vector<16x1xi32> to vector<16xi32>
          %gather3A_963 = tpu.dynamic_gather %sub3A_194[%gather3A_962] in [0] : vector<16xf32>, vector<16xi32> -> vector<16xf32>
          %broadcast_in_dim3A_964 = arith.constant 7 : i32
          %broadcast_in_dim3A_965 = vector.broadcast %broadcast_in_dim3A_964 : i32 to vector<16xi32>
          %broadcast_in_dim3A_966 = vector.shape_cast %broadcast_in_dim3A_965 : vector<16xi32> to vector<16x1xi32>
          %gather3A_967 = vector.shape_cast %broadcast_in_dim3A_966 : vector<16x1xi32> to vector<16xi32>
          %gather3A_968 = tpu.dynamic_gather %sub3A_195[%gather3A_967] in [0] : vector<16xf32>, vector<16xi32> -> vector<16xf32>
          %mul3A_969 = arith.mulf %gather3A_963, %get3A_952 : vector<16xf32>
          %add3A_970 = arith.addf %add3A_940, %mul3A_969 : vector<16xf32>
          %mul3A_971 = arith.mulf %gather3A_963, %get3A_958 : vector<16xf32>
          %add3A_972 = arith.addf %add3A_942, %mul3A_971 : vector<16xf32>
          %mul3A_973 = arith.mulf %gather3A_968, %get3A_952 : vector<16xf32>
          %add3A_974 = arith.addf %add3A_944, %mul3A_973 : vector<16xf32>
          %mul3A_975 = arith.mulf %gather3A_968, %get3A_958 : vector<16xf32>
          %add3A_976 = arith.addf %add3A_946, %mul3A_975 : vector<16xf32>
          %get3A_977 = arith.constant 0 : i32
          %get3A_978 = arith.index_cast %get3A_977 : i32 to index
          %get3A_979 = arith.index_cast %scan3A_158 : i32 to index
          %get3A_980 = arith.constant 768 : index
          %get3A_981 = tpu.vector_load %arg17[%get3A_978, %get3A_979, %get3A_980] {strides = array<i32>} : memref<2x8x2176xf32, #tpu.memory_space<vmem>>, vector<1x1x16xf32>,
          %get3A_982 = vector.shape_cast %get3A_981 : vector<1x1x16xf32> to vector<16xf32>
          %get3A_983 = arith.constant 0 : i32
          %get3A_984 = arith.index_cast %get3A_983 : i32 to index
          %get3A_985 = arith.index_cast %scan3A_158 : i32 to index
          %get3A_986 = arith.constant 784 : index
          %get3A_987 = tpu.vector_load %arg17[%get3A_984, %get3A_985, %get3A_986] {strides = array<i32>} : memref<2x8x2176xf32, #tpu.memory_space<vmem>>, vector<1x1x16xf32>,
          %get3A_988 = vector.shape_cast %get3A_987 : vector<1x1x16xf32> to vector<16xf32>
          %broadcast_in_dim3A_989 = arith.constant 8 : i32
          %broadcast_in_dim3A_990 = vector.broadcast %broadcast_in_dim3A_989 : i32 to vector<16xi32>
          %broadcast_in_dim3A_991 = vector.shape_cast %broadcast_in_dim3A_990 : vector<16xi32> to vector<16x1xi32>
          %gather3A_992 = vector.shape_cast %broadcast_in_dim3A_991 : vector<16x1xi32> to vector<16xi32>
          %gather3A_993 = tpu.dynamic_gather %sub3A_194[%gather3A_992] in [0] : vector<16xf32>, vector<16xi32> -> vector<16xf32>
          %broadcast_in_dim3A_994 = arith.constant 8 : i32
          %broadcast_in_dim3A_995 = vector.broadcast %broadcast_in_dim3A_994 : i32 to vector<16xi32>
          %broadcast_in_dim3A_996 = vector.shape_cast %broadcast_in_dim3A_995 : vector<16xi32> to vector<16x1xi32>
          %gather3A_997 = vector.shape_cast %broadcast_in_dim3A_996 : vector<16x1xi32> to vector<16xi32>
          %gather3A_998 = tpu.dynamic_gather %sub3A_195[%gather3A_997] in [0] : vector<16xf32>, vector<16xi32> -> vector<16xf32>
          %mul3A_999 = arith.mulf %gather3A_993, %get3A_982 : vector<16xf32>
          %add3A_1000 = arith.addf %add3A_970, %mul3A_999 : vector<16xf32>
          %mul3A_1001 = arith.mulf %gather3A_993, %get3A_988 : vector<16xf32>
          %add3A_1002 = arith.addf %add3A_972, %mul3A_1001 : vector<16xf32>
          %mul3A_1003 = arith.mulf %gather3A_998, %get3A_982 : vector<16xf32>
          %add3A_1004 = arith.addf %add3A_974, %mul3A_1003 : vector<16xf32>
          %mul3A_1005 = arith.mulf %gather3A_998, %get3A_988 : vector<16xf32>
          %add3A_1006 = arith.addf %add3A_976, %mul3A_1005 : vector<16xf32>
          %get3A_1007 = arith.constant 0 : i32
          %get3A_1008 = arith.index_cast %get3A_1007 : i32 to index
          %get3A_1009 = arith.index_cast %scan3A_158 : i32 to index
          %get3A_1010 = arith.constant 800 : index
          %get3A_1011 = tpu.vector_load %arg17[%get3A_1008, %get3A_1009, %get3A_1010] {strides = array<i32>} : memref<2x8x2176xf32, #tpu.memory_space<vmem>>, vector<1x1x16xf32>,
          %get3A_1012 = vector.shape_cast %get3A_1011 : vector<1x1x16xf32> to vector<16xf32>
          %get3A_1013 = arith.constant 0 : i32
          %get3A_1014 = arith.index_cast %get3A_1013 : i32 to index
          %get3A_1015 = arith.index_cast %scan3A_158 : i32 to index
          %get3A_1016 = arith.constant 816 : index
          %get3A_1017 = tpu.vector_load %arg17[%get3A_1014, %get3A_1015, %get3A_1016] {strides = array<i32>} : memref<2x8x2176xf32, #tpu.memory_space<vmem>>, vector<1x1x16xf32>,
          %get3A_1018 = vector.shape_cast %get3A_1017 : vector<1x1x16xf32> to vector<16xf32>
          %broadcast_in_dim3A_1019 = arith.constant 9 : i32
          %broadcast_in_dim3A_1020 = vector.broadcast %broadcast_in_dim3A_1019 : i32 to vector<16xi32>
          %broadcast_in_dim3A_1021 = vector.shape_cast %broadcast_in_dim3A_1020 : vector<16xi32> to vector<16x1xi32>
          %gather3A_1022 = vector.shape_cast %broadcast_in_dim3A_1021 : vector<16x1xi32> to vector<16xi32>
          %gather3A_1023 = tpu.dynamic_gather %sub3A_194[%gather3A_1022] in [0] : vector<16xf32>, vector<16xi32> -> vector<16xf32>
          %broadcast_in_dim3A_1024 = arith.constant 9 : i32
          %broadcast_in_dim3A_1025 = vector.broadcast %broadcast_in_dim3A_1024 : i32 to vector<16xi32>
          %broadcast_in_dim3A_1026 = vector.shape_cast %broadcast_in_dim3A_1025 : vector<16xi32> to vector<16x1xi32>
          %gather3A_1027 = vector.shape_cast %broadcast_in_dim3A_1026 : vector<16x1xi32> to vector<16xi32>
          %gather3A_1028 = tpu.dynamic_gather %sub3A_195[%gather3A_1027] in [0] : vector<16xf32>, vector<16xi32> -> vector<16xf32>
          %mul3A_1029 = arith.mulf %gather3A_1023, %get3A_1012 : vector<16xf32>
          %add3A_1030 = arith.addf %add3A_1000, %mul3A_1029 : vector<16xf32>
          %mul3A_1031 = arith.mulf %gather3A_1023, %get3A_1018 : vector<16xf32>
          %add3A_1032 = arith.addf %add3A_1002, %mul3A_1031 : vector<16xf32>
          %mul3A_1033 = arith.mulf %gather3A_1028, %get3A_1012 : vector<16xf32>
          %add3A_1034 = arith.addf %add3A_1004, %mul3A_1033 : vector<16xf32>
          %mul3A_1035 = arith.mulf %gather3A_1028, %get3A_1018 : vector<16xf32>
          %add3A_1036 = arith.addf %add3A_1006, %mul3A_1035 : vector<16xf32>
          %get3A_1037 = arith.constant 0 : i32
          %get3A_1038 = arith.index_cast %get3A_1037 : i32 to index
          %get3A_1039 = arith.index_cast %scan3A_158 : i32 to index
          %get3A_1040 = arith.constant 832 : index
          %get3A_1041 = tpu.vector_load %arg17[%get3A_1038, %get3A_1039, %get3A_1040] {strides = array<i32>} : memref<2x8x2176xf32, #tpu.memory_space<vmem>>, vector<1x1x16xf32>,
          %get3A_1042 = vector.shape_cast %get3A_1041 : vector<1x1x16xf32> to vector<16xf32>
          %get3A_1043 = arith.constant 0 : i32
          %get3A_1044 = arith.index_cast %get3A_1043 : i32 to index
          %get3A_1045 = arith.index_cast %scan3A_158 : i32 to index
          %get3A_1046 = arith.constant 848 : index
          %get3A_1047 = tpu.vector_load %arg17[%get3A_1044, %get3A_1045, %get3A_1046] {strides = array<i32>} : memref<2x8x2176xf32, #tpu.memory_space<vmem>>, vector<1x1x16xf32>,
          %get3A_1048 = vector.shape_cast %get3A_1047 : vector<1x1x16xf32> to vector<16xf32>
          %broadcast_in_dim3A_1049 = arith.constant 10 : i32
          %broadcast_in_dim3A_1050 = vector.broadcast %broadcast_in_dim3A_1049 : i32 to vector<16xi32>
          %broadcast_in_dim3A_1051 = vector.shape_cast %broadcast_in_dim3A_1050 : vector<16xi32> to vector<16x1xi32>
          %gather3A_1052 = vector.shape_cast %broadcast_in_dim3A_1051 : vector<16x1xi32> to vector<16xi32>
          %gather3A_1053 = tpu.dynamic_gather %sub3A_194[%gather3A_1052] in [0] : vector<16xf32>, vector<16xi32> -> vector<16xf32>
          %broadcast_in_dim3A_1054 = arith.constant 10 : i32
          %broadcast_in_dim3A_1055 = vector.broadcast %broadcast_in_dim3A_1054 : i32 to vector<16xi32>
          %broadcast_in_dim3A_1056 = vector.shape_cast %broadcast_in_dim3A_1055 : vector<16xi32> to vector<16x1xi32>
          %gather3A_1057 = vector.shape_cast %broadcast_in_dim3A_1056 : vector<16x1xi32> to vector<16xi32>
          %gather3A_1058 = tpu.dynamic_gather %sub3A_195[%gather3A_1057] in [0] : vector<16xf32>, vector<16xi32> -> vector<16xf32>
          %mul3A_1059 = arith.mulf %gather3A_1053, %get3A_1042 : vector<16xf32>
          %add3A_1060 = arith.addf %add3A_1030, %mul3A_1059 : vector<16xf32>
          %mul3A_1061 = arith.mulf %gather3A_1053, %get3A_1048 : vector<16xf32>
          %add3A_1062 = arith.addf %add3A_1032, %mul3A_1061 : vector<16xf32>
          %mul3A_1063 = arith.mulf %gather3A_1058, %get3A_1042 : vector<16xf32>
          %add3A_1064 = arith.addf %add3A_1034, %mul3A_1063 : vector<16xf32>
          %mul3A_1065 = arith.mulf %gather3A_1058, %get3A_1048 : vector<16xf32>
          %add3A_1066 = arith.addf %add3A_1036, %mul3A_1065 : vector<16xf32>
          %get3A_1067 = arith.constant 0 : i32
          %get3A_1068 = arith.index_cast %get3A_1067 : i32 to index
          %get3A_1069 = arith.index_cast %scan3A_158 : i32 to index
          %get3A_1070 = arith.constant 864 : index
          %get3A_1071 = tpu.vector_load %arg17[%get3A_1068, %get3A_1069, %get3A_1070] {strides = array<i32>} : memref<2x8x2176xf32, #tpu.memory_space<vmem>>, vector<1x1x16xf32>,
          %get3A_1072 = vector.shape_cast %get3A_1071 : vector<1x1x16xf32> to vector<16xf32>
          %get3A_1073 = arith.constant 0 : i32
          %get3A_1074 = arith.index_cast %get3A_1073 : i32 to index
          %get3A_1075 = arith.index_cast %scan3A_158 : i32 to index
          %get3A_1076 = arith.constant 880 : index
          %get3A_1077 = tpu.vector_load %arg17[%get3A_1074, %get3A_1075, %get3A_1076] {strides = array<i32>} : memref<2x8x2176xf32, #tpu.memory_space<vmem>>, vector<1x1x16xf32>,
          %get3A_1078 = vector.shape_cast %get3A_1077 : vector<1x1x16xf32> to vector<16xf32>
          %broadcast_in_dim3A_1079 = arith.constant 11 : i32
          %broadcast_in_dim3A_1080 = vector.broadcast %broadcast_in_dim3A_1079 : i32 to vector<16xi32>
          %broadcast_in_dim3A_1081 = vector.shape_cast %broadcast_in_dim3A_1080 : vector<16xi32> to vector<16x1xi32>
          %gather3A_1082 = vector.shape_cast %broadcast_in_dim3A_1081 : vector<16x1xi32> to vector<16xi32>
          %gather3A_1083 = tpu.dynamic_gather %sub3A_194[%gather3A_1082] in [0] : vector<16xf32>, vector<16xi32> -> vector<16xf32>
          %broadcast_in_dim3A_1084 = arith.constant 11 : i32
          %broadcast_in_dim3A_1085 = vector.broadcast %broadcast_in_dim3A_1084 : i32 to vector<16xi32>
          %broadcast_in_dim3A_1086 = vector.shape_cast %broadcast_in_dim3A_1085 : vector<16xi32> to vector<16x1xi32>
          %gather3A_1087 = vector.shape_cast %broadcast_in_dim3A_1086 : vector<16x1xi32> to vector<16xi32>
          %gather3A_1088 = tpu.dynamic_gather %sub3A_195[%gather3A_1087] in [0] : vector<16xf32>, vector<16xi32> -> vector<16xf32>
          %mul3A_1089 = arith.mulf %gather3A_1083, %get3A_1072 : vector<16xf32>
          %add3A_1090 = arith.addf %add3A_1060, %mul3A_1089 : vector<16xf32>
          %mul3A_1091 = arith.mulf %gather3A_1083, %get3A_1078 : vector<16xf32>
          %add3A_1092 = arith.addf %add3A_1062, %mul3A_1091 : vector<16xf32>
          %mul3A_1093 = arith.mulf %gather3A_1088, %get3A_1072 : vector<16xf32>
          %add3A_1094 = arith.addf %add3A_1064, %mul3A_1093 : vector<16xf32>
          %mul3A_1095 = arith.mulf %gather3A_1088, %get3A_1078 : vector<16xf32>
          %add3A_1096 = arith.addf %add3A_1066, %mul3A_1095 : vector<16xf32>
          %get3A_1097 = arith.constant 0 : i32
          %get3A_1098 = arith.index_cast %get3A_1097 : i32 to index
          %get3A_1099 = arith.index_cast %scan3A_158 : i32 to index
          %get3A_1100 = arith.constant 896 : index
          %get3A_1101 = tpu.vector_load %arg17[%get3A_1098, %get3A_1099, %get3A_1100] {strides = array<i32>} : memref<2x8x2176xf32, #tpu.memory_space<vmem>>, vector<1x1x16xf32>,
          %get3A_1102 = vector.shape_cast %get3A_1101 : vector<1x1x16xf32> to vector<16xf32>
          %get3A_1103 = arith.constant 0 : i32
          %get3A_1104 = arith.index_cast %get3A_1103 : i32 to index
          %get3A_1105 = arith.index_cast %scan3A_158 : i32 to index
          %get3A_1106 = arith.constant 912 : index
          %get3A_1107 = tpu.vector_load %arg17[%get3A_1104, %get3A_1105, %get3A_1106] {strides = array<i32>} : memref<2x8x2176xf32, #tpu.memory_space<vmem>>, vector<1x1x16xf32>,
          %get3A_1108 = vector.shape_cast %get3A_1107 : vector<1x1x16xf32> to vector<16xf32>
          %broadcast_in_dim3A_1109 = arith.constant 12 : i32
          %broadcast_in_dim3A_1110 = vector.broadcast %broadcast_in_dim3A_1109 : i32 to vector<16xi32>
          %broadcast_in_dim3A_1111 = vector.shape_cast %broadcast_in_dim3A_1110 : vector<16xi32> to vector<16x1xi32>
          %gather3A_1112 = vector.shape_cast %broadcast_in_dim3A_1111 : vector<16x1xi32> to vector<16xi32>
          %gather3A_1113 = tpu.dynamic_gather %sub3A_194[%gather3A_1112] in [0] : vector<16xf32>, vector<16xi32> -> vector<16xf32>
          %broadcast_in_dim3A_1114 = arith.constant 12 : i32
          %broadcast_in_dim3A_1115 = vector.broadcast %broadcast_in_dim3A_1114 : i32 to vector<16xi32>
          %broadcast_in_dim3A_1116 = vector.shape_cast %broadcast_in_dim3A_1115 : vector<16xi32> to vector<16x1xi32>
          %gather3A_1117 = vector.shape_cast %broadcast_in_dim3A_1116 : vector<16x1xi32> to vector<16xi32>
          %gather3A_1118 = tpu.dynamic_gather %sub3A_195[%gather3A_1117] in [0] : vector<16xf32>, vector<16xi32> -> vector<16xf32>
          %mul3A_1119 = arith.mulf %gather3A_1113, %get3A_1102 : vector<16xf32>
          %add3A_1120 = arith.addf %add3A_1090, %mul3A_1119 : vector<16xf32>
          %mul3A_1121 = arith.mulf %gather3A_1113, %get3A_1108 : vector<16xf32>
          %add3A_1122 = arith.addf %add3A_1092, %mul3A_1121 : vector<16xf32>
          %mul3A_1123 = arith.mulf %gather3A_1118, %get3A_1102 : vector<16xf32>
          %add3A_1124 = arith.addf %add3A_1094, %mul3A_1123 : vector<16xf32>
          %mul3A_1125 = arith.mulf %gather3A_1118, %get3A_1108 : vector<16xf32>
          %add3A_1126 = arith.addf %add3A_1096, %mul3A_1125 : vector<16xf32>
          %get3A_1127 = arith.constant 0 : i32
          %get3A_1128 = arith.index_cast %get3A_1127 : i32 to index
          %get3A_1129 = arith.index_cast %scan3A_158 : i32 to index
          %get3A_1130 = arith.constant 928 : index
          %get3A_1131 = tpu.vector_load %arg17[%get3A_1128, %get3A_1129, %get3A_1130] {strides = array<i32>} : memref<2x8x2176xf32, #tpu.memory_space<vmem>>, vector<1x1x16xf32>,
          %get3A_1132 = vector.shape_cast %get3A_1131 : vector<1x1x16xf32> to vector<16xf32>
          %get3A_1133 = arith.constant 0 : i32
          %get3A_1134 = arith.index_cast %get3A_1133 : i32 to index
          %get3A_1135 = arith.index_cast %scan3A_158 : i32 to index
          %get3A_1136 = arith.constant 944 : index
          %get3A_1137 = tpu.vector_load %arg17[%get3A_1134, %get3A_1135, %get3A_1136] {strides = array<i32>} : memref<2x8x2176xf32, #tpu.memory_space<vmem>>, vector<1x1x16xf32>,
          %get3A_1138 = vector.shape_cast %get3A_1137 : vector<1x1x16xf32> to vector<16xf32>
          %broadcast_in_dim3A_1139 = arith.constant 13 : i32
          %broadcast_in_dim3A_1140 = vector.broadcast %broadcast_in_dim3A_1139 : i32 to vector<16xi32>
          %broadcast_in_dim3A_1141 = vector.shape_cast %broadcast_in_dim3A_1140 : vector<16xi32> to vector<16x1xi32>
          %gather3A_1142 = vector.shape_cast %broadcast_in_dim3A_1141 : vector<16x1xi32> to vector<16xi32>
          %gather3A_1143 = tpu.dynamic_gather %sub3A_194[%gather3A_1142] in [0] : vector<16xf32>, vector<16xi32> -> vector<16xf32>
          %broadcast_in_dim3A_1144 = arith.constant 13 : i32
          %broadcast_in_dim3A_1145 = vector.broadcast %broadcast_in_dim3A_1144 : i32 to vector<16xi32>
          %broadcast_in_dim3A_1146 = vector.shape_cast %broadcast_in_dim3A_1145 : vector<16xi32> to vector<16x1xi32>
          %gather3A_1147 = vector.shape_cast %broadcast_in_dim3A_1146 : vector<16x1xi32> to vector<16xi32>
          %gather3A_1148 = tpu.dynamic_gather %sub3A_195[%gather3A_1147] in [0] : vector<16xf32>, vector<16xi32> -> vector<16xf32>
          %mul3A_1149 = arith.mulf %gather3A_1143, %get3A_1132 : vector<16xf32>
          %add3A_1150 = arith.addf %add3A_1120, %mul3A_1149 : vector<16xf32>
          %mul3A_1151 = arith.mulf %gather3A_1143, %get3A_1138 : vector<16xf32>
          %add3A_1152 = arith.addf %add3A_1122, %mul3A_1151 : vector<16xf32>
          %mul3A_1153 = arith.mulf %gather3A_1148, %get3A_1132 : vector<16xf32>
          %add3A_1154 = arith.addf %add3A_1124, %mul3A_1153 : vector<16xf32>
          %mul3A_1155 = arith.mulf %gather3A_1148, %get3A_1138 : vector<16xf32>
          %add3A_1156 = arith.addf %add3A_1126, %mul3A_1155 : vector<16xf32>
          %get3A_1157 = arith.constant 0 : i32
          %get3A_1158 = arith.index_cast %get3A_1157 : i32 to index
          %get3A_1159 = arith.index_cast %scan3A_158 : i32 to index
          %get3A_1160 = arith.constant 960 : index
          %get3A_1161 = tpu.vector_load %arg17[%get3A_1158, %get3A_1159, %get3A_1160] {strides = array<i32>} : memref<2x8x2176xf32, #tpu.memory_space<vmem>>, vector<1x1x16xf32>,
          %get3A_1162 = vector.shape_cast %get3A_1161 : vector<1x1x16xf32> to vector<16xf32>
          %get3A_1163 = arith.constant 0 : i32
          %get3A_1164 = arith.index_cast %get3A_1163 : i32 to index
          %get3A_1165 = arith.index_cast %scan3A_158 : i32 to index
          %get3A_1166 = arith.constant 976 : index
          %get3A_1167 = tpu.vector_load %arg17[%get3A_1164, %get3A_1165, %get3A_1166] {strides = array<i32>} : memref<2x8x2176xf32, #tpu.memory_space<vmem>>, vector<1x1x16xf32>,
          %get3A_1168 = vector.shape_cast %get3A_1167 : vector<1x1x16xf32> to vector<16xf32>
          %broadcast_in_dim3A_1169 = arith.constant 14 : i32
          %broadcast_in_dim3A_1170 = vector.broadcast %broadcast_in_dim3A_1169 : i32 to vector<16xi32>
          %broadcast_in_dim3A_1171 = vector.shape_cast %broadcast_in_dim3A_1170 : vector<16xi32> to vector<16x1xi32>
          %gather3A_1172 = vector.shape_cast %broadcast_in_dim3A_1171 : vector<16x1xi32> to vector<16xi32>
          %gather3A_1173 = tpu.dynamic_gather %sub3A_194[%gather3A_1172] in [0] : vector<16xf32>, vector<16xi32> -> vector<16xf32>
          %broadcast_in_dim3A_1174 = arith.constant 14 : i32
          %broadcast_in_dim3A_1175 = vector.broadcast %broadcast_in_dim3A_1174 : i32 to vector<16xi32>
          %broadcast_in_dim3A_1176 = vector.shape_cast %broadcast_in_dim3A_1175 : vector<16xi32> to vector<16x1xi32>
          %gather3A_1177 = vector.shape_cast %broadcast_in_dim3A_1176 : vector<16x1xi32> to vector<16xi32>
          %gather3A_1178 = tpu.dynamic_gather %sub3A_195[%gather3A_1177] in [0] : vector<16xf32>, vector<16xi32> -> vector<16xf32>
          %mul3A_1179 = arith.mulf %gather3A_1173, %get3A_1162 : vector<16xf32>
          %add3A_1180 = arith.addf %add3A_1150, %mul3A_1179 : vector<16xf32>
          %mul3A_1181 = arith.mulf %gather3A_1173, %get3A_1168 : vector<16xf32>
          %add3A_1182 = arith.addf %add3A_1152, %mul3A_1181 : vector<16xf32>
          %mul3A_1183 = arith.mulf %gather3A_1178, %get3A_1162 : vector<16xf32>
          %add3A_1184 = arith.addf %add3A_1154, %mul3A_1183 : vector<16xf32>
          %mul3A_1185 = arith.mulf %gather3A_1178, %get3A_1168 : vector<16xf32>
          %add3A_1186 = arith.addf %add3A_1156, %mul3A_1185 : vector<16xf32>
          %get3A_1187 = arith.constant 0 : i32
          %get3A_1188 = arith.index_cast %get3A_1187 : i32 to index
          %get3A_1189 = arith.index_cast %scan3A_158 : i32 to index
          %get3A_1190 = arith.constant 992 : index
          %get3A_1191 = tpu.vector_load %arg17[%get3A_1188, %get3A_1189, %get3A_1190] {strides = array<i32>} : memref<2x8x2176xf32, #tpu.memory_space<vmem>>, vector<1x1x16xf32>,
          %get3A_1192 = vector.shape_cast %get3A_1191 : vector<1x1x16xf32> to vector<16xf32>
          %get3A_1193 = arith.constant 0 : i32
          %get3A_1194 = arith.index_cast %get3A_1193 : i32 to index
          %get3A_1195 = arith.index_cast %scan3A_158 : i32 to index
          %get3A_1196 = arith.constant 1008 : index
          %get3A_1197 = tpu.vector_load %arg17[%get3A_1194, %get3A_1195, %get3A_1196] {strides = array<i32>} : memref<2x8x2176xf32, #tpu.memory_space<vmem>>, vector<1x1x16xf32>,
          %get3A_1198 = vector.shape_cast %get3A_1197 : vector<1x1x16xf32> to vector<16xf32>
          %broadcast_in_dim3A_1199 = arith.constant 15 : i32
          %broadcast_in_dim3A_1200 = vector.broadcast %broadcast_in_dim3A_1199 : i32 to vector<16xi32>
          %broadcast_in_dim3A_1201 = vector.shape_cast %broadcast_in_dim3A_1200 : vector<16xi32> to vector<16x1xi32>
          %gather3A_1202 = vector.shape_cast %broadcast_in_dim3A_1201 : vector<16x1xi32> to vector<16xi32>
          %gather3A_1203 = tpu.dynamic_gather %sub3A_194[%gather3A_1202] in [0] : vector<16xf32>, vector<16xi32> -> vector<16xf32>
          %broadcast_in_dim3A_1204 = arith.constant 15 : i32
          %broadcast_in_dim3A_1205 = vector.broadcast %broadcast_in_dim3A_1204 : i32 to vector<16xi32>
          %broadcast_in_dim3A_1206 = vector.shape_cast %broadcast_in_dim3A_1205 : vector<16xi32> to vector<16x1xi32>
          %gather3A_1207 = vector.shape_cast %broadcast_in_dim3A_1206 : vector<16x1xi32> to vector<16xi32>
          %gather3A_1208 = tpu.dynamic_gather %sub3A_195[%gather3A_1207] in [0] : vector<16xf32>, vector<16xi32> -> vector<16xf32>
          %mul3A_1209 = arith.mulf %gather3A_1203, %get3A_1192 : vector<16xf32>
          %add3A_1210 = arith.addf %add3A_1180, %mul3A_1209 : vector<16xf32>
          %mul3A_1211 = arith.mulf %gather3A_1203, %get3A_1198 : vector<16xf32>
          %add3A_1212 = arith.addf %add3A_1182, %mul3A_1211 : vector<16xf32>
          %mul3A_1213 = arith.mulf %gather3A_1208, %get3A_1192 : vector<16xf32>
          %add3A_1214 = arith.addf %add3A_1184, %mul3A_1213 : vector<16xf32>
          %mul3A_1215 = arith.mulf %gather3A_1208, %get3A_1198 : vector<16xf32>
          %add3A_1216 = arith.addf %add3A_1186, %mul3A_1215 : vector<16xf32>
          %get3A_1217 = arith.constant 0 : i32
          %get3A_1218 = arith.index_cast %get3A_1217 : i32 to index
          %get3A_1219 = arith.index_cast %scan3A_158 : i32 to index
          %get3A_1220 = arith.constant 1024 : index
          %get3A_1221 = tpu.vector_load %arg17[%get3A_1218, %get3A_1219, %get3A_1220] {strides = array<i32>} : memref<2x8x2176xf32, #tpu.memory_space<vmem>>, vector<1x1x16xf32>,
          %get3A_1222 = vector.shape_cast %get3A_1221 : vector<1x1x16xf32> to vector<16xf32>
          %get3A_1223 = arith.constant 0 : i32
          %get3A_1224 = arith.index_cast %get3A_1223 : i32 to index
          %get3A_1225 = arith.index_cast %scan3A_158 : i32 to index
          %get3A_1226 = arith.constant 1040 : index
          %get3A_1227 = tpu.vector_load %arg17[%get3A_1224, %get3A_1225, %get3A_1226] {strides = array<i32>} : memref<2x8x2176xf32, #tpu.memory_space<vmem>>, vector<1x1x16xf32>,
          %get3A_1228 = vector.shape_cast %get3A_1227 : vector<1x1x16xf32> to vector<16xf32>
          %broadcast_in_dim3A_1229 = arith.constant 0 : i32
          %broadcast_in_dim3A_1230 = vector.broadcast %broadcast_in_dim3A_1229 : i32 to vector<16xi32>
          %broadcast_in_dim3A_1231 = vector.shape_cast %broadcast_in_dim3A_1230 : vector<16xi32> to vector<16x1xi32>
          %gather3A_1232 = vector.shape_cast %broadcast_in_dim3A_1231 : vector<16x1xi32> to vector<16xi32>
          %gather3A_1233 = tpu.dynamic_gather %sub3A_214[%gather3A_1232] in [0] : vector<16xf32>, vector<16xi32> -> vector<16xf32>
          %broadcast_in_dim3A_1234 = arith.constant 0 : i32
          %broadcast_in_dim3A_1235 = vector.broadcast %broadcast_in_dim3A_1234 : i32 to vector<16xi32>
          %broadcast_in_dim3A_1236 = vector.shape_cast %broadcast_in_dim3A_1235 : vector<16xi32> to vector<16x1xi32>
          %gather3A_1237 = vector.shape_cast %broadcast_in_dim3A_1236 : vector<16x1xi32> to vector<16xi32>
          %gather3A_1238 = tpu.dynamic_gather %sub3A_215[%gather3A_1237] in [0] : vector<16xf32>, vector<16xi32> -> vector<16xf32>
          %mul3A_1239 = arith.mulf %gather3A_1233, %get3A_1222 : vector<16xf32>
          %add3A_1240 = arith.addf %add3A_1210, %mul3A_1239 : vector<16xf32>
          %mul3A_1241 = arith.mulf %gather3A_1233, %get3A_1228 : vector<16xf32>
          %add3A_1242 = arith.addf %add3A_1212, %mul3A_1241 : vector<16xf32>
          %mul3A_1243 = arith.mulf %gather3A_1238, %get3A_1222 : vector<16xf32>
          %add3A_1244 = arith.addf %add3A_1214, %mul3A_1243 : vector<16xf32>
          %mul3A_1245 = arith.mulf %gather3A_1238, %get3A_1228 : vector<16xf32>
          %add3A_1246 = arith.addf %add3A_1216, %mul3A_1245 : vector<16xf32>
          %get3A_1247 = arith.constant 0 : i32
          %get3A_1248 = arith.index_cast %get3A_1247 : i32 to index
          %get3A_1249 = arith.index_cast %scan3A_158 : i32 to index
          %get3A_1250 = arith.constant 1056 : index
          %get3A_1251 = tpu.vector_load %arg17[%get3A_1248, %get3A_1249, %get3A_1250] {strides = array<i32>} : memref<2x8x2176xf32, #tpu.memory_space<vmem>>, vector<1x1x16xf32>,
          %get3A_1252 = vector.shape_cast %get3A_1251 : vector<1x1x16xf32> to vector<16xf32>
          %get3A_1253 = arith.constant 0 : i32
          %get3A_1254 = arith.index_cast %get3A_1253 : i32 to index
          %get3A_1255 = arith.index_cast %scan3A_158 : i32 to index
          %get3A_1256 = arith.constant 1072 : index
          %get3A_1257 = tpu.vector_load %arg17[%get3A_1254, %get3A_1255, %get3A_1256] {strides = array<i32>} : memref<2x8x2176xf32, #tpu.memory_space<vmem>>, vector<1x1x16xf32>,
          %get3A_1258 = vector.shape_cast %get3A_1257 : vector<1x1x16xf32> to vector<16xf32>
          %broadcast_in_dim3A_1259 = arith.constant 1 : i32
          %broadcast_in_dim3A_1260 = vector.broadcast %broadcast_in_dim3A_1259 : i32 to vector<16xi32>
          %broadcast_in_dim3A_1261 = vector.shape_cast %broadcast_in_dim3A_1260 : vector<16xi32> to vector<16x1xi32>
          %gather3A_1262 = vector.shape_cast %broadcast_in_dim3A_1261 : vector<16x1xi32> to vector<16xi32>
          %gather3A_1263 = tpu.dynamic_gather %sub3A_214[%gather3A_1262] in [0] : vector<16xf32>, vector<16xi32> -> vector<16xf32>
          %broadcast_in_dim3A_1264 = arith.constant 1 : i32
          %broadcast_in_dim3A_1265 = vector.broadcast %broadcast_in_dim3A_1264 : i32 to vector<16xi32>
          %broadcast_in_dim3A_1266 = vector.shape_cast %broadcast_in_dim3A_1265 : vector<16xi32> to vector<16x1xi32>
          %gather3A_1267 = vector.shape_cast %broadcast_in_dim3A_1266 : vector<16x1xi32> to vector<16xi32>
          %gather3A_1268 = tpu.dynamic_gather %sub3A_215[%gather3A_1267] in [0] : vector<16xf32>, vector<16xi32> -> vector<16xf32>
          %mul3A_1269 = arith.mulf %gather3A_1263, %get3A_1252 : vector<16xf32>
          %add3A_1270 = arith.addf %add3A_1240, %mul3A_1269 : vector<16xf32>
          %mul3A_1271 = arith.mulf %gather3A_1263, %get3A_1258 : vector<16xf32>
          %add3A_1272 = arith.addf %add3A_1242, %mul3A_1271 : vector<16xf32>
          %mul3A_1273 = arith.mulf %gather3A_1268, %get3A_1252 : vector<16xf32>
          %add3A_1274 = arith.addf %add3A_1244, %mul3A_1273 : vector<16xf32>
          %mul3A_1275 = arith.mulf %gather3A_1268, %get3A_1258 : vector<16xf32>
          %add3A_1276 = arith.addf %add3A_1246, %mul3A_1275 : vector<16xf32>
          %get3A_1277 = arith.constant 0 : i32
          %get3A_1278 = arith.index_cast %get3A_1277 : i32 to index
          %get3A_1279 = arith.index_cast %scan3A_158 : i32 to index
          %get3A_1280 = arith.constant 1088 : index
          %get3A_1281 = tpu.vector_load %arg17[%get3A_1278, %get3A_1279, %get3A_1280] {strides = array<i32>} : memref<2x8x2176xf32, #tpu.memory_space<vmem>>, vector<1x1x16xf32>,
          %get3A_1282 = vector.shape_cast %get3A_1281 : vector<1x1x16xf32> to vector<16xf32>
          %get3A_1283 = arith.constant 0 : i32
          %get3A_1284 = arith.index_cast %get3A_1283 : i32 to index
          %get3A_1285 = arith.index_cast %scan3A_158 : i32 to index
          %get3A_1286 = arith.constant 1104 : index
          %get3A_1287 = tpu.vector_load %arg17[%get3A_1284, %get3A_1285, %get3A_1286] {strides = array<i32>} : memref<2x8x2176xf32, #tpu.memory_space<vmem>>, vector<1x1x16xf32>,
          %get3A_1288 = vector.shape_cast %get3A_1287 : vector<1x1x16xf32> to vector<16xf32>
          %broadcast_in_dim3A_1289 = arith.constant 2 : i32
          %broadcast_in_dim3A_1290 = vector.broadcast %broadcast_in_dim3A_1289 : i32 to vector<16xi32>
          %broadcast_in_dim3A_1291 = vector.shape_cast %broadcast_in_dim3A_1290 : vector<16xi32> to vector<16x1xi32>
          %gather3A_1292 = vector.shape_cast %broadcast_in_dim3A_1291 : vector<16x1xi32> to vector<16xi32>
          %gather3A_1293 = tpu.dynamic_gather %sub3A_214[%gather3A_1292] in [0] : vector<16xf32>, vector<16xi32> -> vector<16xf32>
          %broadcast_in_dim3A_1294 = arith.constant 2 : i32
          %broadcast_in_dim3A_1295 = vector.broadcast %broadcast_in_dim3A_1294 : i32 to vector<16xi32>
          %broadcast_in_dim3A_1296 = vector.shape_cast %broadcast_in_dim3A_1295 : vector<16xi32> to vector<16x1xi32>
          %gather3A_1297 = vector.shape_cast %broadcast_in_dim3A_1296 : vector<16x1xi32> to vector<16xi32>
          %gather3A_1298 = tpu.dynamic_gather %sub3A_215[%gather3A_1297] in [0] : vector<16xf32>, vector<16xi32> -> vector<16xf32>
          %mul3A_1299 = arith.mulf %gather3A_1293, %get3A_1282 : vector<16xf32>
          %add3A_1300 = arith.addf %add3A_1270, %mul3A_1299 : vector<16xf32>
          %mul3A_1301 = arith.mulf %gather3A_1293, %get3A_1288 : vector<16xf32>
          %add3A_1302 = arith.addf %add3A_1272, %mul3A_1301 : vector<16xf32>
          %mul3A_1303 = arith.mulf %gather3A_1298, %get3A_1282 : vector<16xf32>
          %add3A_1304 = arith.addf %add3A_1274, %mul3A_1303 : vector<16xf32>
          %mul3A_1305 = arith.mulf %gather3A_1298, %get3A_1288 : vector<16xf32>
          %add3A_1306 = arith.addf %add3A_1276, %mul3A_1305 : vector<16xf32>
          %get3A_1307 = arith.constant 0 : i32
          %get3A_1308 = arith.index_cast %get3A_1307 : i32 to index
          %get3A_1309 = arith.index_cast %scan3A_158 : i32 to index
          %get3A_1310 = arith.constant 1120 : index
          %get3A_1311 = tpu.vector_load %arg17[%get3A_1308, %get3A_1309, %get3A_1310] {strides = array<i32>} : memref<2x8x2176xf32, #tpu.memory_space<vmem>>, vector<1x1x16xf32>,
          %get3A_1312 = vector.shape_cast %get3A_1311 : vector<1x1x16xf32> to vector<16xf32>
          %get3A_1313 = arith.constant 0 : i32
          %get3A_1314 = arith.index_cast %get3A_1313 : i32 to index
          %get3A_1315 = arith.index_cast %scan3A_158 : i32 to index
          %get3A_1316 = arith.constant 1136 : index
          %get3A_1317 = tpu.vector_load %arg17[%get3A_1314, %get3A_1315, %get3A_1316] {strides = array<i32>} : memref<2x8x2176xf32, #tpu.memory_space<vmem>>, vector<1x1x16xf32>,
          %get3A_1318 = vector.shape_cast %get3A_1317 : vector<1x1x16xf32> to vector<16xf32>
          %broadcast_in_dim3A_1319 = arith.constant 3 : i32
          %broadcast_in_dim3A_1320 = vector.broadcast %broadcast_in_dim3A_1319 : i32 to vector<16xi32>
          %broadcast_in_dim3A_1321 = vector.shape_cast %broadcast_in_dim3A_1320 : vector<16xi32> to vector<16x1xi32>
          %gather3A_1322 = vector.shape_cast %broadcast_in_dim3A_1321 : vector<16x1xi32> to vector<16xi32>
          %gather3A_1323 = tpu.dynamic_gather %sub3A_214[%gather3A_1322] in [0] : vector<16xf32>, vector<16xi32> -> vector<16xf32>
          %broadcast_in_dim3A_1324 = arith.constant 3 : i32
          %broadcast_in_dim3A_1325 = vector.broadcast %broadcast_in_dim3A_1324 : i32 to vector<16xi32>
          %broadcast_in_dim3A_1326 = vector.shape_cast %broadcast_in_dim3A_1325 : vector<16xi32> to vector<16x1xi32>
          %gather3A_1327 = vector.shape_cast %broadcast_in_dim3A_1326 : vector<16x1xi32> to vector<16xi32>
          %gather3A_1328 = tpu.dynamic_gather %sub3A_215[%gather3A_1327] in [0] : vector<16xf32>, vector<16xi32> -> vector<16xf32>
          %mul3A_1329 = arith.mulf %gather3A_1323, %get3A_1312 : vector<16xf32>
          %add3A_1330 = arith.addf %add3A_1300, %mul3A_1329 : vector<16xf32>
          %mul3A_1331 = arith.mulf %gather3A_1323, %get3A_1318 : vector<16xf32>
          %add3A_1332 = arith.addf %add3A_1302, %mul3A_1331 : vector<16xf32>
          %mul3A_1333 = arith.mulf %gather3A_1328, %get3A_1312 : vector<16xf32>
          %add3A_1334 = arith.addf %add3A_1304, %mul3A_1333 : vector<16xf32>
          %mul3A_1335 = arith.mulf %gather3A_1328, %get3A_1318 : vector<16xf32>
          %add3A_1336 = arith.addf %add3A_1306, %mul3A_1335 : vector<16xf32>
          %get3A_1337 = arith.constant 0 : i32
          %get3A_1338 = arith.index_cast %get3A_1337 : i32 to index
          %get3A_1339 = arith.index_cast %scan3A_158 : i32 to index
          %get3A_1340 = arith.constant 1152 : index
          %get3A_1341 = tpu.vector_load %arg17[%get3A_1338, %get3A_1339, %get3A_1340] {strides = array<i32>} : memref<2x8x2176xf32, #tpu.memory_space<vmem>>, vector<1x1x16xf32>,
          %get3A_1342 = vector.shape_cast %get3A_1341 : vector<1x1x16xf32> to vector<16xf32>
          %get3A_1343 = arith.constant 0 : i32
          %get3A_1344 = arith.index_cast %get3A_1343 : i32 to index
          %get3A_1345 = arith.index_cast %scan3A_158 : i32 to index
          %get3A_1346 = arith.constant 1168 : index
          %get3A_1347 = tpu.vector_load %arg17[%get3A_1344, %get3A_1345, %get3A_1346] {strides = array<i32>} : memref<2x8x2176xf32, #tpu.memory_space<vmem>>, vector<1x1x16xf32>,
          %get3A_1348 = vector.shape_cast %get3A_1347 : vector<1x1x16xf32> to vector<16xf32>
          %broadcast_in_dim3A_1349 = arith.constant 4 : i32
          %broadcast_in_dim3A_1350 = vector.broadcast %broadcast_in_dim3A_1349 : i32 to vector<16xi32>
          %broadcast_in_dim3A_1351 = vector.shape_cast %broadcast_in_dim3A_1350 : vector<16xi32> to vector<16x1xi32>
          %gather3A_1352 = vector.shape_cast %broadcast_in_dim3A_1351 : vector<16x1xi32> to vector<16xi32>
          %gather3A_1353 = tpu.dynamic_gather %sub3A_214[%gather3A_1352] in [0] : vector<16xf32>, vector<16xi32> -> vector<16xf32>
          %broadcast_in_dim3A_1354 = arith.constant 4 : i32
          %broadcast_in_dim3A_1355 = vector.broadcast %broadcast_in_dim3A_1354 : i32 to vector<16xi32>
          %broadcast_in_dim3A_1356 = vector.shape_cast %broadcast_in_dim3A_1355 : vector<16xi32> to vector<16x1xi32>
          %gather3A_1357 = vector.shape_cast %broadcast_in_dim3A_1356 : vector<16x1xi32> to vector<16xi32>
          %gather3A_1358 = tpu.dynamic_gather %sub3A_215[%gather3A_1357] in [0] : vector<16xf32>, vector<16xi32> -> vector<16xf32>
          %mul3A_1359 = arith.mulf %gather3A_1353, %get3A_1342 : vector<16xf32>
          %add3A_1360 = arith.addf %add3A_1330, %mul3A_1359 : vector<16xf32>
          %mul3A_1361 = arith.mulf %gather3A_1353, %get3A_1348 : vector<16xf32>
          %add3A_1362 = arith.addf %add3A_1332, %mul3A_1361 : vector<16xf32>
          %mul3A_1363 = arith.mulf %gather3A_1358, %get3A_1342 : vector<16xf32>
          %add3A_1364 = arith.addf %add3A_1334, %mul3A_1363 : vector<16xf32>
          %mul3A_1365 = arith.mulf %gather3A_1358, %get3A_1348 : vector<16xf32>
          %add3A_1366 = arith.addf %add3A_1336, %mul3A_1365 : vector<16xf32>
          %get3A_1367 = arith.constant 0 : i32
          %get3A_1368 = arith.index_cast %get3A_1367 : i32 to index
          %get3A_1369 = arith.index_cast %scan3A_158 : i32 to index
          %get3A_1370 = arith.constant 1184 : index
          %get3A_1371 = tpu.vector_load %arg17[%get3A_1368, %get3A_1369, %get3A_1370] {strides = array<i32>} : memref<2x8x2176xf32, #tpu.memory_space<vmem>>, vector<1x1x16xf32>,
          %get3A_1372 = vector.shape_cast %get3A_1371 : vector<1x1x16xf32> to vector<16xf32>
          %get3A_1373 = arith.constant 0 : i32
          %get3A_1374 = arith.index_cast %get3A_1373 : i32 to index
          %get3A_1375 = arith.index_cast %scan3A_158 : i32 to index
          %get3A_1376 = arith.constant 1200 : index
          %get3A_1377 = tpu.vector_load %arg17[%get3A_1374, %get3A_1375, %get3A_1376] {strides = array<i32>} : memref<2x8x2176xf32, #tpu.memory_space<vmem>>, vector<1x1x16xf32>,
          %get3A_1378 = vector.shape_cast %get3A_1377 : vector<1x1x16xf32> to vector<16xf32>
          %broadcast_in_dim3A_1379 = arith.constant 5 : i32
          %broadcast_in_dim3A_1380 = vector.broadcast %broadcast_in_dim3A_1379 : i32 to vector<16xi32>
          %broadcast_in_dim3A_1381 = vector.shape_cast %broadcast_in_dim3A_1380 : vector<16xi32> to vector<16x1xi32>
          %gather3A_1382 = vector.shape_cast %broadcast_in_dim3A_1381 : vector<16x1xi32> to vector<16xi32>
          %gather3A_1383 = tpu.dynamic_gather %sub3A_214[%gather3A_1382] in [0] : vector<16xf32>, vector<16xi32> -> vector<16xf32>
          %broadcast_in_dim3A_1384 = arith.constant 5 : i32
          %broadcast_in_dim3A_1385 = vector.broadcast %broadcast_in_dim3A_1384 : i32 to vector<16xi32>
          %broadcast_in_dim3A_1386 = vector.shape_cast %broadcast_in_dim3A_1385 : vector<16xi32> to vector<16x1xi32>
          %gather3A_1387 = vector.shape_cast %broadcast_in_dim3A_1386 : vector<16x1xi32> to vector<16xi32>
          %gather3A_1388 = tpu.dynamic_gather %sub3A_215[%gather3A_1387] in [0] : vector<16xf32>, vector<16xi32> -> vector<16xf32>
          %mul3A_1389 = arith.mulf %gather3A_1383, %get3A_1372 : vector<16xf32>
          %add3A_1390 = arith.addf %add3A_1360, %mul3A_1389 : vector<16xf32>
          %mul3A_1391 = arith.mulf %gather3A_1383, %get3A_1378 : vector<16xf32>
          %add3A_1392 = arith.addf %add3A_1362, %mul3A_1391 : vector<16xf32>
          %mul3A_1393 = arith.mulf %gather3A_1388, %get3A_1372 : vector<16xf32>
          %add3A_1394 = arith.addf %add3A_1364, %mul3A_1393 : vector<16xf32>
          %mul3A_1395 = arith.mulf %gather3A_1388, %get3A_1378 : vector<16xf32>
          %add3A_1396 = arith.addf %add3A_1366, %mul3A_1395 : vector<16xf32>
          %get3A_1397 = arith.constant 0 : i32
          %get3A_1398 = arith.index_cast %get3A_1397 : i32 to index
          %get3A_1399 = arith.index_cast %scan3A_158 : i32 to index
          %get3A_1400 = arith.constant 1216 : index
          %get3A_1401 = tpu.vector_load %arg17[%get3A_1398, %get3A_1399, %get3A_1400] {strides = array<i32>} : memref<2x8x2176xf32, #tpu.memory_space<vmem>>, vector<1x1x16xf32>,
          %get3A_1402 = vector.shape_cast %get3A_1401 : vector<1x1x16xf32> to vector<16xf32>
          %get3A_1403 = arith.constant 0 : i32
          %get3A_1404 = arith.index_cast %get3A_1403 : i32 to index
          %get3A_1405 = arith.index_cast %scan3A_158 : i32 to index
          %get3A_1406 = arith.constant 1232 : index
          %get3A_1407 = tpu.vector_load %arg17[%get3A_1404, %get3A_1405, %get3A_1406] {strides = array<i32>} : memref<2x8x2176xf32, #tpu.memory_space<vmem>>, vector<1x1x16xf32>,
          %get3A_1408 = vector.shape_cast %get3A_1407 : vector<1x1x16xf32> to vector<16xf32>
          %broadcast_in_dim3A_1409 = arith.constant 6 : i32
          %broadcast_in_dim3A_1410 = vector.broadcast %broadcast_in_dim3A_1409 : i32 to vector<16xi32>
          %broadcast_in_dim3A_1411 = vector.shape_cast %broadcast_in_dim3A_1410 : vector<16xi32> to vector<16x1xi32>
          %gather3A_1412 = vector.shape_cast %broadcast_in_dim3A_1411 : vector<16x1xi32> to vector<16xi32>
          %gather3A_1413 = tpu.dynamic_gather %sub3A_214[%gather3A_1412] in [0] : vector<16xf32>, vector<16xi32> -> vector<16xf32>
          %broadcast_in_dim3A_1414 = arith.constant 6 : i32
          %broadcast_in_dim3A_1415 = vector.broadcast %broadcast_in_dim3A_1414 : i32 to vector<16xi32>
          %broadcast_in_dim3A_1416 = vector.shape_cast %broadcast_in_dim3A_1415 : vector<16xi32> to vector<16x1xi32>
          %gather3A_1417 = vector.shape_cast %broadcast_in_dim3A_1416 : vector<16x1xi32> to vector<16xi32>
          %gather3A_1418 = tpu.dynamic_gather %sub3A_215[%gather3A_1417] in [0] : vector<16xf32>, vector<16xi32> -> vector<16xf32>
          %mul3A_1419 = arith.mulf %gather3A_1413, %get3A_1402 : vector<16xf32>
          %add3A_1420 = arith.addf %add3A_1390, %mul3A_1419 : vector<16xf32>
          %mul3A_1421 = arith.mulf %gather3A_1413, %get3A_1408 : vector<16xf32>
          %add3A_1422 = arith.addf %add3A_1392, %mul3A_1421 : vector<16xf32>
          %mul3A_1423 = arith.mulf %gather3A_1418, %get3A_1402 : vector<16xf32>
          %add3A_1424 = arith.addf %add3A_1394, %mul3A_1423 : vector<16xf32>
          %mul3A_1425 = arith.mulf %gather3A_1418, %get3A_1408 : vector<16xf32>
          %add3A_1426 = arith.addf %add3A_1396, %mul3A_1425 : vector<16xf32>
          %get3A_1427 = arith.constant 0 : i32
          %get3A_1428 = arith.index_cast %get3A_1427 : i32 to index
          %get3A_1429 = arith.index_cast %scan3A_158 : i32 to index
          %get3A_1430 = arith.constant 1248 : index
          %get3A_1431 = tpu.vector_load %arg17[%get3A_1428, %get3A_1429, %get3A_1430] {strides = array<i32>} : memref<2x8x2176xf32, #tpu.memory_space<vmem>>, vector<1x1x16xf32>,
          %get3A_1432 = vector.shape_cast %get3A_1431 : vector<1x1x16xf32> to vector<16xf32>
          %get3A_1433 = arith.constant 0 : i32
          %get3A_1434 = arith.index_cast %get3A_1433 : i32 to index
          %get3A_1435 = arith.index_cast %scan3A_158 : i32 to index
          %get3A_1436 = arith.constant 1264 : index
          %get3A_1437 = tpu.vector_load %arg17[%get3A_1434, %get3A_1435, %get3A_1436] {strides = array<i32>} : memref<2x8x2176xf32, #tpu.memory_space<vmem>>, vector<1x1x16xf32>,
          %get3A_1438 = vector.shape_cast %get3A_1437 : vector<1x1x16xf32> to vector<16xf32>
          %broadcast_in_dim3A_1439 = arith.constant 7 : i32
          %broadcast_in_dim3A_1440 = vector.broadcast %broadcast_in_dim3A_1439 : i32 to vector<16xi32>
          %broadcast_in_dim3A_1441 = vector.shape_cast %broadcast_in_dim3A_1440 : vector<16xi32> to vector<16x1xi32>
          %gather3A_1442 = vector.shape_cast %broadcast_in_dim3A_1441 : vector<16x1xi32> to vector<16xi32>
          %gather3A_1443 = tpu.dynamic_gather %sub3A_214[%gather3A_1442] in [0] : vector<16xf32>, vector<16xi32> -> vector<16xf32>
          %broadcast_in_dim3A_1444 = arith.constant 7 : i32
          %broadcast_in_dim3A_1445 = vector.broadcast %broadcast_in_dim3A_1444 : i32 to vector<16xi32>
          %broadcast_in_dim3A_1446 = vector.shape_cast %broadcast_in_dim3A_1445 : vector<16xi32> to vector<16x1xi32>
          %gather3A_1447 = vector.shape_cast %broadcast_in_dim3A_1446 : vector<16x1xi32> to vector<16xi32>
          %gather3A_1448 = tpu.dynamic_gather %sub3A_215[%gather3A_1447] in [0] : vector<16xf32>, vector<16xi32> -> vector<16xf32>
          %mul3A_1449 = arith.mulf %gather3A_1443, %get3A_1432 : vector<16xf32>
          %add3A_1450 = arith.addf %add3A_1420, %mul3A_1449 : vector<16xf32>
          %mul3A_1451 = arith.mulf %gather3A_1443, %get3A_1438 : vector<16xf32>
          %add3A_1452 = arith.addf %add3A_1422, %mul3A_1451 : vector<16xf32>
          %mul3A_1453 = arith.mulf %gather3A_1448, %get3A_1432 : vector<16xf32>
          %add3A_1454 = arith.addf %add3A_1424, %mul3A_1453 : vector<16xf32>
          %mul3A_1455 = arith.mulf %gather3A_1448, %get3A_1438 : vector<16xf32>
          %add3A_1456 = arith.addf %add3A_1426, %mul3A_1455 : vector<16xf32>
          %get3A_1457 = arith.constant 0 : i32
          %get3A_1458 = arith.index_cast %get3A_1457 : i32 to index
          %get3A_1459 = arith.index_cast %scan3A_158 : i32 to index
          %get3A_1460 = arith.constant 1280 : index
          %get3A_1461 = tpu.vector_load %arg17[%get3A_1458, %get3A_1459, %get3A_1460] {strides = array<i32>} : memref<2x8x2176xf32, #tpu.memory_space<vmem>>, vector<1x1x16xf32>,
          %get3A_1462 = vector.shape_cast %get3A_1461 : vector<1x1x16xf32> to vector<16xf32>
          %get3A_1463 = arith.constant 0 : i32
          %get3A_1464 = arith.index_cast %get3A_1463 : i32 to index
          %get3A_1465 = arith.index_cast %scan3A_158 : i32 to index
          %get3A_1466 = arith.constant 1296 : index
          %get3A_1467 = tpu.vector_load %arg17[%get3A_1464, %get3A_1465, %get3A_1466] {strides = array<i32>} : memref<2x8x2176xf32, #tpu.memory_space<vmem>>, vector<1x1x16xf32>,
          %get3A_1468 = vector.shape_cast %get3A_1467 : vector<1x1x16xf32> to vector<16xf32>
          %broadcast_in_dim3A_1469 = arith.constant 8 : i32
          %broadcast_in_dim3A_1470 = vector.broadcast %broadcast_in_dim3A_1469 : i32 to vector<16xi32>
          %broadcast_in_dim3A_1471 = vector.shape_cast %broadcast_in_dim3A_1470 : vector<16xi32> to vector<16x1xi32>
          %gather3A_1472 = vector.shape_cast %broadcast_in_dim3A_1471 : vector<16x1xi32> to vector<16xi32>
          %gather3A_1473 = tpu.dynamic_gather %sub3A_214[%gather3A_1472] in [0] : vector<16xf32>, vector<16xi32> -> vector<16xf32>
          %broadcast_in_dim3A_1474 = arith.constant 8 : i32
          %broadcast_in_dim3A_1475 = vector.broadcast %broadcast_in_dim3A_1474 : i32 to vector<16xi32>
          %broadcast_in_dim3A_1476 = vector.shape_cast %broadcast_in_dim3A_1475 : vector<16xi32> to vector<16x1xi32>
          %gather3A_1477 = vector.shape_cast %broadcast_in_dim3A_1476 : vector<16x1xi32> to vector<16xi32>
          %gather3A_1478 = tpu.dynamic_gather %sub3A_215[%gather3A_1477] in [0] : vector<16xf32>, vector<16xi32> -> vector<16xf32>
          %mul3A_1479 = arith.mulf %gather3A_1473, %get3A_1462 : vector<16xf32>
          %add3A_1480 = arith.addf %add3A_1450, %mul3A_1479 : vector<16xf32>
          %mul3A_1481 = arith.mulf %gather3A_1473, %get3A_1468 : vector<16xf32>
          %add3A_1482 = arith.addf %add3A_1452, %mul3A_1481 : vector<16xf32>
          %mul3A_1483 = arith.mulf %gather3A_1478, %get3A_1462 : vector<16xf32>
          %add3A_1484 = arith.addf %add3A_1454, %mul3A_1483 : vector<16xf32>
          %mul3A_1485 = arith.mulf %gather3A_1478, %get3A_1468 : vector<16xf32>
          %add3A_1486 = arith.addf %add3A_1456, %mul3A_1485 : vector<16xf32>
          %get3A_1487 = arith.constant 0 : i32
          %get3A_1488 = arith.index_cast %get3A_1487 : i32 to index
          %get3A_1489 = arith.index_cast %scan3A_158 : i32 to index
          %get3A_1490 = arith.constant 1312 : index
          %get3A_1491 = tpu.vector_load %arg17[%get3A_1488, %get3A_1489, %get3A_1490] {strides = array<i32>} : memref<2x8x2176xf32, #tpu.memory_space<vmem>>, vector<1x1x16xf32>,
          %get3A_1492 = vector.shape_cast %get3A_1491 : vector<1x1x16xf32> to vector<16xf32>
          %get3A_1493 = arith.constant 0 : i32
          %get3A_1494 = arith.index_cast %get3A_1493 : i32 to index
          %get3A_1495 = arith.index_cast %scan3A_158 : i32 to index
          %get3A_1496 = arith.constant 1328 : index
          %get3A_1497 = tpu.vector_load %arg17[%get3A_1494, %get3A_1495, %get3A_1496] {strides = array<i32>} : memref<2x8x2176xf32, #tpu.memory_space<vmem>>, vector<1x1x16xf32>,
          %get3A_1498 = vector.shape_cast %get3A_1497 : vector<1x1x16xf32> to vector<16xf32>
          %broadcast_in_dim3A_1499 = arith.constant 9 : i32
          %broadcast_in_dim3A_1500 = vector.broadcast %broadcast_in_dim3A_1499 : i32 to vector<16xi32>
          %broadcast_in_dim3A_1501 = vector.shape_cast %broadcast_in_dim3A_1500 : vector<16xi32> to vector<16x1xi32>
          %gather3A_1502 = vector.shape_cast %broadcast_in_dim3A_1501 : vector<16x1xi32> to vector<16xi32>
          %gather3A_1503 = tpu.dynamic_gather %sub3A_214[%gather3A_1502] in [0] : vector<16xf32>, vector<16xi32> -> vector<16xf32>
          %broadcast_in_dim3A_1504 = arith.constant 9 : i32
          %broadcast_in_dim3A_1505 = vector.broadcast %broadcast_in_dim3A_1504 : i32 to vector<16xi32>
          %broadcast_in_dim3A_1506 = vector.shape_cast %broadcast_in_dim3A_1505 : vector<16xi32> to vector<16x1xi32>
          %gather3A_1507 = vector.shape_cast %broadcast_in_dim3A_1506 : vector<16x1xi32> to vector<16xi32>
          %gather3A_1508 = tpu.dynamic_gather %sub3A_215[%gather3A_1507] in [0] : vector<16xf32>, vector<16xi32> -> vector<16xf32>
          %mul3A_1509 = arith.mulf %gather3A_1503, %get3A_1492 : vector<16xf32>
          %add3A_1510 = arith.addf %add3A_1480, %mul3A_1509 : vector<16xf32>
          %mul3A_1511 = arith.mulf %gather3A_1503, %get3A_1498 : vector<16xf32>
          %add3A_1512 = arith.addf %add3A_1482, %mul3A_1511 : vector<16xf32>
          %mul3A_1513 = arith.mulf %gather3A_1508, %get3A_1492 : vector<16xf32>
          %add3A_1514 = arith.addf %add3A_1484, %mul3A_1513 : vector<16xf32>
          %mul3A_1515 = arith.mulf %gather3A_1508, %get3A_1498 : vector<16xf32>
          %add3A_1516 = arith.addf %add3A_1486, %mul3A_1515 : vector<16xf32>
          %get3A_1517 = arith.constant 0 : i32
          %get3A_1518 = arith.index_cast %get3A_1517 : i32 to index
          %get3A_1519 = arith.index_cast %scan3A_158 : i32 to index
          %get3A_1520 = arith.constant 1344 : index
          %get3A_1521 = tpu.vector_load %arg17[%get3A_1518, %get3A_1519, %get3A_1520] {strides = array<i32>} : memref<2x8x2176xf32, #tpu.memory_space<vmem>>, vector<1x1x16xf32>,
          %get3A_1522 = vector.shape_cast %get3A_1521 : vector<1x1x16xf32> to vector<16xf32>
          %get3A_1523 = arith.constant 0 : i32
          %get3A_1524 = arith.index_cast %get3A_1523 : i32 to index
          %get3A_1525 = arith.index_cast %scan3A_158 : i32 to index
          %get3A_1526 = arith.constant 1360 : index
          %get3A_1527 = tpu.vector_load %arg17[%get3A_1524, %get3A_1525, %get3A_1526] {strides = array<i32>} : memref<2x8x2176xf32, #tpu.memory_space<vmem>>, vector<1x1x16xf32>,
          %get3A_1528 = vector.shape_cast %get3A_1527 : vector<1x1x16xf32> to vector<16xf32>
          %broadcast_in_dim3A_1529 = arith.constant 10 : i32
          %broadcast_in_dim3A_1530 = vector.broadcast %broadcast_in_dim3A_1529 : i32 to vector<16xi32>
          %broadcast_in_dim3A_1531 = vector.shape_cast %broadcast_in_dim3A_1530 : vector<16xi32> to vector<16x1xi32>
          %gather3A_1532 = vector.shape_cast %broadcast_in_dim3A_1531 : vector<16x1xi32> to vector<16xi32>
          %gather3A_1533 = tpu.dynamic_gather %sub3A_214[%gather3A_1532] in [0] : vector<16xf32>, vector<16xi32> -> vector<16xf32>
          %broadcast_in_dim3A_1534 = arith.constant 10 : i32
          %broadcast_in_dim3A_1535 = vector.broadcast %broadcast_in_dim3A_1534 : i32 to vector<16xi32>
          %broadcast_in_dim3A_1536 = vector.shape_cast %broadcast_in_dim3A_1535 : vector<16xi32> to vector<16x1xi32>
          %gather3A_1537 = vector.shape_cast %broadcast_in_dim3A_1536 : vector<16x1xi32> to vector<16xi32>
          %gather3A_1538 = tpu.dynamic_gather %sub3A_215[%gather3A_1537] in [0] : vector<16xf32>, vector<16xi32> -> vector<16xf32>
          %mul3A_1539 = arith.mulf %gather3A_1533, %get3A_1522 : vector<16xf32>
          %add3A_1540 = arith.addf %add3A_1510, %mul3A_1539 : vector<16xf32>
          %mul3A_1541 = arith.mulf %gather3A_1533, %get3A_1528 : vector<16xf32>
          %add3A_1542 = arith.addf %add3A_1512, %mul3A_1541 : vector<16xf32>
          %mul3A_1543 = arith.mulf %gather3A_1538, %get3A_1522 : vector<16xf32>
          %add3A_1544 = arith.addf %add3A_1514, %mul3A_1543 : vector<16xf32>
          %mul3A_1545 = arith.mulf %gather3A_1538, %get3A_1528 : vector<16xf32>
          %add3A_1546 = arith.addf %add3A_1516, %mul3A_1545 : vector<16xf32>
          %get3A_1547 = arith.constant 0 : i32
          %get3A_1548 = arith.index_cast %get3A_1547 : i32 to index
          %get3A_1549 = arith.index_cast %scan3A_158 : i32 to index
          %get3A_1550 = arith.constant 1376 : index
          %get3A_1551 = tpu.vector_load %arg17[%get3A_1548, %get3A_1549, %get3A_1550] {strides = array<i32>} : memref<2x8x2176xf32, #tpu.memory_space<vmem>>, vector<1x1x16xf32>,
          %get3A_1552 = vector.shape_cast %get3A_1551 : vector<1x1x16xf32> to vector<16xf32>
          %get3A_1553 = arith.constant 0 : i32
          %get3A_1554 = arith.index_cast %get3A_1553 : i32 to index
          %get3A_1555 = arith.index_cast %scan3A_158 : i32 to index
          %get3A_1556 = arith.constant 1392 : index
          %get3A_1557 = tpu.vector_load %arg17[%get3A_1554, %get3A_1555, %get3A_1556] {strides = array<i32>} : memref<2x8x2176xf32, #tpu.memory_space<vmem>>, vector<1x1x16xf32>,
          %get3A_1558 = vector.shape_cast %get3A_1557 : vector<1x1x16xf32> to vector<16xf32>
          %broadcast_in_dim3A_1559 = arith.constant 11 : i32
          %broadcast_in_dim3A_1560 = vector.broadcast %broadcast_in_dim3A_1559 : i32 to vector<16xi32>
          %broadcast_in_dim3A_1561 = vector.shape_cast %broadcast_in_dim3A_1560 : vector<16xi32> to vector<16x1xi32>
          %gather3A_1562 = vector.shape_cast %broadcast_in_dim3A_1561 : vector<16x1xi32> to vector<16xi32>
          %gather3A_1563 = tpu.dynamic_gather %sub3A_214[%gather3A_1562] in [0] : vector<16xf32>, vector<16xi32> -> vector<16xf32>
          %broadcast_in_dim3A_1564 = arith.constant 11 : i32
          %broadcast_in_dim3A_1565 = vector.broadcast %broadcast_in_dim3A_1564 : i32 to vector<16xi32>
          %broadcast_in_dim3A_1566 = vector.shape_cast %broadcast_in_dim3A_1565 : vector<16xi32> to vector<16x1xi32>
          %gather3A_1567 = vector.shape_cast %broadcast_in_dim3A_1566 : vector<16x1xi32> to vector<16xi32>
          %gather3A_1568 = tpu.dynamic_gather %sub3A_215[%gather3A_1567] in [0] : vector<16xf32>, vector<16xi32> -> vector<16xf32>
          %mul3A_1569 = arith.mulf %gather3A_1563, %get3A_1552 : vector<16xf32>
          %add3A_1570 = arith.addf %add3A_1540, %mul3A_1569 : vector<16xf32>
          %mul3A_1571 = arith.mulf %gather3A_1563, %get3A_1558 : vector<16xf32>
          %add3A_1572 = arith.addf %add3A_1542, %mul3A_1571 : vector<16xf32>
          %mul3A_1573 = arith.mulf %gather3A_1568, %get3A_1552 : vector<16xf32>
          %add3A_1574 = arith.addf %add3A_1544, %mul3A_1573 : vector<16xf32>
          %mul3A_1575 = arith.mulf %gather3A_1568, %get3A_1558 : vector<16xf32>
          %add3A_1576 = arith.addf %add3A_1546, %mul3A_1575 : vector<16xf32>
          %get3A_1577 = arith.constant 0 : i32
          %get3A_1578 = arith.index_cast %get3A_1577 : i32 to index
          %get3A_1579 = arith.index_cast %scan3A_158 : i32 to index
          %get3A_1580 = arith.constant 1408 : index
          %get3A_1581 = tpu.vector_load %arg17[%get3A_1578, %get3A_1579, %get3A_1580] {strides = array<i32>} : memref<2x8x2176xf32, #tpu.memory_space<vmem>>, vector<1x1x16xf32>,
          %get3A_1582 = vector.shape_cast %get3A_1581 : vector<1x1x16xf32> to vector<16xf32>
          %get3A_1583 = arith.constant 0 : i32
          %get3A_1584 = arith.index_cast %get3A_1583 : i32 to index
          %get3A_1585 = arith.index_cast %scan3A_158 : i32 to index
          %get3A_1586 = arith.constant 1424 : index
          %get3A_1587 = tpu.vector_load %arg17[%get3A_1584, %get3A_1585, %get3A_1586] {strides = array<i32>} : memref<2x8x2176xf32, #tpu.memory_space<vmem>>, vector<1x1x16xf32>,
          %get3A_1588 = vector.shape_cast %get3A_1587 : vector<1x1x16xf32> to vector<16xf32>
          %broadcast_in_dim3A_1589 = arith.constant 12 : i32
          %broadcast_in_dim3A_1590 = vector.broadcast %broadcast_in_dim3A_1589 : i32 to vector<16xi32>
          %broadcast_in_dim3A_1591 = vector.shape_cast %broadcast_in_dim3A_1590 : vector<16xi32> to vector<16x1xi32>
          %gather3A_1592 = vector.shape_cast %broadcast_in_dim3A_1591 : vector<16x1xi32> to vector<16xi32>
          %gather3A_1593 = tpu.dynamic_gather %sub3A_214[%gather3A_1592] in [0] : vector<16xf32>, vector<16xi32> -> vector<16xf32>
          %broadcast_in_dim3A_1594 = arith.constant 12 : i32
          %broadcast_in_dim3A_1595 = vector.broadcast %broadcast_in_dim3A_1594 : i32 to vector<16xi32>
          %broadcast_in_dim3A_1596 = vector.shape_cast %broadcast_in_dim3A_1595 : vector<16xi32> to vector<16x1xi32>
          %gather3A_1597 = vector.shape_cast %broadcast_in_dim3A_1596 : vector<16x1xi32> to vector<16xi32>
          %gather3A_1598 = tpu.dynamic_gather %sub3A_215[%gather3A_1597] in [0] : vector<16xf32>, vector<16xi32> -> vector<16xf32>
          %mul3A_1599 = arith.mulf %gather3A_1593, %get3A_1582 : vector<16xf32>
          %add3A_1600 = arith.addf %add3A_1570, %mul3A_1599 : vector<16xf32>
          %mul3A_1601 = arith.mulf %gather3A_1593, %get3A_1588 : vector<16xf32>
          %add3A_1602 = arith.addf %add3A_1572, %mul3A_1601 : vector<16xf32>
          %mul3A_1603 = arith.mulf %gather3A_1598, %get3A_1582 : vector<16xf32>
          %add3A_1604 = arith.addf %add3A_1574, %mul3A_1603 : vector<16xf32>
          %mul3A_1605 = arith.mulf %gather3A_1598, %get3A_1588 : vector<16xf32>
          %add3A_1606 = arith.addf %add3A_1576, %mul3A_1605 : vector<16xf32>
          %get3A_1607 = arith.constant 0 : i32
          %get3A_1608 = arith.index_cast %get3A_1607 : i32 to index
          %get3A_1609 = arith.index_cast %scan3A_158 : i32 to index
          %get3A_1610 = arith.constant 1440 : index
          %get3A_1611 = tpu.vector_load %arg17[%get3A_1608, %get3A_1609, %get3A_1610] {strides = array<i32>} : memref<2x8x2176xf32, #tpu.memory_space<vmem>>, vector<1x1x16xf32>,
          %get3A_1612 = vector.shape_cast %get3A_1611 : vector<1x1x16xf32> to vector<16xf32>
          %get3A_1613 = arith.constant 0 : i32
          %get3A_1614 = arith.index_cast %get3A_1613 : i32 to index
          %get3A_1615 = arith.index_cast %scan3A_158 : i32 to index
          %get3A_1616 = arith.constant 1456 : index
          %get3A_1617 = tpu.vector_load %arg17[%get3A_1614, %get3A_1615, %get3A_1616] {strides = array<i32>} : memref<2x8x2176xf32, #tpu.memory_space<vmem>>, vector<1x1x16xf32>,
          %get3A_1618 = vector.shape_cast %get3A_1617 : vector<1x1x16xf32> to vector<16xf32>
          %broadcast_in_dim3A_1619 = arith.constant 13 : i32
          %broadcast_in_dim3A_1620 = vector.broadcast %broadcast_in_dim3A_1619 : i32 to vector<16xi32>
          %broadcast_in_dim3A_1621 = vector.shape_cast %broadcast_in_dim3A_1620 : vector<16xi32> to vector<16x1xi32>
          %gather3A_1622 = vector.shape_cast %broadcast_in_dim3A_1621 : vector<16x1xi32> to vector<16xi32>
          %gather3A_1623 = tpu.dynamic_gather %sub3A_214[%gather3A_1622] in [0] : vector<16xf32>, vector<16xi32> -> vector<16xf32>
          %broadcast_in_dim3A_1624 = arith.constant 13 : i32
          %broadcast_in_dim3A_1625 = vector.broadcast %broadcast_in_dim3A_1624 : i32 to vector<16xi32>
          %broadcast_in_dim3A_1626 = vector.shape_cast %broadcast_in_dim3A_1625 : vector<16xi32> to vector<16x1xi32>
          %gather3A_1627 = vector.shape_cast %broadcast_in_dim3A_1626 : vector<16x1xi32> to vector<16xi32>
          %gather3A_1628 = tpu.dynamic_gather %sub3A_215[%gather3A_1627] in [0] : vector<16xf32>, vector<16xi32> -> vector<16xf32>
          %mul3A_1629 = arith.mulf %gather3A_1623, %get3A_1612 : vector<16xf32>
          %add3A_1630 = arith.addf %add3A_1600, %mul3A_1629 : vector<16xf32>
          %mul3A_1631 = arith.mulf %gather3A_1623, %get3A_1618 : vector<16xf32>
          %add3A_1632 = arith.addf %add3A_1602, %mul3A_1631 : vector<16xf32>
          %mul3A_1633 = arith.mulf %gather3A_1628, %get3A_1612 : vector<16xf32>
          %add3A_1634 = arith.addf %add3A_1604, %mul3A_1633 : vector<16xf32>
          %mul3A_1635 = arith.mulf %gather3A_1628, %get3A_1618 : vector<16xf32>
          %add3A_1636 = arith.addf %add3A_1606, %mul3A_1635 : vector<16xf32>
          %get3A_1637 = arith.constant 0 : i32
          %get3A_1638 = arith.index_cast %get3A_1637 : i32 to index
          %get3A_1639 = arith.index_cast %scan3A_158 : i32 to index
          %get3A_1640 = arith.constant 1472 : index
          %get3A_1641 = tpu.vector_load %arg17[%get3A_1638, %get3A_1639, %get3A_1640] {strides = array<i32>} : memref<2x8x2176xf32, #tpu.memory_space<vmem>>, vector<1x1x16xf32>,
          %get3A_1642 = vector.shape_cast %get3A_1641 : vector<1x1x16xf32> to vector<16xf32>
          %get3A_1643 = arith.constant 0 : i32
          %get3A_1644 = arith.index_cast %get3A_1643 : i32 to index
          %get3A_1645 = arith.index_cast %scan3A_158 : i32 to index
          %get3A_1646 = arith.constant 1488 : index
          %get3A_1647 = tpu.vector_load %arg17[%get3A_1644, %get3A_1645, %get3A_1646] {strides = array<i32>} : memref<2x8x2176xf32, #tpu.memory_space<vmem>>, vector<1x1x16xf32>,
          %get3A_1648 = vector.shape_cast %get3A_1647 : vector<1x1x16xf32> to vector<16xf32>
          %broadcast_in_dim3A_1649 = arith.constant 14 : i32
          %broadcast_in_dim3A_1650 = vector.broadcast %broadcast_in_dim3A_1649 : i32 to vector<16xi32>
          %broadcast_in_dim3A_1651 = vector.shape_cast %broadcast_in_dim3A_1650 : vector<16xi32> to vector<16x1xi32>
          %gather3A_1652 = vector.shape_cast %broadcast_in_dim3A_1651 : vector<16x1xi32> to vector<16xi32>
          %gather3A_1653 = tpu.dynamic_gather %sub3A_214[%gather3A_1652] in [0] : vector<16xf32>, vector<16xi32> -> vector<16xf32>
          %broadcast_in_dim3A_1654 = arith.constant 14 : i32
          %broadcast_in_dim3A_1655 = vector.broadcast %broadcast_in_dim3A_1654 : i32 to vector<16xi32>
          %broadcast_in_dim3A_1656 = vector.shape_cast %broadcast_in_dim3A_1655 : vector<16xi32> to vector<16x1xi32>
          %gather3A_1657 = vector.shape_cast %broadcast_in_dim3A_1656 : vector<16x1xi32> to vector<16xi32>
          %gather3A_1658 = tpu.dynamic_gather %sub3A_215[%gather3A_1657] in [0] : vector<16xf32>, vector<16xi32> -> vector<16xf32>
          %mul3A_1659 = arith.mulf %gather3A_1653, %get3A_1642 : vector<16xf32>
          %add3A_1660 = arith.addf %add3A_1630, %mul3A_1659 : vector<16xf32>
          %mul3A_1661 = arith.mulf %gather3A_1653, %get3A_1648 : vector<16xf32>
          %add3A_1662 = arith.addf %add3A_1632, %mul3A_1661 : vector<16xf32>
          %mul3A_1663 = arith.mulf %gather3A_1658, %get3A_1642 : vector<16xf32>
          %add3A_1664 = arith.addf %add3A_1634, %mul3A_1663 : vector<16xf32>
          %mul3A_1665 = arith.mulf %gather3A_1658, %get3A_1648 : vector<16xf32>
          %add3A_1666 = arith.addf %add3A_1636, %mul3A_1665 : vector<16xf32>
          %get3A_1667 = arith.constant 0 : i32
          %get3A_1668 = arith.index_cast %get3A_1667 : i32 to index
          %get3A_1669 = arith.index_cast %scan3A_158 : i32 to index
          %get3A_1670 = arith.constant 1504 : index
          %get3A_1671 = tpu.vector_load %arg17[%get3A_1668, %get3A_1669, %get3A_1670] {strides = array<i32>} : memref<2x8x2176xf32, #tpu.memory_space<vmem>>, vector<1x1x16xf32>,
          %get3A_1672 = vector.shape_cast %get3A_1671 : vector<1x1x16xf32> to vector<16xf32>
          %get3A_1673 = arith.constant 0 : i32
          %get3A_1674 = arith.index_cast %get3A_1673 : i32 to index
          %get3A_1675 = arith.index_cast %scan3A_158 : i32 to index
          %get3A_1676 = arith.constant 1520 : index
          %get3A_1677 = tpu.vector_load %arg17[%get3A_1674, %get3A_1675, %get3A_1676] {strides = array<i32>} : memref<2x8x2176xf32, #tpu.memory_space<vmem>>, vector<1x1x16xf32>,
          %get3A_1678 = vector.shape_cast %get3A_1677 : vector<1x1x16xf32> to vector<16xf32>
          %broadcast_in_dim3A_1679 = arith.constant 15 : i32
          %broadcast_in_dim3A_1680 = vector.broadcast %broadcast_in_dim3A_1679 : i32 to vector<16xi32>
          %broadcast_in_dim3A_1681 = vector.shape_cast %broadcast_in_dim3A_1680 : vector<16xi32> to vector<16x1xi32>
          %gather3A_1682 = vector.shape_cast %broadcast_in_dim3A_1681 : vector<16x1xi32> to vector<16xi32>
          %gather3A_1683 = tpu.dynamic_gather %sub3A_214[%gather3A_1682] in [0] : vector<16xf32>, vector<16xi32> -> vector<16xf32>
          %broadcast_in_dim3A_1684 = arith.constant 15 : i32
          %broadcast_in_dim3A_1685 = vector.broadcast %broadcast_in_dim3A_1684 : i32 to vector<16xi32>
          %broadcast_in_dim3A_1686 = vector.shape_cast %broadcast_in_dim3A_1685 : vector<16xi32> to vector<16x1xi32>
          %gather3A_1687 = vector.shape_cast %broadcast_in_dim3A_1686 : vector<16x1xi32> to vector<16xi32>
          %gather3A_1688 = tpu.dynamic_gather %sub3A_215[%gather3A_1687] in [0] : vector<16xf32>, vector<16xi32> -> vector<16xf32>
          %mul3A_1689 = arith.mulf %gather3A_1683, %get3A_1672 : vector<16xf32>
          %add3A_1690 = arith.addf %add3A_1660, %mul3A_1689 : vector<16xf32>
          %mul3A_1691 = arith.mulf %gather3A_1683, %get3A_1678 : vector<16xf32>
          %add3A_1692 = arith.addf %add3A_1662, %mul3A_1691 : vector<16xf32>
          %mul3A_1693 = arith.mulf %gather3A_1688, %get3A_1672 : vector<16xf32>
          %add3A_1694 = arith.addf %add3A_1664, %mul3A_1693 : vector<16xf32>
          %mul3A_1695 = arith.mulf %gather3A_1688, %get3A_1678 : vector<16xf32>
          %add3A_1696 = arith.addf %add3A_1666, %mul3A_1695 : vector<16xf32>
          %get3A_1697 = arith.constant 0 : i32
          %get3A_1698 = arith.index_cast %get3A_1697 : i32 to index
          %get3A_1699 = arith.index_cast %scan3A_158 : i32 to index
          %get3A_1700 = arith.constant 1536 : index
          %get3A_1701 = tpu.vector_load %arg17[%get3A_1698, %get3A_1699, %get3A_1700] {strides = array<i32>} : memref<2x8x2176xf32, #tpu.memory_space<vmem>>, vector<1x1x16xf32>,
          %get3A_1702 = vector.shape_cast %get3A_1701 : vector<1x1x16xf32> to vector<16xf32>
          %get3A_1703 = arith.constant 0 : i32
          %get3A_1704 = arith.index_cast %get3A_1703 : i32 to index
          %get3A_1705 = arith.index_cast %scan3A_158 : i32 to index
          %get3A_1706 = arith.constant 1552 : index
          %get3A_1707 = tpu.vector_load %arg17[%get3A_1704, %get3A_1705, %get3A_1706] {strides = array<i32>} : memref<2x8x2176xf32, #tpu.memory_space<vmem>>, vector<1x1x16xf32>,
          %get3A_1708 = vector.shape_cast %get3A_1707 : vector<1x1x16xf32> to vector<16xf32>
          %broadcast_in_dim3A_1709 = arith.constant 0 : i32
          %broadcast_in_dim3A_1710 = vector.broadcast %broadcast_in_dim3A_1709 : i32 to vector<16xi32>
          %broadcast_in_dim3A_1711 = vector.shape_cast %broadcast_in_dim3A_1710 : vector<16xi32> to vector<16x1xi32>
          %gather3A_1712 = vector.shape_cast %broadcast_in_dim3A_1711 : vector<16x1xi32> to vector<16xi32>
          %gather3A_1713 = tpu.dynamic_gather %sub3A_234[%gather3A_1712] in [0] : vector<16xf32>, vector<16xi32> -> vector<16xf32>
          %broadcast_in_dim3A_1714 = arith.constant 0 : i32
          %broadcast_in_dim3A_1715 = vector.broadcast %broadcast_in_dim3A_1714 : i32 to vector<16xi32>
          %broadcast_in_dim3A_1716 = vector.shape_cast %broadcast_in_dim3A_1715 : vector<16xi32> to vector<16x1xi32>
          %gather3A_1717 = vector.shape_cast %broadcast_in_dim3A_1716 : vector<16x1xi32> to vector<16xi32>
          %gather3A_1718 = tpu.dynamic_gather %sub3A_235[%gather3A_1717] in [0] : vector<16xf32>, vector<16xi32> -> vector<16xf32>
          %mul3A_1719 = arith.mulf %gather3A_1713, %get3A_1702 : vector<16xf32>
          %add3A_1720 = arith.addf %add3A_1690, %mul3A_1719 : vector<16xf32>
          %mul3A_1721 = arith.mulf %gather3A_1713, %get3A_1708 : vector<16xf32>
          %add3A_1722 = arith.addf %add3A_1692, %mul3A_1721 : vector<16xf32>
          %mul3A_1723 = arith.mulf %gather3A_1718, %get3A_1702 : vector<16xf32>
          %add3A_1724 = arith.addf %add3A_1694, %mul3A_1723 : vector<16xf32>
          %mul3A_1725 = arith.mulf %gather3A_1718, %get3A_1708 : vector<16xf32>
          %add3A_1726 = arith.addf %add3A_1696, %mul3A_1725 : vector<16xf32>
          %get3A_1727 = arith.constant 0 : i32
          %get3A_1728 = arith.index_cast %get3A_1727 : i32 to index
          %get3A_1729 = arith.index_cast %scan3A_158 : i32 to index
          %get3A_1730 = arith.constant 1568 : index
          %get3A_1731 = tpu.vector_load %arg17[%get3A_1728, %get3A_1729, %get3A_1730] {strides = array<i32>} : memref<2x8x2176xf32, #tpu.memory_space<vmem>>, vector<1x1x16xf32>,
          %get3A_1732 = vector.shape_cast %get3A_1731 : vector<1x1x16xf32> to vector<16xf32>
          %get3A_1733 = arith.constant 0 : i32
          %get3A_1734 = arith.index_cast %get3A_1733 : i32 to index
          %get3A_1735 = arith.index_cast %scan3A_158 : i32 to index
          %get3A_1736 = arith.constant 1584 : index
          %get3A_1737 = tpu.vector_load %arg17[%get3A_1734, %get3A_1735, %get3A_1736] {strides = array<i32>} : memref<2x8x2176xf32, #tpu.memory_space<vmem>>, vector<1x1x16xf32>,
          %get3A_1738 = vector.shape_cast %get3A_1737 : vector<1x1x16xf32> to vector<16xf32>
          %broadcast_in_dim3A_1739 = arith.constant 1 : i32
          %broadcast_in_dim3A_1740 = vector.broadcast %broadcast_in_dim3A_1739 : i32 to vector<16xi32>
          %broadcast_in_dim3A_1741 = vector.shape_cast %broadcast_in_dim3A_1740 : vector<16xi32> to vector<16x1xi32>
          %gather3A_1742 = vector.shape_cast %broadcast_in_dim3A_1741 : vector<16x1xi32> to vector<16xi32>
          %gather3A_1743 = tpu.dynamic_gather %sub3A_234[%gather3A_1742] in [0] : vector<16xf32>, vector<16xi32> -> vector<16xf32>
          %broadcast_in_dim3A_1744 = arith.constant 1 : i32
          %broadcast_in_dim3A_1745 = vector.broadcast %broadcast_in_dim3A_1744 : i32 to vector<16xi32>
          %broadcast_in_dim3A_1746 = vector.shape_cast %broadcast_in_dim3A_1745 : vector<16xi32> to vector<16x1xi32>
          %gather3A_1747 = vector.shape_cast %broadcast_in_dim3A_1746 : vector<16x1xi32> to vector<16xi32>
          %gather3A_1748 = tpu.dynamic_gather %sub3A_235[%gather3A_1747] in [0] : vector<16xf32>, vector<16xi32> -> vector<16xf32>
          %mul3A_1749 = arith.mulf %gather3A_1743, %get3A_1732 : vector<16xf32>
          %add3A_1750 = arith.addf %add3A_1720, %mul3A_1749 : vector<16xf32>
          %mul3A_1751 = arith.mulf %gather3A_1743, %get3A_1738 : vector<16xf32>
          %add3A_1752 = arith.addf %add3A_1722, %mul3A_1751 : vector<16xf32>
          %mul3A_1753 = arith.mulf %gather3A_1748, %get3A_1732 : vector<16xf32>
          %add3A_1754 = arith.addf %add3A_1724, %mul3A_1753 : vector<16xf32>
          %mul3A_1755 = arith.mulf %gather3A_1748, %get3A_1738 : vector<16xf32>
          %add3A_1756 = arith.addf %add3A_1726, %mul3A_1755 : vector<16xf32>
          %get3A_1757 = arith.constant 0 : i32
          %get3A_1758 = arith.index_cast %get3A_1757 : i32 to index
          %get3A_1759 = arith.index_cast %scan3A_158 : i32 to index
          %get3A_1760 = arith.constant 1600 : index
          %get3A_1761 = tpu.vector_load %arg17[%get3A_1758, %get3A_1759, %get3A_1760] {strides = array<i32>} : memref<2x8x2176xf32, #tpu.memory_space<vmem>>, vector<1x1x16xf32>,
          %get3A_1762 = vector.shape_cast %get3A_1761 : vector<1x1x16xf32> to vector<16xf32>
          %get3A_1763 = arith.constant 0 : i32
          %get3A_1764 = arith.index_cast %get3A_1763 : i32 to index
          %get3A_1765 = arith.index_cast %scan3A_158 : i32 to index
          %get3A_1766 = arith.constant 1616 : index
          %get3A_1767 = tpu.vector_load %arg17[%get3A_1764, %get3A_1765, %get3A_1766] {strides = array<i32>} : memref<2x8x2176xf32, #tpu.memory_space<vmem>>, vector<1x1x16xf32>,
          %get3A_1768 = vector.shape_cast %get3A_1767 : vector<1x1x16xf32> to vector<16xf32>
          %broadcast_in_dim3A_1769 = arith.constant 2 : i32
          %broadcast_in_dim3A_1770 = vector.broadcast %broadcast_in_dim3A_1769 : i32 to vector<16xi32>
          %broadcast_in_dim3A_1771 = vector.shape_cast %broadcast_in_dim3A_1770 : vector<16xi32> to vector<16x1xi32>
          %gather3A_1772 = vector.shape_cast %broadcast_in_dim3A_1771 : vector<16x1xi32> to vector<16xi32>
          %gather3A_1773 = tpu.dynamic_gather %sub3A_234[%gather3A_1772] in [0] : vector<16xf32>, vector<16xi32> -> vector<16xf32>
          %broadcast_in_dim3A_1774 = arith.constant 2 : i32
          %broadcast_in_dim3A_1775 = vector.broadcast %broadcast_in_dim3A_1774 : i32 to vector<16xi32>
          %broadcast_in_dim3A_1776 = vector.shape_cast %broadcast_in_dim3A_1775 : vector<16xi32> to vector<16x1xi32>
          %gather3A_1777 = vector.shape_cast %broadcast_in_dim3A_1776 : vector<16x1xi32> to vector<16xi32>
          %gather3A_1778 = tpu.dynamic_gather %sub3A_235[%gather3A_1777] in [0] : vector<16xf32>, vector<16xi32> -> vector<16xf32>
          %mul3A_1779 = arith.mulf %gather3A_1773, %get3A_1762 : vector<16xf32>
          %add3A_1780 = arith.addf %add3A_1750, %mul3A_1779 : vector<16xf32>
          %mul3A_1781 = arith.mulf %gather3A_1773, %get3A_1768 : vector<16xf32>
          %add3A_1782 = arith.addf %add3A_1752, %mul3A_1781 : vector<16xf32>
          %mul3A_1783 = arith.mulf %gather3A_1778, %get3A_1762 : vector<16xf32>
          %add3A_1784 = arith.addf %add3A_1754, %mul3A_1783 : vector<16xf32>
          %mul3A_1785 = arith.mulf %gather3A_1778, %get3A_1768 : vector<16xf32>
          %add3A_1786 = arith.addf %add3A_1756, %mul3A_1785 : vector<16xf32>
          %get3A_1787 = arith.constant 0 : i32
          %get3A_1788 = arith.index_cast %get3A_1787 : i32 to index
          %get3A_1789 = arith.index_cast %scan3A_158 : i32 to index
          %get3A_1790 = arith.constant 1632 : index
          %get3A_1791 = tpu.vector_load %arg17[%get3A_1788, %get3A_1789, %get3A_1790] {strides = array<i32>} : memref<2x8x2176xf32, #tpu.memory_space<vmem>>, vector<1x1x16xf32>,
          %get3A_1792 = vector.shape_cast %get3A_1791 : vector<1x1x16xf32> to vector<16xf32>
          %get3A_1793 = arith.constant 0 : i32
          %get3A_1794 = arith.index_cast %get3A_1793 : i32 to index
          %get3A_1795 = arith.index_cast %scan3A_158 : i32 to index
          %get3A_1796 = arith.constant 1648 : index
          %get3A_1797 = tpu.vector_load %arg17[%get3A_1794, %get3A_1795, %get3A_1796] {strides = array<i32>} : memref<2x8x2176xf32, #tpu.memory_space<vmem>>, vector<1x1x16xf32>,
          %get3A_1798 = vector.shape_cast %get3A_1797 : vector<1x1x16xf32> to vector<16xf32>
          %broadcast_in_dim3A_1799 = arith.constant 3 : i32
          %broadcast_in_dim3A_1800 = vector.broadcast %broadcast_in_dim3A_1799 : i32 to vector<16xi32>
          %broadcast_in_dim3A_1801 = vector.shape_cast %broadcast_in_dim3A_1800 : vector<16xi32> to vector<16x1xi32>
          %gather3A_1802 = vector.shape_cast %broadcast_in_dim3A_1801 : vector<16x1xi32> to vector<16xi32>
          %gather3A_1803 = tpu.dynamic_gather %sub3A_234[%gather3A_1802] in [0] : vector<16xf32>, vector<16xi32> -> vector<16xf32>
          %broadcast_in_dim3A_1804 = arith.constant 3 : i32
          %broadcast_in_dim3A_1805 = vector.broadcast %broadcast_in_dim3A_1804 : i32 to vector<16xi32>
          %broadcast_in_dim3A_1806 = vector.shape_cast %broadcast_in_dim3A_1805 : vector<16xi32> to vector<16x1xi32>
          %gather3A_1807 = vector.shape_cast %broadcast_in_dim3A_1806 : vector<16x1xi32> to vector<16xi32>
          %gather3A_1808 = tpu.dynamic_gather %sub3A_235[%gather3A_1807] in [0] : vector<16xf32>, vector<16xi32> -> vector<16xf32>
          %mul3A_1809 = arith.mulf %gather3A_1803, %get3A_1792 : vector<16xf32>
          %add3A_1810 = arith.addf %add3A_1780, %mul3A_1809 : vector<16xf32>
          %mul3A_1811 = arith.mulf %gather3A_1803, %get3A_1798 : vector<16xf32>
          %add3A_1812 = arith.addf %add3A_1782, %mul3A_1811 : vector<16xf32>
          %mul3A_1813 = arith.mulf %gather3A_1808, %get3A_1792 : vector<16xf32>
          %add3A_1814 = arith.addf %add3A_1784, %mul3A_1813 : vector<16xf32>
          %mul3A_1815 = arith.mulf %gather3A_1808, %get3A_1798 : vector<16xf32>
          %add3A_1816 = arith.addf %add3A_1786, %mul3A_1815 : vector<16xf32>
          %get3A_1817 = arith.constant 0 : i32
          %get3A_1818 = arith.index_cast %get3A_1817 : i32 to index
          %get3A_1819 = arith.index_cast %scan3A_158 : i32 to index
          %get3A_1820 = arith.constant 1664 : index
          %get3A_1821 = tpu.vector_load %arg17[%get3A_1818, %get3A_1819, %get3A_1820] {strides = array<i32>} : memref<2x8x2176xf32, #tpu.memory_space<vmem>>, vector<1x1x16xf32>,
          %get3A_1822 = vector.shape_cast %get3A_1821 : vector<1x1x16xf32> to vector<16xf32>
          %get3A_1823 = arith.constant 0 : i32
          %get3A_1824 = arith.index_cast %get3A_1823 : i32 to index
          %get3A_1825 = arith.index_cast %scan3A_158 : i32 to index
          %get3A_1826 = arith.constant 1680 : index
          %get3A_1827 = tpu.vector_load %arg17[%get3A_1824, %get3A_1825, %get3A_1826] {strides = array<i32>} : memref<2x8x2176xf32, #tpu.memory_space<vmem>>, vector<1x1x16xf32>,
          %get3A_1828 = vector.shape_cast %get3A_1827 : vector<1x1x16xf32> to vector<16xf32>
          %broadcast_in_dim3A_1829 = arith.constant 4 : i32
          %broadcast_in_dim3A_1830 = vector.broadcast %broadcast_in_dim3A_1829 : i32 to vector<16xi32>
          %broadcast_in_dim3A_1831 = vector.shape_cast %broadcast_in_dim3A_1830 : vector<16xi32> to vector<16x1xi32>
          %gather3A_1832 = vector.shape_cast %broadcast_in_dim3A_1831 : vector<16x1xi32> to vector<16xi32>
          %gather3A_1833 = tpu.dynamic_gather %sub3A_234[%gather3A_1832] in [0] : vector<16xf32>, vector<16xi32> -> vector<16xf32>
          %broadcast_in_dim3A_1834 = arith.constant 4 : i32
          %broadcast_in_dim3A_1835 = vector.broadcast %broadcast_in_dim3A_1834 : i32 to vector<16xi32>
          %broadcast_in_dim3A_1836 = vector.shape_cast %broadcast_in_dim3A_1835 : vector<16xi32> to vector<16x1xi32>
          %gather3A_1837 = vector.shape_cast %broadcast_in_dim3A_1836 : vector<16x1xi32> to vector<16xi32>
          %gather3A_1838 = tpu.dynamic_gather %sub3A_235[%gather3A_1837] in [0] : vector<16xf32>, vector<16xi32> -> vector<16xf32>
          %mul3A_1839 = arith.mulf %gather3A_1833, %get3A_1822 : vector<16xf32>
          %add3A_1840 = arith.addf %add3A_1810, %mul3A_1839 : vector<16xf32>
          %mul3A_1841 = arith.mulf %gather3A_1833, %get3A_1828 : vector<16xf32>
          %add3A_1842 = arith.addf %add3A_1812, %mul3A_1841 : vector<16xf32>
          %mul3A_1843 = arith.mulf %gather3A_1838, %get3A_1822 : vector<16xf32>
          %add3A_1844 = arith.addf %add3A_1814, %mul3A_1843 : vector<16xf32>
          %mul3A_1845 = arith.mulf %gather3A_1838, %get3A_1828 : vector<16xf32>
          %add3A_1846 = arith.addf %add3A_1816, %mul3A_1845 : vector<16xf32>
          %get3A_1847 = arith.constant 0 : i32
          %get3A_1848 = arith.index_cast %get3A_1847 : i32 to index
          %get3A_1849 = arith.index_cast %scan3A_158 : i32 to index
          %get3A_1850 = arith.constant 1696 : index
          %get3A_1851 = tpu.vector_load %arg17[%get3A_1848, %get3A_1849, %get3A_1850] {strides = array<i32>} : memref<2x8x2176xf32, #tpu.memory_space<vmem>>, vector<1x1x16xf32>,
          %get3A_1852 = vector.shape_cast %get3A_1851 : vector<1x1x16xf32> to vector<16xf32>
          %get3A_1853 = arith.constant 0 : i32
          %get3A_1854 = arith.index_cast %get3A_1853 : i32 to index
          %get3A_1855 = arith.index_cast %scan3A_158 : i32 to index
          %get3A_1856 = arith.constant 1712 : index
          %get3A_1857 = tpu.vector_load %arg17[%get3A_1854, %get3A_1855, %get3A_1856] {strides = array<i32>} : memref<2x8x2176xf32, #tpu.memory_space<vmem>>, vector<1x1x16xf32>,
          %get3A_1858 = vector.shape_cast %get3A_1857 : vector<1x1x16xf32> to vector<16xf32>
          %broadcast_in_dim3A_1859 = arith.constant 5 : i32
          %broadcast_in_dim3A_1860 = vector.broadcast %broadcast_in_dim3A_1859 : i32 to vector<16xi32>
          %broadcast_in_dim3A_1861 = vector.shape_cast %broadcast_in_dim3A_1860 : vector<16xi32> to vector<16x1xi32>
          %gather3A_1862 = vector.shape_cast %broadcast_in_dim3A_1861 : vector<16x1xi32> to vector<16xi32>
          %gather3A_1863 = tpu.dynamic_gather %sub3A_234[%gather3A_1862] in [0] : vector<16xf32>, vector<16xi32> -> vector<16xf32>
          %broadcast_in_dim3A_1864 = arith.constant 5 : i32
          %broadcast_in_dim3A_1865 = vector.broadcast %broadcast_in_dim3A_1864 : i32 to vector<16xi32>
          %broadcast_in_dim3A_1866 = vector.shape_cast %broadcast_in_dim3A_1865 : vector<16xi32> to vector<16x1xi32>
          %gather3A_1867 = vector.shape_cast %broadcast_in_dim3A_1866 : vector<16x1xi32> to vector<16xi32>
          %gather3A_1868 = tpu.dynamic_gather %sub3A_235[%gather3A_1867] in [0] : vector<16xf32>, vector<16xi32> -> vector<16xf32>
          %mul3A_1869 = arith.mulf %gather3A_1863, %get3A_1852 : vector<16xf32>
          %add3A_1870 = arith.addf %add3A_1840, %mul3A_1869 : vector<16xf32>
          %mul3A_1871 = arith.mulf %gather3A_1863, %get3A_1858 : vector<16xf32>
          %add3A_1872 = arith.addf %add3A_1842, %mul3A_1871 : vector<16xf32>
          %mul3A_1873 = arith.mulf %gather3A_1868, %get3A_1852 : vector<16xf32>
          %add3A_1874 = arith.addf %add3A_1844, %mul3A_1873 : vector<16xf32>
          %mul3A_1875 = arith.mulf %gather3A_1868, %get3A_1858 : vector<16xf32>
          %add3A_1876 = arith.addf %add3A_1846, %mul3A_1875 : vector<16xf32>
          %get3A_1877 = arith.constant 0 : i32
          %get3A_1878 = arith.index_cast %get3A_1877 : i32 to index
          %get3A_1879 = arith.index_cast %scan3A_158 : i32 to index
          %get3A_1880 = arith.constant 1728 : index
          %get3A_1881 = tpu.vector_load %arg17[%get3A_1878, %get3A_1879, %get3A_1880] {strides = array<i32>} : memref<2x8x2176xf32, #tpu.memory_space<vmem>>, vector<1x1x16xf32>,
          %get3A_1882 = vector.shape_cast %get3A_1881 : vector<1x1x16xf32> to vector<16xf32>
          %get3A_1883 = arith.constant 0 : i32
          %get3A_1884 = arith.index_cast %get3A_1883 : i32 to index
          %get3A_1885 = arith.index_cast %scan3A_158 : i32 to index
          %get3A_1886 = arith.constant 1744 : index
          %get3A_1887 = tpu.vector_load %arg17[%get3A_1884, %get3A_1885, %get3A_1886] {strides = array<i32>} : memref<2x8x2176xf32, #tpu.memory_space<vmem>>, vector<1x1x16xf32>,
          %get3A_1888 = vector.shape_cast %get3A_1887 : vector<1x1x16xf32> to vector<16xf32>
          %broadcast_in_dim3A_1889 = arith.constant 6 : i32
          %broadcast_in_dim3A_1890 = vector.broadcast %broadcast_in_dim3A_1889 : i32 to vector<16xi32>
          %broadcast_in_dim3A_1891 = vector.shape_cast %broadcast_in_dim3A_1890 : vector<16xi32> to vector<16x1xi32>
          %gather3A_1892 = vector.shape_cast %broadcast_in_dim3A_1891 : vector<16x1xi32> to vector<16xi32>
          %gather3A_1893 = tpu.dynamic_gather %sub3A_234[%gather3A_1892] in [0] : vector<16xf32>, vector<16xi32> -> vector<16xf32>
          %broadcast_in_dim3A_1894 = arith.constant 6 : i32
          %broadcast_in_dim3A_1895 = vector.broadcast %broadcast_in_dim3A_1894 : i32 to vector<16xi32>
          %broadcast_in_dim3A_1896 = vector.shape_cast %broadcast_in_dim3A_1895 : vector<16xi32> to vector<16x1xi32>
          %gather3A_1897 = vector.shape_cast %broadcast_in_dim3A_1896 : vector<16x1xi32> to vector<16xi32>
          %gather3A_1898 = tpu.dynamic_gather %sub3A_235[%gather3A_1897] in [0] : vector<16xf32>, vector<16xi32> -> vector<16xf32>
          %mul3A_1899 = arith.mulf %gather3A_1893, %get3A_1882 : vector<16xf32>
          %add3A_1900 = arith.addf %add3A_1870, %mul3A_1899 : vector<16xf32>
          %mul3A_1901 = arith.mulf %gather3A_1893, %get3A_1888 : vector<16xf32>
          %add3A_1902 = arith.addf %add3A_1872, %mul3A_1901 : vector<16xf32>
          %mul3A_1903 = arith.mulf %gather3A_1898, %get3A_1882 : vector<16xf32>
          %add3A_1904 = arith.addf %add3A_1874, %mul3A_1903 : vector<16xf32>
          %mul3A_1905 = arith.mulf %gather3A_1898, %get3A_1888 : vector<16xf32>
          %add3A_1906 = arith.addf %add3A_1876, %mul3A_1905 : vector<16xf32>
          %get3A_1907 = arith.constant 0 : i32
          %get3A_1908 = arith.index_cast %get3A_1907 : i32 to index
          %get3A_1909 = arith.index_cast %scan3A_158 : i32 to index
          %get3A_1910 = arith.constant 1760 : index
          %get3A_1911 = tpu.vector_load %arg17[%get3A_1908, %get3A_1909, %get3A_1910] {strides = array<i32>} : memref<2x8x2176xf32, #tpu.memory_space<vmem>>, vector<1x1x16xf32>,
          %get3A_1912 = vector.shape_cast %get3A_1911 : vector<1x1x16xf32> to vector<16xf32>
          %get3A_1913 = arith.constant 0 : i32
          %get3A_1914 = arith.index_cast %get3A_1913 : i32 to index
          %get3A_1915 = arith.index_cast %scan3A_158 : i32 to index
          %get3A_1916 = arith.constant 1776 : index
          %get3A_1917 = tpu.vector_load %arg17[%get3A_1914, %get3A_1915, %get3A_1916] {strides = array<i32>} : memref<2x8x2176xf32, #tpu.memory_space<vmem>>, vector<1x1x16xf32>,
          %get3A_1918 = vector.shape_cast %get3A_1917 : vector<1x1x16xf32> to vector<16xf32>
          %broadcast_in_dim3A_1919 = arith.constant 7 : i32
          %broadcast_in_dim3A_1920 = vector.broadcast %broadcast_in_dim3A_1919 : i32 to vector<16xi32>
          %broadcast_in_dim3A_1921 = vector.shape_cast %broadcast_in_dim3A_1920 : vector<16xi32> to vector<16x1xi32>
          %gather3A_1922 = vector.shape_cast %broadcast_in_dim3A_1921 : vector<16x1xi32> to vector<16xi32>
          %gather3A_1923 = tpu.dynamic_gather %sub3A_234[%gather3A_1922] in [0] : vector<16xf32>, vector<16xi32> -> vector<16xf32>
          %broadcast_in_dim3A_1924 = arith.constant 7 : i32
          %broadcast_in_dim3A_1925 = vector.broadcast %broadcast_in_dim3A_1924 : i32 to vector<16xi32>
          %broadcast_in_dim3A_1926 = vector.shape_cast %broadcast_in_dim3A_1925 : vector<16xi32> to vector<16x1xi32>
          %gather3A_1927 = vector.shape_cast %broadcast_in_dim3A_1926 : vector<16x1xi32> to vector<16xi32>
          %gather3A_1928 = tpu.dynamic_gather %sub3A_235[%gather3A_1927] in [0] : vector<16xf32>, vector<16xi32> -> vector<16xf32>
          %mul3A_1929 = arith.mulf %gather3A_1923, %get3A_1912 : vector<16xf32>
          %add3A_1930 = arith.addf %add3A_1900, %mul3A_1929 : vector<16xf32>
          %mul3A_1931 = arith.mulf %gather3A_1923, %get3A_1918 : vector<16xf32>
          %add3A_1932 = arith.addf %add3A_1902, %mul3A_1931 : vector<16xf32>
          %mul3A_1933 = arith.mulf %gather3A_1928, %get3A_1912 : vector<16xf32>
          %add3A_1934 = arith.addf %add3A_1904, %mul3A_1933 : vector<16xf32>
          %mul3A_1935 = arith.mulf %gather3A_1928, %get3A_1918 : vector<16xf32>
          %add3A_1936 = arith.addf %add3A_1906, %mul3A_1935 : vector<16xf32>
          %get3A_1937 = arith.constant 0 : i32
          %get3A_1938 = arith.index_cast %get3A_1937 : i32 to index
          %get3A_1939 = arith.index_cast %scan3A_158 : i32 to index
          %get3A_1940 = arith.constant 1792 : index
          %get3A_1941 = tpu.vector_load %arg17[%get3A_1938, %get3A_1939, %get3A_1940] {strides = array<i32>} : memref<2x8x2176xf32, #tpu.memory_space<vmem>>, vector<1x1x16xf32>,
          %get3A_1942 = vector.shape_cast %get3A_1941 : vector<1x1x16xf32> to vector<16xf32>
          %get3A_1943 = arith.constant 0 : i32
          %get3A_1944 = arith.index_cast %get3A_1943 : i32 to index
          %get3A_1945 = arith.index_cast %scan3A_158 : i32 to index
          %get3A_1946 = arith.constant 1808 : index
          %get3A_1947 = tpu.vector_load %arg17[%get3A_1944, %get3A_1945, %get3A_1946] {strides = array<i32>} : memref<2x8x2176xf32, #tpu.memory_space<vmem>>, vector<1x1x16xf32>,
          %get3A_1948 = vector.shape_cast %get3A_1947 : vector<1x1x16xf32> to vector<16xf32>
          %broadcast_in_dim3A_1949 = arith.constant 8 : i32
          %broadcast_in_dim3A_1950 = vector.broadcast %broadcast_in_dim3A_1949 : i32 to vector<16xi32>
          %broadcast_in_dim3A_1951 = vector.shape_cast %broadcast_in_dim3A_1950 : vector<16xi32> to vector<16x1xi32>
          %gather3A_1952 = vector.shape_cast %broadcast_in_dim3A_1951 : vector<16x1xi32> to vector<16xi32>
          %gather3A_1953 = tpu.dynamic_gather %sub3A_234[%gather3A_1952] in [0] : vector<16xf32>, vector<16xi32> -> vector<16xf32>
          %broadcast_in_dim3A_1954 = arith.constant 8 : i32
          %broadcast_in_dim3A_1955 = vector.broadcast %broadcast_in_dim3A_1954 : i32 to vector<16xi32>
          %broadcast_in_dim3A_1956 = vector.shape_cast %broadcast_in_dim3A_1955 : vector<16xi32> to vector<16x1xi32>
          %gather3A_1957 = vector.shape_cast %broadcast_in_dim3A_1956 : vector<16x1xi32> to vector<16xi32>
          %gather3A_1958 = tpu.dynamic_gather %sub3A_235[%gather3A_1957] in [0] : vector<16xf32>, vector<16xi32> -> vector<16xf32>
          %mul3A_1959 = arith.mulf %gather3A_1953, %get3A_1942 : vector<16xf32>
          %add3A_1960 = arith.addf %add3A_1930, %mul3A_1959 : vector<16xf32>
          %mul3A_1961 = arith.mulf %gather3A_1953, %get3A_1948 : vector<16xf32>
          %add3A_1962 = arith.addf %add3A_1932, %mul3A_1961 : vector<16xf32>
          %mul3A_1963 = arith.mulf %gather3A_1958, %get3A_1942 : vector<16xf32>
          %add3A_1964 = arith.addf %add3A_1934, %mul3A_1963 : vector<16xf32>
          %mul3A_1965 = arith.mulf %gather3A_1958, %get3A_1948 : vector<16xf32>
          %add3A_1966 = arith.addf %add3A_1936, %mul3A_1965 : vector<16xf32>
          %get3A_1967 = arith.constant 0 : i32
          %get3A_1968 = arith.index_cast %get3A_1967 : i32 to index
          %get3A_1969 = arith.index_cast %scan3A_158 : i32 to index
          %get3A_1970 = arith.constant 1824 : index
          %get3A_1971 = tpu.vector_load %arg17[%get3A_1968, %get3A_1969, %get3A_1970] {strides = array<i32>} : memref<2x8x2176xf32, #tpu.memory_space<vmem>>, vector<1x1x16xf32>,
          %get3A_1972 = vector.shape_cast %get3A_1971 : vector<1x1x16xf32> to vector<16xf32>
          %get3A_1973 = arith.constant 0 : i32
          %get3A_1974 = arith.index_cast %get3A_1973 : i32 to index
          %get3A_1975 = arith.index_cast %scan3A_158 : i32 to index
          %get3A_1976 = arith.constant 1840 : index
          %get3A_1977 = tpu.vector_load %arg17[%get3A_1974, %get3A_1975, %get3A_1976] {strides = array<i32>} : memref<2x8x2176xf32, #tpu.memory_space<vmem>>, vector<1x1x16xf32>,
          %get3A_1978 = vector.shape_cast %get3A_1977 : vector<1x1x16xf32> to vector<16xf32>
          %broadcast_in_dim3A_1979 = arith.constant 9 : i32
          %broadcast_in_dim3A_1980 = vector.broadcast %broadcast_in_dim3A_1979 : i32 to vector<16xi32>
          %broadcast_in_dim3A_1981 = vector.shape_cast %broadcast_in_dim3A_1980 : vector<16xi32> to vector<16x1xi32>
          %gather3A_1982 = vector.shape_cast %broadcast_in_dim3A_1981 : vector<16x1xi32> to vector<16xi32>
          %gather3A_1983 = tpu.dynamic_gather %sub3A_234[%gather3A_1982] in [0] : vector<16xf32>, vector<16xi32> -> vector<16xf32>
          %broadcast_in_dim3A_1984 = arith.constant 9 : i32
          %broadcast_in_dim3A_1985 = vector.broadcast %broadcast_in_dim3A_1984 : i32 to vector<16xi32>
          %broadcast_in_dim3A_1986 = vector.shape_cast %broadcast_in_dim3A_1985 : vector<16xi32> to vector<16x1xi32>
          %gather3A_1987 = vector.shape_cast %broadcast_in_dim3A_1986 : vector<16x1xi32> to vector<16xi32>
          %gather3A_1988 = tpu.dynamic_gather %sub3A_235[%gather3A_1987] in [0] : vector<16xf32>, vector<16xi32> -> vector<16xf32>
          %mul3A_1989 = arith.mulf %gather3A_1983, %get3A_1972 : vector<16xf32>
          %add3A_1990 = arith.addf %add3A_1960, %mul3A_1989 : vector<16xf32>
          %mul3A_1991 = arith.mulf %gather3A_1983, %get3A_1978 : vector<16xf32>
          %add3A_1992 = arith.addf %add3A_1962, %mul3A_1991 : vector<16xf32>
          %mul3A_1993 = arith.mulf %gather3A_1988, %get3A_1972 : vector<16xf32>
          %add3A_1994 = arith.addf %add3A_1964, %mul3A_1993 : vector<16xf32>
          %mul3A_1995 = arith.mulf %gather3A_1988, %get3A_1978 : vector<16xf32>
          %add3A_1996 = arith.addf %add3A_1966, %mul3A_1995 : vector<16xf32>
          %get3A_1997 = arith.constant 0 : i32
          %get3A_1998 = arith.index_cast %get3A_1997 : i32 to index
          %get3A_1999 = arith.index_cast %scan3A_158 : i32 to index
          %get3A_2000 = arith.constant 1856 : index
          %get3A_2001 = tpu.vector_load %arg17[%get3A_1998, %get3A_1999, %get3A_2000] {strides = array<i32>} : memref<2x8x2176xf32, #tpu.memory_space<vmem>>, vector<1x1x16xf32>,
          %get3A_2002 = vector.shape_cast %get3A_2001 : vector<1x1x16xf32> to vector<16xf32>
          %get3A_2003 = arith.constant 0 : i32
          %get3A_2004 = arith.index_cast %get3A_2003 : i32 to index
          %get3A_2005 = arith.index_cast %scan3A_158 : i32 to index
          %get3A_2006 = arith.constant 1872 : index
          %get3A_2007 = tpu.vector_load %arg17[%get3A_2004, %get3A_2005, %get3A_2006] {strides = array<i32>} : memref<2x8x2176xf32, #tpu.memory_space<vmem>>, vector<1x1x16xf32>,
          %get3A_2008 = vector.shape_cast %get3A_2007 : vector<1x1x16xf32> to vector<16xf32>
          %broadcast_in_dim3A_2009 = arith.constant 10 : i32
          %broadcast_in_dim3A_2010 = vector.broadcast %broadcast_in_dim3A_2009 : i32 to vector<16xi32>
          %broadcast_in_dim3A_2011 = vector.shape_cast %broadcast_in_dim3A_2010 : vector<16xi32> to vector<16x1xi32>
          %gather3A_2012 = vector.shape_cast %broadcast_in_dim3A_2011 : vector<16x1xi32> to vector<16xi32>
          %gather3A_2013 = tpu.dynamic_gather %sub3A_234[%gather3A_2012] in [0] : vector<16xf32>, vector<16xi32> -> vector<16xf32>
          %broadcast_in_dim3A_2014 = arith.constant 10 : i32
          %broadcast_in_dim3A_2015 = vector.broadcast %broadcast_in_dim3A_2014 : i32 to vector<16xi32>
          %broadcast_in_dim3A_2016 = vector.shape_cast %broadcast_in_dim3A_2015 : vector<16xi32> to vector<16x1xi32>
          %gather3A_2017 = vector.shape_cast %broadcast_in_dim3A_2016 : vector<16x1xi32> to vector<16xi32>
          %gather3A_2018 = tpu.dynamic_gather %sub3A_235[%gather3A_2017] in [0] : vector<16xf32>, vector<16xi32> -> vector<16xf32>
          %mul3A_2019 = arith.mulf %gather3A_2013, %get3A_2002 : vector<16xf32>
          %add3A_2020 = arith.addf %add3A_1990, %mul3A_2019 : vector<16xf32>
          %mul3A_2021 = arith.mulf %gather3A_2013, %get3A_2008 : vector<16xf32>
          %add3A_2022 = arith.addf %add3A_1992, %mul3A_2021 : vector<16xf32>
          %mul3A_2023 = arith.mulf %gather3A_2018, %get3A_2002 : vector<16xf32>
          %add3A_2024 = arith.addf %add3A_1994, %mul3A_2023 : vector<16xf32>
          %mul3A_2025 = arith.mulf %gather3A_2018, %get3A_2008 : vector<16xf32>
          %add3A_2026 = arith.addf %add3A_1996, %mul3A_2025 : vector<16xf32>
          %get3A_2027 = arith.constant 0 : i32
          %get3A_2028 = arith.index_cast %get3A_2027 : i32 to index
          %get3A_2029 = arith.index_cast %scan3A_158 : i32 to index
          %get3A_2030 = arith.constant 1888 : index
          %get3A_2031 = tpu.vector_load %arg17[%get3A_2028, %get3A_2029, %get3A_2030] {strides = array<i32>} : memref<2x8x2176xf32, #tpu.memory_space<vmem>>, vector<1x1x16xf32>,
          %get3A_2032 = vector.shape_cast %get3A_2031 : vector<1x1x16xf32> to vector<16xf32>
          %get3A_2033 = arith.constant 0 : i32
          %get3A_2034 = arith.index_cast %get3A_2033 : i32 to index
          %get3A_2035 = arith.index_cast %scan3A_158 : i32 to index
          %get3A_2036 = arith.constant 1904 : index
          %get3A_2037 = tpu.vector_load %arg17[%get3A_2034, %get3A_2035, %get3A_2036] {strides = array<i32>} : memref<2x8x2176xf32, #tpu.memory_space<vmem>>, vector<1x1x16xf32>,
          %get3A_2038 = vector.shape_cast %get3A_2037 : vector<1x1x16xf32> to vector<16xf32>
          %broadcast_in_dim3A_2039 = arith.constant 11 : i32
          %broadcast_in_dim3A_2040 = vector.broadcast %broadcast_in_dim3A_2039 : i32 to vector<16xi32>
          %broadcast_in_dim3A_2041 = vector.shape_cast %broadcast_in_dim3A_2040 : vector<16xi32> to vector<16x1xi32>
          %gather3A_2042 = vector.shape_cast %broadcast_in_dim3A_2041 : vector<16x1xi32> to vector<16xi32>
          %gather3A_2043 = tpu.dynamic_gather %sub3A_234[%gather3A_2042] in [0] : vector<16xf32>, vector<16xi32> -> vector<16xf32>
          %broadcast_in_dim3A_2044 = arith.constant 11 : i32
          %broadcast_in_dim3A_2045 = vector.broadcast %broadcast_in_dim3A_2044 : i32 to vector<16xi32>
          %broadcast_in_dim3A_2046 = vector.shape_cast %broadcast_in_dim3A_2045 : vector<16xi32> to vector<16x1xi32>
          %gather3A_2047 = vector.shape_cast %broadcast_in_dim3A_2046 : vector<16x1xi32> to vector<16xi32>
          %gather3A_2048 = tpu.dynamic_gather %sub3A_235[%gather3A_2047] in [0] : vector<16xf32>, vector<16xi32> -> vector<16xf32>
          %mul3A_2049 = arith.mulf %gather3A_2043, %get3A_2032 : vector<16xf32>
          %add3A_2050 = arith.addf %add3A_2020, %mul3A_2049 : vector<16xf32>
          %mul3A_2051 = arith.mulf %gather3A_2043, %get3A_2038 : vector<16xf32>
          %add3A_2052 = arith.addf %add3A_2022, %mul3A_2051 : vector<16xf32>
          %mul3A_2053 = arith.mulf %gather3A_2048, %get3A_2032 : vector<16xf32>
          %add3A_2054 = arith.addf %add3A_2024, %mul3A_2053 : vector<16xf32>
          %mul3A_2055 = arith.mulf %gather3A_2048, %get3A_2038 : vector<16xf32>
          %add3A_2056 = arith.addf %add3A_2026, %mul3A_2055 : vector<16xf32>
          %get3A_2057 = arith.constant 0 : i32
          %get3A_2058 = arith.index_cast %get3A_2057 : i32 to index
          %get3A_2059 = arith.index_cast %scan3A_158 : i32 to index
          %get3A_2060 = arith.constant 1920 : index
          %get3A_2061 = tpu.vector_load %arg17[%get3A_2058, %get3A_2059, %get3A_2060] {strides = array<i32>} : memref<2x8x2176xf32, #tpu.memory_space<vmem>>, vector<1x1x16xf32>,
          %get3A_2062 = vector.shape_cast %get3A_2061 : vector<1x1x16xf32> to vector<16xf32>
          %get3A_2063 = arith.constant 0 : i32
          %get3A_2064 = arith.index_cast %get3A_2063 : i32 to index
          %get3A_2065 = arith.index_cast %scan3A_158 : i32 to index
          %get3A_2066 = arith.constant 1936 : index
          %get3A_2067 = tpu.vector_load %arg17[%get3A_2064, %get3A_2065, %get3A_2066] {strides = array<i32>} : memref<2x8x2176xf32, #tpu.memory_space<vmem>>, vector<1x1x16xf32>,
          %get3A_2068 = vector.shape_cast %get3A_2067 : vector<1x1x16xf32> to vector<16xf32>
          %broadcast_in_dim3A_2069 = arith.constant 12 : i32
          %broadcast_in_dim3A_2070 = vector.broadcast %broadcast_in_dim3A_2069 : i32 to vector<16xi32>
          %broadcast_in_dim3A_2071 = vector.shape_cast %broadcast_in_dim3A_2070 : vector<16xi32> to vector<16x1xi32>
          %gather3A_2072 = vector.shape_cast %broadcast_in_dim3A_2071 : vector<16x1xi32> to vector<16xi32>
          %gather3A_2073 = tpu.dynamic_gather %sub3A_234[%gather3A_2072] in [0] : vector<16xf32>, vector<16xi32> -> vector<16xf32>
          %broadcast_in_dim3A_2074 = arith.constant 12 : i32
          %broadcast_in_dim3A_2075 = vector.broadcast %broadcast_in_dim3A_2074 : i32 to vector<16xi32>
          %broadcast_in_dim3A_2076 = vector.shape_cast %broadcast_in_dim3A_2075 : vector<16xi32> to vector<16x1xi32>
          %gather3A_2077 = vector.shape_cast %broadcast_in_dim3A_2076 : vector<16x1xi32> to vector<16xi32>
          %gather3A_2078 = tpu.dynamic_gather %sub3A_235[%gather3A_2077] in [0] : vector<16xf32>, vector<16xi32> -> vector<16xf32>
          %mul3A_2079 = arith.mulf %gather3A_2073, %get3A_2062 : vector<16xf32>
          %add3A_2080 = arith.addf %add3A_2050, %mul3A_2079 : vector<16xf32>
          %mul3A_2081 = arith.mulf %gather3A_2073, %get3A_2068 : vector<16xf32>
          %add3A_2082 = arith.addf %add3A_2052, %mul3A_2081 : vector<16xf32>
          %mul3A_2083 = arith.mulf %gather3A_2078, %get3A_2062 : vector<16xf32>
          %add3A_2084 = arith.addf %add3A_2054, %mul3A_2083 : vector<16xf32>
          %mul3A_2085 = arith.mulf %gather3A_2078, %get3A_2068 : vector<16xf32>
          %add3A_2086 = arith.addf %add3A_2056, %mul3A_2085 : vector<16xf32>
          %get3A_2087 = arith.constant 0 : i32
          %get3A_2088 = arith.index_cast %get3A_2087 : i32 to index
          %get3A_2089 = arith.index_cast %scan3A_158 : i32 to index
          %get3A_2090 = arith.constant 1952 : index
          %get3A_2091 = tpu.vector_load %arg17[%get3A_2088, %get3A_2089, %get3A_2090] {strides = array<i32>} : memref<2x8x2176xf32, #tpu.memory_space<vmem>>, vector<1x1x16xf32>,
          %get3A_2092 = vector.shape_cast %get3A_2091 : vector<1x1x16xf32> to vector<16xf32>
          %get3A_2093 = arith.constant 0 : i32
          %get3A_2094 = arith.index_cast %get3A_2093 : i32 to index
          %get3A_2095 = arith.index_cast %scan3A_158 : i32 to index
          %get3A_2096 = arith.constant 1968 : index
          %get3A_2097 = tpu.vector_load %arg17[%get3A_2094, %get3A_2095, %get3A_2096] {strides = array<i32>} : memref<2x8x2176xf32, #tpu.memory_space<vmem>>, vector<1x1x16xf32>,
          %get3A_2098 = vector.shape_cast %get3A_2097 : vector<1x1x16xf32> to vector<16xf32>
          %broadcast_in_dim3A_2099 = arith.constant 13 : i32
          %broadcast_in_dim3A_2100 = vector.broadcast %broadcast_in_dim3A_2099 : i32 to vector<16xi32>
          %broadcast_in_dim3A_2101 = vector.shape_cast %broadcast_in_dim3A_2100 : vector<16xi32> to vector<16x1xi32>
          %gather3A_2102 = vector.shape_cast %broadcast_in_dim3A_2101 : vector<16x1xi32> to vector<16xi32>
          %gather3A_2103 = tpu.dynamic_gather %sub3A_234[%gather3A_2102] in [0] : vector<16xf32>, vector<16xi32> -> vector<16xf32>
          %broadcast_in_dim3A_2104 = arith.constant 13 : i32
          %broadcast_in_dim3A_2105 = vector.broadcast %broadcast_in_dim3A_2104 : i32 to vector<16xi32>
          %broadcast_in_dim3A_2106 = vector.shape_cast %broadcast_in_dim3A_2105 : vector<16xi32> to vector<16x1xi32>
          %gather3A_2107 = vector.shape_cast %broadcast_in_dim3A_2106 : vector<16x1xi32> to vector<16xi32>
          %gather3A_2108 = tpu.dynamic_gather %sub3A_235[%gather3A_2107] in [0] : vector<16xf32>, vector<16xi32> -> vector<16xf32>
          %mul3A_2109 = arith.mulf %gather3A_2103, %get3A_2092 : vector<16xf32>
          %add3A_2110 = arith.addf %add3A_2080, %mul3A_2109 : vector<16xf32>
          %mul3A_2111 = arith.mulf %gather3A_2103, %get3A_2098 : vector<16xf32>
          %add3A_2112 = arith.addf %add3A_2082, %mul3A_2111 : vector<16xf32>
          %mul3A_2113 = arith.mulf %gather3A_2108, %get3A_2092 : vector<16xf32>
          %add3A_2114 = arith.addf %add3A_2084, %mul3A_2113 : vector<16xf32>
          %mul3A_2115 = arith.mulf %gather3A_2108, %get3A_2098 : vector<16xf32>
          %add3A_2116 = arith.addf %add3A_2086, %mul3A_2115 : vector<16xf32>
          %get3A_2117 = arith.constant 0 : i32
          %get3A_2118 = arith.index_cast %get3A_2117 : i32 to index
          %get3A_2119 = arith.index_cast %scan3A_158 : i32 to index
          %get3A_2120 = arith.constant 1984 : index
          %get3A_2121 = tpu.vector_load %arg17[%get3A_2118, %get3A_2119, %get3A_2120] {strides = array<i32>} : memref<2x8x2176xf32, #tpu.memory_space<vmem>>, vector<1x1x16xf32>,
          %get3A_2122 = vector.shape_cast %get3A_2121 : vector<1x1x16xf32> to vector<16xf32>
          %get3A_2123 = arith.constant 0 : i32
          %get3A_2124 = arith.index_cast %get3A_2123 : i32 to index
          %get3A_2125 = arith.index_cast %scan3A_158 : i32 to index
          %get3A_2126 = arith.constant 2000 : index
          %get3A_2127 = tpu.vector_load %arg17[%get3A_2124, %get3A_2125, %get3A_2126] {strides = array<i32>} : memref<2x8x2176xf32, #tpu.memory_space<vmem>>, vector<1x1x16xf32>,
          %get3A_2128 = vector.shape_cast %get3A_2127 : vector<1x1x16xf32> to vector<16xf32>
          %broadcast_in_dim3A_2129 = arith.constant 14 : i32
          %broadcast_in_dim3A_2130 = vector.broadcast %broadcast_in_dim3A_2129 : i32 to vector<16xi32>
          %broadcast_in_dim3A_2131 = vector.shape_cast %broadcast_in_dim3A_2130 : vector<16xi32> to vector<16x1xi32>
          %gather3A_2132 = vector.shape_cast %broadcast_in_dim3A_2131 : vector<16x1xi32> to vector<16xi32>
          %gather3A_2133 = tpu.dynamic_gather %sub3A_234[%gather3A_2132] in [0] : vector<16xf32>, vector<16xi32> -> vector<16xf32>
          %broadcast_in_dim3A_2134 = arith.constant 14 : i32
          %broadcast_in_dim3A_2135 = vector.broadcast %broadcast_in_dim3A_2134 : i32 to vector<16xi32>
          %broadcast_in_dim3A_2136 = vector.shape_cast %broadcast_in_dim3A_2135 : vector<16xi32> to vector<16x1xi32>
          %gather3A_2137 = vector.shape_cast %broadcast_in_dim3A_2136 : vector<16x1xi32> to vector<16xi32>
          %gather3A_2138 = tpu.dynamic_gather %sub3A_235[%gather3A_2137] in [0] : vector<16xf32>, vector<16xi32> -> vector<16xf32>
          %mul3A_2139 = arith.mulf %gather3A_2133, %get3A_2122 : vector<16xf32>
          %add3A_2140 = arith.addf %add3A_2110, %mul3A_2139 : vector<16xf32>
          %mul3A_2141 = arith.mulf %gather3A_2133, %get3A_2128 : vector<16xf32>
          %add3A_2142 = arith.addf %add3A_2112, %mul3A_2141 : vector<16xf32>
          %mul3A_2143 = arith.mulf %gather3A_2138, %get3A_2122 : vector<16xf32>
          %add3A_2144 = arith.addf %add3A_2114, %mul3A_2143 : vector<16xf32>
          %mul3A_2145 = arith.mulf %gather3A_2138, %get3A_2128 : vector<16xf32>
          %add3A_2146 = arith.addf %add3A_2116, %mul3A_2145 : vector<16xf32>
          %get3A_2147 = arith.constant 0 : i32
          %get3A_2148 = arith.index_cast %get3A_2147 : i32 to index
          %get3A_2149 = arith.index_cast %scan3A_158 : i32 to index
          %get3A_2150 = arith.constant 2016 : index
          %get3A_2151 = tpu.vector_load %arg17[%get3A_2148, %get3A_2149, %get3A_2150] {strides = array<i32>} : memref<2x8x2176xf32, #tpu.memory_space<vmem>>, vector<1x1x16xf32>,
          %get3A_2152 = vector.shape_cast %get3A_2151 : vector<1x1x16xf32> to vector<16xf32>
          %get3A_2153 = arith.constant 0 : i32
          %get3A_2154 = arith.index_cast %get3A_2153 : i32 to index
          %get3A_2155 = arith.index_cast %scan3A_158 : i32 to index
          %get3A_2156 = arith.constant 2032 : index
          %get3A_2157 = tpu.vector_load %arg17[%get3A_2154, %get3A_2155, %get3A_2156] {strides = array<i32>} : memref<2x8x2176xf32, #tpu.memory_space<vmem>>, vector<1x1x16xf32>,
          %get3A_2158 = vector.shape_cast %get3A_2157 : vector<1x1x16xf32> to vector<16xf32>
          %broadcast_in_dim3A_2159 = arith.constant 15 : i32
          %broadcast_in_dim3A_2160 = vector.broadcast %broadcast_in_dim3A_2159 : i32 to vector<16xi32>
          %broadcast_in_dim3A_2161 = vector.shape_cast %broadcast_in_dim3A_2160 : vector<16xi32> to vector<16x1xi32>
          %gather3A_2162 = vector.shape_cast %broadcast_in_dim3A_2161 : vector<16x1xi32> to vector<16xi32>
          %gather3A_2163 = tpu.dynamic_gather %sub3A_234[%gather3A_2162] in [0] : vector<16xf32>, vector<16xi32> -> vector<16xf32>
          %broadcast_in_dim3A_2164 = arith.constant 15 : i32
          %broadcast_in_dim3A_2165 = vector.broadcast %broadcast_in_dim3A_2164 : i32 to vector<16xi32>
          %broadcast_in_dim3A_2166 = vector.shape_cast %broadcast_in_dim3A_2165 : vector<16xi32> to vector<16x1xi32>
          %gather3A_2167 = vector.shape_cast %broadcast_in_dim3A_2166 : vector<16x1xi32> to vector<16xi32>
          %gather3A_2168 = tpu.dynamic_gather %sub3A_235[%gather3A_2167] in [0] : vector<16xf32>, vector<16xi32> -> vector<16xf32>
          %mul3A_2169 = arith.mulf %gather3A_2163, %get3A_2152 : vector<16xf32>
          %add3A_2170 = arith.addf %add3A_2140, %mul3A_2169 : vector<16xf32>
          %mul3A_2171 = arith.mulf %gather3A_2163, %get3A_2158 : vector<16xf32>
          %add3A_2172 = arith.addf %add3A_2142, %mul3A_2171 : vector<16xf32>
          %mul3A_2173 = arith.mulf %gather3A_2168, %get3A_2152 : vector<16xf32>
          %add3A_2174 = arith.addf %add3A_2144, %mul3A_2173 : vector<16xf32>
          %mul3A_2175 = arith.mulf %gather3A_2168, %get3A_2158 : vector<16xf32>
          %add3A_2176 = arith.addf %add3A_2146, %mul3A_2175 : vector<16xf32>
          %mul3A_2177 = arith.mulf %add3A_2170, %add3A_2170 : vector<16xf32>
          %mul3A_2178 = arith.mulf %add3A_2172, %add3A_2172 : vector<16xf32>
          %add3A_2179 = arith.addf %mul3A_2177, %mul3A_2178 : vector<16xf32>
          %mul3A_2180 = arith.mulf %add3A_2174, %add3A_2174 : vector<16xf32>
          %sub3A_2181 = arith.subf %add3A_2179, %mul3A_2180 : vector<16xf32>
          %mul3A_2182 = arith.mulf %add3A_2176, %add3A_2176 : vector<16xf32>
          %sub3A_2183 = arith.subf %sub3A_2181, %mul3A_2182 : vector<16xf32>
          %swap3A_2184 = arith.index_cast %add3A_163 : i32 to index
          %swap3A_2185 = arith.constant 0 : index
          %swap3A_2186 = tpu.vector_load %arg18[%swap3A_2184, %swap3A_2185] {strides = array<i32>} : memref<128x16xf32, #tpu.memory_space<vmem>>, vector<1x16xf32>,
          %swap3A_2187 = vector.shape_cast %swap3A_2186 : vector<1x16xf32> to vector<16xf32>
          %swap3A_2188 = vector.shape_cast %sub3A_2183 : vector<16xf32> to vector<1x16xf32>
          tpu.vector_store %arg18[%swap3A_2184, %swap3A_2185], %swap3A_2188 {strides = array<i32>} : memref<128x16xf32, #tpu.memory_space<vmem>>, vector<1x16xf32>,
          scf.yield %add3A_241, %add3A_257 : vector<16xf32>, vector<16xf32>
        }
        %scan3A_132 = arith.constant 8 : i32
        %lt3A = arith.constant 7 : i32
        %lt3A_133 = arith.cmpi slt, %scan3A_94, %lt3A : i32
        %convert_element_type3A = arith.extui %lt3A_133 : i1 to i32
        %cond3A = arith.constant 0 : i32
        %cond3A_134 = arith.cmpi ne, %convert_element_type3A, %cond3A : i32
        scf.if %cond3A_134 {
          %add3A_158 = arith.constant 2 : i32
          %add3A_159 = arith.addi %mul3A_98, %add3A_158 : i32
          %mul3A_160 = arith.constant 8 : i32
          %mul3A_161 = arith.muli %add3A_159, %mul3A_160 : i32
          %dma_start3A_162 = arith.constant 0 : i32
          %dma_start3A_163 = arith.constant 0 : i32
          %dma_start3A_164 = arith.constant 0 : i32
          %dma_start3A_165 = tpu.memref_slice %arg17[%dma_start3A_162, %dma_start3A_163, %dma_start3A_164] : memref<2x8x2176xf32, #tpu.memory_space<vmem>> -> memref<1x8x2176xf32, #tpu.memory_space<vmem>>
          %dma_start3A_166 = tpu.memref_squeeze %dma_start3A_165 : memref<1x8x2176xf32, #tpu.memory_space<vmem>> -> memref<8x2176xf32, #tpu.memory_space<vmem>>
          %dma_start3A_167 = tpu.memref_slice %arg11[%mul3A_161] : memref<128xi32, #tpu.memory_space<vmem>> -> memref<8xi32, #tpu.memory_space<vmem>>
          %dma_start3A_168 = arith.constant 0 : i32
          %dma_start3A_169 = arith.constant 0 : i32
          %dma_start3A_170 = tpu.memref_slice %arg7[%dma_start3A_168, %dma_start3A_169] : memref<1000x2176xf32, #tpu.memory_space<hbm>> -> memref<1000x2176xf32, #tpu.memory_space<hbm>>
          tpu.enqueue_indirect_dma source(%dma_start3A_170 : memref<1000x2176xf32, #tpu.memory_space<hbm>>) target(%dma_start3A_166 : memref<8x2176xf32, #tpu.memory_space<vmem>>) offsets(%dma_start3A_167 : memref<8xi32, #tpu.memory_space<vmem>>) semaphore(%arg21 : memref<!tpu.dma_semaphore, #tpu.memory_space<semaphore_mem>>)
        } else {
        }
        %dma_wait3A_135 = arith.constant 1 : i32
        %dma_wait3A_136 = arith.constant 0 : i32
        %dma_wait3A_137 = arith.constant 0 : i32
        %dma_wait3A_138 = tpu.memref_slice %arg17[%dma_wait3A_135, %dma_wait3A_136, %dma_wait3A_137] : memref<2x8x2176xf32, #tpu.memory_space<vmem>> -> memref<1x8x2176xf32, #tpu.memory_space<vmem>>
        %dma_wait3A_139 = tpu.memref_squeeze %dma_wait3A_138 : memref<1x8x2176xf32, #tpu.memory_space<vmem>> -> memref<8x2176xf32, #tpu.memory_space<vmem>>
        %dma_wait3A_140 = arith.constant 0 : i32
        %dma_wait3A_141 = arith.constant 0 : i32
        %dma_wait3A_142 = tpu.memref_slice %arg7[%dma_wait3A_140, %dma_wait3A_141] : memref<1000x2176xf32, #tpu.memory_space<hbm>> -> memref<8x2176xf32, #tpu.memory_space<hbm>>
        %dma_wait3A_143 = arith.constant 0 : i32
        %dma_wait3A_144 = arith.constant 0 : i32
        %dma_wait3A_145 = tpu.memref_slice %arg17[%dma_wait3A_135, %dma_wait3A_143, %dma_wait3A_144] : memref<2x8x2176xf32, #tpu.memory_space<vmem>> -> memref<1x8x2176xf32, #tpu.memory_space<vmem>>
        %dma_wait3A_146 = tpu.memref_squeeze %dma_wait3A_145 : memref<1x8x2176xf32, #tpu.memory_space<vmem>> -> memref<8x2176xf32, #tpu.memory_space<vmem>>
        %dma_wait3A_147 = arith.constant 0 : i32
        %dma_wait3A_148 = arith.constant 0 : i32
        %dma_wait3A_149 = tpu.memref_slice %arg7[%dma_wait3A_147, %dma_wait3A_148] : memref<1000x2176xf32, #tpu.memory_space<hbm>> -> memref<8x2176xf32, #tpu.memory_space<hbm>>
        tpu.wait_dma2 semaphore(%arg22 : memref<!tpu.dma_semaphore, #tpu.memory_space<semaphore_mem>>) src(%dma_wait3A_149 : memref<8x2176xf32, #tpu.memory_space<hbm>>) dst(%dma_wait3A_146 : memref<8x2176xf32, #tpu.memory_space<vmem>>)
        %add3A_150 = arith.constant 1 : i32
        %add3A_151 = arith.addi %mul3A_98, %add3A_150 : i32
        %scan3A_152 = arith.constant 0 : i32
        %scan3A_153 = arith.constant 8 : i32
        %scan3A_154 = arith.addi %scan3A_152, %scan3A_153 : i32
        %scan3A_155 = arith.constant 1 : i32
        %scan3A_156:2 = scf.for %scan3A_158 = %scan3A_152 to %scan3A_154 step %scan3A_155 iter_args(%scan3A_159 = %scan3A_131#0, %scan3A_160 = %scan3A_131#1) -> (vector<16xf32>, vector<16xf32>)  : i32 {
          %mul3A_161 = arith.constant 8 : i32
          %mul3A_162 = arith.muli %add3A_151, %mul3A_161 : i32
          %add3A_163 = arith.addi %mul3A_162, %scan3A_158 : i32
          %get3A = arith.index_cast %add3A_163 : i32 to index
          %get3A_164 = arith.constant 0 : index
          %get3A_165 = tpu.vector_load %arg14[%get3A, %get3A_164] {strides = array<i32>} : memref<128x128xf32, #tpu.memory_space<vmem>>, vector<1x16xf32>,
          %get3A_166 = vector.shape_cast %get3A_165 : vector<1x16xf32> to vector<16xf32>
          %get3A_167 = arith.index_cast %add3A_163 : i32 to index
          %get3A_168 = arith.constant 0 : index
          %get3A_169 = tpu.vector_load %arg15[%get3A_167, %get3A_168] {strides = array<i32>} : memref<128x128xf32, #tpu.memory_space<vmem>>, vector<1x16xf32>,
          %get3A_170 = vector.shape_cast %get3A_169 : vector<1x16xf32> to vector<16xf32>
          %get3A_171 = arith.index_cast %add3A_163 : i32 to index
          %get3A_172 = arith.constant 0 : index
          %get3A_173 = tpu.vector_load %arg16[%get3A_171, %get3A_172] {strides = array<i32>} : memref<128x128xf32, #tpu.memory_space<vmem>>, vector<1x16xf32>,
          %get3A_174 = vector.shape_cast %get3A_173 : vector<1x16xf32> to vector<16xf32>
          %sub3A = arith.subf %get3A_166, %get3A_170 : vector<16xf32>
          %sub3A_175 = arith.subf %get3A_166, %get3A_174 : vector<16xf32>
          %mul3A_176 = arith.mulf %get3A_166, %get3A_166 : vector<16xf32>
          %add3A_177 = arith.addf %scan3A_159, %mul3A_176 : vector<16xf32>
          %mul3A_178 = arith.mulf %get3A_170, %get3A_170 : vector<16xf32>
          %add3A_179 = arith.addf %add3A_177, %mul3A_178 : vector<16xf32>
          %mul3A_180 = arith.mulf %get3A_174, %get3A_174 : vector<16xf32>
          %add3A_181 = arith.addf %add3A_179, %mul3A_180 : vector<16xf32>
          %get3A_182 = arith.index_cast %add3A_163 : i32 to index
          %get3A_183 = arith.constant 16 : index
          %get3A_184 = tpu.vector_load %arg14[%get3A_182, %get3A_183] {strides = array<i32>} : memref<128x128xf32, #tpu.memory_space<vmem>>, vector<1x16xf32>,
          %get3A_185 = vector.shape_cast %get3A_184 : vector<1x16xf32> to vector<16xf32>
          %get3A_186 = arith.index_cast %add3A_163 : i32 to index
          %get3A_187 = arith.constant 16 : index
          %get3A_188 = tpu.vector_load %arg15[%get3A_186, %get3A_187] {strides = array<i32>} : memref<128x128xf32, #tpu.memory_space<vmem>>, vector<1x16xf32>,
          %get3A_189 = vector.shape_cast %get3A_188 : vector<1x16xf32> to vector<16xf32>
          %get3A_190 = arith.index_cast %add3A_163 : i32 to index
          %get3A_191 = arith.constant 16 : index
          %get3A_192 = tpu.vector_load %arg16[%get3A_190, %get3A_191] {strides = array<i32>} : memref<128x128xf32, #tpu.memory_space<vmem>>, vector<1x16xf32>,
          %get3A_193 = vector.shape_cast %get3A_192 : vector<1x16xf32> to vector<16xf32>
          %sub3A_194 = arith.subf %get3A_185, %get3A_189 : vector<16xf32>
          %sub3A_195 = arith.subf %get3A_185, %get3A_193 : vector<16xf32>
          %mul3A_196 = arith.mulf %get3A_185, %get3A_185 : vector<16xf32>
          %add3A_197 = arith.addf %add3A_181, %mul3A_196 : vector<16xf32>
          %mul3A_198 = arith.mulf %get3A_189, %get3A_189 : vector<16xf32>
          %add3A_199 = arith.addf %add3A_197, %mul3A_198 : vector<16xf32>
          %mul3A_200 = arith.mulf %get3A_193, %get3A_193 : vector<16xf32>
          %add3A_201 = arith.addf %add3A_199, %mul3A_200 : vector<16xf32>
          %get3A_202 = arith.index_cast %add3A_163 : i32 to index
          %get3A_203 = arith.constant 32 : index
          %get3A_204 = tpu.vector_load %arg14[%get3A_202, %get3A_203] {strides = array<i32>} : memref<128x128xf32, #tpu.memory_space<vmem>>, vector<1x16xf32>,
          %get3A_205 = vector.shape_cast %get3A_204 : vector<1x16xf32> to vector<16xf32>
          %get3A_206 = arith.index_cast %add3A_163 : i32 to index
          %get3A_207 = arith.constant 32 : index
          %get3A_208 = tpu.vector_load %arg15[%get3A_206, %get3A_207] {strides = array<i32>} : memref<128x128xf32, #tpu.memory_space<vmem>>, vector<1x16xf32>,
          %get3A_209 = vector.shape_cast %get3A_208 : vector<1x16xf32> to vector<16xf32>
          %get3A_210 = arith.index_cast %add3A_163 : i32 to index
          %get3A_211 = arith.constant 32 : index
          %get3A_212 = tpu.vector_load %arg16[%get3A_210, %get3A_211] {strides = array<i32>} : memref<128x128xf32, #tpu.memory_space<vmem>>, vector<1x16xf32>,
          %get3A_213 = vector.shape_cast %get3A_212 : vector<1x16xf32> to vector<16xf32>
          %sub3A_214 = arith.subf %get3A_205, %get3A_209 : vector<16xf32>
          %sub3A_215 = arith.subf %get3A_205, %get3A_213 : vector<16xf32>
          %mul3A_216 = arith.mulf %get3A_205, %get3A_205 : vector<16xf32>
          %add3A_217 = arith.addf %add3A_201, %mul3A_216 : vector<16xf32>
          %mul3A_218 = arith.mulf %get3A_209, %get3A_209 : vector<16xf32>
          %add3A_219 = arith.addf %add3A_217, %mul3A_218 : vector<16xf32>
          %mul3A_220 = arith.mulf %get3A_213, %get3A_213 : vector<16xf32>
          %add3A_221 = arith.addf %add3A_219, %mul3A_220 : vector<16xf32>
          %get3A_222 = arith.index_cast %add3A_163 : i32 to index
          %get3A_223 = arith.constant 48 : index
          %get3A_224 = tpu.vector_load %arg14[%get3A_222, %get3A_223] {strides = array<i32>} : memref<128x128xf32, #tpu.memory_space<vmem>>, vector<1x16xf32>,
          %get3A_225 = vector.shape_cast %get3A_224 : vector<1x16xf32> to vector<16xf32>
          %get3A_226 = arith.index_cast %add3A_163 : i32 to index
          %get3A_227 = arith.constant 48 : index
          %get3A_228 = tpu.vector_load %arg15[%get3A_226, %get3A_227] {strides = array<i32>} : memref<128x128xf32, #tpu.memory_space<vmem>>, vector<1x16xf32>,
          %get3A_229 = vector.shape_cast %get3A_228 : vector<1x16xf32> to vector<16xf32>
          %get3A_230 = arith.index_cast %add3A_163 : i32 to index
          %get3A_231 = arith.constant 48 : index
          %get3A_232 = tpu.vector_load %arg16[%get3A_230, %get3A_231] {strides = array<i32>} : memref<128x128xf32, #tpu.memory_space<vmem>>, vector<1x16xf32>,
          %get3A_233 = vector.shape_cast %get3A_232 : vector<1x16xf32> to vector<16xf32>
          %sub3A_234 = arith.subf %get3A_225, %get3A_229 : vector<16xf32>
          %sub3A_235 = arith.subf %get3A_225, %get3A_233 : vector<16xf32>
          %mul3A_236 = arith.mulf %get3A_225, %get3A_225 : vector<16xf32>
          %add3A_237 = arith.addf %add3A_221, %mul3A_236 : vector<16xf32>
          %mul3A_238 = arith.mulf %get3A_229, %get3A_229 : vector<16xf32>
          %add3A_239 = arith.addf %add3A_237, %mul3A_238 : vector<16xf32>
          %mul3A_240 = arith.mulf %get3A_233, %get3A_233 : vector<16xf32>
          %add3A_241 = arith.addf %add3A_239, %mul3A_240 : vector<16xf32>
          %get3A_242 = arith.constant 1 : i32
          %get3A_243 = arith.index_cast %get3A_242 : i32 to index
          %get3A_244 = arith.index_cast %scan3A_158 : i32 to index
          %get3A_245 = arith.constant 2048 : index
          %get3A_246 = tpu.vector_load %arg17[%get3A_243, %get3A_244, %get3A_245] {strides = array<i32>} : memref<2x8x2176xf32, #tpu.memory_space<vmem>>, vector<1x1x16xf32>,
          %get3A_247 = vector.shape_cast %get3A_246 : vector<1x1x16xf32> to vector<16xf32>
          %get3A_248 = arith.constant 1 : i32
          %get3A_249 = arith.index_cast %get3A_248 : i32 to index
          %get3A_250 = arith.index_cast %scan3A_158 : i32 to index
          %get3A_251 = arith.constant 2064 : index
          %get3A_252 = tpu.vector_load %arg17[%get3A_249, %get3A_250, %get3A_251] {strides = array<i32>} : memref<2x8x2176xf32, #tpu.memory_space<vmem>>, vector<1x1x16xf32>,
          %get3A_253 = vector.shape_cast %get3A_252 : vector<1x1x16xf32> to vector<16xf32>
          %mul3A_254 = arith.mulf %get3A_247, %get3A_247 : vector<16xf32>
          %add3A_255 = arith.addf %scan3A_160, %mul3A_254 : vector<16xf32>
          %mul3A_256 = arith.mulf %get3A_253, %get3A_253 : vector<16xf32>
          %add3A_257 = arith.addf %add3A_255, %mul3A_256 : vector<16xf32>
          %get3A_258 = arith.constant 1 : i32
          %get3A_259 = arith.index_cast %get3A_258 : i32 to index
          %get3A_260 = arith.index_cast %scan3A_158 : i32 to index
          %get3A_261 = arith.constant 0 : index
          %get3A_262 = tpu.vector_load %arg17[%get3A_259, %get3A_260, %get3A_261] {strides = array<i32>} : memref<2x8x2176xf32, #tpu.memory_space<vmem>>, vector<1x1x16xf32>,
          %get3A_263 = vector.shape_cast %get3A_262 : vector<1x1x16xf32> to vector<16xf32>
          %get3A_264 = arith.constant 1 : i32
          %get3A_265 = arith.index_cast %get3A_264 : i32 to index
          %get3A_266 = arith.index_cast %scan3A_158 : i32 to index
          %get3A_267 = arith.constant 16 : index
          %get3A_268 = tpu.vector_load %arg17[%get3A_265, %get3A_266, %get3A_267] {strides = array<i32>} : memref<2x8x2176xf32, #tpu.memory_space<vmem>>, vector<1x1x16xf32>,
          %get3A_269 = vector.shape_cast %get3A_268 : vector<1x1x16xf32> to vector<16xf32>
          %broadcast_in_dim3A_270 = arith.constant 0 : i32
          %broadcast_in_dim3A_271 = vector.broadcast %broadcast_in_dim3A_270 : i32 to vector<16xi32>
          %broadcast_in_dim3A_272 = vector.shape_cast %broadcast_in_dim3A_271 : vector<16xi32> to vector<16x1xi32>
          %gather3A = vector.shape_cast %broadcast_in_dim3A_272 : vector<16x1xi32> to vector<16xi32>
          %gather3A_273 = tpu.dynamic_gather %sub3A[%gather3A] in [0] : vector<16xf32>, vector<16xi32> -> vector<16xf32>
          %broadcast_in_dim3A_274 = arith.constant 0 : i32
          %broadcast_in_dim3A_275 = vector.broadcast %broadcast_in_dim3A_274 : i32 to vector<16xi32>
          %broadcast_in_dim3A_276 = vector.shape_cast %broadcast_in_dim3A_275 : vector<16xi32> to vector<16x1xi32>
          %gather3A_277 = vector.shape_cast %broadcast_in_dim3A_276 : vector<16x1xi32> to vector<16xi32>
          %gather3A_278 = tpu.dynamic_gather %sub3A_175[%gather3A_277] in [0] : vector<16xf32>, vector<16xi32> -> vector<16xf32>
          %mul3A_279 = arith.mulf %gather3A_273, %get3A_263 : vector<16xf32>
          %add3A_280 = arith.addf %get3A_247, %mul3A_279 : vector<16xf32>
          %mul3A_281 = arith.mulf %gather3A_273, %get3A_269 : vector<16xf32>
          %add3A_282 = arith.addf %get3A_253, %mul3A_281 : vector<16xf32>
          %mul3A_283 = arith.mulf %gather3A_278, %get3A_263 : vector<16xf32>
          %add3A_284 = arith.addf %get3A_247, %mul3A_283 : vector<16xf32>
          %mul3A_285 = arith.mulf %gather3A_278, %get3A_269 : vector<16xf32>
          %add3A_286 = arith.addf %get3A_253, %mul3A_285 : vector<16xf32>
          %get3A_287 = arith.constant 1 : i32
          %get3A_288 = arith.index_cast %get3A_287 : i32 to index
          %get3A_289 = arith.index_cast %scan3A_158 : i32 to index
          %get3A_290 = arith.constant 32 : index
          %get3A_291 = tpu.vector_load %arg17[%get3A_288, %get3A_289, %get3A_290] {strides = array<i32>} : memref<2x8x2176xf32, #tpu.memory_space<vmem>>, vector<1x1x16xf32>,
          %get3A_292 = vector.shape_cast %get3A_291 : vector<1x1x16xf32> to vector<16xf32>
          %get3A_293 = arith.constant 1 : i32
          %get3A_294 = arith.index_cast %get3A_293 : i32 to index
          %get3A_295 = arith.index_cast %scan3A_158 : i32 to index
          %get3A_296 = arith.constant 48 : index
          %get3A_297 = tpu.vector_load %arg17[%get3A_294, %get3A_295, %get3A_296] {strides = array<i32>} : memref<2x8x2176xf32, #tpu.memory_space<vmem>>, vector<1x1x16xf32>,
          %get3A_298 = vector.shape_cast %get3A_297 : vector<1x1x16xf32> to vector<16xf32>
          %broadcast_in_dim3A_299 = arith.constant 1 : i32
          %broadcast_in_dim3A_300 = vector.broadcast %broadcast_in_dim3A_299 : i32 to vector<16xi32>
          %broadcast_in_dim3A_301 = vector.shape_cast %broadcast_in_dim3A_300 : vector<16xi32> to vector<16x1xi32>
          %gather3A_302 = vector.shape_cast %broadcast_in_dim3A_301 : vector<16x1xi32> to vector<16xi32>
          %gather3A_303 = tpu.dynamic_gather %sub3A[%gather3A_302] in [0] : vector<16xf32>, vector<16xi32> -> vector<16xf32>
          %broadcast_in_dim3A_304 = arith.constant 1 : i32
          %broadcast_in_dim3A_305 = vector.broadcast %broadcast_in_dim3A_304 : i32 to vector<16xi32>
          %broadcast_in_dim3A_306 = vector.shape_cast %broadcast_in_dim3A_305 : vector<16xi32> to vector<16x1xi32>
          %gather3A_307 = vector.shape_cast %broadcast_in_dim3A_306 : vector<16x1xi32> to vector<16xi32>
          %gather3A_308 = tpu.dynamic_gather %sub3A_175[%gather3A_307] in [0] : vector<16xf32>, vector<16xi32> -> vector<16xf32>
          %mul3A_309 = arith.mulf %gather3A_303, %get3A_292 : vector<16xf32>
          %add3A_310 = arith.addf %add3A_280, %mul3A_309 : vector<16xf32>
          %mul3A_311 = arith.mulf %gather3A_303, %get3A_298 : vector<16xf32>
          %add3A_312 = arith.addf %add3A_282, %mul3A_311 : vector<16xf32>
          %mul3A_313 = arith.mulf %gather3A_308, %get3A_292 : vector<16xf32>
          %add3A_314 = arith.addf %add3A_284, %mul3A_313 : vector<16xf32>
          %mul3A_315 = arith.mulf %gather3A_308, %get3A_298 : vector<16xf32>
          %add3A_316 = arith.addf %add3A_286, %mul3A_315 : vector<16xf32>
          %get3A_317 = arith.constant 1 : i32
          %get3A_318 = arith.index_cast %get3A_317 : i32 to index
          %get3A_319 = arith.index_cast %scan3A_158 : i32 to index
          %get3A_320 = arith.constant 64 : index
          %get3A_321 = tpu.vector_load %arg17[%get3A_318, %get3A_319, %get3A_320] {strides = array<i32>} : memref<2x8x2176xf32, #tpu.memory_space<vmem>>, vector<1x1x16xf32>,
          %get3A_322 = vector.shape_cast %get3A_321 : vector<1x1x16xf32> to vector<16xf32>
          %get3A_323 = arith.constant 1 : i32
          %get3A_324 = arith.index_cast %get3A_323 : i32 to index
          %get3A_325 = arith.index_cast %scan3A_158 : i32 to index
          %get3A_326 = arith.constant 80 : index
          %get3A_327 = tpu.vector_load %arg17[%get3A_324, %get3A_325, %get3A_326] {strides = array<i32>} : memref<2x8x2176xf32, #tpu.memory_space<vmem>>, vector<1x1x16xf32>,
          %get3A_328 = vector.shape_cast %get3A_327 : vector<1x1x16xf32> to vector<16xf32>
          %broadcast_in_dim3A_329 = arith.constant 2 : i32
          %broadcast_in_dim3A_330 = vector.broadcast %broadcast_in_dim3A_329 : i32 to vector<16xi32>
          %broadcast_in_dim3A_331 = vector.shape_cast %broadcast_in_dim3A_330 : vector<16xi32> to vector<16x1xi32>
          %gather3A_332 = vector.shape_cast %broadcast_in_dim3A_331 : vector<16x1xi32> to vector<16xi32>
          %gather3A_333 = tpu.dynamic_gather %sub3A[%gather3A_332] in [0] : vector<16xf32>, vector<16xi32> -> vector<16xf32>
          %broadcast_in_dim3A_334 = arith.constant 2 : i32
          %broadcast_in_dim3A_335 = vector.broadcast %broadcast_in_dim3A_334 : i32 to vector<16xi32>
          %broadcast_in_dim3A_336 = vector.shape_cast %broadcast_in_dim3A_335 : vector<16xi32> to vector<16x1xi32>
          %gather3A_337 = vector.shape_cast %broadcast_in_dim3A_336 : vector<16x1xi32> to vector<16xi32>
          %gather3A_338 = tpu.dynamic_gather %sub3A_175[%gather3A_337] in [0] : vector<16xf32>, vector<16xi32> -> vector<16xf32>
          %mul3A_339 = arith.mulf %gather3A_333, %get3A_322 : vector<16xf32>
          %add3A_340 = arith.addf %add3A_310, %mul3A_339 : vector<16xf32>
          %mul3A_341 = arith.mulf %gather3A_333, %get3A_328 : vector<16xf32>
          %add3A_342 = arith.addf %add3A_312, %mul3A_341 : vector<16xf32>
          %mul3A_343 = arith.mulf %gather3A_338, %get3A_322 : vector<16xf32>
          %add3A_344 = arith.addf %add3A_314, %mul3A_343 : vector<16xf32>
          %mul3A_345 = arith.mulf %gather3A_338, %get3A_328 : vector<16xf32>
          %add3A_346 = arith.addf %add3A_316, %mul3A_345 : vector<16xf32>
          %get3A_347 = arith.constant 1 : i32
          %get3A_348 = arith.index_cast %get3A_347 : i32 to index
          %get3A_349 = arith.index_cast %scan3A_158 : i32 to index
          %get3A_350 = arith.constant 96 : index
          %get3A_351 = tpu.vector_load %arg17[%get3A_348, %get3A_349, %get3A_350] {strides = array<i32>} : memref<2x8x2176xf32, #tpu.memory_space<vmem>>, vector<1x1x16xf32>,
          %get3A_352 = vector.shape_cast %get3A_351 : vector<1x1x16xf32> to vector<16xf32>
          %get3A_353 = arith.constant 1 : i32
          %get3A_354 = arith.index_cast %get3A_353 : i32 to index
          %get3A_355 = arith.index_cast %scan3A_158 : i32 to index
          %get3A_356 = arith.constant 112 : index
          %get3A_357 = tpu.vector_load %arg17[%get3A_354, %get3A_355, %get3A_356] {strides = array<i32>} : memref<2x8x2176xf32, #tpu.memory_space<vmem>>, vector<1x1x16xf32>,
          %get3A_358 = vector.shape_cast %get3A_357 : vector<1x1x16xf32> to vector<16xf32>
          %broadcast_in_dim3A_359 = arith.constant 3 : i32
          %broadcast_in_dim3A_360 = vector.broadcast %broadcast_in_dim3A_359 : i32 to vector<16xi32>
          %broadcast_in_dim3A_361 = vector.shape_cast %broadcast_in_dim3A_360 : vector<16xi32> to vector<16x1xi32>
          %gather3A_362 = vector.shape_cast %broadcast_in_dim3A_361 : vector<16x1xi32> to vector<16xi32>
          %gather3A_363 = tpu.dynamic_gather %sub3A[%gather3A_362] in [0] : vector<16xf32>, vector<16xi32> -> vector<16xf32>
          %broadcast_in_dim3A_364 = arith.constant 3 : i32
          %broadcast_in_dim3A_365 = vector.broadcast %broadcast_in_dim3A_364 : i32 to vector<16xi32>
          %broadcast_in_dim3A_366 = vector.shape_cast %broadcast_in_dim3A_365 : vector<16xi32> to vector<16x1xi32>
          %gather3A_367 = vector.shape_cast %broadcast_in_dim3A_366 : vector<16x1xi32> to vector<16xi32>
          %gather3A_368 = tpu.dynamic_gather %sub3A_175[%gather3A_367] in [0] : vector<16xf32>, vector<16xi32> -> vector<16xf32>
          %mul3A_369 = arith.mulf %gather3A_363, %get3A_352 : vector<16xf32>
          %add3A_370 = arith.addf %add3A_340, %mul3A_369 : vector<16xf32>
          %mul3A_371 = arith.mulf %gather3A_363, %get3A_358 : vector<16xf32>
          %add3A_372 = arith.addf %add3A_342, %mul3A_371 : vector<16xf32>
          %mul3A_373 = arith.mulf %gather3A_368, %get3A_352 : vector<16xf32>
          %add3A_374 = arith.addf %add3A_344, %mul3A_373 : vector<16xf32>
          %mul3A_375 = arith.mulf %gather3A_368, %get3A_358 : vector<16xf32>
          %add3A_376 = arith.addf %add3A_346, %mul3A_375 : vector<16xf32>
          %get3A_377 = arith.constant 1 : i32
          %get3A_378 = arith.index_cast %get3A_377 : i32 to index
          %get3A_379 = arith.index_cast %scan3A_158 : i32 to index
          %get3A_380 = arith.constant 128 : index
          %get3A_381 = tpu.vector_load %arg17[%get3A_378, %get3A_379, %get3A_380] {strides = array<i32>} : memref<2x8x2176xf32, #tpu.memory_space<vmem>>, vector<1x1x16xf32>,
          %get3A_382 = vector.shape_cast %get3A_381 : vector<1x1x16xf32> to vector<16xf32>
          %get3A_383 = arith.constant 1 : i32
          %get3A_384 = arith.index_cast %get3A_383 : i32 to index
          %get3A_385 = arith.index_cast %scan3A_158 : i32 to index
          %get3A_386 = arith.constant 144 : index
          %get3A_387 = tpu.vector_load %arg17[%get3A_384, %get3A_385, %get3A_386] {strides = array<i32>} : memref<2x8x2176xf32, #tpu.memory_space<vmem>>, vector<1x1x16xf32>,
          %get3A_388 = vector.shape_cast %get3A_387 : vector<1x1x16xf32> to vector<16xf32>
          %broadcast_in_dim3A_389 = arith.constant 4 : i32
          %broadcast_in_dim3A_390 = vector.broadcast %broadcast_in_dim3A_389 : i32 to vector<16xi32>
          %broadcast_in_dim3A_391 = vector.shape_cast %broadcast_in_dim3A_390 : vector<16xi32> to vector<16x1xi32>
          %gather3A_392 = vector.shape_cast %broadcast_in_dim3A_391 : vector<16x1xi32> to vector<16xi32>
          %gather3A_393 = tpu.dynamic_gather %sub3A[%gather3A_392] in [0] : vector<16xf32>, vector<16xi32> -> vector<16xf32>
          %broadcast_in_dim3A_394 = arith.constant 4 : i32
          %broadcast_in_dim3A_395 = vector.broadcast %broadcast_in_dim3A_394 : i32 to vector<16xi32>
          %broadcast_in_dim3A_396 = vector.shape_cast %broadcast_in_dim3A_395 : vector<16xi32> to vector<16x1xi32>
          %gather3A_397 = vector.shape_cast %broadcast_in_dim3A_396 : vector<16x1xi32> to vector<16xi32>
          %gather3A_398 = tpu.dynamic_gather %sub3A_175[%gather3A_397] in [0] : vector<16xf32>, vector<16xi32> -> vector<16xf32>
          %mul3A_399 = arith.mulf %gather3A_393, %get3A_382 : vector<16xf32>
          %add3A_400 = arith.addf %add3A_370, %mul3A_399 : vector<16xf32>
          %mul3A_401 = arith.mulf %gather3A_393, %get3A_388 : vector<16xf32>
          %add3A_402 = arith.addf %add3A_372, %mul3A_401 : vector<16xf32>
          %mul3A_403 = arith.mulf %gather3A_398, %get3A_382 : vector<16xf32>
          %add3A_404 = arith.addf %add3A_374, %mul3A_403 : vector<16xf32>
          %mul3A_405 = arith.mulf %gather3A_398, %get3A_388 : vector<16xf32>
          %add3A_406 = arith.addf %add3A_376, %mul3A_405 : vector<16xf32>
          %get3A_407 = arith.constant 1 : i32
          %get3A_408 = arith.index_cast %get3A_407 : i32 to index
          %get3A_409 = arith.index_cast %scan3A_158 : i32 to index
          %get3A_410 = arith.constant 160 : index
          %get3A_411 = tpu.vector_load %arg17[%get3A_408, %get3A_409, %get3A_410] {strides = array<i32>} : memref<2x8x2176xf32, #tpu.memory_space<vmem>>, vector<1x1x16xf32>,
          %get3A_412 = vector.shape_cast %get3A_411 : vector<1x1x16xf32> to vector<16xf32>
          %get3A_413 = arith.constant 1 : i32
          %get3A_414 = arith.index_cast %get3A_413 : i32 to index
          %get3A_415 = arith.index_cast %scan3A_158 : i32 to index
          %get3A_416 = arith.constant 176 : index
          %get3A_417 = tpu.vector_load %arg17[%get3A_414, %get3A_415, %get3A_416] {strides = array<i32>} : memref<2x8x2176xf32, #tpu.memory_space<vmem>>, vector<1x1x16xf32>,
          %get3A_418 = vector.shape_cast %get3A_417 : vector<1x1x16xf32> to vector<16xf32>
          %broadcast_in_dim3A_419 = arith.constant 5 : i32
          %broadcast_in_dim3A_420 = vector.broadcast %broadcast_in_dim3A_419 : i32 to vector<16xi32>
          %broadcast_in_dim3A_421 = vector.shape_cast %broadcast_in_dim3A_420 : vector<16xi32> to vector<16x1xi32>
          %gather3A_422 = vector.shape_cast %broadcast_in_dim3A_421 : vector<16x1xi32> to vector<16xi32>
          %gather3A_423 = tpu.dynamic_gather %sub3A[%gather3A_422] in [0] : vector<16xf32>, vector<16xi32> -> vector<16xf32>
          %broadcast_in_dim3A_424 = arith.constant 5 : i32
          %broadcast_in_dim3A_425 = vector.broadcast %broadcast_in_dim3A_424 : i32 to vector<16xi32>
          %broadcast_in_dim3A_426 = vector.shape_cast %broadcast_in_dim3A_425 : vector<16xi32> to vector<16x1xi32>
          %gather3A_427 = vector.shape_cast %broadcast_in_dim3A_426 : vector<16x1xi32> to vector<16xi32>
          %gather3A_428 = tpu.dynamic_gather %sub3A_175[%gather3A_427] in [0] : vector<16xf32>, vector<16xi32> -> vector<16xf32>
          %mul3A_429 = arith.mulf %gather3A_423, %get3A_412 : vector<16xf32>
          %add3A_430 = arith.addf %add3A_400, %mul3A_429 : vector<16xf32>
          %mul3A_431 = arith.mulf %gather3A_423, %get3A_418 : vector<16xf32>
          %add3A_432 = arith.addf %add3A_402, %mul3A_431 : vector<16xf32>
          %mul3A_433 = arith.mulf %gather3A_428, %get3A_412 : vector<16xf32>
          %add3A_434 = arith.addf %add3A_404, %mul3A_433 : vector<16xf32>
          %mul3A_435 = arith.mulf %gather3A_428, %get3A_418 : vector<16xf32>
          %add3A_436 = arith.addf %add3A_406, %mul3A_435 : vector<16xf32>
          %get3A_437 = arith.constant 1 : i32
          %get3A_438 = arith.index_cast %get3A_437 : i32 to index
          %get3A_439 = arith.index_cast %scan3A_158 : i32 to index
          %get3A_440 = arith.constant 192 : index
          %get3A_441 = tpu.vector_load %arg17[%get3A_438, %get3A_439, %get3A_440] {strides = array<i32>} : memref<2x8x2176xf32, #tpu.memory_space<vmem>>, vector<1x1x16xf32>,
          %get3A_442 = vector.shape_cast %get3A_441 : vector<1x1x16xf32> to vector<16xf32>
          %get3A_443 = arith.constant 1 : i32
          %get3A_444 = arith.index_cast %get3A_443 : i32 to index
          %get3A_445 = arith.index_cast %scan3A_158 : i32 to index
          %get3A_446 = arith.constant 208 : index
          %get3A_447 = tpu.vector_load %arg17[%get3A_444, %get3A_445, %get3A_446] {strides = array<i32>} : memref<2x8x2176xf32, #tpu.memory_space<vmem>>, vector<1x1x16xf32>,
          %get3A_448 = vector.shape_cast %get3A_447 : vector<1x1x16xf32> to vector<16xf32>
          %broadcast_in_dim3A_449 = arith.constant 6 : i32
          %broadcast_in_dim3A_450 = vector.broadcast %broadcast_in_dim3A_449 : i32 to vector<16xi32>
          %broadcast_in_dim3A_451 = vector.shape_cast %broadcast_in_dim3A_450 : vector<16xi32> to vector<16x1xi32>
          %gather3A_452 = vector.shape_cast %broadcast_in_dim3A_451 : vector<16x1xi32> to vector<16xi32>
          %gather3A_453 = tpu.dynamic_gather %sub3A[%gather3A_452] in [0] : vector<16xf32>, vector<16xi32> -> vector<16xf32>
          %broadcast_in_dim3A_454 = arith.constant 6 : i32
          %broadcast_in_dim3A_455 = vector.broadcast %broadcast_in_dim3A_454 : i32 to vector<16xi32>
          %broadcast_in_dim3A_456 = vector.shape_cast %broadcast_in_dim3A_455 : vector<16xi32> to vector<16x1xi32>
          %gather3A_457 = vector.shape_cast %broadcast_in_dim3A_456 : vector<16x1xi32> to vector<16xi32>
          %gather3A_458 = tpu.dynamic_gather %sub3A_175[%gather3A_457] in [0] : vector<16xf32>, vector<16xi32> -> vector<16xf32>
          %mul3A_459 = arith.mulf %gather3A_453, %get3A_442 : vector<16xf32>
          %add3A_460 = arith.addf %add3A_430, %mul3A_459 : vector<16xf32>
          %mul3A_461 = arith.mulf %gather3A_453, %get3A_448 : vector<16xf32>
          %add3A_462 = arith.addf %add3A_432, %mul3A_461 : vector<16xf32>
          %mul3A_463 = arith.mulf %gather3A_458, %get3A_442 : vector<16xf32>
          %add3A_464 = arith.addf %add3A_434, %mul3A_463 : vector<16xf32>
          %mul3A_465 = arith.mulf %gather3A_458, %get3A_448 : vector<16xf32>
          %add3A_466 = arith.addf %add3A_436, %mul3A_465 : vector<16xf32>
          %get3A_467 = arith.constant 1 : i32
          %get3A_468 = arith.index_cast %get3A_467 : i32 to index
          %get3A_469 = arith.index_cast %scan3A_158 : i32 to index
          %get3A_470 = arith.constant 224 : index
          %get3A_471 = tpu.vector_load %arg17[%get3A_468, %get3A_469, %get3A_470] {strides = array<i32>} : memref<2x8x2176xf32, #tpu.memory_space<vmem>>, vector<1x1x16xf32>,
          %get3A_472 = vector.shape_cast %get3A_471 : vector<1x1x16xf32> to vector<16xf32>
          %get3A_473 = arith.constant 1 : i32
          %get3A_474 = arith.index_cast %get3A_473 : i32 to index
          %get3A_475 = arith.index_cast %scan3A_158 : i32 to index
          %get3A_476 = arith.constant 240 : index
          %get3A_477 = tpu.vector_load %arg17[%get3A_474, %get3A_475, %get3A_476] {strides = array<i32>} : memref<2x8x2176xf32, #tpu.memory_space<vmem>>, vector<1x1x16xf32>,
          %get3A_478 = vector.shape_cast %get3A_477 : vector<1x1x16xf32> to vector<16xf32>
          %broadcast_in_dim3A_479 = arith.constant 7 : i32
          %broadcast_in_dim3A_480 = vector.broadcast %broadcast_in_dim3A_479 : i32 to vector<16xi32>
          %broadcast_in_dim3A_481 = vector.shape_cast %broadcast_in_dim3A_480 : vector<16xi32> to vector<16x1xi32>
          %gather3A_482 = vector.shape_cast %broadcast_in_dim3A_481 : vector<16x1xi32> to vector<16xi32>
          %gather3A_483 = tpu.dynamic_gather %sub3A[%gather3A_482] in [0] : vector<16xf32>, vector<16xi32> -> vector<16xf32>
          %broadcast_in_dim3A_484 = arith.constant 7 : i32
          %broadcast_in_dim3A_485 = vector.broadcast %broadcast_in_dim3A_484 : i32 to vector<16xi32>
          %broadcast_in_dim3A_486 = vector.shape_cast %broadcast_in_dim3A_485 : vector<16xi32> to vector<16x1xi32>
          %gather3A_487 = vector.shape_cast %broadcast_in_dim3A_486 : vector<16x1xi32> to vector<16xi32>
          %gather3A_488 = tpu.dynamic_gather %sub3A_175[%gather3A_487] in [0] : vector<16xf32>, vector<16xi32> -> vector<16xf32>
          %mul3A_489 = arith.mulf %gather3A_483, %get3A_472 : vector<16xf32>
          %add3A_490 = arith.addf %add3A_460, %mul3A_489 : vector<16xf32>
          %mul3A_491 = arith.mulf %gather3A_483, %get3A_478 : vector<16xf32>
          %add3A_492 = arith.addf %add3A_462, %mul3A_491 : vector<16xf32>
          %mul3A_493 = arith.mulf %gather3A_488, %get3A_472 : vector<16xf32>
          %add3A_494 = arith.addf %add3A_464, %mul3A_493 : vector<16xf32>
          %mul3A_495 = arith.mulf %gather3A_488, %get3A_478 : vector<16xf32>
          %add3A_496 = arith.addf %add3A_466, %mul3A_495 : vector<16xf32>
          %get3A_497 = arith.constant 1 : i32
          %get3A_498 = arith.index_cast %get3A_497 : i32 to index
          %get3A_499 = arith.index_cast %scan3A_158 : i32 to index
          %get3A_500 = arith.constant 256 : index
          %get3A_501 = tpu.vector_load %arg17[%get3A_498, %get3A_499, %get3A_500] {strides = array<i32>} : memref<2x8x2176xf32, #tpu.memory_space<vmem>>, vector<1x1x16xf32>,
          %get3A_502 = vector.shape_cast %get3A_501 : vector<1x1x16xf32> to vector<16xf32>
          %get3A_503 = arith.constant 1 : i32
          %get3A_504 = arith.index_cast %get3A_503 : i32 to index
          %get3A_505 = arith.index_cast %scan3A_158 : i32 to index
          %get3A_506 = arith.constant 272 : index
          %get3A_507 = tpu.vector_load %arg17[%get3A_504, %get3A_505, %get3A_506] {strides = array<i32>} : memref<2x8x2176xf32, #tpu.memory_space<vmem>>, vector<1x1x16xf32>,
          %get3A_508 = vector.shape_cast %get3A_507 : vector<1x1x16xf32> to vector<16xf32>
          %broadcast_in_dim3A_509 = arith.constant 8 : i32
          %broadcast_in_dim3A_510 = vector.broadcast %broadcast_in_dim3A_509 : i32 to vector<16xi32>
          %broadcast_in_dim3A_511 = vector.shape_cast %broadcast_in_dim3A_510 : vector<16xi32> to vector<16x1xi32>
          %gather3A_512 = vector.shape_cast %broadcast_in_dim3A_511 : vector<16x1xi32> to vector<16xi32>
          %gather3A_513 = tpu.dynamic_gather %sub3A[%gather3A_512] in [0] : vector<16xf32>, vector<16xi32> -> vector<16xf32>
          %broadcast_in_dim3A_514 = arith.constant 8 : i32
          %broadcast_in_dim3A_515 = vector.broadcast %broadcast_in_dim3A_514 : i32 to vector<16xi32>
          %broadcast_in_dim3A_516 = vector.shape_cast %broadcast_in_dim3A_515 : vector<16xi32> to vector<16x1xi32>
          %gather3A_517 = vector.shape_cast %broadcast_in_dim3A_516 : vector<16x1xi32> to vector<16xi32>
          %gather3A_518 = tpu.dynamic_gather %sub3A_175[%gather3A_517] in [0] : vector<16xf32>, vector<16xi32> -> vector<16xf32>
          %mul3A_519 = arith.mulf %gather3A_513, %get3A_502 : vector<16xf32>
          %add3A_520 = arith.addf %add3A_490, %mul3A_519 : vector<16xf32>
          %mul3A_521 = arith.mulf %gather3A_513, %get3A_508 : vector<16xf32>
          %add3A_522 = arith.addf %add3A_492, %mul3A_521 : vector<16xf32>
          %mul3A_523 = arith.mulf %gather3A_518, %get3A_502 : vector<16xf32>
          %add3A_524 = arith.addf %add3A_494, %mul3A_523 : vector<16xf32>
          %mul3A_525 = arith.mulf %gather3A_518, %get3A_508 : vector<16xf32>
          %add3A_526 = arith.addf %add3A_496, %mul3A_525 : vector<16xf32>
          %get3A_527 = arith.constant 1 : i32
          %get3A_528 = arith.index_cast %get3A_527 : i32 to index
          %get3A_529 = arith.index_cast %scan3A_158 : i32 to index
          %get3A_530 = arith.constant 288 : index
          %get3A_531 = tpu.vector_load %arg17[%get3A_528, %get3A_529, %get3A_530] {strides = array<i32>} : memref<2x8x2176xf32, #tpu.memory_space<vmem>>, vector<1x1x16xf32>,
          %get3A_532 = vector.shape_cast %get3A_531 : vector<1x1x16xf32> to vector<16xf32>
          %get3A_533 = arith.constant 1 : i32
          %get3A_534 = arith.index_cast %get3A_533 : i32 to index
          %get3A_535 = arith.index_cast %scan3A_158 : i32 to index
          %get3A_536 = arith.constant 304 : index
          %get3A_537 = tpu.vector_load %arg17[%get3A_534, %get3A_535, %get3A_536] {strides = array<i32>} : memref<2x8x2176xf32, #tpu.memory_space<vmem>>, vector<1x1x16xf32>,
          %get3A_538 = vector.shape_cast %get3A_537 : vector<1x1x16xf32> to vector<16xf32>
          %broadcast_in_dim3A_539 = arith.constant 9 : i32
          %broadcast_in_dim3A_540 = vector.broadcast %broadcast_in_dim3A_539 : i32 to vector<16xi32>
          %broadcast_in_dim3A_541 = vector.shape_cast %broadcast_in_dim3A_540 : vector<16xi32> to vector<16x1xi32>
          %gather3A_542 = vector.shape_cast %broadcast_in_dim3A_541 : vector<16x1xi32> to vector<16xi32>
          %gather3A_543 = tpu.dynamic_gather %sub3A[%gather3A_542] in [0] : vector<16xf32>, vector<16xi32> -> vector<16xf32>
          %broadcast_in_dim3A_544 = arith.constant 9 : i32
          %broadcast_in_dim3A_545 = vector.broadcast %broadcast_in_dim3A_544 : i32 to vector<16xi32>
          %broadcast_in_dim3A_546 = vector.shape_cast %broadcast_in_dim3A_545 : vector<16xi32> to vector<16x1xi32>
          %gather3A_547 = vector.shape_cast %broadcast_in_dim3A_546 : vector<16x1xi32> to vector<16xi32>
          %gather3A_548 = tpu.dynamic_gather %sub3A_175[%gather3A_547] in [0] : vector<16xf32>, vector<16xi32> -> vector<16xf32>
          %mul3A_549 = arith.mulf %gather3A_543, %get3A_532 : vector<16xf32>
          %add3A_550 = arith.addf %add3A_520, %mul3A_549 : vector<16xf32>
          %mul3A_551 = arith.mulf %gather3A_543, %get3A_538 : vector<16xf32>
          %add3A_552 = arith.addf %add3A_522, %mul3A_551 : vector<16xf32>
          %mul3A_553 = arith.mulf %gather3A_548, %get3A_532 : vector<16xf32>
          %add3A_554 = arith.addf %add3A_524, %mul3A_553 : vector<16xf32>
          %mul3A_555 = arith.mulf %gather3A_548, %get3A_538 : vector<16xf32>
          %add3A_556 = arith.addf %add3A_526, %mul3A_555 : vector<16xf32>
          %get3A_557 = arith.constant 1 : i32
          %get3A_558 = arith.index_cast %get3A_557 : i32 to index
          %get3A_559 = arith.index_cast %scan3A_158 : i32 to index
          %get3A_560 = arith.constant 320 : index
          %get3A_561 = tpu.vector_load %arg17[%get3A_558, %get3A_559, %get3A_560] {strides = array<i32>} : memref<2x8x2176xf32, #tpu.memory_space<vmem>>, vector<1x1x16xf32>,
          %get3A_562 = vector.shape_cast %get3A_561 : vector<1x1x16xf32> to vector<16xf32>
          %get3A_563 = arith.constant 1 : i32
          %get3A_564 = arith.index_cast %get3A_563 : i32 to index
          %get3A_565 = arith.index_cast %scan3A_158 : i32 to index
          %get3A_566 = arith.constant 336 : index
          %get3A_567 = tpu.vector_load %arg17[%get3A_564, %get3A_565, %get3A_566] {strides = array<i32>} : memref<2x8x2176xf32, #tpu.memory_space<vmem>>, vector<1x1x16xf32>,
          %get3A_568 = vector.shape_cast %get3A_567 : vector<1x1x16xf32> to vector<16xf32>
          %broadcast_in_dim3A_569 = arith.constant 10 : i32
          %broadcast_in_dim3A_570 = vector.broadcast %broadcast_in_dim3A_569 : i32 to vector<16xi32>
          %broadcast_in_dim3A_571 = vector.shape_cast %broadcast_in_dim3A_570 : vector<16xi32> to vector<16x1xi32>
          %gather3A_572 = vector.shape_cast %broadcast_in_dim3A_571 : vector<16x1xi32> to vector<16xi32>
          %gather3A_573 = tpu.dynamic_gather %sub3A[%gather3A_572] in [0] : vector<16xf32>, vector<16xi32> -> vector<16xf32>
          %broadcast_in_dim3A_574 = arith.constant 10 : i32
          %broadcast_in_dim3A_575 = vector.broadcast %broadcast_in_dim3A_574 : i32 to vector<16xi32>
          %broadcast_in_dim3A_576 = vector.shape_cast %broadcast_in_dim3A_575 : vector<16xi32> to vector<16x1xi32>
          %gather3A_577 = vector.shape_cast %broadcast_in_dim3A_576 : vector<16x1xi32> to vector<16xi32>
          %gather3A_578 = tpu.dynamic_gather %sub3A_175[%gather3A_577] in [0] : vector<16xf32>, vector<16xi32> -> vector<16xf32>
          %mul3A_579 = arith.mulf %gather3A_573, %get3A_562 : vector<16xf32>
          %add3A_580 = arith.addf %add3A_550, %mul3A_579 : vector<16xf32>
          %mul3A_581 = arith.mulf %gather3A_573, %get3A_568 : vector<16xf32>
          %add3A_582 = arith.addf %add3A_552, %mul3A_581 : vector<16xf32>
          %mul3A_583 = arith.mulf %gather3A_578, %get3A_562 : vector<16xf32>
          %add3A_584 = arith.addf %add3A_554, %mul3A_583 : vector<16xf32>
          %mul3A_585 = arith.mulf %gather3A_578, %get3A_568 : vector<16xf32>
          %add3A_586 = arith.addf %add3A_556, %mul3A_585 : vector<16xf32>
          %get3A_587 = arith.constant 1 : i32
          %get3A_588 = arith.index_cast %get3A_587 : i32 to index
          %get3A_589 = arith.index_cast %scan3A_158 : i32 to index
          %get3A_590 = arith.constant 352 : index
          %get3A_591 = tpu.vector_load %arg17[%get3A_588, %get3A_589, %get3A_590] {strides = array<i32>} : memref<2x8x2176xf32, #tpu.memory_space<vmem>>, vector<1x1x16xf32>,
          %get3A_592 = vector.shape_cast %get3A_591 : vector<1x1x16xf32> to vector<16xf32>
          %get3A_593 = arith.constant 1 : i32
          %get3A_594 = arith.index_cast %get3A_593 : i32 to index
          %get3A_595 = arith.index_cast %scan3A_158 : i32 to index
          %get3A_596 = arith.constant 368 : index
          %get3A_597 = tpu.vector_load %arg17[%get3A_594, %get3A_595, %get3A_596] {strides = array<i32>} : memref<2x8x2176xf32, #tpu.memory_space<vmem>>, vector<1x1x16xf32>,
          %get3A_598 = vector.shape_cast %get3A_597 : vector<1x1x16xf32> to vector<16xf32>
          %broadcast_in_dim3A_599 = arith.constant 11 : i32
          %broadcast_in_dim3A_600 = vector.broadcast %broadcast_in_dim3A_599 : i32 to vector<16xi32>
          %broadcast_in_dim3A_601 = vector.shape_cast %broadcast_in_dim3A_600 : vector<16xi32> to vector<16x1xi32>
          %gather3A_602 = vector.shape_cast %broadcast_in_dim3A_601 : vector<16x1xi32> to vector<16xi32>
          %gather3A_603 = tpu.dynamic_gather %sub3A[%gather3A_602] in [0] : vector<16xf32>, vector<16xi32> -> vector<16xf32>
          %broadcast_in_dim3A_604 = arith.constant 11 : i32
          %broadcast_in_dim3A_605 = vector.broadcast %broadcast_in_dim3A_604 : i32 to vector<16xi32>
          %broadcast_in_dim3A_606 = vector.shape_cast %broadcast_in_dim3A_605 : vector<16xi32> to vector<16x1xi32>
          %gather3A_607 = vector.shape_cast %broadcast_in_dim3A_606 : vector<16x1xi32> to vector<16xi32>
          %gather3A_608 = tpu.dynamic_gather %sub3A_175[%gather3A_607] in [0] : vector<16xf32>, vector<16xi32> -> vector<16xf32>
          %mul3A_609 = arith.mulf %gather3A_603, %get3A_592 : vector<16xf32>
          %add3A_610 = arith.addf %add3A_580, %mul3A_609 : vector<16xf32>
          %mul3A_611 = arith.mulf %gather3A_603, %get3A_598 : vector<16xf32>
          %add3A_612 = arith.addf %add3A_582, %mul3A_611 : vector<16xf32>
          %mul3A_613 = arith.mulf %gather3A_608, %get3A_592 : vector<16xf32>
          %add3A_614 = arith.addf %add3A_584, %mul3A_613 : vector<16xf32>
          %mul3A_615 = arith.mulf %gather3A_608, %get3A_598 : vector<16xf32>
          %add3A_616 = arith.addf %add3A_586, %mul3A_615 : vector<16xf32>
          %get3A_617 = arith.constant 1 : i32
          %get3A_618 = arith.index_cast %get3A_617 : i32 to index
          %get3A_619 = arith.index_cast %scan3A_158 : i32 to index
          %get3A_620 = arith.constant 384 : index
          %get3A_621 = tpu.vector_load %arg17[%get3A_618, %get3A_619, %get3A_620] {strides = array<i32>} : memref<2x8x2176xf32, #tpu.memory_space<vmem>>, vector<1x1x16xf32>,
          %get3A_622 = vector.shape_cast %get3A_621 : vector<1x1x16xf32> to vector<16xf32>
          %get3A_623 = arith.constant 1 : i32
          %get3A_624 = arith.index_cast %get3A_623 : i32 to index
          %get3A_625 = arith.index_cast %scan3A_158 : i32 to index
          %get3A_626 = arith.constant 400 : index
          %get3A_627 = tpu.vector_load %arg17[%get3A_624, %get3A_625, %get3A_626] {strides = array<i32>} : memref<2x8x2176xf32, #tpu.memory_space<vmem>>, vector<1x1x16xf32>,
          %get3A_628 = vector.shape_cast %get3A_627 : vector<1x1x16xf32> to vector<16xf32>
          %broadcast_in_dim3A_629 = arith.constant 12 : i32
          %broadcast_in_dim3A_630 = vector.broadcast %broadcast_in_dim3A_629 : i32 to vector<16xi32>
          %broadcast_in_dim3A_631 = vector.shape_cast %broadcast_in_dim3A_630 : vector<16xi32> to vector<16x1xi32>
          %gather3A_632 = vector.shape_cast %broadcast_in_dim3A_631 : vector<16x1xi32> to vector<16xi32>
          %gather3A_633 = tpu.dynamic_gather %sub3A[%gather3A_632] in [0] : vector<16xf32>, vector<16xi32> -> vector<16xf32>
          %broadcast_in_dim3A_634 = arith.constant 12 : i32
          %broadcast_in_dim3A_635 = vector.broadcast %broadcast_in_dim3A_634 : i32 to vector<16xi32>
          %broadcast_in_dim3A_636 = vector.shape_cast %broadcast_in_dim3A_635 : vector<16xi32> to vector<16x1xi32>
          %gather3A_637 = vector.shape_cast %broadcast_in_dim3A_636 : vector<16x1xi32> to vector<16xi32>
          %gather3A_638 = tpu.dynamic_gather %sub3A_175[%gather3A_637] in [0] : vector<16xf32>, vector<16xi32> -> vector<16xf32>
          %mul3A_639 = arith.mulf %gather3A_633, %get3A_622 : vector<16xf32>
          %add3A_640 = arith.addf %add3A_610, %mul3A_639 : vector<16xf32>
          %mul3A_641 = arith.mulf %gather3A_633, %get3A_628 : vector<16xf32>
          %add3A_642 = arith.addf %add3A_612, %mul3A_641 : vector<16xf32>
          %mul3A_643 = arith.mulf %gather3A_638, %get3A_622 : vector<16xf32>
          %add3A_644 = arith.addf %add3A_614, %mul3A_643 : vector<16xf32>
          %mul3A_645 = arith.mulf %gather3A_638, %get3A_628 : vector<16xf32>
          %add3A_646 = arith.addf %add3A_616, %mul3A_645 : vector<16xf32>
          %get3A_647 = arith.constant 1 : i32
          %get3A_648 = arith.index_cast %get3A_647 : i32 to index
          %get3A_649 = arith.index_cast %scan3A_158 : i32 to index
          %get3A_650 = arith.constant 416 : index
          %get3A_651 = tpu.vector_load %arg17[%get3A_648, %get3A_649, %get3A_650] {strides = array<i32>} : memref<2x8x2176xf32, #tpu.memory_space<vmem>>, vector<1x1x16xf32>,
          %get3A_652 = vector.shape_cast %get3A_651 : vector<1x1x16xf32> to vector<16xf32>
          %get3A_653 = arith.constant 1 : i32
          %get3A_654 = arith.index_cast %get3A_653 : i32 to index
          %get3A_655 = arith.index_cast %scan3A_158 : i32 to index
          %get3A_656 = arith.constant 432 : index
          %get3A_657 = tpu.vector_load %arg17[%get3A_654, %get3A_655, %get3A_656] {strides = array<i32>} : memref<2x8x2176xf32, #tpu.memory_space<vmem>>, vector<1x1x16xf32>,
          %get3A_658 = vector.shape_cast %get3A_657 : vector<1x1x16xf32> to vector<16xf32>
          %broadcast_in_dim3A_659 = arith.constant 13 : i32
          %broadcast_in_dim3A_660 = vector.broadcast %broadcast_in_dim3A_659 : i32 to vector<16xi32>
          %broadcast_in_dim3A_661 = vector.shape_cast %broadcast_in_dim3A_660 : vector<16xi32> to vector<16x1xi32>
          %gather3A_662 = vector.shape_cast %broadcast_in_dim3A_661 : vector<16x1xi32> to vector<16xi32>
          %gather3A_663 = tpu.dynamic_gather %sub3A[%gather3A_662] in [0] : vector<16xf32>, vector<16xi32> -> vector<16xf32>
          %broadcast_in_dim3A_664 = arith.constant 13 : i32
          %broadcast_in_dim3A_665 = vector.broadcast %broadcast_in_dim3A_664 : i32 to vector<16xi32>
          %broadcast_in_dim3A_666 = vector.shape_cast %broadcast_in_dim3A_665 : vector<16xi32> to vector<16x1xi32>
          %gather3A_667 = vector.shape_cast %broadcast_in_dim3A_666 : vector<16x1xi32> to vector<16xi32>
          %gather3A_668 = tpu.dynamic_gather %sub3A_175[%gather3A_667] in [0] : vector<16xf32>, vector<16xi32> -> vector<16xf32>
          %mul3A_669 = arith.mulf %gather3A_663, %get3A_652 : vector<16xf32>
          %add3A_670 = arith.addf %add3A_640, %mul3A_669 : vector<16xf32>
          %mul3A_671 = arith.mulf %gather3A_663, %get3A_658 : vector<16xf32>
          %add3A_672 = arith.addf %add3A_642, %mul3A_671 : vector<16xf32>
          %mul3A_673 = arith.mulf %gather3A_668, %get3A_652 : vector<16xf32>
          %add3A_674 = arith.addf %add3A_644, %mul3A_673 : vector<16xf32>
          %mul3A_675 = arith.mulf %gather3A_668, %get3A_658 : vector<16xf32>
          %add3A_676 = arith.addf %add3A_646, %mul3A_675 : vector<16xf32>
          %get3A_677 = arith.constant 1 : i32
          %get3A_678 = arith.index_cast %get3A_677 : i32 to index
          %get3A_679 = arith.index_cast %scan3A_158 : i32 to index
          %get3A_680 = arith.constant 448 : index
          %get3A_681 = tpu.vector_load %arg17[%get3A_678, %get3A_679, %get3A_680] {strides = array<i32>} : memref<2x8x2176xf32, #tpu.memory_space<vmem>>, vector<1x1x16xf32>,
          %get3A_682 = vector.shape_cast %get3A_681 : vector<1x1x16xf32> to vector<16xf32>
          %get3A_683 = arith.constant 1 : i32
          %get3A_684 = arith.index_cast %get3A_683 : i32 to index
          %get3A_685 = arith.index_cast %scan3A_158 : i32 to index
          %get3A_686 = arith.constant 464 : index
          %get3A_687 = tpu.vector_load %arg17[%get3A_684, %get3A_685, %get3A_686] {strides = array<i32>} : memref<2x8x2176xf32, #tpu.memory_space<vmem>>, vector<1x1x16xf32>,
          %get3A_688 = vector.shape_cast %get3A_687 : vector<1x1x16xf32> to vector<16xf32>
          %broadcast_in_dim3A_689 = arith.constant 14 : i32
          %broadcast_in_dim3A_690 = vector.broadcast %broadcast_in_dim3A_689 : i32 to vector<16xi32>
          %broadcast_in_dim3A_691 = vector.shape_cast %broadcast_in_dim3A_690 : vector<16xi32> to vector<16x1xi32>
          %gather3A_692 = vector.shape_cast %broadcast_in_dim3A_691 : vector<16x1xi32> to vector<16xi32>
          %gather3A_693 = tpu.dynamic_gather %sub3A[%gather3A_692] in [0] : vector<16xf32>, vector<16xi32> -> vector<16xf32>
          %broadcast_in_dim3A_694 = arith.constant 14 : i32
          %broadcast_in_dim3A_695 = vector.broadcast %broadcast_in_dim3A_694 : i32 to vector<16xi32>
          %broadcast_in_dim3A_696 = vector.shape_cast %broadcast_in_dim3A_695 : vector<16xi32> to vector<16x1xi32>
          %gather3A_697 = vector.shape_cast %broadcast_in_dim3A_696 : vector<16x1xi32> to vector<16xi32>
          %gather3A_698 = tpu.dynamic_gather %sub3A_175[%gather3A_697] in [0] : vector<16xf32>, vector<16xi32> -> vector<16xf32>
          %mul3A_699 = arith.mulf %gather3A_693, %get3A_682 : vector<16xf32>
          %add3A_700 = arith.addf %add3A_670, %mul3A_699 : vector<16xf32>
          %mul3A_701 = arith.mulf %gather3A_693, %get3A_688 : vector<16xf32>
          %add3A_702 = arith.addf %add3A_672, %mul3A_701 : vector<16xf32>
          %mul3A_703 = arith.mulf %gather3A_698, %get3A_682 : vector<16xf32>
          %add3A_704 = arith.addf %add3A_674, %mul3A_703 : vector<16xf32>
          %mul3A_705 = arith.mulf %gather3A_698, %get3A_688 : vector<16xf32>
          %add3A_706 = arith.addf %add3A_676, %mul3A_705 : vector<16xf32>
          %get3A_707 = arith.constant 1 : i32
          %get3A_708 = arith.index_cast %get3A_707 : i32 to index
          %get3A_709 = arith.index_cast %scan3A_158 : i32 to index
          %get3A_710 = arith.constant 480 : index
          %get3A_711 = tpu.vector_load %arg17[%get3A_708, %get3A_709, %get3A_710] {strides = array<i32>} : memref<2x8x2176xf32, #tpu.memory_space<vmem>>, vector<1x1x16xf32>,
          %get3A_712 = vector.shape_cast %get3A_711 : vector<1x1x16xf32> to vector<16xf32>
          %get3A_713 = arith.constant 1 : i32
          %get3A_714 = arith.index_cast %get3A_713 : i32 to index
          %get3A_715 = arith.index_cast %scan3A_158 : i32 to index
          %get3A_716 = arith.constant 496 : index
          %get3A_717 = tpu.vector_load %arg17[%get3A_714, %get3A_715, %get3A_716] {strides = array<i32>} : memref<2x8x2176xf32, #tpu.memory_space<vmem>>, vector<1x1x16xf32>,
          %get3A_718 = vector.shape_cast %get3A_717 : vector<1x1x16xf32> to vector<16xf32>
          %broadcast_in_dim3A_719 = arith.constant 15 : i32
          %broadcast_in_dim3A_720 = vector.broadcast %broadcast_in_dim3A_719 : i32 to vector<16xi32>
          %broadcast_in_dim3A_721 = vector.shape_cast %broadcast_in_dim3A_720 : vector<16xi32> to vector<16x1xi32>
          %gather3A_722 = vector.shape_cast %broadcast_in_dim3A_721 : vector<16x1xi32> to vector<16xi32>
          %gather3A_723 = tpu.dynamic_gather %sub3A[%gather3A_722] in [0] : vector<16xf32>, vector<16xi32> -> vector<16xf32>
          %broadcast_in_dim3A_724 = arith.constant 15 : i32
          %broadcast_in_dim3A_725 = vector.broadcast %broadcast_in_dim3A_724 : i32 to vector<16xi32>
          %broadcast_in_dim3A_726 = vector.shape_cast %broadcast_in_dim3A_725 : vector<16xi32> to vector<16x1xi32>
          %gather3A_727 = vector.shape_cast %broadcast_in_dim3A_726 : vector<16x1xi32> to vector<16xi32>
          %gather3A_728 = tpu.dynamic_gather %sub3A_175[%gather3A_727] in [0] : vector<16xf32>, vector<16xi32> -> vector<16xf32>
          %mul3A_729 = arith.mulf %gather3A_723, %get3A_712 : vector<16xf32>
          %add3A_730 = arith.addf %add3A_700, %mul3A_729 : vector<16xf32>
          %mul3A_731 = arith.mulf %gather3A_723, %get3A_718 : vector<16xf32>
          %add3A_732 = arith.addf %add3A_702, %mul3A_731 : vector<16xf32>
          %mul3A_733 = arith.mulf %gather3A_728, %get3A_712 : vector<16xf32>
          %add3A_734 = arith.addf %add3A_704, %mul3A_733 : vector<16xf32>
          %mul3A_735 = arith.mulf %gather3A_728, %get3A_718 : vector<16xf32>
          %add3A_736 = arith.addf %add3A_706, %mul3A_735 : vector<16xf32>
          %get3A_737 = arith.constant 1 : i32
          %get3A_738 = arith.index_cast %get3A_737 : i32 to index
          %get3A_739 = arith.index_cast %scan3A_158 : i32 to index
          %get3A_740 = arith.constant 512 : index
          %get3A_741 = tpu.vector_load %arg17[%get3A_738, %get3A_739, %get3A_740] {strides = array<i32>} : memref<2x8x2176xf32, #tpu.memory_space<vmem>>, vector<1x1x16xf32>,
          %get3A_742 = vector.shape_cast %get3A_741 : vector<1x1x16xf32> to vector<16xf32>
          %get3A_743 = arith.constant 1 : i32
          %get3A_744 = arith.index_cast %get3A_743 : i32 to index
          %get3A_745 = arith.index_cast %scan3A_158 : i32 to index
          %get3A_746 = arith.constant 528 : index
          %get3A_747 = tpu.vector_load %arg17[%get3A_744, %get3A_745, %get3A_746] {strides = array<i32>} : memref<2x8x2176xf32, #tpu.memory_space<vmem>>, vector<1x1x16xf32>,
          %get3A_748 = vector.shape_cast %get3A_747 : vector<1x1x16xf32> to vector<16xf32>
          %broadcast_in_dim3A_749 = arith.constant 0 : i32
          %broadcast_in_dim3A_750 = vector.broadcast %broadcast_in_dim3A_749 : i32 to vector<16xi32>
          %broadcast_in_dim3A_751 = vector.shape_cast %broadcast_in_dim3A_750 : vector<16xi32> to vector<16x1xi32>
          %gather3A_752 = vector.shape_cast %broadcast_in_dim3A_751 : vector<16x1xi32> to vector<16xi32>
          %gather3A_753 = tpu.dynamic_gather %sub3A_194[%gather3A_752] in [0] : vector<16xf32>, vector<16xi32> -> vector<16xf32>
          %broadcast_in_dim3A_754 = arith.constant 0 : i32
          %broadcast_in_dim3A_755 = vector.broadcast %broadcast_in_dim3A_754 : i32 to vector<16xi32>
          %broadcast_in_dim3A_756 = vector.shape_cast %broadcast_in_dim3A_755 : vector<16xi32> to vector<16x1xi32>
          %gather3A_757 = vector.shape_cast %broadcast_in_dim3A_756 : vector<16x1xi32> to vector<16xi32>
          %gather3A_758 = tpu.dynamic_gather %sub3A_195[%gather3A_757] in [0] : vector<16xf32>, vector<16xi32> -> vector<16xf32>
          %mul3A_759 = arith.mulf %gather3A_753, %get3A_742 : vector<16xf32>
          %add3A_760 = arith.addf %add3A_730, %mul3A_759 : vector<16xf32>
          %mul3A_761 = arith.mulf %gather3A_753, %get3A_748 : vector<16xf32>
          %add3A_762 = arith.addf %add3A_732, %mul3A_761 : vector<16xf32>
          %mul3A_763 = arith.mulf %gather3A_758, %get3A_742 : vector<16xf32>
          %add3A_764 = arith.addf %add3A_734, %mul3A_763 : vector<16xf32>
          %mul3A_765 = arith.mulf %gather3A_758, %get3A_748 : vector<16xf32>
          %add3A_766 = arith.addf %add3A_736, %mul3A_765 : vector<16xf32>
          %get3A_767 = arith.constant 1 : i32
          %get3A_768 = arith.index_cast %get3A_767 : i32 to index
          %get3A_769 = arith.index_cast %scan3A_158 : i32 to index
          %get3A_770 = arith.constant 544 : index
          %get3A_771 = tpu.vector_load %arg17[%get3A_768, %get3A_769, %get3A_770] {strides = array<i32>} : memref<2x8x2176xf32, #tpu.memory_space<vmem>>, vector<1x1x16xf32>,
          %get3A_772 = vector.shape_cast %get3A_771 : vector<1x1x16xf32> to vector<16xf32>
          %get3A_773 = arith.constant 1 : i32
          %get3A_774 = arith.index_cast %get3A_773 : i32 to index
          %get3A_775 = arith.index_cast %scan3A_158 : i32 to index
          %get3A_776 = arith.constant 560 : index
          %get3A_777 = tpu.vector_load %arg17[%get3A_774, %get3A_775, %get3A_776] {strides = array<i32>} : memref<2x8x2176xf32, #tpu.memory_space<vmem>>, vector<1x1x16xf32>,
          %get3A_778 = vector.shape_cast %get3A_777 : vector<1x1x16xf32> to vector<16xf32>
          %broadcast_in_dim3A_779 = arith.constant 1 : i32
          %broadcast_in_dim3A_780 = vector.broadcast %broadcast_in_dim3A_779 : i32 to vector<16xi32>
          %broadcast_in_dim3A_781 = vector.shape_cast %broadcast_in_dim3A_780 : vector<16xi32> to vector<16x1xi32>
          %gather3A_782 = vector.shape_cast %broadcast_in_dim3A_781 : vector<16x1xi32> to vector<16xi32>
          %gather3A_783 = tpu.dynamic_gather %sub3A_194[%gather3A_782] in [0] : vector<16xf32>, vector<16xi32> -> vector<16xf32>
          %broadcast_in_dim3A_784 = arith.constant 1 : i32
          %broadcast_in_dim3A_785 = vector.broadcast %broadcast_in_dim3A_784 : i32 to vector<16xi32>
          %broadcast_in_dim3A_786 = vector.shape_cast %broadcast_in_dim3A_785 : vector<16xi32> to vector<16x1xi32>
          %gather3A_787 = vector.shape_cast %broadcast_in_dim3A_786 : vector<16x1xi32> to vector<16xi32>
          %gather3A_788 = tpu.dynamic_gather %sub3A_195[%gather3A_787] in [0] : vector<16xf32>, vector<16xi32> -> vector<16xf32>
          %mul3A_789 = arith.mulf %gather3A_783, %get3A_772 : vector<16xf32>
          %add3A_790 = arith.addf %add3A_760, %mul3A_789 : vector<16xf32>
          %mul3A_791 = arith.mulf %gather3A_783, %get3A_778 : vector<16xf32>
          %add3A_792 = arith.addf %add3A_762, %mul3A_791 : vector<16xf32>
          %mul3A_793 = arith.mulf %gather3A_788, %get3A_772 : vector<16xf32>
          %add3A_794 = arith.addf %add3A_764, %mul3A_793 : vector<16xf32>
          %mul3A_795 = arith.mulf %gather3A_788, %get3A_778 : vector<16xf32>
          %add3A_796 = arith.addf %add3A_766, %mul3A_795 : vector<16xf32>
          %get3A_797 = arith.constant 1 : i32
          %get3A_798 = arith.index_cast %get3A_797 : i32 to index
          %get3A_799 = arith.index_cast %scan3A_158 : i32 to index
          %get3A_800 = arith.constant 576 : index
          %get3A_801 = tpu.vector_load %arg17[%get3A_798, %get3A_799, %get3A_800] {strides = array<i32>} : memref<2x8x2176xf32, #tpu.memory_space<vmem>>, vector<1x1x16xf32>,
          %get3A_802 = vector.shape_cast %get3A_801 : vector<1x1x16xf32> to vector<16xf32>
          %get3A_803 = arith.constant 1 : i32
          %get3A_804 = arith.index_cast %get3A_803 : i32 to index
          %get3A_805 = arith.index_cast %scan3A_158 : i32 to index
          %get3A_806 = arith.constant 592 : index
          %get3A_807 = tpu.vector_load %arg17[%get3A_804, %get3A_805, %get3A_806] {strides = array<i32>} : memref<2x8x2176xf32, #tpu.memory_space<vmem>>, vector<1x1x16xf32>,
          %get3A_808 = vector.shape_cast %get3A_807 : vector<1x1x16xf32> to vector<16xf32>
          %broadcast_in_dim3A_809 = arith.constant 2 : i32
          %broadcast_in_dim3A_810 = vector.broadcast %broadcast_in_dim3A_809 : i32 to vector<16xi32>
          %broadcast_in_dim3A_811 = vector.shape_cast %broadcast_in_dim3A_810 : vector<16xi32> to vector<16x1xi32>
          %gather3A_812 = vector.shape_cast %broadcast_in_dim3A_811 : vector<16x1xi32> to vector<16xi32>
          %gather3A_813 = tpu.dynamic_gather %sub3A_194[%gather3A_812] in [0] : vector<16xf32>, vector<16xi32> -> vector<16xf32>
          %broadcast_in_dim3A_814 = arith.constant 2 : i32
          %broadcast_in_dim3A_815 = vector.broadcast %broadcast_in_dim3A_814 : i32 to vector<16xi32>
          %broadcast_in_dim3A_816 = vector.shape_cast %broadcast_in_dim3A_815 : vector<16xi32> to vector<16x1xi32>
          %gather3A_817 = vector.shape_cast %broadcast_in_dim3A_816 : vector<16x1xi32> to vector<16xi32>
          %gather3A_818 = tpu.dynamic_gather %sub3A_195[%gather3A_817] in [0] : vector<16xf32>, vector<16xi32> -> vector<16xf32>
          %mul3A_819 = arith.mulf %gather3A_813, %get3A_802 : vector<16xf32>
          %add3A_820 = arith.addf %add3A_790, %mul3A_819 : vector<16xf32>
          %mul3A_821 = arith.mulf %gather3A_813, %get3A_808 : vector<16xf32>
          %add3A_822 = arith.addf %add3A_792, %mul3A_821 : vector<16xf32>
          %mul3A_823 = arith.mulf %gather3A_818, %get3A_802 : vector<16xf32>
          %add3A_824 = arith.addf %add3A_794, %mul3A_823 : vector<16xf32>
          %mul3A_825 = arith.mulf %gather3A_818, %get3A_808 : vector<16xf32>
          %add3A_826 = arith.addf %add3A_796, %mul3A_825 : vector<16xf32>
          %get3A_827 = arith.constant 1 : i32
          %get3A_828 = arith.index_cast %get3A_827 : i32 to index
          %get3A_829 = arith.index_cast %scan3A_158 : i32 to index
          %get3A_830 = arith.constant 608 : index
          %get3A_831 = tpu.vector_load %arg17[%get3A_828, %get3A_829, %get3A_830] {strides = array<i32>} : memref<2x8x2176xf32, #tpu.memory_space<vmem>>, vector<1x1x16xf32>,
          %get3A_832 = vector.shape_cast %get3A_831 : vector<1x1x16xf32> to vector<16xf32>
          %get3A_833 = arith.constant 1 : i32
          %get3A_834 = arith.index_cast %get3A_833 : i32 to index
          %get3A_835 = arith.index_cast %scan3A_158 : i32 to index
          %get3A_836 = arith.constant 624 : index
          %get3A_837 = tpu.vector_load %arg17[%get3A_834, %get3A_835, %get3A_836] {strides = array<i32>} : memref<2x8x2176xf32, #tpu.memory_space<vmem>>, vector<1x1x16xf32>,
          %get3A_838 = vector.shape_cast %get3A_837 : vector<1x1x16xf32> to vector<16xf32>
          %broadcast_in_dim3A_839 = arith.constant 3 : i32
          %broadcast_in_dim3A_840 = vector.broadcast %broadcast_in_dim3A_839 : i32 to vector<16xi32>
          %broadcast_in_dim3A_841 = vector.shape_cast %broadcast_in_dim3A_840 : vector<16xi32> to vector<16x1xi32>
          %gather3A_842 = vector.shape_cast %broadcast_in_dim3A_841 : vector<16x1xi32> to vector<16xi32>
          %gather3A_843 = tpu.dynamic_gather %sub3A_194[%gather3A_842] in [0] : vector<16xf32>, vector<16xi32> -> vector<16xf32>
          %broadcast_in_dim3A_844 = arith.constant 3 : i32
          %broadcast_in_dim3A_845 = vector.broadcast %broadcast_in_dim3A_844 : i32 to vector<16xi32>
          %broadcast_in_dim3A_846 = vector.shape_cast %broadcast_in_dim3A_845 : vector<16xi32> to vector<16x1xi32>
          %gather3A_847 = vector.shape_cast %broadcast_in_dim3A_846 : vector<16x1xi32> to vector<16xi32>
          %gather3A_848 = tpu.dynamic_gather %sub3A_195[%gather3A_847] in [0] : vector<16xf32>, vector<16xi32> -> vector<16xf32>
          %mul3A_849 = arith.mulf %gather3A_843, %get3A_832 : vector<16xf32>
          %add3A_850 = arith.addf %add3A_820, %mul3A_849 : vector<16xf32>
          %mul3A_851 = arith.mulf %gather3A_843, %get3A_838 : vector<16xf32>
          %add3A_852 = arith.addf %add3A_822, %mul3A_851 : vector<16xf32>
          %mul3A_853 = arith.mulf %gather3A_848, %get3A_832 : vector<16xf32>
          %add3A_854 = arith.addf %add3A_824, %mul3A_853 : vector<16xf32>
          %mul3A_855 = arith.mulf %gather3A_848, %get3A_838 : vector<16xf32>
          %add3A_856 = arith.addf %add3A_826, %mul3A_855 : vector<16xf32>
          %get3A_857 = arith.constant 1 : i32
          %get3A_858 = arith.index_cast %get3A_857 : i32 to index
          %get3A_859 = arith.index_cast %scan3A_158 : i32 to index
          %get3A_860 = arith.constant 640 : index
          %get3A_861 = tpu.vector_load %arg17[%get3A_858, %get3A_859, %get3A_860] {strides = array<i32>} : memref<2x8x2176xf32, #tpu.memory_space<vmem>>, vector<1x1x16xf32>,
          %get3A_862 = vector.shape_cast %get3A_861 : vector<1x1x16xf32> to vector<16xf32>
          %get3A_863 = arith.constant 1 : i32
          %get3A_864 = arith.index_cast %get3A_863 : i32 to index
          %get3A_865 = arith.index_cast %scan3A_158 : i32 to index
          %get3A_866 = arith.constant 656 : index
          %get3A_867 = tpu.vector_load %arg17[%get3A_864, %get3A_865, %get3A_866] {strides = array<i32>} : memref<2x8x2176xf32, #tpu.memory_space<vmem>>, vector<1x1x16xf32>,
          %get3A_868 = vector.shape_cast %get3A_867 : vector<1x1x16xf32> to vector<16xf32>
          %broadcast_in_dim3A_869 = arith.constant 4 : i32
          %broadcast_in_dim3A_870 = vector.broadcast %broadcast_in_dim3A_869 : i32 to vector<16xi32>
          %broadcast_in_dim3A_871 = vector.shape_cast %broadcast_in_dim3A_870 : vector<16xi32> to vector<16x1xi32>
          %gather3A_872 = vector.shape_cast %broadcast_in_dim3A_871 : vector<16x1xi32> to vector<16xi32>
          %gather3A_873 = tpu.dynamic_gather %sub3A_194[%gather3A_872] in [0] : vector<16xf32>, vector<16xi32> -> vector<16xf32>
          %broadcast_in_dim3A_874 = arith.constant 4 : i32
          %broadcast_in_dim3A_875 = vector.broadcast %broadcast_in_dim3A_874 : i32 to vector<16xi32>
          %broadcast_in_dim3A_876 = vector.shape_cast %broadcast_in_dim3A_875 : vector<16xi32> to vector<16x1xi32>
          %gather3A_877 = vector.shape_cast %broadcast_in_dim3A_876 : vector<16x1xi32> to vector<16xi32>
          %gather3A_878 = tpu.dynamic_gather %sub3A_195[%gather3A_877] in [0] : vector<16xf32>, vector<16xi32> -> vector<16xf32>
          %mul3A_879 = arith.mulf %gather3A_873, %get3A_862 : vector<16xf32>
          %add3A_880 = arith.addf %add3A_850, %mul3A_879 : vector<16xf32>
          %mul3A_881 = arith.mulf %gather3A_873, %get3A_868 : vector<16xf32>
          %add3A_882 = arith.addf %add3A_852, %mul3A_881 : vector<16xf32>
          %mul3A_883 = arith.mulf %gather3A_878, %get3A_862 : vector<16xf32>
          %add3A_884 = arith.addf %add3A_854, %mul3A_883 : vector<16xf32>
          %mul3A_885 = arith.mulf %gather3A_878, %get3A_868 : vector<16xf32>
          %add3A_886 = arith.addf %add3A_856, %mul3A_885 : vector<16xf32>
          %get3A_887 = arith.constant 1 : i32
          %get3A_888 = arith.index_cast %get3A_887 : i32 to index
          %get3A_889 = arith.index_cast %scan3A_158 : i32 to index
          %get3A_890 = arith.constant 672 : index
          %get3A_891 = tpu.vector_load %arg17[%get3A_888, %get3A_889, %get3A_890] {strides = array<i32>} : memref<2x8x2176xf32, #tpu.memory_space<vmem>>, vector<1x1x16xf32>,
          %get3A_892 = vector.shape_cast %get3A_891 : vector<1x1x16xf32> to vector<16xf32>
          %get3A_893 = arith.constant 1 : i32
          %get3A_894 = arith.index_cast %get3A_893 : i32 to index
          %get3A_895 = arith.index_cast %scan3A_158 : i32 to index
          %get3A_896 = arith.constant 688 : index
          %get3A_897 = tpu.vector_load %arg17[%get3A_894, %get3A_895, %get3A_896] {strides = array<i32>} : memref<2x8x2176xf32, #tpu.memory_space<vmem>>, vector<1x1x16xf32>,
          %get3A_898 = vector.shape_cast %get3A_897 : vector<1x1x16xf32> to vector<16xf32>
          %broadcast_in_dim3A_899 = arith.constant 5 : i32
          %broadcast_in_dim3A_900 = vector.broadcast %broadcast_in_dim3A_899 : i32 to vector<16xi32>
          %broadcast_in_dim3A_901 = vector.shape_cast %broadcast_in_dim3A_900 : vector<16xi32> to vector<16x1xi32>
          %gather3A_902 = vector.shape_cast %broadcast_in_dim3A_901 : vector<16x1xi32> to vector<16xi32>
          %gather3A_903 = tpu.dynamic_gather %sub3A_194[%gather3A_902] in [0] : vector<16xf32>, vector<16xi32> -> vector<16xf32>
          %broadcast_in_dim3A_904 = arith.constant 5 : i32
          %broadcast_in_dim3A_905 = vector.broadcast %broadcast_in_dim3A_904 : i32 to vector<16xi32>
          %broadcast_in_dim3A_906 = vector.shape_cast %broadcast_in_dim3A_905 : vector<16xi32> to vector<16x1xi32>
          %gather3A_907 = vector.shape_cast %broadcast_in_dim3A_906 : vector<16x1xi32> to vector<16xi32>
          %gather3A_908 = tpu.dynamic_gather %sub3A_195[%gather3A_907] in [0] : vector<16xf32>, vector<16xi32> -> vector<16xf32>
          %mul3A_909 = arith.mulf %gather3A_903, %get3A_892 : vector<16xf32>
          %add3A_910 = arith.addf %add3A_880, %mul3A_909 : vector<16xf32>
          %mul3A_911 = arith.mulf %gather3A_903, %get3A_898 : vector<16xf32>
          %add3A_912 = arith.addf %add3A_882, %mul3A_911 : vector<16xf32>
          %mul3A_913 = arith.mulf %gather3A_908, %get3A_892 : vector<16xf32>
          %add3A_914 = arith.addf %add3A_884, %mul3A_913 : vector<16xf32>
          %mul3A_915 = arith.mulf %gather3A_908, %get3A_898 : vector<16xf32>
          %add3A_916 = arith.addf %add3A_886, %mul3A_915 : vector<16xf32>
          %get3A_917 = arith.constant 1 : i32
          %get3A_918 = arith.index_cast %get3A_917 : i32 to index
          %get3A_919 = arith.index_cast %scan3A_158 : i32 to index
          %get3A_920 = arith.constant 704 : index
          %get3A_921 = tpu.vector_load %arg17[%get3A_918, %get3A_919, %get3A_920] {strides = array<i32>} : memref<2x8x2176xf32, #tpu.memory_space<vmem>>, vector<1x1x16xf32>,
          %get3A_922 = vector.shape_cast %get3A_921 : vector<1x1x16xf32> to vector<16xf32>
          %get3A_923 = arith.constant 1 : i32
          %get3A_924 = arith.index_cast %get3A_923 : i32 to index
          %get3A_925 = arith.index_cast %scan3A_158 : i32 to index
          %get3A_926 = arith.constant 720 : index
          %get3A_927 = tpu.vector_load %arg17[%get3A_924, %get3A_925, %get3A_926] {strides = array<i32>} : memref<2x8x2176xf32, #tpu.memory_space<vmem>>, vector<1x1x16xf32>,
          %get3A_928 = vector.shape_cast %get3A_927 : vector<1x1x16xf32> to vector<16xf32>
          %broadcast_in_dim3A_929 = arith.constant 6 : i32
          %broadcast_in_dim3A_930 = vector.broadcast %broadcast_in_dim3A_929 : i32 to vector<16xi32>
          %broadcast_in_dim3A_931 = vector.shape_cast %broadcast_in_dim3A_930 : vector<16xi32> to vector<16x1xi32>
          %gather3A_932 = vector.shape_cast %broadcast_in_dim3A_931 : vector<16x1xi32> to vector<16xi32>
          %gather3A_933 = tpu.dynamic_gather %sub3A_194[%gather3A_932] in [0] : vector<16xf32>, vector<16xi32> -> vector<16xf32>
          %broadcast_in_dim3A_934 = arith.constant 6 : i32
          %broadcast_in_dim3A_935 = vector.broadcast %broadcast_in_dim3A_934 : i32 to vector<16xi32>
          %broadcast_in_dim3A_936 = vector.shape_cast %broadcast_in_dim3A_935 : vector<16xi32> to vector<16x1xi32>
          %gather3A_937 = vector.shape_cast %broadcast_in_dim3A_936 : vector<16x1xi32> to vector<16xi32>
          %gather3A_938 = tpu.dynamic_gather %sub3A_195[%gather3A_937] in [0] : vector<16xf32>, vector<16xi32> -> vector<16xf32>
          %mul3A_939 = arith.mulf %gather3A_933, %get3A_922 : vector<16xf32>
          %add3A_940 = arith.addf %add3A_910, %mul3A_939 : vector<16xf32>
          %mul3A_941 = arith.mulf %gather3A_933, %get3A_928 : vector<16xf32>
          %add3A_942 = arith.addf %add3A_912, %mul3A_941 : vector<16xf32>
          %mul3A_943 = arith.mulf %gather3A_938, %get3A_922 : vector<16xf32>
          %add3A_944 = arith.addf %add3A_914, %mul3A_943 : vector<16xf32>
          %mul3A_945 = arith.mulf %gather3A_938, %get3A_928 : vector<16xf32>
          %add3A_946 = arith.addf %add3A_916, %mul3A_945 : vector<16xf32>
          %get3A_947 = arith.constant 1 : i32
          %get3A_948 = arith.index_cast %get3A_947 : i32 to index
          %get3A_949 = arith.index_cast %scan3A_158 : i32 to index
          %get3A_950 = arith.constant 736 : index
          %get3A_951 = tpu.vector_load %arg17[%get3A_948, %get3A_949, %get3A_950] {strides = array<i32>} : memref<2x8x2176xf32, #tpu.memory_space<vmem>>, vector<1x1x16xf32>,
          %get3A_952 = vector.shape_cast %get3A_951 : vector<1x1x16xf32> to vector<16xf32>
          %get3A_953 = arith.constant 1 : i32
          %get3A_954 = arith.index_cast %get3A_953 : i32 to index
          %get3A_955 = arith.index_cast %scan3A_158 : i32 to index
          %get3A_956 = arith.constant 752 : index
          %get3A_957 = tpu.vector_load %arg17[%get3A_954, %get3A_955, %get3A_956] {strides = array<i32>} : memref<2x8x2176xf32, #tpu.memory_space<vmem>>, vector<1x1x16xf32>,
          %get3A_958 = vector.shape_cast %get3A_957 : vector<1x1x16xf32> to vector<16xf32>
          %broadcast_in_dim3A_959 = arith.constant 7 : i32
          %broadcast_in_dim3A_960 = vector.broadcast %broadcast_in_dim3A_959 : i32 to vector<16xi32>
          %broadcast_in_dim3A_961 = vector.shape_cast %broadcast_in_dim3A_960 : vector<16xi32> to vector<16x1xi32>
          %gather3A_962 = vector.shape_cast %broadcast_in_dim3A_961 : vector<16x1xi32> to vector<16xi32>
          %gather3A_963 = tpu.dynamic_gather %sub3A_194[%gather3A_962] in [0] : vector<16xf32>, vector<16xi32> -> vector<16xf32>
          %broadcast_in_dim3A_964 = arith.constant 7 : i32
          %broadcast_in_dim3A_965 = vector.broadcast %broadcast_in_dim3A_964 : i32 to vector<16xi32>
          %broadcast_in_dim3A_966 = vector.shape_cast %broadcast_in_dim3A_965 : vector<16xi32> to vector<16x1xi32>
          %gather3A_967 = vector.shape_cast %broadcast_in_dim3A_966 : vector<16x1xi32> to vector<16xi32>
          %gather3A_968 = tpu.dynamic_gather %sub3A_195[%gather3A_967] in [0] : vector<16xf32>, vector<16xi32> -> vector<16xf32>
          %mul3A_969 = arith.mulf %gather3A_963, %get3A_952 : vector<16xf32>
          %add3A_970 = arith.addf %add3A_940, %mul3A_969 : vector<16xf32>
          %mul3A_971 = arith.mulf %gather3A_963, %get3A_958 : vector<16xf32>
          %add3A_972 = arith.addf %add3A_942, %mul3A_971 : vector<16xf32>
          %mul3A_973 = arith.mulf %gather3A_968, %get3A_952 : vector<16xf32>
          %add3A_974 = arith.addf %add3A_944, %mul3A_973 : vector<16xf32>
          %mul3A_975 = arith.mulf %gather3A_968, %get3A_958 : vector<16xf32>
          %add3A_976 = arith.addf %add3A_946, %mul3A_975 : vector<16xf32>
          %get3A_977 = arith.constant 1 : i32
          %get3A_978 = arith.index_cast %get3A_977 : i32 to index
          %get3A_979 = arith.index_cast %scan3A_158 : i32 to index
          %get3A_980 = arith.constant 768 : index
          %get3A_981 = tpu.vector_load %arg17[%get3A_978, %get3A_979, %get3A_980] {strides = array<i32>} : memref<2x8x2176xf32, #tpu.memory_space<vmem>>, vector<1x1x16xf32>,
          %get3A_982 = vector.shape_cast %get3A_981 : vector<1x1x16xf32> to vector<16xf32>
          %get3A_983 = arith.constant 1 : i32
          %get3A_984 = arith.index_cast %get3A_983 : i32 to index
          %get3A_985 = arith.index_cast %scan3A_158 : i32 to index
          %get3A_986 = arith.constant 784 : index
          %get3A_987 = tpu.vector_load %arg17[%get3A_984, %get3A_985, %get3A_986] {strides = array<i32>} : memref<2x8x2176xf32, #tpu.memory_space<vmem>>, vector<1x1x16xf32>,
          %get3A_988 = vector.shape_cast %get3A_987 : vector<1x1x16xf32> to vector<16xf32>
          %broadcast_in_dim3A_989 = arith.constant 8 : i32
          %broadcast_in_dim3A_990 = vector.broadcast %broadcast_in_dim3A_989 : i32 to vector<16xi32>
          %broadcast_in_dim3A_991 = vector.shape_cast %broadcast_in_dim3A_990 : vector<16xi32> to vector<16x1xi32>
          %gather3A_992 = vector.shape_cast %broadcast_in_dim3A_991 : vector<16x1xi32> to vector<16xi32>
          %gather3A_993 = tpu.dynamic_gather %sub3A_194[%gather3A_992] in [0] : vector<16xf32>, vector<16xi32> -> vector<16xf32>
          %broadcast_in_dim3A_994 = arith.constant 8 : i32
          %broadcast_in_dim3A_995 = vector.broadcast %broadcast_in_dim3A_994 : i32 to vector<16xi32>
          %broadcast_in_dim3A_996 = vector.shape_cast %broadcast_in_dim3A_995 : vector<16xi32> to vector<16x1xi32>
          %gather3A_997 = vector.shape_cast %broadcast_in_dim3A_996 : vector<16x1xi32> to vector<16xi32>
          %gather3A_998 = tpu.dynamic_gather %sub3A_195[%gather3A_997] in [0] : vector<16xf32>, vector<16xi32> -> vector<16xf32>
          %mul3A_999 = arith.mulf %gather3A_993, %get3A_982 : vector<16xf32>
          %add3A_1000 = arith.addf %add3A_970, %mul3A_999 : vector<16xf32>
          %mul3A_1001 = arith.mulf %gather3A_993, %get3A_988 : vector<16xf32>
          %add3A_1002 = arith.addf %add3A_972, %mul3A_1001 : vector<16xf32>
          %mul3A_1003 = arith.mulf %gather3A_998, %get3A_982 : vector<16xf32>
          %add3A_1004 = arith.addf %add3A_974, %mul3A_1003 : vector<16xf32>
          %mul3A_1005 = arith.mulf %gather3A_998, %get3A_988 : vector<16xf32>
          %add3A_1006 = arith.addf %add3A_976, %mul3A_1005 : vector<16xf32>
          %get3A_1007 = arith.constant 1 : i32
          %get3A_1008 = arith.index_cast %get3A_1007 : i32 to index
          %get3A_1009 = arith.index_cast %scan3A_158 : i32 to index
          %get3A_1010 = arith.constant 800 : index
          %get3A_1011 = tpu.vector_load %arg17[%get3A_1008, %get3A_1009, %get3A_1010] {strides = array<i32>} : memref<2x8x2176xf32, #tpu.memory_space<vmem>>, vector<1x1x16xf32>,
          %get3A_1012 = vector.shape_cast %get3A_1011 : vector<1x1x16xf32> to vector<16xf32>
          %get3A_1013 = arith.constant 1 : i32
          %get3A_1014 = arith.index_cast %get3A_1013 : i32 to index
          %get3A_1015 = arith.index_cast %scan3A_158 : i32 to index
          %get3A_1016 = arith.constant 816 : index
          %get3A_1017 = tpu.vector_load %arg17[%get3A_1014, %get3A_1015, %get3A_1016] {strides = array<i32>} : memref<2x8x2176xf32, #tpu.memory_space<vmem>>, vector<1x1x16xf32>,
          %get3A_1018 = vector.shape_cast %get3A_1017 : vector<1x1x16xf32> to vector<16xf32>
          %broadcast_in_dim3A_1019 = arith.constant 9 : i32
          %broadcast_in_dim3A_1020 = vector.broadcast %broadcast_in_dim3A_1019 : i32 to vector<16xi32>
          %broadcast_in_dim3A_1021 = vector.shape_cast %broadcast_in_dim3A_1020 : vector<16xi32> to vector<16x1xi32>
          %gather3A_1022 = vector.shape_cast %broadcast_in_dim3A_1021 : vector<16x1xi32> to vector<16xi32>
          %gather3A_1023 = tpu.dynamic_gather %sub3A_194[%gather3A_1022] in [0] : vector<16xf32>, vector<16xi32> -> vector<16xf32>
          %broadcast_in_dim3A_1024 = arith.constant 9 : i32
          %broadcast_in_dim3A_1025 = vector.broadcast %broadcast_in_dim3A_1024 : i32 to vector<16xi32>
          %broadcast_in_dim3A_1026 = vector.shape_cast %broadcast_in_dim3A_1025 : vector<16xi32> to vector<16x1xi32>
          %gather3A_1027 = vector.shape_cast %broadcast_in_dim3A_1026 : vector<16x1xi32> to vector<16xi32>
          %gather3A_1028 = tpu.dynamic_gather %sub3A_195[%gather3A_1027] in [0] : vector<16xf32>, vector<16xi32> -> vector<16xf32>
          %mul3A_1029 = arith.mulf %gather3A_1023, %get3A_1012 : vector<16xf32>
          %add3A_1030 = arith.addf %add3A_1000, %mul3A_1029 : vector<16xf32>
          %mul3A_1031 = arith.mulf %gather3A_1023, %get3A_1018 : vector<16xf32>
          %add3A_1032 = arith.addf %add3A_1002, %mul3A_1031 : vector<16xf32>
          %mul3A_1033 = arith.mulf %gather3A_1028, %get3A_1012 : vector<16xf32>
          %add3A_1034 = arith.addf %add3A_1004, %mul3A_1033 : vector<16xf32>
          %mul3A_1035 = arith.mulf %gather3A_1028, %get3A_1018 : vector<16xf32>
          %add3A_1036 = arith.addf %add3A_1006, %mul3A_1035 : vector<16xf32>
          %get3A_1037 = arith.constant 1 : i32
          %get3A_1038 = arith.index_cast %get3A_1037 : i32 to index
          %get3A_1039 = arith.index_cast %scan3A_158 : i32 to index
          %get3A_1040 = arith.constant 832 : index
          %get3A_1041 = tpu.vector_load %arg17[%get3A_1038, %get3A_1039, %get3A_1040] {strides = array<i32>} : memref<2x8x2176xf32, #tpu.memory_space<vmem>>, vector<1x1x16xf32>,
          %get3A_1042 = vector.shape_cast %get3A_1041 : vector<1x1x16xf32> to vector<16xf32>
          %get3A_1043 = arith.constant 1 : i32
          %get3A_1044 = arith.index_cast %get3A_1043 : i32 to index
          %get3A_1045 = arith.index_cast %scan3A_158 : i32 to index
          %get3A_1046 = arith.constant 848 : index
          %get3A_1047 = tpu.vector_load %arg17[%get3A_1044, %get3A_1045, %get3A_1046] {strides = array<i32>} : memref<2x8x2176xf32, #tpu.memory_space<vmem>>, vector<1x1x16xf32>,
          %get3A_1048 = vector.shape_cast %get3A_1047 : vector<1x1x16xf32> to vector<16xf32>
          %broadcast_in_dim3A_1049 = arith.constant 10 : i32
          %broadcast_in_dim3A_1050 = vector.broadcast %broadcast_in_dim3A_1049 : i32 to vector<16xi32>
          %broadcast_in_dim3A_1051 = vector.shape_cast %broadcast_in_dim3A_1050 : vector<16xi32> to vector<16x1xi32>
          %gather3A_1052 = vector.shape_cast %broadcast_in_dim3A_1051 : vector<16x1xi32> to vector<16xi32>
          %gather3A_1053 = tpu.dynamic_gather %sub3A_194[%gather3A_1052] in [0] : vector<16xf32>, vector<16xi32> -> vector<16xf32>
          %broadcast_in_dim3A_1054 = arith.constant 10 : i32
          %broadcast_in_dim3A_1055 = vector.broadcast %broadcast_in_dim3A_1054 : i32 to vector<16xi32>
          %broadcast_in_dim3A_1056 = vector.shape_cast %broadcast_in_dim3A_1055 : vector<16xi32> to vector<16x1xi32>
          %gather3A_1057 = vector.shape_cast %broadcast_in_dim3A_1056 : vector<16x1xi32> to vector<16xi32>
          %gather3A_1058 = tpu.dynamic_gather %sub3A_195[%gather3A_1057] in [0] : vector<16xf32>, vector<16xi32> -> vector<16xf32>
          %mul3A_1059 = arith.mulf %gather3A_1053, %get3A_1042 : vector<16xf32>
          %add3A_1060 = arith.addf %add3A_1030, %mul3A_1059 : vector<16xf32>
          %mul3A_1061 = arith.mulf %gather3A_1053, %get3A_1048 : vector<16xf32>
          %add3A_1062 = arith.addf %add3A_1032, %mul3A_1061 : vector<16xf32>
          %mul3A_1063 = arith.mulf %gather3A_1058, %get3A_1042 : vector<16xf32>
          %add3A_1064 = arith.addf %add3A_1034, %mul3A_1063 : vector<16xf32>
          %mul3A_1065 = arith.mulf %gather3A_1058, %get3A_1048 : vector<16xf32>
          %add3A_1066 = arith.addf %add3A_1036, %mul3A_1065 : vector<16xf32>
          %get3A_1067 = arith.constant 1 : i32
          %get3A_1068 = arith.index_cast %get3A_1067 : i32 to index
          %get3A_1069 = arith.index_cast %scan3A_158 : i32 to index
          %get3A_1070 = arith.constant 864 : index
          %get3A_1071 = tpu.vector_load %arg17[%get3A_1068, %get3A_1069, %get3A_1070] {strides = array<i32>} : memref<2x8x2176xf32, #tpu.memory_space<vmem>>, vector<1x1x16xf32>,
          %get3A_1072 = vector.shape_cast %get3A_1071 : vector<1x1x16xf32> to vector<16xf32>
          %get3A_1073 = arith.constant 1 : i32
          %get3A_1074 = arith.index_cast %get3A_1073 : i32 to index
          %get3A_1075 = arith.index_cast %scan3A_158 : i32 to index
          %get3A_1076 = arith.constant 880 : index
          %get3A_1077 = tpu.vector_load %arg17[%get3A_1074, %get3A_1075, %get3A_1076] {strides = array<i32>} : memref<2x8x2176xf32, #tpu.memory_space<vmem>>, vector<1x1x16xf32>,
          %get3A_1078 = vector.shape_cast %get3A_1077 : vector<1x1x16xf32> to vector<16xf32>
          %broadcast_in_dim3A_1079 = arith.constant 11 : i32
          %broadcast_in_dim3A_1080 = vector.broadcast %broadcast_in_dim3A_1079 : i32 to vector<16xi32>
          %broadcast_in_dim3A_1081 = vector.shape_cast %broadcast_in_dim3A_1080 : vector<16xi32> to vector<16x1xi32>
          %gather3A_1082 = vector.shape_cast %broadcast_in_dim3A_1081 : vector<16x1xi32> to vector<16xi32>
          %gather3A_1083 = tpu.dynamic_gather %sub3A_194[%gather3A_1082] in [0] : vector<16xf32>, vector<16xi32> -> vector<16xf32>
          %broadcast_in_dim3A_1084 = arith.constant 11 : i32
          %broadcast_in_dim3A_1085 = vector.broadcast %broadcast_in_dim3A_1084 : i32 to vector<16xi32>
          %broadcast_in_dim3A_1086 = vector.shape_cast %broadcast_in_dim3A_1085 : vector<16xi32> to vector<16x1xi32>
          %gather3A_1087 = vector.shape_cast %broadcast_in_dim3A_1086 : vector<16x1xi32> to vector<16xi32>
          %gather3A_1088 = tpu.dynamic_gather %sub3A_195[%gather3A_1087] in [0] : vector<16xf32>, vector<16xi32> -> vector<16xf32>
          %mul3A_1089 = arith.mulf %gather3A_1083, %get3A_1072 : vector<16xf32>
          %add3A_1090 = arith.addf %add3A_1060, %mul3A_1089 : vector<16xf32>
          %mul3A_1091 = arith.mulf %gather3A_1083, %get3A_1078 : vector<16xf32>
          %add3A_1092 = arith.addf %add3A_1062, %mul3A_1091 : vector<16xf32>
          %mul3A_1093 = arith.mulf %gather3A_1088, %get3A_1072 : vector<16xf32>
          %add3A_1094 = arith.addf %add3A_1064, %mul3A_1093 : vector<16xf32>
          %mul3A_1095 = arith.mulf %gather3A_1088, %get3A_1078 : vector<16xf32>
          %add3A_1096 = arith.addf %add3A_1066, %mul3A_1095 : vector<16xf32>
          %get3A_1097 = arith.constant 1 : i32
          %get3A_1098 = arith.index_cast %get3A_1097 : i32 to index
          %get3A_1099 = arith.index_cast %scan3A_158 : i32 to index
          %get3A_1100 = arith.constant 896 : index
          %get3A_1101 = tpu.vector_load %arg17[%get3A_1098, %get3A_1099, %get3A_1100] {strides = array<i32>} : memref<2x8x2176xf32, #tpu.memory_space<vmem>>, vector<1x1x16xf32>,
          %get3A_1102 = vector.shape_cast %get3A_1101 : vector<1x1x16xf32> to vector<16xf32>
          %get3A_1103 = arith.constant 1 : i32
          %get3A_1104 = arith.index_cast %get3A_1103 : i32 to index
          %get3A_1105 = arith.index_cast %scan3A_158 : i32 to index
          %get3A_1106 = arith.constant 912 : index
          %get3A_1107 = tpu.vector_load %arg17[%get3A_1104, %get3A_1105, %get3A_1106] {strides = array<i32>} : memref<2x8x2176xf32, #tpu.memory_space<vmem>>, vector<1x1x16xf32>,
          %get3A_1108 = vector.shape_cast %get3A_1107 : vector<1x1x16xf32> to vector<16xf32>
          %broadcast_in_dim3A_1109 = arith.constant 12 : i32
          %broadcast_in_dim3A_1110 = vector.broadcast %broadcast_in_dim3A_1109 : i32 to vector<16xi32>
          %broadcast_in_dim3A_1111 = vector.shape_cast %broadcast_in_dim3A_1110 : vector<16xi32> to vector<16x1xi32>
          %gather3A_1112 = vector.shape_cast %broadcast_in_dim3A_1111 : vector<16x1xi32> to vector<16xi32>
          %gather3A_1113 = tpu.dynamic_gather %sub3A_194[%gather3A_1112] in [0] : vector<16xf32>, vector<16xi32> -> vector<16xf32>
          %broadcast_in_dim3A_1114 = arith.constant 12 : i32
          %broadcast_in_dim3A_1115 = vector.broadcast %broadcast_in_dim3A_1114 : i32 to vector<16xi32>
          %broadcast_in_dim3A_1116 = vector.shape_cast %broadcast_in_dim3A_1115 : vector<16xi32> to vector<16x1xi32>
          %gather3A_1117 = vector.shape_cast %broadcast_in_dim3A_1116 : vector<16x1xi32> to vector<16xi32>
          %gather3A_1118 = tpu.dynamic_gather %sub3A_195[%gather3A_1117] in [0] : vector<16xf32>, vector<16xi32> -> vector<16xf32>
          %mul3A_1119 = arith.mulf %gather3A_1113, %get3A_1102 : vector<16xf32>
          %add3A_1120 = arith.addf %add3A_1090, %mul3A_1119 : vector<16xf32>
          %mul3A_1121 = arith.mulf %gather3A_1113, %get3A_1108 : vector<16xf32>
          %add3A_1122 = arith.addf %add3A_1092, %mul3A_1121 : vector<16xf32>
          %mul3A_1123 = arith.mulf %gather3A_1118, %get3A_1102 : vector<16xf32>
          %add3A_1124 = arith.addf %add3A_1094, %mul3A_1123 : vector<16xf32>
          %mul3A_1125 = arith.mulf %gather3A_1118, %get3A_1108 : vector<16xf32>
          %add3A_1126 = arith.addf %add3A_1096, %mul3A_1125 : vector<16xf32>
          %get3A_1127 = arith.constant 1 : i32
          %get3A_1128 = arith.index_cast %get3A_1127 : i32 to index
          %get3A_1129 = arith.index_cast %scan3A_158 : i32 to index
          %get3A_1130 = arith.constant 928 : index
          %get3A_1131 = tpu.vector_load %arg17[%get3A_1128, %get3A_1129, %get3A_1130] {strides = array<i32>} : memref<2x8x2176xf32, #tpu.memory_space<vmem>>, vector<1x1x16xf32>,
          %get3A_1132 = vector.shape_cast %get3A_1131 : vector<1x1x16xf32> to vector<16xf32>
          %get3A_1133 = arith.constant 1 : i32
          %get3A_1134 = arith.index_cast %get3A_1133 : i32 to index
          %get3A_1135 = arith.index_cast %scan3A_158 : i32 to index
          %get3A_1136 = arith.constant 944 : index
          %get3A_1137 = tpu.vector_load %arg17[%get3A_1134, %get3A_1135, %get3A_1136] {strides = array<i32>} : memref<2x8x2176xf32, #tpu.memory_space<vmem>>, vector<1x1x16xf32>,
          %get3A_1138 = vector.shape_cast %get3A_1137 : vector<1x1x16xf32> to vector<16xf32>
          %broadcast_in_dim3A_1139 = arith.constant 13 : i32
          %broadcast_in_dim3A_1140 = vector.broadcast %broadcast_in_dim3A_1139 : i32 to vector<16xi32>
          %broadcast_in_dim3A_1141 = vector.shape_cast %broadcast_in_dim3A_1140 : vector<16xi32> to vector<16x1xi32>
          %gather3A_1142 = vector.shape_cast %broadcast_in_dim3A_1141 : vector<16x1xi32> to vector<16xi32>
          %gather3A_1143 = tpu.dynamic_gather %sub3A_194[%gather3A_1142] in [0] : vector<16xf32>, vector<16xi32> -> vector<16xf32>
          %broadcast_in_dim3A_1144 = arith.constant 13 : i32
          %broadcast_in_dim3A_1145 = vector.broadcast %broadcast_in_dim3A_1144 : i32 to vector<16xi32>
          %broadcast_in_dim3A_1146 = vector.shape_cast %broadcast_in_dim3A_1145 : vector<16xi32> to vector<16x1xi32>
          %gather3A_1147 = vector.shape_cast %broadcast_in_dim3A_1146 : vector<16x1xi32> to vector<16xi32>
          %gather3A_1148 = tpu.dynamic_gather %sub3A_195[%gather3A_1147] in [0] : vector<16xf32>, vector<16xi32> -> vector<16xf32>
          %mul3A_1149 = arith.mulf %gather3A_1143, %get3A_1132 : vector<16xf32>
          %add3A_1150 = arith.addf %add3A_1120, %mul3A_1149 : vector<16xf32>
          %mul3A_1151 = arith.mulf %gather3A_1143, %get3A_1138 : vector<16xf32>
          %add3A_1152 = arith.addf %add3A_1122, %mul3A_1151 : vector<16xf32>
          %mul3A_1153 = arith.mulf %gather3A_1148, %get3A_1132 : vector<16xf32>
          %add3A_1154 = arith.addf %add3A_1124, %mul3A_1153 : vector<16xf32>
          %mul3A_1155 = arith.mulf %gather3A_1148, %get3A_1138 : vector<16xf32>
          %add3A_1156 = arith.addf %add3A_1126, %mul3A_1155 : vector<16xf32>
          %get3A_1157 = arith.constant 1 : i32
          %get3A_1158 = arith.index_cast %get3A_1157 : i32 to index
          %get3A_1159 = arith.index_cast %scan3A_158 : i32 to index
          %get3A_1160 = arith.constant 960 : index
          %get3A_1161 = tpu.vector_load %arg17[%get3A_1158, %get3A_1159, %get3A_1160] {strides = array<i32>} : memref<2x8x2176xf32, #tpu.memory_space<vmem>>, vector<1x1x16xf32>,
          %get3A_1162 = vector.shape_cast %get3A_1161 : vector<1x1x16xf32> to vector<16xf32>
          %get3A_1163 = arith.constant 1 : i32
          %get3A_1164 = arith.index_cast %get3A_1163 : i32 to index
          %get3A_1165 = arith.index_cast %scan3A_158 : i32 to index
          %get3A_1166 = arith.constant 976 : index
          %get3A_1167 = tpu.vector_load %arg17[%get3A_1164, %get3A_1165, %get3A_1166] {strides = array<i32>} : memref<2x8x2176xf32, #tpu.memory_space<vmem>>, vector<1x1x16xf32>,
          %get3A_1168 = vector.shape_cast %get3A_1167 : vector<1x1x16xf32> to vector<16xf32>
          %broadcast_in_dim3A_1169 = arith.constant 14 : i32
          %broadcast_in_dim3A_1170 = vector.broadcast %broadcast_in_dim3A_1169 : i32 to vector<16xi32>
          %broadcast_in_dim3A_1171 = vector.shape_cast %broadcast_in_dim3A_1170 : vector<16xi32> to vector<16x1xi32>
          %gather3A_1172 = vector.shape_cast %broadcast_in_dim3A_1171 : vector<16x1xi32> to vector<16xi32>
          %gather3A_1173 = tpu.dynamic_gather %sub3A_194[%gather3A_1172] in [0] : vector<16xf32>, vector<16xi32> -> vector<16xf32>
          %broadcast_in_dim3A_1174 = arith.constant 14 : i32
          %broadcast_in_dim3A_1175 = vector.broadcast %broadcast_in_dim3A_1174 : i32 to vector<16xi32>
          %broadcast_in_dim3A_1176 = vector.shape_cast %broadcast_in_dim3A_1175 : vector<16xi32> to vector<16x1xi32>
          %gather3A_1177 = vector.shape_cast %broadcast_in_dim3A_1176 : vector<16x1xi32> to vector<16xi32>
          %gather3A_1178 = tpu.dynamic_gather %sub3A_195[%gather3A_1177] in [0] : vector<16xf32>, vector<16xi32> -> vector<16xf32>
          %mul3A_1179 = arith.mulf %gather3A_1173, %get3A_1162 : vector<16xf32>
          %add3A_1180 = arith.addf %add3A_1150, %mul3A_1179 : vector<16xf32>
          %mul3A_1181 = arith.mulf %gather3A_1173, %get3A_1168 : vector<16xf32>
          %add3A_1182 = arith.addf %add3A_1152, %mul3A_1181 : vector<16xf32>
          %mul3A_1183 = arith.mulf %gather3A_1178, %get3A_1162 : vector<16xf32>
          %add3A_1184 = arith.addf %add3A_1154, %mul3A_1183 : vector<16xf32>
          %mul3A_1185 = arith.mulf %gather3A_1178, %get3A_1168 : vector<16xf32>
          %add3A_1186 = arith.addf %add3A_1156, %mul3A_1185 : vector<16xf32>
          %get3A_1187 = arith.constant 1 : i32
          %get3A_1188 = arith.index_cast %get3A_1187 : i32 to index
          %get3A_1189 = arith.index_cast %scan3A_158 : i32 to index
          %get3A_1190 = arith.constant 992 : index
          %get3A_1191 = tpu.vector_load %arg17[%get3A_1188, %get3A_1189, %get3A_1190] {strides = array<i32>} : memref<2x8x2176xf32, #tpu.memory_space<vmem>>, vector<1x1x16xf32>,
          %get3A_1192 = vector.shape_cast %get3A_1191 : vector<1x1x16xf32> to vector<16xf32>
          %get3A_1193 = arith.constant 1 : i32
          %get3A_1194 = arith.index_cast %get3A_1193 : i32 to index
          %get3A_1195 = arith.index_cast %scan3A_158 : i32 to index
          %get3A_1196 = arith.constant 1008 : index
          %get3A_1197 = tpu.vector_load %arg17[%get3A_1194, %get3A_1195, %get3A_1196] {strides = array<i32>} : memref<2x8x2176xf32, #tpu.memory_space<vmem>>, vector<1x1x16xf32>,
          %get3A_1198 = vector.shape_cast %get3A_1197 : vector<1x1x16xf32> to vector<16xf32>
          %broadcast_in_dim3A_1199 = arith.constant 15 : i32
          %broadcast_in_dim3A_1200 = vector.broadcast %broadcast_in_dim3A_1199 : i32 to vector<16xi32>
          %broadcast_in_dim3A_1201 = vector.shape_cast %broadcast_in_dim3A_1200 : vector<16xi32> to vector<16x1xi32>
          %gather3A_1202 = vector.shape_cast %broadcast_in_dim3A_1201 : vector<16x1xi32> to vector<16xi32>
          %gather3A_1203 = tpu.dynamic_gather %sub3A_194[%gather3A_1202] in [0] : vector<16xf32>, vector<16xi32> -> vector<16xf32>
          %broadcast_in_dim3A_1204 = arith.constant 15 : i32
          %broadcast_in_dim3A_1205 = vector.broadcast %broadcast_in_dim3A_1204 : i32 to vector<16xi32>
          %broadcast_in_dim3A_1206 = vector.shape_cast %broadcast_in_dim3A_1205 : vector<16xi32> to vector<16x1xi32>
          %gather3A_1207 = vector.shape_cast %broadcast_in_dim3A_1206 : vector<16x1xi32> to vector<16xi32>
          %gather3A_1208 = tpu.dynamic_gather %sub3A_195[%gather3A_1207] in [0] : vector<16xf32>, vector<16xi32> -> vector<16xf32>
          %mul3A_1209 = arith.mulf %gather3A_1203, %get3A_1192 : vector<16xf32>
          %add3A_1210 = arith.addf %add3A_1180, %mul3A_1209 : vector<16xf32>
          %mul3A_1211 = arith.mulf %gather3A_1203, %get3A_1198 : vector<16xf32>
          %add3A_1212 = arith.addf %add3A_1182, %mul3A_1211 : vector<16xf32>
          %mul3A_1213 = arith.mulf %gather3A_1208, %get3A_1192 : vector<16xf32>
          %add3A_1214 = arith.addf %add3A_1184, %mul3A_1213 : vector<16xf32>
          %mul3A_1215 = arith.mulf %gather3A_1208, %get3A_1198 : vector<16xf32>
          %add3A_1216 = arith.addf %add3A_1186, %mul3A_1215 : vector<16xf32>
          %get3A_1217 = arith.constant 1 : i32
          %get3A_1218 = arith.index_cast %get3A_1217 : i32 to index
          %get3A_1219 = arith.index_cast %scan3A_158 : i32 to index
          %get3A_1220 = arith.constant 1024 : index
          %get3A_1221 = tpu.vector_load %arg17[%get3A_1218, %get3A_1219, %get3A_1220] {strides = array<i32>} : memref<2x8x2176xf32, #tpu.memory_space<vmem>>, vector<1x1x16xf32>,
          %get3A_1222 = vector.shape_cast %get3A_1221 : vector<1x1x16xf32> to vector<16xf32>
          %get3A_1223 = arith.constant 1 : i32
          %get3A_1224 = arith.index_cast %get3A_1223 : i32 to index
          %get3A_1225 = arith.index_cast %scan3A_158 : i32 to index
          %get3A_1226 = arith.constant 1040 : index
          %get3A_1227 = tpu.vector_load %arg17[%get3A_1224, %get3A_1225, %get3A_1226] {strides = array<i32>} : memref<2x8x2176xf32, #tpu.memory_space<vmem>>, vector<1x1x16xf32>,
          %get3A_1228 = vector.shape_cast %get3A_1227 : vector<1x1x16xf32> to vector<16xf32>
          %broadcast_in_dim3A_1229 = arith.constant 0 : i32
          %broadcast_in_dim3A_1230 = vector.broadcast %broadcast_in_dim3A_1229 : i32 to vector<16xi32>
          %broadcast_in_dim3A_1231 = vector.shape_cast %broadcast_in_dim3A_1230 : vector<16xi32> to vector<16x1xi32>
          %gather3A_1232 = vector.shape_cast %broadcast_in_dim3A_1231 : vector<16x1xi32> to vector<16xi32>
          %gather3A_1233 = tpu.dynamic_gather %sub3A_214[%gather3A_1232] in [0] : vector<16xf32>, vector<16xi32> -> vector<16xf32>
          %broadcast_in_dim3A_1234 = arith.constant 0 : i32
          %broadcast_in_dim3A_1235 = vector.broadcast %broadcast_in_dim3A_1234 : i32 to vector<16xi32>
          %broadcast_in_dim3A_1236 = vector.shape_cast %broadcast_in_dim3A_1235 : vector<16xi32> to vector<16x1xi32>
          %gather3A_1237 = vector.shape_cast %broadcast_in_dim3A_1236 : vector<16x1xi32> to vector<16xi32>
          %gather3A_1238 = tpu.dynamic_gather %sub3A_215[%gather3A_1237] in [0] : vector<16xf32>, vector<16xi32> -> vector<16xf32>
          %mul3A_1239 = arith.mulf %gather3A_1233, %get3A_1222 : vector<16xf32>
          %add3A_1240 = arith.addf %add3A_1210, %mul3A_1239 : vector<16xf32>
          %mul3A_1241 = arith.mulf %gather3A_1233, %get3A_1228 : vector<16xf32>
          %add3A_1242 = arith.addf %add3A_1212, %mul3A_1241 : vector<16xf32>
          %mul3A_1243 = arith.mulf %gather3A_1238, %get3A_1222 : vector<16xf32>
          %add3A_1244 = arith.addf %add3A_1214, %mul3A_1243 : vector<16xf32>
          %mul3A_1245 = arith.mulf %gather3A_1238, %get3A_1228 : vector<16xf32>
          %add3A_1246 = arith.addf %add3A_1216, %mul3A_1245 : vector<16xf32>
          %get3A_1247 = arith.constant 1 : i32
          %get3A_1248 = arith.index_cast %get3A_1247 : i32 to index
          %get3A_1249 = arith.index_cast %scan3A_158 : i32 to index
          %get3A_1250 = arith.constant 1056 : index
          %get3A_1251 = tpu.vector_load %arg17[%get3A_1248, %get3A_1249, %get3A_1250] {strides = array<i32>} : memref<2x8x2176xf32, #tpu.memory_space<vmem>>, vector<1x1x16xf32>,
          %get3A_1252 = vector.shape_cast %get3A_1251 : vector<1x1x16xf32> to vector<16xf32>
          %get3A_1253 = arith.constant 1 : i32
          %get3A_1254 = arith.index_cast %get3A_1253 : i32 to index
          %get3A_1255 = arith.index_cast %scan3A_158 : i32 to index
          %get3A_1256 = arith.constant 1072 : index
          %get3A_1257 = tpu.vector_load %arg17[%get3A_1254, %get3A_1255, %get3A_1256] {strides = array<i32>} : memref<2x8x2176xf32, #tpu.memory_space<vmem>>, vector<1x1x16xf32>,
          %get3A_1258 = vector.shape_cast %get3A_1257 : vector<1x1x16xf32> to vector<16xf32>
          %broadcast_in_dim3A_1259 = arith.constant 1 : i32
          %broadcast_in_dim3A_1260 = vector.broadcast %broadcast_in_dim3A_1259 : i32 to vector<16xi32>
          %broadcast_in_dim3A_1261 = vector.shape_cast %broadcast_in_dim3A_1260 : vector<16xi32> to vector<16x1xi32>
          %gather3A_1262 = vector.shape_cast %broadcast_in_dim3A_1261 : vector<16x1xi32> to vector<16xi32>
          %gather3A_1263 = tpu.dynamic_gather %sub3A_214[%gather3A_1262] in [0] : vector<16xf32>, vector<16xi32> -> vector<16xf32>
          %broadcast_in_dim3A_1264 = arith.constant 1 : i32
          %broadcast_in_dim3A_1265 = vector.broadcast %broadcast_in_dim3A_1264 : i32 to vector<16xi32>
          %broadcast_in_dim3A_1266 = vector.shape_cast %broadcast_in_dim3A_1265 : vector<16xi32> to vector<16x1xi32>
          %gather3A_1267 = vector.shape_cast %broadcast_in_dim3A_1266 : vector<16x1xi32> to vector<16xi32>
          %gather3A_1268 = tpu.dynamic_gather %sub3A_215[%gather3A_1267] in [0] : vector<16xf32>, vector<16xi32> -> vector<16xf32>
          %mul3A_1269 = arith.mulf %gather3A_1263, %get3A_1252 : vector<16xf32>
          %add3A_1270 = arith.addf %add3A_1240, %mul3A_1269 : vector<16xf32>
          %mul3A_1271 = arith.mulf %gather3A_1263, %get3A_1258 : vector<16xf32>
          %add3A_1272 = arith.addf %add3A_1242, %mul3A_1271 : vector<16xf32>
          %mul3A_1273 = arith.mulf %gather3A_1268, %get3A_1252 : vector<16xf32>
          %add3A_1274 = arith.addf %add3A_1244, %mul3A_1273 : vector<16xf32>
          %mul3A_1275 = arith.mulf %gather3A_1268, %get3A_1258 : vector<16xf32>
          %add3A_1276 = arith.addf %add3A_1246, %mul3A_1275 : vector<16xf32>
          %get3A_1277 = arith.constant 1 : i32
          %get3A_1278 = arith.index_cast %get3A_1277 : i32 to index
          %get3A_1279 = arith.index_cast %scan3A_158 : i32 to index
          %get3A_1280 = arith.constant 1088 : index
          %get3A_1281 = tpu.vector_load %arg17[%get3A_1278, %get3A_1279, %get3A_1280] {strides = array<i32>} : memref<2x8x2176xf32, #tpu.memory_space<vmem>>, vector<1x1x16xf32>,
          %get3A_1282 = vector.shape_cast %get3A_1281 : vector<1x1x16xf32> to vector<16xf32>
          %get3A_1283 = arith.constant 1 : i32
          %get3A_1284 = arith.index_cast %get3A_1283 : i32 to index
          %get3A_1285 = arith.index_cast %scan3A_158 : i32 to index
          %get3A_1286 = arith.constant 1104 : index
          %get3A_1287 = tpu.vector_load %arg17[%get3A_1284, %get3A_1285, %get3A_1286] {strides = array<i32>} : memref<2x8x2176xf32, #tpu.memory_space<vmem>>, vector<1x1x16xf32>,
          %get3A_1288 = vector.shape_cast %get3A_1287 : vector<1x1x16xf32> to vector<16xf32>
          %broadcast_in_dim3A_1289 = arith.constant 2 : i32
          %broadcast_in_dim3A_1290 = vector.broadcast %broadcast_in_dim3A_1289 : i32 to vector<16xi32>
          %broadcast_in_dim3A_1291 = vector.shape_cast %broadcast_in_dim3A_1290 : vector<16xi32> to vector<16x1xi32>
          %gather3A_1292 = vector.shape_cast %broadcast_in_dim3A_1291 : vector<16x1xi32> to vector<16xi32>
          %gather3A_1293 = tpu.dynamic_gather %sub3A_214[%gather3A_1292] in [0] : vector<16xf32>, vector<16xi32> -> vector<16xf32>
          %broadcast_in_dim3A_1294 = arith.constant 2 : i32
          %broadcast_in_dim3A_1295 = vector.broadcast %broadcast_in_dim3A_1294 : i32 to vector<16xi32>
          %broadcast_in_dim3A_1296 = vector.shape_cast %broadcast_in_dim3A_1295 : vector<16xi32> to vector<16x1xi32>
          %gather3A_1297 = vector.shape_cast %broadcast_in_dim3A_1296 : vector<16x1xi32> to vector<16xi32>
          %gather3A_1298 = tpu.dynamic_gather %sub3A_215[%gather3A_1297] in [0] : vector<16xf32>, vector<16xi32> -> vector<16xf32>
          %mul3A_1299 = arith.mulf %gather3A_1293, %get3A_1282 : vector<16xf32>
          %add3A_1300 = arith.addf %add3A_1270, %mul3A_1299 : vector<16xf32>
          %mul3A_1301 = arith.mulf %gather3A_1293, %get3A_1288 : vector<16xf32>
          %add3A_1302 = arith.addf %add3A_1272, %mul3A_1301 : vector<16xf32>
          %mul3A_1303 = arith.mulf %gather3A_1298, %get3A_1282 : vector<16xf32>
          %add3A_1304 = arith.addf %add3A_1274, %mul3A_1303 : vector<16xf32>
          %mul3A_1305 = arith.mulf %gather3A_1298, %get3A_1288 : vector<16xf32>
          %add3A_1306 = arith.addf %add3A_1276, %mul3A_1305 : vector<16xf32>
          %get3A_1307 = arith.constant 1 : i32
          %get3A_1308 = arith.index_cast %get3A_1307 : i32 to index
          %get3A_1309 = arith.index_cast %scan3A_158 : i32 to index
          %get3A_1310 = arith.constant 1120 : index
          %get3A_1311 = tpu.vector_load %arg17[%get3A_1308, %get3A_1309, %get3A_1310] {strides = array<i32>} : memref<2x8x2176xf32, #tpu.memory_space<vmem>>, vector<1x1x16xf32>,
          %get3A_1312 = vector.shape_cast %get3A_1311 : vector<1x1x16xf32> to vector<16xf32>
          %get3A_1313 = arith.constant 1 : i32
          %get3A_1314 = arith.index_cast %get3A_1313 : i32 to index
          %get3A_1315 = arith.index_cast %scan3A_158 : i32 to index
          %get3A_1316 = arith.constant 1136 : index
          %get3A_1317 = tpu.vector_load %arg17[%get3A_1314, %get3A_1315, %get3A_1316] {strides = array<i32>} : memref<2x8x2176xf32, #tpu.memory_space<vmem>>, vector<1x1x16xf32>,
          %get3A_1318 = vector.shape_cast %get3A_1317 : vector<1x1x16xf32> to vector<16xf32>
          %broadcast_in_dim3A_1319 = arith.constant 3 : i32
          %broadcast_in_dim3A_1320 = vector.broadcast %broadcast_in_dim3A_1319 : i32 to vector<16xi32>
          %broadcast_in_dim3A_1321 = vector.shape_cast %broadcast_in_dim3A_1320 : vector<16xi32> to vector<16x1xi32>
          %gather3A_1322 = vector.shape_cast %broadcast_in_dim3A_1321 : vector<16x1xi32> to vector<16xi32>
          %gather3A_1323 = tpu.dynamic_gather %sub3A_214[%gather3A_1322] in [0] : vector<16xf32>, vector<16xi32> -> vector<16xf32>
          %broadcast_in_dim3A_1324 = arith.constant 3 : i32
          %broadcast_in_dim3A_1325 = vector.broadcast %broadcast_in_dim3A_1324 : i32 to vector<16xi32>
          %broadcast_in_dim3A_1326 = vector.shape_cast %broadcast_in_dim3A_1325 : vector<16xi32> to vector<16x1xi32>
          %gather3A_1327 = vector.shape_cast %broadcast_in_dim3A_1326 : vector<16x1xi32> to vector<16xi32>
          %gather3A_1328 = tpu.dynamic_gather %sub3A_215[%gather3A_1327] in [0] : vector<16xf32>, vector<16xi32> -> vector<16xf32>
          %mul3A_1329 = arith.mulf %gather3A_1323, %get3A_1312 : vector<16xf32>
          %add3A_1330 = arith.addf %add3A_1300, %mul3A_1329 : vector<16xf32>
          %mul3A_1331 = arith.mulf %gather3A_1323, %get3A_1318 : vector<16xf32>
          %add3A_1332 = arith.addf %add3A_1302, %mul3A_1331 : vector<16xf32>
          %mul3A_1333 = arith.mulf %gather3A_1328, %get3A_1312 : vector<16xf32>
          %add3A_1334 = arith.addf %add3A_1304, %mul3A_1333 : vector<16xf32>
          %mul3A_1335 = arith.mulf %gather3A_1328, %get3A_1318 : vector<16xf32>
          %add3A_1336 = arith.addf %add3A_1306, %mul3A_1335 : vector<16xf32>
          %get3A_1337 = arith.constant 1 : i32
          %get3A_1338 = arith.index_cast %get3A_1337 : i32 to index
          %get3A_1339 = arith.index_cast %scan3A_158 : i32 to index
          %get3A_1340 = arith.constant 1152 : index
          %get3A_1341 = tpu.vector_load %arg17[%get3A_1338, %get3A_1339, %get3A_1340] {strides = array<i32>} : memref<2x8x2176xf32, #tpu.memory_space<vmem>>, vector<1x1x16xf32>,
          %get3A_1342 = vector.shape_cast %get3A_1341 : vector<1x1x16xf32> to vector<16xf32>
          %get3A_1343 = arith.constant 1 : i32
          %get3A_1344 = arith.index_cast %get3A_1343 : i32 to index
          %get3A_1345 = arith.index_cast %scan3A_158 : i32 to index
          %get3A_1346 = arith.constant 1168 : index
          %get3A_1347 = tpu.vector_load %arg17[%get3A_1344, %get3A_1345, %get3A_1346] {strides = array<i32>} : memref<2x8x2176xf32, #tpu.memory_space<vmem>>, vector<1x1x16xf32>,
          %get3A_1348 = vector.shape_cast %get3A_1347 : vector<1x1x16xf32> to vector<16xf32>
          %broadcast_in_dim3A_1349 = arith.constant 4 : i32
          %broadcast_in_dim3A_1350 = vector.broadcast %broadcast_in_dim3A_1349 : i32 to vector<16xi32>
          %broadcast_in_dim3A_1351 = vector.shape_cast %broadcast_in_dim3A_1350 : vector<16xi32> to vector<16x1xi32>
          %gather3A_1352 = vector.shape_cast %broadcast_in_dim3A_1351 : vector<16x1xi32> to vector<16xi32>
          %gather3A_1353 = tpu.dynamic_gather %sub3A_214[%gather3A_1352] in [0] : vector<16xf32>, vector<16xi32> -> vector<16xf32>
          %broadcast_in_dim3A_1354 = arith.constant 4 : i32
          %broadcast_in_dim3A_1355 = vector.broadcast %broadcast_in_dim3A_1354 : i32 to vector<16xi32>
          %broadcast_in_dim3A_1356 = vector.shape_cast %broadcast_in_dim3A_1355 : vector<16xi32> to vector<16x1xi32>
          %gather3A_1357 = vector.shape_cast %broadcast_in_dim3A_1356 : vector<16x1xi32> to vector<16xi32>
          %gather3A_1358 = tpu.dynamic_gather %sub3A_215[%gather3A_1357] in [0] : vector<16xf32>, vector<16xi32> -> vector<16xf32>
          %mul3A_1359 = arith.mulf %gather3A_1353, %get3A_1342 : vector<16xf32>
          %add3A_1360 = arith.addf %add3A_1330, %mul3A_1359 : vector<16xf32>
          %mul3A_1361 = arith.mulf %gather3A_1353, %get3A_1348 : vector<16xf32>
          %add3A_1362 = arith.addf %add3A_1332, %mul3A_1361 : vector<16xf32>
          %mul3A_1363 = arith.mulf %gather3A_1358, %get3A_1342 : vector<16xf32>
          %add3A_1364 = arith.addf %add3A_1334, %mul3A_1363 : vector<16xf32>
          %mul3A_1365 = arith.mulf %gather3A_1358, %get3A_1348 : vector<16xf32>
          %add3A_1366 = arith.addf %add3A_1336, %mul3A_1365 : vector<16xf32>
          %get3A_1367 = arith.constant 1 : i32
          %get3A_1368 = arith.index_cast %get3A_1367 : i32 to index
          %get3A_1369 = arith.index_cast %scan3A_158 : i32 to index
          %get3A_1370 = arith.constant 1184 : index
          %get3A_1371 = tpu.vector_load %arg17[%get3A_1368, %get3A_1369, %get3A_1370] {strides = array<i32>} : memref<2x8x2176xf32, #tpu.memory_space<vmem>>, vector<1x1x16xf32>,
          %get3A_1372 = vector.shape_cast %get3A_1371 : vector<1x1x16xf32> to vector<16xf32>
          %get3A_1373 = arith.constant 1 : i32
          %get3A_1374 = arith.index_cast %get3A_1373 : i32 to index
          %get3A_1375 = arith.index_cast %scan3A_158 : i32 to index
          %get3A_1376 = arith.constant 1200 : index
          %get3A_1377 = tpu.vector_load %arg17[%get3A_1374, %get3A_1375, %get3A_1376] {strides = array<i32>} : memref<2x8x2176xf32, #tpu.memory_space<vmem>>, vector<1x1x16xf32>,
          %get3A_1378 = vector.shape_cast %get3A_1377 : vector<1x1x16xf32> to vector<16xf32>
          %broadcast_in_dim3A_1379 = arith.constant 5 : i32
          %broadcast_in_dim3A_1380 = vector.broadcast %broadcast_in_dim3A_1379 : i32 to vector<16xi32>
          %broadcast_in_dim3A_1381 = vector.shape_cast %broadcast_in_dim3A_1380 : vector<16xi32> to vector<16x1xi32>
          %gather3A_1382 = vector.shape_cast %broadcast_in_dim3A_1381 : vector<16x1xi32> to vector<16xi32>
          %gather3A_1383 = tpu.dynamic_gather %sub3A_214[%gather3A_1382] in [0] : vector<16xf32>, vector<16xi32> -> vector<16xf32>
          %broadcast_in_dim3A_1384 = arith.constant 5 : i32
          %broadcast_in_dim3A_1385 = vector.broadcast %broadcast_in_dim3A_1384 : i32 to vector<16xi32>
          %broadcast_in_dim3A_1386 = vector.shape_cast %broadcast_in_dim3A_1385 : vector<16xi32> to vector<16x1xi32>
          %gather3A_1387 = vector.shape_cast %broadcast_in_dim3A_1386 : vector<16x1xi32> to vector<16xi32>
          %gather3A_1388 = tpu.dynamic_gather %sub3A_215[%gather3A_1387] in [0] : vector<16xf32>, vector<16xi32> -> vector<16xf32>
          %mul3A_1389 = arith.mulf %gather3A_1383, %get3A_1372 : vector<16xf32>
          %add3A_1390 = arith.addf %add3A_1360, %mul3A_1389 : vector<16xf32>
          %mul3A_1391 = arith.mulf %gather3A_1383, %get3A_1378 : vector<16xf32>
          %add3A_1392 = arith.addf %add3A_1362, %mul3A_1391 : vector<16xf32>
          %mul3A_1393 = arith.mulf %gather3A_1388, %get3A_1372 : vector<16xf32>
          %add3A_1394 = arith.addf %add3A_1364, %mul3A_1393 : vector<16xf32>
          %mul3A_1395 = arith.mulf %gather3A_1388, %get3A_1378 : vector<16xf32>
          %add3A_1396 = arith.addf %add3A_1366, %mul3A_1395 : vector<16xf32>
          %get3A_1397 = arith.constant 1 : i32
          %get3A_1398 = arith.index_cast %get3A_1397 : i32 to index
          %get3A_1399 = arith.index_cast %scan3A_158 : i32 to index
          %get3A_1400 = arith.constant 1216 : index
          %get3A_1401 = tpu.vector_load %arg17[%get3A_1398, %get3A_1399, %get3A_1400] {strides = array<i32>} : memref<2x8x2176xf32, #tpu.memory_space<vmem>>, vector<1x1x16xf32>,
          %get3A_1402 = vector.shape_cast %get3A_1401 : vector<1x1x16xf32> to vector<16xf32>
          %get3A_1403 = arith.constant 1 : i32
          %get3A_1404 = arith.index_cast %get3A_1403 : i32 to index
          %get3A_1405 = arith.index_cast %scan3A_158 : i32 to index
          %get3A_1406 = arith.constant 1232 : index
          %get3A_1407 = tpu.vector_load %arg17[%get3A_1404, %get3A_1405, %get3A_1406] {strides = array<i32>} : memref<2x8x2176xf32, #tpu.memory_space<vmem>>, vector<1x1x16xf32>,
          %get3A_1408 = vector.shape_cast %get3A_1407 : vector<1x1x16xf32> to vector<16xf32>
          %broadcast_in_dim3A_1409 = arith.constant 6 : i32
          %broadcast_in_dim3A_1410 = vector.broadcast %broadcast_in_dim3A_1409 : i32 to vector<16xi32>
          %broadcast_in_dim3A_1411 = vector.shape_cast %broadcast_in_dim3A_1410 : vector<16xi32> to vector<16x1xi32>
          %gather3A_1412 = vector.shape_cast %broadcast_in_dim3A_1411 : vector<16x1xi32> to vector<16xi32>
          %gather3A_1413 = tpu.dynamic_gather %sub3A_214[%gather3A_1412] in [0] : vector<16xf32>, vector<16xi32> -> vector<16xf32>
          %broadcast_in_dim3A_1414 = arith.constant 6 : i32
          %broadcast_in_dim3A_1415 = vector.broadcast %broadcast_in_dim3A_1414 : i32 to vector<16xi32>
          %broadcast_in_dim3A_1416 = vector.shape_cast %broadcast_in_dim3A_1415 : vector<16xi32> to vector<16x1xi32>
          %gather3A_1417 = vector.shape_cast %broadcast_in_dim3A_1416 : vector<16x1xi32> to vector<16xi32>
          %gather3A_1418 = tpu.dynamic_gather %sub3A_215[%gather3A_1417] in [0] : vector<16xf32>, vector<16xi32> -> vector<16xf32>
          %mul3A_1419 = arith.mulf %gather3A_1413, %get3A_1402 : vector<16xf32>
          %add3A_1420 = arith.addf %add3A_1390, %mul3A_1419 : vector<16xf32>
          %mul3A_1421 = arith.mulf %gather3A_1413, %get3A_1408 : vector<16xf32>
          %add3A_1422 = arith.addf %add3A_1392, %mul3A_1421 : vector<16xf32>
          %mul3A_1423 = arith.mulf %gather3A_1418, %get3A_1402 : vector<16xf32>
          %add3A_1424 = arith.addf %add3A_1394, %mul3A_1423 : vector<16xf32>
          %mul3A_1425 = arith.mulf %gather3A_1418, %get3A_1408 : vector<16xf32>
          %add3A_1426 = arith.addf %add3A_1396, %mul3A_1425 : vector<16xf32>
          %get3A_1427 = arith.constant 1 : i32
          %get3A_1428 = arith.index_cast %get3A_1427 : i32 to index
          %get3A_1429 = arith.index_cast %scan3A_158 : i32 to index
          %get3A_1430 = arith.constant 1248 : index
          %get3A_1431 = tpu.vector_load %arg17[%get3A_1428, %get3A_1429, %get3A_1430] {strides = array<i32>} : memref<2x8x2176xf32, #tpu.memory_space<vmem>>, vector<1x1x16xf32>,
          %get3A_1432 = vector.shape_cast %get3A_1431 : vector<1x1x16xf32> to vector<16xf32>
          %get3A_1433 = arith.constant 1 : i32
          %get3A_1434 = arith.index_cast %get3A_1433 : i32 to index
          %get3A_1435 = arith.index_cast %scan3A_158 : i32 to index
          %get3A_1436 = arith.constant 1264 : index
          %get3A_1437 = tpu.vector_load %arg17[%get3A_1434, %get3A_1435, %get3A_1436] {strides = array<i32>} : memref<2x8x2176xf32, #tpu.memory_space<vmem>>, vector<1x1x16xf32>,
          %get3A_1438 = vector.shape_cast %get3A_1437 : vector<1x1x16xf32> to vector<16xf32>
          %broadcast_in_dim3A_1439 = arith.constant 7 : i32
          %broadcast_in_dim3A_1440 = vector.broadcast %broadcast_in_dim3A_1439 : i32 to vector<16xi32>
          %broadcast_in_dim3A_1441 = vector.shape_cast %broadcast_in_dim3A_1440 : vector<16xi32> to vector<16x1xi32>
          %gather3A_1442 = vector.shape_cast %broadcast_in_dim3A_1441 : vector<16x1xi32> to vector<16xi32>
          %gather3A_1443 = tpu.dynamic_gather %sub3A_214[%gather3A_1442] in [0] : vector<16xf32>, vector<16xi32> -> vector<16xf32>
          %broadcast_in_dim3A_1444 = arith.constant 7 : i32
          %broadcast_in_dim3A_1445 = vector.broadcast %broadcast_in_dim3A_1444 : i32 to vector<16xi32>
          %broadcast_in_dim3A_1446 = vector.shape_cast %broadcast_in_dim3A_1445 : vector<16xi32> to vector<16x1xi32>
          %gather3A_1447 = vector.shape_cast %broadcast_in_dim3A_1446 : vector<16x1xi32> to vector<16xi32>
          %gather3A_1448 = tpu.dynamic_gather %sub3A_215[%gather3A_1447] in [0] : vector<16xf32>, vector<16xi32> -> vector<16xf32>
          %mul3A_1449 = arith.mulf %gather3A_1443, %get3A_1432 : vector<16xf32>
          %add3A_1450 = arith.addf %add3A_1420, %mul3A_1449 : vector<16xf32>
          %mul3A_1451 = arith.mulf %gather3A_1443, %get3A_1438 : vector<16xf32>
          %add3A_1452 = arith.addf %add3A_1422, %mul3A_1451 : vector<16xf32>
          %mul3A_1453 = arith.mulf %gather3A_1448, %get3A_1432 : vector<16xf32>
          %add3A_1454 = arith.addf %add3A_1424, %mul3A_1453 : vector<16xf32>
          %mul3A_1455 = arith.mulf %gather3A_1448, %get3A_1438 : vector<16xf32>
          %add3A_1456 = arith.addf %add3A_1426, %mul3A_1455 : vector<16xf32>
          %get3A_1457 = arith.constant 1 : i32
          %get3A_1458 = arith.index_cast %get3A_1457 : i32 to index
          %get3A_1459 = arith.index_cast %scan3A_158 : i32 to index
          %get3A_1460 = arith.constant 1280 : index
          %get3A_1461 = tpu.vector_load %arg17[%get3A_1458, %get3A_1459, %get3A_1460] {strides = array<i32>} : memref<2x8x2176xf32, #tpu.memory_space<vmem>>, vector<1x1x16xf32>,
          %get3A_1462 = vector.shape_cast %get3A_1461 : vector<1x1x16xf32> to vector<16xf32>
          %get3A_1463 = arith.constant 1 : i32
          %get3A_1464 = arith.index_cast %get3A_1463 : i32 to index
          %get3A_1465 = arith.index_cast %scan3A_158 : i32 to index
          %get3A_1466 = arith.constant 1296 : index
          %get3A_1467 = tpu.vector_load %arg17[%get3A_1464, %get3A_1465, %get3A_1466] {strides = array<i32>} : memref<2x8x2176xf32, #tpu.memory_space<vmem>>, vector<1x1x16xf32>,
          %get3A_1468 = vector.shape_cast %get3A_1467 : vector<1x1x16xf32> to vector<16xf32>
          %broadcast_in_dim3A_1469 = arith.constant 8 : i32
          %broadcast_in_dim3A_1470 = vector.broadcast %broadcast_in_dim3A_1469 : i32 to vector<16xi32>
          %broadcast_in_dim3A_1471 = vector.shape_cast %broadcast_in_dim3A_1470 : vector<16xi32> to vector<16x1xi32>
          %gather3A_1472 = vector.shape_cast %broadcast_in_dim3A_1471 : vector<16x1xi32> to vector<16xi32>
          %gather3A_1473 = tpu.dynamic_gather %sub3A_214[%gather3A_1472] in [0] : vector<16xf32>, vector<16xi32> -> vector<16xf32>
          %broadcast_in_dim3A_1474 = arith.constant 8 : i32
          %broadcast_in_dim3A_1475 = vector.broadcast %broadcast_in_dim3A_1474 : i32 to vector<16xi32>
          %broadcast_in_dim3A_1476 = vector.shape_cast %broadcast_in_dim3A_1475 : vector<16xi32> to vector<16x1xi32>
          %gather3A_1477 = vector.shape_cast %broadcast_in_dim3A_1476 : vector<16x1xi32> to vector<16xi32>
          %gather3A_1478 = tpu.dynamic_gather %sub3A_215[%gather3A_1477] in [0] : vector<16xf32>, vector<16xi32> -> vector<16xf32>
          %mul3A_1479 = arith.mulf %gather3A_1473, %get3A_1462 : vector<16xf32>
          %add3A_1480 = arith.addf %add3A_1450, %mul3A_1479 : vector<16xf32>
          %mul3A_1481 = arith.mulf %gather3A_1473, %get3A_1468 : vector<16xf32>
          %add3A_1482 = arith.addf %add3A_1452, %mul3A_1481 : vector<16xf32>
          %mul3A_1483 = arith.mulf %gather3A_1478, %get3A_1462 : vector<16xf32>
          %add3A_1484 = arith.addf %add3A_1454, %mul3A_1483 : vector<16xf32>
          %mul3A_1485 = arith.mulf %gather3A_1478, %get3A_1468 : vector<16xf32>
          %add3A_1486 = arith.addf %add3A_1456, %mul3A_1485 : vector<16xf32>
          %get3A_1487 = arith.constant 1 : i32
          %get3A_1488 = arith.index_cast %get3A_1487 : i32 to index
          %get3A_1489 = arith.index_cast %scan3A_158 : i32 to index
          %get3A_1490 = arith.constant 1312 : index
          %get3A_1491 = tpu.vector_load %arg17[%get3A_1488, %get3A_1489, %get3A_1490] {strides = array<i32>} : memref<2x8x2176xf32, #tpu.memory_space<vmem>>, vector<1x1x16xf32>,
          %get3A_1492 = vector.shape_cast %get3A_1491 : vector<1x1x16xf32> to vector<16xf32>
          %get3A_1493 = arith.constant 1 : i32
          %get3A_1494 = arith.index_cast %get3A_1493 : i32 to index
          %get3A_1495 = arith.index_cast %scan3A_158 : i32 to index
          %get3A_1496 = arith.constant 1328 : index
          %get3A_1497 = tpu.vector_load %arg17[%get3A_1494, %get3A_1495, %get3A_1496] {strides = array<i32>} : memref<2x8x2176xf32, #tpu.memory_space<vmem>>, vector<1x1x16xf32>,
          %get3A_1498 = vector.shape_cast %get3A_1497 : vector<1x1x16xf32> to vector<16xf32>
          %broadcast_in_dim3A_1499 = arith.constant 9 : i32
          %broadcast_in_dim3A_1500 = vector.broadcast %broadcast_in_dim3A_1499 : i32 to vector<16xi32>
          %broadcast_in_dim3A_1501 = vector.shape_cast %broadcast_in_dim3A_1500 : vector<16xi32> to vector<16x1xi32>
          %gather3A_1502 = vector.shape_cast %broadcast_in_dim3A_1501 : vector<16x1xi32> to vector<16xi32>
          %gather3A_1503 = tpu.dynamic_gather %sub3A_214[%gather3A_1502] in [0] : vector<16xf32>, vector<16xi32> -> vector<16xf32>
          %broadcast_in_dim3A_1504 = arith.constant 9 : i32
          %broadcast_in_dim3A_1505 = vector.broadcast %broadcast_in_dim3A_1504 : i32 to vector<16xi32>
          %broadcast_in_dim3A_1506 = vector.shape_cast %broadcast_in_dim3A_1505 : vector<16xi32> to vector<16x1xi32>
          %gather3A_1507 = vector.shape_cast %broadcast_in_dim3A_1506 : vector<16x1xi32> to vector<16xi32>
          %gather3A_1508 = tpu.dynamic_gather %sub3A_215[%gather3A_1507] in [0] : vector<16xf32>, vector<16xi32> -> vector<16xf32>
          %mul3A_1509 = arith.mulf %gather3A_1503, %get3A_1492 : vector<16xf32>
          %add3A_1510 = arith.addf %add3A_1480, %mul3A_1509 : vector<16xf32>
          %mul3A_1511 = arith.mulf %gather3A_1503, %get3A_1498 : vector<16xf32>
          %add3A_1512 = arith.addf %add3A_1482, %mul3A_1511 : vector<16xf32>
          %mul3A_1513 = arith.mulf %gather3A_1508, %get3A_1492 : vector<16xf32>
          %add3A_1514 = arith.addf %add3A_1484, %mul3A_1513 : vector<16xf32>
          %mul3A_1515 = arith.mulf %gather3A_1508, %get3A_1498 : vector<16xf32>
          %add3A_1516 = arith.addf %add3A_1486, %mul3A_1515 : vector<16xf32>
          %get3A_1517 = arith.constant 1 : i32
          %get3A_1518 = arith.index_cast %get3A_1517 : i32 to index
          %get3A_1519 = arith.index_cast %scan3A_158 : i32 to index
          %get3A_1520 = arith.constant 1344 : index
          %get3A_1521 = tpu.vector_load %arg17[%get3A_1518, %get3A_1519, %get3A_1520] {strides = array<i32>} : memref<2x8x2176xf32, #tpu.memory_space<vmem>>, vector<1x1x16xf32>,
          %get3A_1522 = vector.shape_cast %get3A_1521 : vector<1x1x16xf32> to vector<16xf32>
          %get3A_1523 = arith.constant 1 : i32
          %get3A_1524 = arith.index_cast %get3A_1523 : i32 to index
          %get3A_1525 = arith.index_cast %scan3A_158 : i32 to index
          %get3A_1526 = arith.constant 1360 : index
          %get3A_1527 = tpu.vector_load %arg17[%get3A_1524, %get3A_1525, %get3A_1526] {strides = array<i32>} : memref<2x8x2176xf32, #tpu.memory_space<vmem>>, vector<1x1x16xf32>,
          %get3A_1528 = vector.shape_cast %get3A_1527 : vector<1x1x16xf32> to vector<16xf32>
          %broadcast_in_dim3A_1529 = arith.constant 10 : i32
          %broadcast_in_dim3A_1530 = vector.broadcast %broadcast_in_dim3A_1529 : i32 to vector<16xi32>
          %broadcast_in_dim3A_1531 = vector.shape_cast %broadcast_in_dim3A_1530 : vector<16xi32> to vector<16x1xi32>
          %gather3A_1532 = vector.shape_cast %broadcast_in_dim3A_1531 : vector<16x1xi32> to vector<16xi32>
          %gather3A_1533 = tpu.dynamic_gather %sub3A_214[%gather3A_1532] in [0] : vector<16xf32>, vector<16xi32> -> vector<16xf32>
          %broadcast_in_dim3A_1534 = arith.constant 10 : i32
          %broadcast_in_dim3A_1535 = vector.broadcast %broadcast_in_dim3A_1534 : i32 to vector<16xi32>
          %broadcast_in_dim3A_1536 = vector.shape_cast %broadcast_in_dim3A_1535 : vector<16xi32> to vector<16x1xi32>
          %gather3A_1537 = vector.shape_cast %broadcast_in_dim3A_1536 : vector<16x1xi32> to vector<16xi32>
          %gather3A_1538 = tpu.dynamic_gather %sub3A_215[%gather3A_1537] in [0] : vector<16xf32>, vector<16xi32> -> vector<16xf32>
          %mul3A_1539 = arith.mulf %gather3A_1533, %get3A_1522 : vector<16xf32>
          %add3A_1540 = arith.addf %add3A_1510, %mul3A_1539 : vector<16xf32>
          %mul3A_1541 = arith.mulf %gather3A_1533, %get3A_1528 : vector<16xf32>
          %add3A_1542 = arith.addf %add3A_1512, %mul3A_1541 : vector<16xf32>
          %mul3A_1543 = arith.mulf %gather3A_1538, %get3A_1522 : vector<16xf32>
          %add3A_1544 = arith.addf %add3A_1514, %mul3A_1543 : vector<16xf32>
          %mul3A_1545 = arith.mulf %gather3A_1538, %get3A_1528 : vector<16xf32>
          %add3A_1546 = arith.addf %add3A_1516, %mul3A_1545 : vector<16xf32>
          %get3A_1547 = arith.constant 1 : i32
          %get3A_1548 = arith.index_cast %get3A_1547 : i32 to index
          %get3A_1549 = arith.index_cast %scan3A_158 : i32 to index
          %get3A_1550 = arith.constant 1376 : index
          %get3A_1551 = tpu.vector_load %arg17[%get3A_1548, %get3A_1549, %get3A_1550] {strides = array<i32>} : memref<2x8x2176xf32, #tpu.memory_space<vmem>>, vector<1x1x16xf32>,
          %get3A_1552 = vector.shape_cast %get3A_1551 : vector<1x1x16xf32> to vector<16xf32>
          %get3A_1553 = arith.constant 1 : i32
          %get3A_1554 = arith.index_cast %get3A_1553 : i32 to index
          %get3A_1555 = arith.index_cast %scan3A_158 : i32 to index
          %get3A_1556 = arith.constant 1392 : index
          %get3A_1557 = tpu.vector_load %arg17[%get3A_1554, %get3A_1555, %get3A_1556] {strides = array<i32>} : memref<2x8x2176xf32, #tpu.memory_space<vmem>>, vector<1x1x16xf32>,
          %get3A_1558 = vector.shape_cast %get3A_1557 : vector<1x1x16xf32> to vector<16xf32>
          %broadcast_in_dim3A_1559 = arith.constant 11 : i32
          %broadcast_in_dim3A_1560 = vector.broadcast %broadcast_in_dim3A_1559 : i32 to vector<16xi32>
          %broadcast_in_dim3A_1561 = vector.shape_cast %broadcast_in_dim3A_1560 : vector<16xi32> to vector<16x1xi32>
          %gather3A_1562 = vector.shape_cast %broadcast_in_dim3A_1561 : vector<16x1xi32> to vector<16xi32>
          %gather3A_1563 = tpu.dynamic_gather %sub3A_214[%gather3A_1562] in [0] : vector<16xf32>, vector<16xi32> -> vector<16xf32>
          %broadcast_in_dim3A_1564 = arith.constant 11 : i32
          %broadcast_in_dim3A_1565 = vector.broadcast %broadcast_in_dim3A_1564 : i32 to vector<16xi32>
          %broadcast_in_dim3A_1566 = vector.shape_cast %broadcast_in_dim3A_1565 : vector<16xi32> to vector<16x1xi32>
          %gather3A_1567 = vector.shape_cast %broadcast_in_dim3A_1566 : vector<16x1xi32> to vector<16xi32>
          %gather3A_1568 = tpu.dynamic_gather %sub3A_215[%gather3A_1567] in [0] : vector<16xf32>, vector<16xi32> -> vector<16xf32>
          %mul3A_1569 = arith.mulf %gather3A_1563, %get3A_1552 : vector<16xf32>
          %add3A_1570 = arith.addf %add3A_1540, %mul3A_1569 : vector<16xf32>
          %mul3A_1571 = arith.mulf %gather3A_1563, %get3A_1558 : vector<16xf32>
          %add3A_1572 = arith.addf %add3A_1542, %mul3A_1571 : vector<16xf32>
          %mul3A_1573 = arith.mulf %gather3A_1568, %get3A_1552 : vector<16xf32>
          %add3A_1574 = arith.addf %add3A_1544, %mul3A_1573 : vector<16xf32>
          %mul3A_1575 = arith.mulf %gather3A_1568, %get3A_1558 : vector<16xf32>
          %add3A_1576 = arith.addf %add3A_1546, %mul3A_1575 : vector<16xf32>
          %get3A_1577 = arith.constant 1 : i32
          %get3A_1578 = arith.index_cast %get3A_1577 : i32 to index
          %get3A_1579 = arith.index_cast %scan3A_158 : i32 to index
          %get3A_1580 = arith.constant 1408 : index
          %get3A_1581 = tpu.vector_load %arg17[%get3A_1578, %get3A_1579, %get3A_1580] {strides = array<i32>} : memref<2x8x2176xf32, #tpu.memory_space<vmem>>, vector<1x1x16xf32>,
          %get3A_1582 = vector.shape_cast %get3A_1581 : vector<1x1x16xf32> to vector<16xf32>
          %get3A_1583 = arith.constant 1 : i32
          %get3A_1584 = arith.index_cast %get3A_1583 : i32 to index
          %get3A_1585 = arith.index_cast %scan3A_158 : i32 to index
          %get3A_1586 = arith.constant 1424 : index
          %get3A_1587 = tpu.vector_load %arg17[%get3A_1584, %get3A_1585, %get3A_1586] {strides = array<i32>} : memref<2x8x2176xf32, #tpu.memory_space<vmem>>, vector<1x1x16xf32>,
          %get3A_1588 = vector.shape_cast %get3A_1587 : vector<1x1x16xf32> to vector<16xf32>
          %broadcast_in_dim3A_1589 = arith.constant 12 : i32
          %broadcast_in_dim3A_1590 = vector.broadcast %broadcast_in_dim3A_1589 : i32 to vector<16xi32>
          %broadcast_in_dim3A_1591 = vector.shape_cast %broadcast_in_dim3A_1590 : vector<16xi32> to vector<16x1xi32>
          %gather3A_1592 = vector.shape_cast %broadcast_in_dim3A_1591 : vector<16x1xi32> to vector<16xi32>
          %gather3A_1593 = tpu.dynamic_gather %sub3A_214[%gather3A_1592] in [0] : vector<16xf32>, vector<16xi32> -> vector<16xf32>
          %broadcast_in_dim3A_1594 = arith.constant 12 : i32
          %broadcast_in_dim3A_1595 = vector.broadcast %broadcast_in_dim3A_1594 : i32 to vector<16xi32>
          %broadcast_in_dim3A_1596 = vector.shape_cast %broadcast_in_dim3A_1595 : vector<16xi32> to vector<16x1xi32>
          %gather3A_1597 = vector.shape_cast %broadcast_in_dim3A_1596 : vector<16x1xi32> to vector<16xi32>
          %gather3A_1598 = tpu.dynamic_gather %sub3A_215[%gather3A_1597] in [0] : vector<16xf32>, vector<16xi32> -> vector<16xf32>
          %mul3A_1599 = arith.mulf %gather3A_1593, %get3A_1582 : vector<16xf32>
          %add3A_1600 = arith.addf %add3A_1570, %mul3A_1599 : vector<16xf32>
          %mul3A_1601 = arith.mulf %gather3A_1593, %get3A_1588 : vector<16xf32>
          %add3A_1602 = arith.addf %add3A_1572, %mul3A_1601 : vector<16xf32>
          %mul3A_1603 = arith.mulf %gather3A_1598, %get3A_1582 : vector<16xf32>
          %add3A_1604 = arith.addf %add3A_1574, %mul3A_1603 : vector<16xf32>
          %mul3A_1605 = arith.mulf %gather3A_1598, %get3A_1588 : vector<16xf32>
          %add3A_1606 = arith.addf %add3A_1576, %mul3A_1605 : vector<16xf32>
          %get3A_1607 = arith.constant 1 : i32
          %get3A_1608 = arith.index_cast %get3A_1607 : i32 to index
          %get3A_1609 = arith.index_cast %scan3A_158 : i32 to index
          %get3A_1610 = arith.constant 1440 : index
          %get3A_1611 = tpu.vector_load %arg17[%get3A_1608, %get3A_1609, %get3A_1610] {strides = array<i32>} : memref<2x8x2176xf32, #tpu.memory_space<vmem>>, vector<1x1x16xf32>,
          %get3A_1612 = vector.shape_cast %get3A_1611 : vector<1x1x16xf32> to vector<16xf32>
          %get3A_1613 = arith.constant 1 : i32
          %get3A_1614 = arith.index_cast %get3A_1613 : i32 to index
          %get3A_1615 = arith.index_cast %scan3A_158 : i32 to index
          %get3A_1616 = arith.constant 1456 : index
          %get3A_1617 = tpu.vector_load %arg17[%get3A_1614, %get3A_1615, %get3A_1616] {strides = array<i32>} : memref<2x8x2176xf32, #tpu.memory_space<vmem>>, vector<1x1x16xf32>,
          %get3A_1618 = vector.shape_cast %get3A_1617 : vector<1x1x16xf32> to vector<16xf32>
          %broadcast_in_dim3A_1619 = arith.constant 13 : i32
          %broadcast_in_dim3A_1620 = vector.broadcast %broadcast_in_dim3A_1619 : i32 to vector<16xi32>
          %broadcast_in_dim3A_1621 = vector.shape_cast %broadcast_in_dim3A_1620 : vector<16xi32> to vector<16x1xi32>
          %gather3A_1622 = vector.shape_cast %broadcast_in_dim3A_1621 : vector<16x1xi32> to vector<16xi32>
          %gather3A_1623 = tpu.dynamic_gather %sub3A_214[%gather3A_1622] in [0] : vector<16xf32>, vector<16xi32> -> vector<16xf32>
          %broadcast_in_dim3A_1624 = arith.constant 13 : i32
          %broadcast_in_dim3A_1625 = vector.broadcast %broadcast_in_dim3A_1624 : i32 to vector<16xi32>
          %broadcast_in_dim3A_1626 = vector.shape_cast %broadcast_in_dim3A_1625 : vector<16xi32> to vector<16x1xi32>
          %gather3A_1627 = vector.shape_cast %broadcast_in_dim3A_1626 : vector<16x1xi32> to vector<16xi32>
          %gather3A_1628 = tpu.dynamic_gather %sub3A_215[%gather3A_1627] in [0] : vector<16xf32>, vector<16xi32> -> vector<16xf32>
          %mul3A_1629 = arith.mulf %gather3A_1623, %get3A_1612 : vector<16xf32>
          %add3A_1630 = arith.addf %add3A_1600, %mul3A_1629 : vector<16xf32>
          %mul3A_1631 = arith.mulf %gather3A_1623, %get3A_1618 : vector<16xf32>
          %add3A_1632 = arith.addf %add3A_1602, %mul3A_1631 : vector<16xf32>
          %mul3A_1633 = arith.mulf %gather3A_1628, %get3A_1612 : vector<16xf32>
          %add3A_1634 = arith.addf %add3A_1604, %mul3A_1633 : vector<16xf32>
          %mul3A_1635 = arith.mulf %gather3A_1628, %get3A_1618 : vector<16xf32>
          %add3A_1636 = arith.addf %add3A_1606, %mul3A_1635 : vector<16xf32>
          %get3A_1637 = arith.constant 1 : i32
          %get3A_1638 = arith.index_cast %get3A_1637 : i32 to index
          %get3A_1639 = arith.index_cast %scan3A_158 : i32 to index
          %get3A_1640 = arith.constant 1472 : index
          %get3A_1641 = tpu.vector_load %arg17[%get3A_1638, %get3A_1639, %get3A_1640] {strides = array<i32>} : memref<2x8x2176xf32, #tpu.memory_space<vmem>>, vector<1x1x16xf32>,
          %get3A_1642 = vector.shape_cast %get3A_1641 : vector<1x1x16xf32> to vector<16xf32>
          %get3A_1643 = arith.constant 1 : i32
          %get3A_1644 = arith.index_cast %get3A_1643 : i32 to index
          %get3A_1645 = arith.index_cast %scan3A_158 : i32 to index
          %get3A_1646 = arith.constant 1488 : index
          %get3A_1647 = tpu.vector_load %arg17[%get3A_1644, %get3A_1645, %get3A_1646] {strides = array<i32>} : memref<2x8x2176xf32, #tpu.memory_space<vmem>>, vector<1x1x16xf32>,
          %get3A_1648 = vector.shape_cast %get3A_1647 : vector<1x1x16xf32> to vector<16xf32>
          %broadcast_in_dim3A_1649 = arith.constant 14 : i32
          %broadcast_in_dim3A_1650 = vector.broadcast %broadcast_in_dim3A_1649 : i32 to vector<16xi32>
          %broadcast_in_dim3A_1651 = vector.shape_cast %broadcast_in_dim3A_1650 : vector<16xi32> to vector<16x1xi32>
          %gather3A_1652 = vector.shape_cast %broadcast_in_dim3A_1651 : vector<16x1xi32> to vector<16xi32>
          %gather3A_1653 = tpu.dynamic_gather %sub3A_214[%gather3A_1652] in [0] : vector<16xf32>, vector<16xi32> -> vector<16xf32>
          %broadcast_in_dim3A_1654 = arith.constant 14 : i32
          %broadcast_in_dim3A_1655 = vector.broadcast %broadcast_in_dim3A_1654 : i32 to vector<16xi32>
          %broadcast_in_dim3A_1656 = vector.shape_cast %broadcast_in_dim3A_1655 : vector<16xi32> to vector<16x1xi32>
          %gather3A_1657 = vector.shape_cast %broadcast_in_dim3A_1656 : vector<16x1xi32> to vector<16xi32>
          %gather3A_1658 = tpu.dynamic_gather %sub3A_215[%gather3A_1657] in [0] : vector<16xf32>, vector<16xi32> -> vector<16xf32>
          %mul3A_1659 = arith.mulf %gather3A_1653, %get3A_1642 : vector<16xf32>
          %add3A_1660 = arith.addf %add3A_1630, %mul3A_1659 : vector<16xf32>
          %mul3A_1661 = arith.mulf %gather3A_1653, %get3A_1648 : vector<16xf32>
          %add3A_1662 = arith.addf %add3A_1632, %mul3A_1661 : vector<16xf32>
          %mul3A_1663 = arith.mulf %gather3A_1658, %get3A_1642 : vector<16xf32>
          %add3A_1664 = arith.addf %add3A_1634, %mul3A_1663 : vector<16xf32>
          %mul3A_1665 = arith.mulf %gather3A_1658, %get3A_1648 : vector<16xf32>
          %add3A_1666 = arith.addf %add3A_1636, %mul3A_1665 : vector<16xf32>
          %get3A_1667 = arith.constant 1 : i32
          %get3A_1668 = arith.index_cast %get3A_1667 : i32 to index
          %get3A_1669 = arith.index_cast %scan3A_158 : i32 to index
          %get3A_1670 = arith.constant 1504 : index
          %get3A_1671 = tpu.vector_load %arg17[%get3A_1668, %get3A_1669, %get3A_1670] {strides = array<i32>} : memref<2x8x2176xf32, #tpu.memory_space<vmem>>, vector<1x1x16xf32>,
          %get3A_1672 = vector.shape_cast %get3A_1671 : vector<1x1x16xf32> to vector<16xf32>
          %get3A_1673 = arith.constant 1 : i32
          %get3A_1674 = arith.index_cast %get3A_1673 : i32 to index
          %get3A_1675 = arith.index_cast %scan3A_158 : i32 to index
          %get3A_1676 = arith.constant 1520 : index
          %get3A_1677 = tpu.vector_load %arg17[%get3A_1674, %get3A_1675, %get3A_1676] {strides = array<i32>} : memref<2x8x2176xf32, #tpu.memory_space<vmem>>, vector<1x1x16xf32>,
          %get3A_1678 = vector.shape_cast %get3A_1677 : vector<1x1x16xf32> to vector<16xf32>
          %broadcast_in_dim3A_1679 = arith.constant 15 : i32
          %broadcast_in_dim3A_1680 = vector.broadcast %broadcast_in_dim3A_1679 : i32 to vector<16xi32>
          %broadcast_in_dim3A_1681 = vector.shape_cast %broadcast_in_dim3A_1680 : vector<16xi32> to vector<16x1xi32>
          %gather3A_1682 = vector.shape_cast %broadcast_in_dim3A_1681 : vector<16x1xi32> to vector<16xi32>
          %gather3A_1683 = tpu.dynamic_gather %sub3A_214[%gather3A_1682] in [0] : vector<16xf32>, vector<16xi32> -> vector<16xf32>
          %broadcast_in_dim3A_1684 = arith.constant 15 : i32
          %broadcast_in_dim3A_1685 = vector.broadcast %broadcast_in_dim3A_1684 : i32 to vector<16xi32>
          %broadcast_in_dim3A_1686 = vector.shape_cast %broadcast_in_dim3A_1685 : vector<16xi32> to vector<16x1xi32>
          %gather3A_1687 = vector.shape_cast %broadcast_in_dim3A_1686 : vector<16x1xi32> to vector<16xi32>
          %gather3A_1688 = tpu.dynamic_gather %sub3A_215[%gather3A_1687] in [0] : vector<16xf32>, vector<16xi32> -> vector<16xf32>
          %mul3A_1689 = arith.mulf %gather3A_1683, %get3A_1672 : vector<16xf32>
          %add3A_1690 = arith.addf %add3A_1660, %mul3A_1689 : vector<16xf32>
          %mul3A_1691 = arith.mulf %gather3A_1683, %get3A_1678 : vector<16xf32>
          %add3A_1692 = arith.addf %add3A_1662, %mul3A_1691 : vector<16xf32>
          %mul3A_1693 = arith.mulf %gather3A_1688, %get3A_1672 : vector<16xf32>
          %add3A_1694 = arith.addf %add3A_1664, %mul3A_1693 : vector<16xf32>
          %mul3A_1695 = arith.mulf %gather3A_1688, %get3A_1678 : vector<16xf32>
          %add3A_1696 = arith.addf %add3A_1666, %mul3A_1695 : vector<16xf32>
          %get3A_1697 = arith.constant 1 : i32
          %get3A_1698 = arith.index_cast %get3A_1697 : i32 to index
          %get3A_1699 = arith.index_cast %scan3A_158 : i32 to index
          %get3A_1700 = arith.constant 1536 : index
          %get3A_1701 = tpu.vector_load %arg17[%get3A_1698, %get3A_1699, %get3A_1700] {strides = array<i32>} : memref<2x8x2176xf32, #tpu.memory_space<vmem>>, vector<1x1x16xf32>,
          %get3A_1702 = vector.shape_cast %get3A_1701 : vector<1x1x16xf32> to vector<16xf32>
          %get3A_1703 = arith.constant 1 : i32
          %get3A_1704 = arith.index_cast %get3A_1703 : i32 to index
          %get3A_1705 = arith.index_cast %scan3A_158 : i32 to index
          %get3A_1706 = arith.constant 1552 : index
          %get3A_1707 = tpu.vector_load %arg17[%get3A_1704, %get3A_1705, %get3A_1706] {strides = array<i32>} : memref<2x8x2176xf32, #tpu.memory_space<vmem>>, vector<1x1x16xf32>,
          %get3A_1708 = vector.shape_cast %get3A_1707 : vector<1x1x16xf32> to vector<16xf32>
          %broadcast_in_dim3A_1709 = arith.constant 0 : i32
          %broadcast_in_dim3A_1710 = vector.broadcast %broadcast_in_dim3A_1709 : i32 to vector<16xi32>
          %broadcast_in_dim3A_1711 = vector.shape_cast %broadcast_in_dim3A_1710 : vector<16xi32> to vector<16x1xi32>
          %gather3A_1712 = vector.shape_cast %broadcast_in_dim3A_1711 : vector<16x1xi32> to vector<16xi32>
          %gather3A_1713 = tpu.dynamic_gather %sub3A_234[%gather3A_1712] in [0] : vector<16xf32>, vector<16xi32> -> vector<16xf32>
          %broadcast_in_dim3A_1714 = arith.constant 0 : i32
          %broadcast_in_dim3A_1715 = vector.broadcast %broadcast_in_dim3A_1714 : i32 to vector<16xi32>
          %broadcast_in_dim3A_1716 = vector.shape_cast %broadcast_in_dim3A_1715 : vector<16xi32> to vector<16x1xi32>
          %gather3A_1717 = vector.shape_cast %broadcast_in_dim3A_1716 : vector<16x1xi32> to vector<16xi32>
          %gather3A_1718 = tpu.dynamic_gather %sub3A_235[%gather3A_1717] in [0] : vector<16xf32>, vector<16xi32> -> vector<16xf32>
          %mul3A_1719 = arith.mulf %gather3A_1713, %get3A_1702 : vector<16xf32>
          %add3A_1720 = arith.addf %add3A_1690, %mul3A_1719 : vector<16xf32>
          %mul3A_1721 = arith.mulf %gather3A_1713, %get3A_1708 : vector<16xf32>
          %add3A_1722 = arith.addf %add3A_1692, %mul3A_1721 : vector<16xf32>
          %mul3A_1723 = arith.mulf %gather3A_1718, %get3A_1702 : vector<16xf32>
          %add3A_1724 = arith.addf %add3A_1694, %mul3A_1723 : vector<16xf32>
          %mul3A_1725 = arith.mulf %gather3A_1718, %get3A_1708 : vector<16xf32>
          %add3A_1726 = arith.addf %add3A_1696, %mul3A_1725 : vector<16xf32>
          %get3A_1727 = arith.constant 1 : i32
          %get3A_1728 = arith.index_cast %get3A_1727 : i32 to index
          %get3A_1729 = arith.index_cast %scan3A_158 : i32 to index
          %get3A_1730 = arith.constant 1568 : index
          %get3A_1731 = tpu.vector_load %arg17[%get3A_1728, %get3A_1729, %get3A_1730] {strides = array<i32>} : memref<2x8x2176xf32, #tpu.memory_space<vmem>>, vector<1x1x16xf32>,
          %get3A_1732 = vector.shape_cast %get3A_1731 : vector<1x1x16xf32> to vector<16xf32>
          %get3A_1733 = arith.constant 1 : i32
          %get3A_1734 = arith.index_cast %get3A_1733 : i32 to index
          %get3A_1735 = arith.index_cast %scan3A_158 : i32 to index
          %get3A_1736 = arith.constant 1584 : index
          %get3A_1737 = tpu.vector_load %arg17[%get3A_1734, %get3A_1735, %get3A_1736] {strides = array<i32>} : memref<2x8x2176xf32, #tpu.memory_space<vmem>>, vector<1x1x16xf32>,
          %get3A_1738 = vector.shape_cast %get3A_1737 : vector<1x1x16xf32> to vector<16xf32>
          %broadcast_in_dim3A_1739 = arith.constant 1 : i32
          %broadcast_in_dim3A_1740 = vector.broadcast %broadcast_in_dim3A_1739 : i32 to vector<16xi32>
          %broadcast_in_dim3A_1741 = vector.shape_cast %broadcast_in_dim3A_1740 : vector<16xi32> to vector<16x1xi32>
          %gather3A_1742 = vector.shape_cast %broadcast_in_dim3A_1741 : vector<16x1xi32> to vector<16xi32>
          %gather3A_1743 = tpu.dynamic_gather %sub3A_234[%gather3A_1742] in [0] : vector<16xf32>, vector<16xi32> -> vector<16xf32>
          %broadcast_in_dim3A_1744 = arith.constant 1 : i32
          %broadcast_in_dim3A_1745 = vector.broadcast %broadcast_in_dim3A_1744 : i32 to vector<16xi32>
          %broadcast_in_dim3A_1746 = vector.shape_cast %broadcast_in_dim3A_1745 : vector<16xi32> to vector<16x1xi32>
          %gather3A_1747 = vector.shape_cast %broadcast_in_dim3A_1746 : vector<16x1xi32> to vector<16xi32>
          %gather3A_1748 = tpu.dynamic_gather %sub3A_235[%gather3A_1747] in [0] : vector<16xf32>, vector<16xi32> -> vector<16xf32>
          %mul3A_1749 = arith.mulf %gather3A_1743, %get3A_1732 : vector<16xf32>
          %add3A_1750 = arith.addf %add3A_1720, %mul3A_1749 : vector<16xf32>
          %mul3A_1751 = arith.mulf %gather3A_1743, %get3A_1738 : vector<16xf32>
          %add3A_1752 = arith.addf %add3A_1722, %mul3A_1751 : vector<16xf32>
          %mul3A_1753 = arith.mulf %gather3A_1748, %get3A_1732 : vector<16xf32>
          %add3A_1754 = arith.addf %add3A_1724, %mul3A_1753 : vector<16xf32>
          %mul3A_1755 = arith.mulf %gather3A_1748, %get3A_1738 : vector<16xf32>
          %add3A_1756 = arith.addf %add3A_1726, %mul3A_1755 : vector<16xf32>
          %get3A_1757 = arith.constant 1 : i32
          %get3A_1758 = arith.index_cast %get3A_1757 : i32 to index
          %get3A_1759 = arith.index_cast %scan3A_158 : i32 to index
          %get3A_1760 = arith.constant 1600 : index
          %get3A_1761 = tpu.vector_load %arg17[%get3A_1758, %get3A_1759, %get3A_1760] {strides = array<i32>} : memref<2x8x2176xf32, #tpu.memory_space<vmem>>, vector<1x1x16xf32>,
          %get3A_1762 = vector.shape_cast %get3A_1761 : vector<1x1x16xf32> to vector<16xf32>
          %get3A_1763 = arith.constant 1 : i32
          %get3A_1764 = arith.index_cast %get3A_1763 : i32 to index
          %get3A_1765 = arith.index_cast %scan3A_158 : i32 to index
          %get3A_1766 = arith.constant 1616 : index
          %get3A_1767 = tpu.vector_load %arg17[%get3A_1764, %get3A_1765, %get3A_1766] {strides = array<i32>} : memref<2x8x2176xf32, #tpu.memory_space<vmem>>, vector<1x1x16xf32>,
          %get3A_1768 = vector.shape_cast %get3A_1767 : vector<1x1x16xf32> to vector<16xf32>
          %broadcast_in_dim3A_1769 = arith.constant 2 : i32
          %broadcast_in_dim3A_1770 = vector.broadcast %broadcast_in_dim3A_1769 : i32 to vector<16xi32>
          %broadcast_in_dim3A_1771 = vector.shape_cast %broadcast_in_dim3A_1770 : vector<16xi32> to vector<16x1xi32>
          %gather3A_1772 = vector.shape_cast %broadcast_in_dim3A_1771 : vector<16x1xi32> to vector<16xi32>
          %gather3A_1773 = tpu.dynamic_gather %sub3A_234[%gather3A_1772] in [0] : vector<16xf32>, vector<16xi32> -> vector<16xf32>
          %broadcast_in_dim3A_1774 = arith.constant 2 : i32
          %broadcast_in_dim3A_1775 = vector.broadcast %broadcast_in_dim3A_1774 : i32 to vector<16xi32>
          %broadcast_in_dim3A_1776 = vector.shape_cast %broadcast_in_dim3A_1775 : vector<16xi32> to vector<16x1xi32>
          %gather3A_1777 = vector.shape_cast %broadcast_in_dim3A_1776 : vector<16x1xi32> to vector<16xi32>
          %gather3A_1778 = tpu.dynamic_gather %sub3A_235[%gather3A_1777] in [0] : vector<16xf32>, vector<16xi32> -> vector<16xf32>
          %mul3A_1779 = arith.mulf %gather3A_1773, %get3A_1762 : vector<16xf32>
          %add3A_1780 = arith.addf %add3A_1750, %mul3A_1779 : vector<16xf32>
          %mul3A_1781 = arith.mulf %gather3A_1773, %get3A_1768 : vector<16xf32>
          %add3A_1782 = arith.addf %add3A_1752, %mul3A_1781 : vector<16xf32>
          %mul3A_1783 = arith.mulf %gather3A_1778, %get3A_1762 : vector<16xf32>
          %add3A_1784 = arith.addf %add3A_1754, %mul3A_1783 : vector<16xf32>
          %mul3A_1785 = arith.mulf %gather3A_1778, %get3A_1768 : vector<16xf32>
          %add3A_1786 = arith.addf %add3A_1756, %mul3A_1785 : vector<16xf32>
          %get3A_1787 = arith.constant 1 : i32
          %get3A_1788 = arith.index_cast %get3A_1787 : i32 to index
          %get3A_1789 = arith.index_cast %scan3A_158 : i32 to index
          %get3A_1790 = arith.constant 1632 : index
          %get3A_1791 = tpu.vector_load %arg17[%get3A_1788, %get3A_1789, %get3A_1790] {strides = array<i32>} : memref<2x8x2176xf32, #tpu.memory_space<vmem>>, vector<1x1x16xf32>,
          %get3A_1792 = vector.shape_cast %get3A_1791 : vector<1x1x16xf32> to vector<16xf32>
          %get3A_1793 = arith.constant 1 : i32
          %get3A_1794 = arith.index_cast %get3A_1793 : i32 to index
          %get3A_1795 = arith.index_cast %scan3A_158 : i32 to index
          %get3A_1796 = arith.constant 1648 : index
          %get3A_1797 = tpu.vector_load %arg17[%get3A_1794, %get3A_1795, %get3A_1796] {strides = array<i32>} : memref<2x8x2176xf32, #tpu.memory_space<vmem>>, vector<1x1x16xf32>,
          %get3A_1798 = vector.shape_cast %get3A_1797 : vector<1x1x16xf32> to vector<16xf32>
          %broadcast_in_dim3A_1799 = arith.constant 3 : i32
          %broadcast_in_dim3A_1800 = vector.broadcast %broadcast_in_dim3A_1799 : i32 to vector<16xi32>
          %broadcast_in_dim3A_1801 = vector.shape_cast %broadcast_in_dim3A_1800 : vector<16xi32> to vector<16x1xi32>
          %gather3A_1802 = vector.shape_cast %broadcast_in_dim3A_1801 : vector<16x1xi32> to vector<16xi32>
          %gather3A_1803 = tpu.dynamic_gather %sub3A_234[%gather3A_1802] in [0] : vector<16xf32>, vector<16xi32> -> vector<16xf32>
          %broadcast_in_dim3A_1804 = arith.constant 3 : i32
          %broadcast_in_dim3A_1805 = vector.broadcast %broadcast_in_dim3A_1804 : i32 to vector<16xi32>
          %broadcast_in_dim3A_1806 = vector.shape_cast %broadcast_in_dim3A_1805 : vector<16xi32> to vector<16x1xi32>
          %gather3A_1807 = vector.shape_cast %broadcast_in_dim3A_1806 : vector<16x1xi32> to vector<16xi32>
          %gather3A_1808 = tpu.dynamic_gather %sub3A_235[%gather3A_1807] in [0] : vector<16xf32>, vector<16xi32> -> vector<16xf32>
          %mul3A_1809 = arith.mulf %gather3A_1803, %get3A_1792 : vector<16xf32>
          %add3A_1810 = arith.addf %add3A_1780, %mul3A_1809 : vector<16xf32>
          %mul3A_1811 = arith.mulf %gather3A_1803, %get3A_1798 : vector<16xf32>
          %add3A_1812 = arith.addf %add3A_1782, %mul3A_1811 : vector<16xf32>
          %mul3A_1813 = arith.mulf %gather3A_1808, %get3A_1792 : vector<16xf32>
          %add3A_1814 = arith.addf %add3A_1784, %mul3A_1813 : vector<16xf32>
          %mul3A_1815 = arith.mulf %gather3A_1808, %get3A_1798 : vector<16xf32>
          %add3A_1816 = arith.addf %add3A_1786, %mul3A_1815 : vector<16xf32>
          %get3A_1817 = arith.constant 1 : i32
          %get3A_1818 = arith.index_cast %get3A_1817 : i32 to index
          %get3A_1819 = arith.index_cast %scan3A_158 : i32 to index
          %get3A_1820 = arith.constant 1664 : index
          %get3A_1821 = tpu.vector_load %arg17[%get3A_1818, %get3A_1819, %get3A_1820] {strides = array<i32>} : memref<2x8x2176xf32, #tpu.memory_space<vmem>>, vector<1x1x16xf32>,
          %get3A_1822 = vector.shape_cast %get3A_1821 : vector<1x1x16xf32> to vector<16xf32>
          %get3A_1823 = arith.constant 1 : i32
          %get3A_1824 = arith.index_cast %get3A_1823 : i32 to index
          %get3A_1825 = arith.index_cast %scan3A_158 : i32 to index
          %get3A_1826 = arith.constant 1680 : index
          %get3A_1827 = tpu.vector_load %arg17[%get3A_1824, %get3A_1825, %get3A_1826] {strides = array<i32>} : memref<2x8x2176xf32, #tpu.memory_space<vmem>>, vector<1x1x16xf32>,
          %get3A_1828 = vector.shape_cast %get3A_1827 : vector<1x1x16xf32> to vector<16xf32>
          %broadcast_in_dim3A_1829 = arith.constant 4 : i32
          %broadcast_in_dim3A_1830 = vector.broadcast %broadcast_in_dim3A_1829 : i32 to vector<16xi32>
          %broadcast_in_dim3A_1831 = vector.shape_cast %broadcast_in_dim3A_1830 : vector<16xi32> to vector<16x1xi32>
          %gather3A_1832 = vector.shape_cast %broadcast_in_dim3A_1831 : vector<16x1xi32> to vector<16xi32>
          %gather3A_1833 = tpu.dynamic_gather %sub3A_234[%gather3A_1832] in [0] : vector<16xf32>, vector<16xi32> -> vector<16xf32>
          %broadcast_in_dim3A_1834 = arith.constant 4 : i32
          %broadcast_in_dim3A_1835 = vector.broadcast %broadcast_in_dim3A_1834 : i32 to vector<16xi32>
          %broadcast_in_dim3A_1836 = vector.shape_cast %broadcast_in_dim3A_1835 : vector<16xi32> to vector<16x1xi32>
          %gather3A_1837 = vector.shape_cast %broadcast_in_dim3A_1836 : vector<16x1xi32> to vector<16xi32>
          %gather3A_1838 = tpu.dynamic_gather %sub3A_235[%gather3A_1837] in [0] : vector<16xf32>, vector<16xi32> -> vector<16xf32>
          %mul3A_1839 = arith.mulf %gather3A_1833, %get3A_1822 : vector<16xf32>
          %add3A_1840 = arith.addf %add3A_1810, %mul3A_1839 : vector<16xf32>
          %mul3A_1841 = arith.mulf %gather3A_1833, %get3A_1828 : vector<16xf32>
          %add3A_1842 = arith.addf %add3A_1812, %mul3A_1841 : vector<16xf32>
          %mul3A_1843 = arith.mulf %gather3A_1838, %get3A_1822 : vector<16xf32>
          %add3A_1844 = arith.addf %add3A_1814, %mul3A_1843 : vector<16xf32>
          %mul3A_1845 = arith.mulf %gather3A_1838, %get3A_1828 : vector<16xf32>
          %add3A_1846 = arith.addf %add3A_1816, %mul3A_1845 : vector<16xf32>
          %get3A_1847 = arith.constant 1 : i32
          %get3A_1848 = arith.index_cast %get3A_1847 : i32 to index
          %get3A_1849 = arith.index_cast %scan3A_158 : i32 to index
          %get3A_1850 = arith.constant 1696 : index
          %get3A_1851 = tpu.vector_load %arg17[%get3A_1848, %get3A_1849, %get3A_1850] {strides = array<i32>} : memref<2x8x2176xf32, #tpu.memory_space<vmem>>, vector<1x1x16xf32>,
          %get3A_1852 = vector.shape_cast %get3A_1851 : vector<1x1x16xf32> to vector<16xf32>
          %get3A_1853 = arith.constant 1 : i32
          %get3A_1854 = arith.index_cast %get3A_1853 : i32 to index
          %get3A_1855 = arith.index_cast %scan3A_158 : i32 to index
          %get3A_1856 = arith.constant 1712 : index
          %get3A_1857 = tpu.vector_load %arg17[%get3A_1854, %get3A_1855, %get3A_1856] {strides = array<i32>} : memref<2x8x2176xf32, #tpu.memory_space<vmem>>, vector<1x1x16xf32>,
          %get3A_1858 = vector.shape_cast %get3A_1857 : vector<1x1x16xf32> to vector<16xf32>
          %broadcast_in_dim3A_1859 = arith.constant 5 : i32
          %broadcast_in_dim3A_1860 = vector.broadcast %broadcast_in_dim3A_1859 : i32 to vector<16xi32>
          %broadcast_in_dim3A_1861 = vector.shape_cast %broadcast_in_dim3A_1860 : vector<16xi32> to vector<16x1xi32>
          %gather3A_1862 = vector.shape_cast %broadcast_in_dim3A_1861 : vector<16x1xi32> to vector<16xi32>
          %gather3A_1863 = tpu.dynamic_gather %sub3A_234[%gather3A_1862] in [0] : vector<16xf32>, vector<16xi32> -> vector<16xf32>
          %broadcast_in_dim3A_1864 = arith.constant 5 : i32
          %broadcast_in_dim3A_1865 = vector.broadcast %broadcast_in_dim3A_1864 : i32 to vector<16xi32>
          %broadcast_in_dim3A_1866 = vector.shape_cast %broadcast_in_dim3A_1865 : vector<16xi32> to vector<16x1xi32>
          %gather3A_1867 = vector.shape_cast %broadcast_in_dim3A_1866 : vector<16x1xi32> to vector<16xi32>
          %gather3A_1868 = tpu.dynamic_gather %sub3A_235[%gather3A_1867] in [0] : vector<16xf32>, vector<16xi32> -> vector<16xf32>
          %mul3A_1869 = arith.mulf %gather3A_1863, %get3A_1852 : vector<16xf32>
          %add3A_1870 = arith.addf %add3A_1840, %mul3A_1869 : vector<16xf32>
          %mul3A_1871 = arith.mulf %gather3A_1863, %get3A_1858 : vector<16xf32>
          %add3A_1872 = arith.addf %add3A_1842, %mul3A_1871 : vector<16xf32>
          %mul3A_1873 = arith.mulf %gather3A_1868, %get3A_1852 : vector<16xf32>
          %add3A_1874 = arith.addf %add3A_1844, %mul3A_1873 : vector<16xf32>
          %mul3A_1875 = arith.mulf %gather3A_1868, %get3A_1858 : vector<16xf32>
          %add3A_1876 = arith.addf %add3A_1846, %mul3A_1875 : vector<16xf32>
          %get3A_1877 = arith.constant 1 : i32
          %get3A_1878 = arith.index_cast %get3A_1877 : i32 to index
          %get3A_1879 = arith.index_cast %scan3A_158 : i32 to index
          %get3A_1880 = arith.constant 1728 : index
          %get3A_1881 = tpu.vector_load %arg17[%get3A_1878, %get3A_1879, %get3A_1880] {strides = array<i32>} : memref<2x8x2176xf32, #tpu.memory_space<vmem>>, vector<1x1x16xf32>,
          %get3A_1882 = vector.shape_cast %get3A_1881 : vector<1x1x16xf32> to vector<16xf32>
          %get3A_1883 = arith.constant 1 : i32
          %get3A_1884 = arith.index_cast %get3A_1883 : i32 to index
          %get3A_1885 = arith.index_cast %scan3A_158 : i32 to index
          %get3A_1886 = arith.constant 1744 : index
          %get3A_1887 = tpu.vector_load %arg17[%get3A_1884, %get3A_1885, %get3A_1886] {strides = array<i32>} : memref<2x8x2176xf32, #tpu.memory_space<vmem>>, vector<1x1x16xf32>,
          %get3A_1888 = vector.shape_cast %get3A_1887 : vector<1x1x16xf32> to vector<16xf32>
          %broadcast_in_dim3A_1889 = arith.constant 6 : i32
          %broadcast_in_dim3A_1890 = vector.broadcast %broadcast_in_dim3A_1889 : i32 to vector<16xi32>
          %broadcast_in_dim3A_1891 = vector.shape_cast %broadcast_in_dim3A_1890 : vector<16xi32> to vector<16x1xi32>
          %gather3A_1892 = vector.shape_cast %broadcast_in_dim3A_1891 : vector<16x1xi32> to vector<16xi32>
          %gather3A_1893 = tpu.dynamic_gather %sub3A_234[%gather3A_1892] in [0] : vector<16xf32>, vector<16xi32> -> vector<16xf32>
          %broadcast_in_dim3A_1894 = arith.constant 6 : i32
          %broadcast_in_dim3A_1895 = vector.broadcast %broadcast_in_dim3A_1894 : i32 to vector<16xi32>
          %broadcast_in_dim3A_1896 = vector.shape_cast %broadcast_in_dim3A_1895 : vector<16xi32> to vector<16x1xi32>
          %gather3A_1897 = vector.shape_cast %broadcast_in_dim3A_1896 : vector<16x1xi32> to vector<16xi32>
          %gather3A_1898 = tpu.dynamic_gather %sub3A_235[%gather3A_1897] in [0] : vector<16xf32>, vector<16xi32> -> vector<16xf32>
          %mul3A_1899 = arith.mulf %gather3A_1893, %get3A_1882 : vector<16xf32>
          %add3A_1900 = arith.addf %add3A_1870, %mul3A_1899 : vector<16xf32>
          %mul3A_1901 = arith.mulf %gather3A_1893, %get3A_1888 : vector<16xf32>
          %add3A_1902 = arith.addf %add3A_1872, %mul3A_1901 : vector<16xf32>
          %mul3A_1903 = arith.mulf %gather3A_1898, %get3A_1882 : vector<16xf32>
          %add3A_1904 = arith.addf %add3A_1874, %mul3A_1903 : vector<16xf32>
          %mul3A_1905 = arith.mulf %gather3A_1898, %get3A_1888 : vector<16xf32>
          %add3A_1906 = arith.addf %add3A_1876, %mul3A_1905 : vector<16xf32>
          %get3A_1907 = arith.constant 1 : i32
          %get3A_1908 = arith.index_cast %get3A_1907 : i32 to index
          %get3A_1909 = arith.index_cast %scan3A_158 : i32 to index
          %get3A_1910 = arith.constant 1760 : index
          %get3A_1911 = tpu.vector_load %arg17[%get3A_1908, %get3A_1909, %get3A_1910] {strides = array<i32>} : memref<2x8x2176xf32, #tpu.memory_space<vmem>>, vector<1x1x16xf32>,
          %get3A_1912 = vector.shape_cast %get3A_1911 : vector<1x1x16xf32> to vector<16xf32>
          %get3A_1913 = arith.constant 1 : i32
          %get3A_1914 = arith.index_cast %get3A_1913 : i32 to index
          %get3A_1915 = arith.index_cast %scan3A_158 : i32 to index
          %get3A_1916 = arith.constant 1776 : index
          %get3A_1917 = tpu.vector_load %arg17[%get3A_1914, %get3A_1915, %get3A_1916] {strides = array<i32>} : memref<2x8x2176xf32, #tpu.memory_space<vmem>>, vector<1x1x16xf32>,
          %get3A_1918 = vector.shape_cast %get3A_1917 : vector<1x1x16xf32> to vector<16xf32>
          %broadcast_in_dim3A_1919 = arith.constant 7 : i32
          %broadcast_in_dim3A_1920 = vector.broadcast %broadcast_in_dim3A_1919 : i32 to vector<16xi32>
          %broadcast_in_dim3A_1921 = vector.shape_cast %broadcast_in_dim3A_1920 : vector<16xi32> to vector<16x1xi32>
          %gather3A_1922 = vector.shape_cast %broadcast_in_dim3A_1921 : vector<16x1xi32> to vector<16xi32>
          %gather3A_1923 = tpu.dynamic_gather %sub3A_234[%gather3A_1922] in [0] : vector<16xf32>, vector<16xi32> -> vector<16xf32>
          %broadcast_in_dim3A_1924 = arith.constant 7 : i32
          %broadcast_in_dim3A_1925 = vector.broadcast %broadcast_in_dim3A_1924 : i32 to vector<16xi32>
          %broadcast_in_dim3A_1926 = vector.shape_cast %broadcast_in_dim3A_1925 : vector<16xi32> to vector<16x1xi32>
          %gather3A_1927 = vector.shape_cast %broadcast_in_dim3A_1926 : vector<16x1xi32> to vector<16xi32>
          %gather3A_1928 = tpu.dynamic_gather %sub3A_235[%gather3A_1927] in [0] : vector<16xf32>, vector<16xi32> -> vector<16xf32>
          %mul3A_1929 = arith.mulf %gather3A_1923, %get3A_1912 : vector<16xf32>
          %add3A_1930 = arith.addf %add3A_1900, %mul3A_1929 : vector<16xf32>
          %mul3A_1931 = arith.mulf %gather3A_1923, %get3A_1918 : vector<16xf32>
          %add3A_1932 = arith.addf %add3A_1902, %mul3A_1931 : vector<16xf32>
          %mul3A_1933 = arith.mulf %gather3A_1928, %get3A_1912 : vector<16xf32>
          %add3A_1934 = arith.addf %add3A_1904, %mul3A_1933 : vector<16xf32>
          %mul3A_1935 = arith.mulf %gather3A_1928, %get3A_1918 : vector<16xf32>
          %add3A_1936 = arith.addf %add3A_1906, %mul3A_1935 : vector<16xf32>
          %get3A_1937 = arith.constant 1 : i32
          %get3A_1938 = arith.index_cast %get3A_1937 : i32 to index
          %get3A_1939 = arith.index_cast %scan3A_158 : i32 to index
          %get3A_1940 = arith.constant 1792 : index
          %get3A_1941 = tpu.vector_load %arg17[%get3A_1938, %get3A_1939, %get3A_1940] {strides = array<i32>} : memref<2x8x2176xf32, #tpu.memory_space<vmem>>, vector<1x1x16xf32>,
          %get3A_1942 = vector.shape_cast %get3A_1941 : vector<1x1x16xf32> to vector<16xf32>
          %get3A_1943 = arith.constant 1 : i32
          %get3A_1944 = arith.index_cast %get3A_1943 : i32 to index
          %get3A_1945 = arith.index_cast %scan3A_158 : i32 to index
          %get3A_1946 = arith.constant 1808 : index
          %get3A_1947 = tpu.vector_load %arg17[%get3A_1944, %get3A_1945, %get3A_1946] {strides = array<i32>} : memref<2x8x2176xf32, #tpu.memory_space<vmem>>, vector<1x1x16xf32>,
          %get3A_1948 = vector.shape_cast %get3A_1947 : vector<1x1x16xf32> to vector<16xf32>
          %broadcast_in_dim3A_1949 = arith.constant 8 : i32
          %broadcast_in_dim3A_1950 = vector.broadcast %broadcast_in_dim3A_1949 : i32 to vector<16xi32>
          %broadcast_in_dim3A_1951 = vector.shape_cast %broadcast_in_dim3A_1950 : vector<16xi32> to vector<16x1xi32>
          %gather3A_1952 = vector.shape_cast %broadcast_in_dim3A_1951 : vector<16x1xi32> to vector<16xi32>
          %gather3A_1953 = tpu.dynamic_gather %sub3A_234[%gather3A_1952] in [0] : vector<16xf32>, vector<16xi32> -> vector<16xf32>
          %broadcast_in_dim3A_1954 = arith.constant 8 : i32
          %broadcast_in_dim3A_1955 = vector.broadcast %broadcast_in_dim3A_1954 : i32 to vector<16xi32>
          %broadcast_in_dim3A_1956 = vector.shape_cast %broadcast_in_dim3A_1955 : vector<16xi32> to vector<16x1xi32>
          %gather3A_1957 = vector.shape_cast %broadcast_in_dim3A_1956 : vector<16x1xi32> to vector<16xi32>
          %gather3A_1958 = tpu.dynamic_gather %sub3A_235[%gather3A_1957] in [0] : vector<16xf32>, vector<16xi32> -> vector<16xf32>
          %mul3A_1959 = arith.mulf %gather3A_1953, %get3A_1942 : vector<16xf32>
          %add3A_1960 = arith.addf %add3A_1930, %mul3A_1959 : vector<16xf32>
          %mul3A_1961 = arith.mulf %gather3A_1953, %get3A_1948 : vector<16xf32>
          %add3A_1962 = arith.addf %add3A_1932, %mul3A_1961 : vector<16xf32>
          %mul3A_1963 = arith.mulf %gather3A_1958, %get3A_1942 : vector<16xf32>
          %add3A_1964 = arith.addf %add3A_1934, %mul3A_1963 : vector<16xf32>
          %mul3A_1965 = arith.mulf %gather3A_1958, %get3A_1948 : vector<16xf32>
          %add3A_1966 = arith.addf %add3A_1936, %mul3A_1965 : vector<16xf32>
          %get3A_1967 = arith.constant 1 : i32
          %get3A_1968 = arith.index_cast %get3A_1967 : i32 to index
          %get3A_1969 = arith.index_cast %scan3A_158 : i32 to index
          %get3A_1970 = arith.constant 1824 : index
          %get3A_1971 = tpu.vector_load %arg17[%get3A_1968, %get3A_1969, %get3A_1970] {strides = array<i32>} : memref<2x8x2176xf32, #tpu.memory_space<vmem>>, vector<1x1x16xf32>,
          %get3A_1972 = vector.shape_cast %get3A_1971 : vector<1x1x16xf32> to vector<16xf32>
          %get3A_1973 = arith.constant 1 : i32
          %get3A_1974 = arith.index_cast %get3A_1973 : i32 to index
          %get3A_1975 = arith.index_cast %scan3A_158 : i32 to index
          %get3A_1976 = arith.constant 1840 : index
          %get3A_1977 = tpu.vector_load %arg17[%get3A_1974, %get3A_1975, %get3A_1976] {strides = array<i32>} : memref<2x8x2176xf32, #tpu.memory_space<vmem>>, vector<1x1x16xf32>,
          %get3A_1978 = vector.shape_cast %get3A_1977 : vector<1x1x16xf32> to vector<16xf32>
          %broadcast_in_dim3A_1979 = arith.constant 9 : i32
          %broadcast_in_dim3A_1980 = vector.broadcast %broadcast_in_dim3A_1979 : i32 to vector<16xi32>
          %broadcast_in_dim3A_1981 = vector.shape_cast %broadcast_in_dim3A_1980 : vector<16xi32> to vector<16x1xi32>
          %gather3A_1982 = vector.shape_cast %broadcast_in_dim3A_1981 : vector<16x1xi32> to vector<16xi32>
          %gather3A_1983 = tpu.dynamic_gather %sub3A_234[%gather3A_1982] in [0] : vector<16xf32>, vector<16xi32> -> vector<16xf32>
          %broadcast_in_dim3A_1984 = arith.constant 9 : i32
          %broadcast_in_dim3A_1985 = vector.broadcast %broadcast_in_dim3A_1984 : i32 to vector<16xi32>
          %broadcast_in_dim3A_1986 = vector.shape_cast %broadcast_in_dim3A_1985 : vector<16xi32> to vector<16x1xi32>
          %gather3A_1987 = vector.shape_cast %broadcast_in_dim3A_1986 : vector<16x1xi32> to vector<16xi32>
          %gather3A_1988 = tpu.dynamic_gather %sub3A_235[%gather3A_1987] in [0] : vector<16xf32>, vector<16xi32> -> vector<16xf32>
          %mul3A_1989 = arith.mulf %gather3A_1983, %get3A_1972 : vector<16xf32>
          %add3A_1990 = arith.addf %add3A_1960, %mul3A_1989 : vector<16xf32>
          %mul3A_1991 = arith.mulf %gather3A_1983, %get3A_1978 : vector<16xf32>
          %add3A_1992 = arith.addf %add3A_1962, %mul3A_1991 : vector<16xf32>
          %mul3A_1993 = arith.mulf %gather3A_1988, %get3A_1972 : vector<16xf32>
          %add3A_1994 = arith.addf %add3A_1964, %mul3A_1993 : vector<16xf32>
          %mul3A_1995 = arith.mulf %gather3A_1988, %get3A_1978 : vector<16xf32>
          %add3A_1996 = arith.addf %add3A_1966, %mul3A_1995 : vector<16xf32>
          %get3A_1997 = arith.constant 1 : i32
          %get3A_1998 = arith.index_cast %get3A_1997 : i32 to index
          %get3A_1999 = arith.index_cast %scan3A_158 : i32 to index
          %get3A_2000 = arith.constant 1856 : index
          %get3A_2001 = tpu.vector_load %arg17[%get3A_1998, %get3A_1999, %get3A_2000] {strides = array<i32>} : memref<2x8x2176xf32, #tpu.memory_space<vmem>>, vector<1x1x16xf32>,
          %get3A_2002 = vector.shape_cast %get3A_2001 : vector<1x1x16xf32> to vector<16xf32>
          %get3A_2003 = arith.constant 1 : i32
          %get3A_2004 = arith.index_cast %get3A_2003 : i32 to index
          %get3A_2005 = arith.index_cast %scan3A_158 : i32 to index
          %get3A_2006 = arith.constant 1872 : index
          %get3A_2007 = tpu.vector_load %arg17[%get3A_2004, %get3A_2005, %get3A_2006] {strides = array<i32>} : memref<2x8x2176xf32, #tpu.memory_space<vmem>>, vector<1x1x16xf32>,
          %get3A_2008 = vector.shape_cast %get3A_2007 : vector<1x1x16xf32> to vector<16xf32>
          %broadcast_in_dim3A_2009 = arith.constant 10 : i32
          %broadcast_in_dim3A_2010 = vector.broadcast %broadcast_in_dim3A_2009 : i32 to vector<16xi32>
          %broadcast_in_dim3A_2011 = vector.shape_cast %broadcast_in_dim3A_2010 : vector<16xi32> to vector<16x1xi32>
          %gather3A_2012 = vector.shape_cast %broadcast_in_dim3A_2011 : vector<16x1xi32> to vector<16xi32>
          %gather3A_2013 = tpu.dynamic_gather %sub3A_234[%gather3A_2012] in [0] : vector<16xf32>, vector<16xi32> -> vector<16xf32>
          %broadcast_in_dim3A_2014 = arith.constant 10 : i32
          %broadcast_in_dim3A_2015 = vector.broadcast %broadcast_in_dim3A_2014 : i32 to vector<16xi32>
          %broadcast_in_dim3A_2016 = vector.shape_cast %broadcast_in_dim3A_2015 : vector<16xi32> to vector<16x1xi32>
          %gather3A_2017 = vector.shape_cast %broadcast_in_dim3A_2016 : vector<16x1xi32> to vector<16xi32>
          %gather3A_2018 = tpu.dynamic_gather %sub3A_235[%gather3A_2017] in [0] : vector<16xf32>, vector<16xi32> -> vector<16xf32>
          %mul3A_2019 = arith.mulf %gather3A_2013, %get3A_2002 : vector<16xf32>
          %add3A_2020 = arith.addf %add3A_1990, %mul3A_2019 : vector<16xf32>
          %mul3A_2021 = arith.mulf %gather3A_2013, %get3A_2008 : vector<16xf32>
          %add3A_2022 = arith.addf %add3A_1992, %mul3A_2021 : vector<16xf32>
          %mul3A_2023 = arith.mulf %gather3A_2018, %get3A_2002 : vector<16xf32>
          %add3A_2024 = arith.addf %add3A_1994, %mul3A_2023 : vector<16xf32>
          %mul3A_2025 = arith.mulf %gather3A_2018, %get3A_2008 : vector<16xf32>
          %add3A_2026 = arith.addf %add3A_1996, %mul3A_2025 : vector<16xf32>
          %get3A_2027 = arith.constant 1 : i32
          %get3A_2028 = arith.index_cast %get3A_2027 : i32 to index
          %get3A_2029 = arith.index_cast %scan3A_158 : i32 to index
          %get3A_2030 = arith.constant 1888 : index
          %get3A_2031 = tpu.vector_load %arg17[%get3A_2028, %get3A_2029, %get3A_2030] {strides = array<i32>} : memref<2x8x2176xf32, #tpu.memory_space<vmem>>, vector<1x1x16xf32>,
          %get3A_2032 = vector.shape_cast %get3A_2031 : vector<1x1x16xf32> to vector<16xf32>
          %get3A_2033 = arith.constant 1 : i32
          %get3A_2034 = arith.index_cast %get3A_2033 : i32 to index
          %get3A_2035 = arith.index_cast %scan3A_158 : i32 to index
          %get3A_2036 = arith.constant 1904 : index
          %get3A_2037 = tpu.vector_load %arg17[%get3A_2034, %get3A_2035, %get3A_2036] {strides = array<i32>} : memref<2x8x2176xf32, #tpu.memory_space<vmem>>, vector<1x1x16xf32>,
          %get3A_2038 = vector.shape_cast %get3A_2037 : vector<1x1x16xf32> to vector<16xf32>
          %broadcast_in_dim3A_2039 = arith.constant 11 : i32
          %broadcast_in_dim3A_2040 = vector.broadcast %broadcast_in_dim3A_2039 : i32 to vector<16xi32>
          %broadcast_in_dim3A_2041 = vector.shape_cast %broadcast_in_dim3A_2040 : vector<16xi32> to vector<16x1xi32>
          %gather3A_2042 = vector.shape_cast %broadcast_in_dim3A_2041 : vector<16x1xi32> to vector<16xi32>
          %gather3A_2043 = tpu.dynamic_gather %sub3A_234[%gather3A_2042] in [0] : vector<16xf32>, vector<16xi32> -> vector<16xf32>
          %broadcast_in_dim3A_2044 = arith.constant 11 : i32
          %broadcast_in_dim3A_2045 = vector.broadcast %broadcast_in_dim3A_2044 : i32 to vector<16xi32>
          %broadcast_in_dim3A_2046 = vector.shape_cast %broadcast_in_dim3A_2045 : vector<16xi32> to vector<16x1xi32>
          %gather3A_2047 = vector.shape_cast %broadcast_in_dim3A_2046 : vector<16x1xi32> to vector<16xi32>
          %gather3A_2048 = tpu.dynamic_gather %sub3A_235[%gather3A_2047] in [0] : vector<16xf32>, vector<16xi32> -> vector<16xf32>
          %mul3A_2049 = arith.mulf %gather3A_2043, %get3A_2032 : vector<16xf32>
          %add3A_2050 = arith.addf %add3A_2020, %mul3A_2049 : vector<16xf32>
          %mul3A_2051 = arith.mulf %gather3A_2043, %get3A_2038 : vector<16xf32>
          %add3A_2052 = arith.addf %add3A_2022, %mul3A_2051 : vector<16xf32>
          %mul3A_2053 = arith.mulf %gather3A_2048, %get3A_2032 : vector<16xf32>
          %add3A_2054 = arith.addf %add3A_2024, %mul3A_2053 : vector<16xf32>
          %mul3A_2055 = arith.mulf %gather3A_2048, %get3A_2038 : vector<16xf32>
          %add3A_2056 = arith.addf %add3A_2026, %mul3A_2055 : vector<16xf32>
          %get3A_2057 = arith.constant 1 : i32
          %get3A_2058 = arith.index_cast %get3A_2057 : i32 to index
          %get3A_2059 = arith.index_cast %scan3A_158 : i32 to index
          %get3A_2060 = arith.constant 1920 : index
          %get3A_2061 = tpu.vector_load %arg17[%get3A_2058, %get3A_2059, %get3A_2060] {strides = array<i32>} : memref<2x8x2176xf32, #tpu.memory_space<vmem>>, vector<1x1x16xf32>,
          %get3A_2062 = vector.shape_cast %get3A_2061 : vector<1x1x16xf32> to vector<16xf32>
          %get3A_2063 = arith.constant 1 : i32
          %get3A_2064 = arith.index_cast %get3A_2063 : i32 to index
          %get3A_2065 = arith.index_cast %scan3A_158 : i32 to index
          %get3A_2066 = arith.constant 1936 : index
          %get3A_2067 = tpu.vector_load %arg17[%get3A_2064, %get3A_2065, %get3A_2066] {strides = array<i32>} : memref<2x8x2176xf32, #tpu.memory_space<vmem>>, vector<1x1x16xf32>,
          %get3A_2068 = vector.shape_cast %get3A_2067 : vector<1x1x16xf32> to vector<16xf32>
          %broadcast_in_dim3A_2069 = arith.constant 12 : i32
          %broadcast_in_dim3A_2070 = vector.broadcast %broadcast_in_dim3A_2069 : i32 to vector<16xi32>
          %broadcast_in_dim3A_2071 = vector.shape_cast %broadcast_in_dim3A_2070 : vector<16xi32> to vector<16x1xi32>
          %gather3A_2072 = vector.shape_cast %broadcast_in_dim3A_2071 : vector<16x1xi32> to vector<16xi32>
          %gather3A_2073 = tpu.dynamic_gather %sub3A_234[%gather3A_2072] in [0] : vector<16xf32>, vector<16xi32> -> vector<16xf32>
          %broadcast_in_dim3A_2074 = arith.constant 12 : i32
          %broadcast_in_dim3A_2075 = vector.broadcast %broadcast_in_dim3A_2074 : i32 to vector<16xi32>
          %broadcast_in_dim3A_2076 = vector.shape_cast %broadcast_in_dim3A_2075 : vector<16xi32> to vector<16x1xi32>
          %gather3A_2077 = vector.shape_cast %broadcast_in_dim3A_2076 : vector<16x1xi32> to vector<16xi32>
          %gather3A_2078 = tpu.dynamic_gather %sub3A_235[%gather3A_2077] in [0] : vector<16xf32>, vector<16xi32> -> vector<16xf32>
          %mul3A_2079 = arith.mulf %gather3A_2073, %get3A_2062 : vector<16xf32>
          %add3A_2080 = arith.addf %add3A_2050, %mul3A_2079 : vector<16xf32>
          %mul3A_2081 = arith.mulf %gather3A_2073, %get3A_2068 : vector<16xf32>
          %add3A_2082 = arith.addf %add3A_2052, %mul3A_2081 : vector<16xf32>
          %mul3A_2083 = arith.mulf %gather3A_2078, %get3A_2062 : vector<16xf32>
          %add3A_2084 = arith.addf %add3A_2054, %mul3A_2083 : vector<16xf32>
          %mul3A_2085 = arith.mulf %gather3A_2078, %get3A_2068 : vector<16xf32>
          %add3A_2086 = arith.addf %add3A_2056, %mul3A_2085 : vector<16xf32>
          %get3A_2087 = arith.constant 1 : i32
          %get3A_2088 = arith.index_cast %get3A_2087 : i32 to index
          %get3A_2089 = arith.index_cast %scan3A_158 : i32 to index
          %get3A_2090 = arith.constant 1952 : index
          %get3A_2091 = tpu.vector_load %arg17[%get3A_2088, %get3A_2089, %get3A_2090] {strides = array<i32>} : memref<2x8x2176xf32, #tpu.memory_space<vmem>>, vector<1x1x16xf32>,
          %get3A_2092 = vector.shape_cast %get3A_2091 : vector<1x1x16xf32> to vector<16xf32>
          %get3A_2093 = arith.constant 1 : i32
          %get3A_2094 = arith.index_cast %get3A_2093 : i32 to index
          %get3A_2095 = arith.index_cast %scan3A_158 : i32 to index
          %get3A_2096 = arith.constant 1968 : index
          %get3A_2097 = tpu.vector_load %arg17[%get3A_2094, %get3A_2095, %get3A_2096] {strides = array<i32>} : memref<2x8x2176xf32, #tpu.memory_space<vmem>>, vector<1x1x16xf32>,
          %get3A_2098 = vector.shape_cast %get3A_2097 : vector<1x1x16xf32> to vector<16xf32>
          %broadcast_in_dim3A_2099 = arith.constant 13 : i32
          %broadcast_in_dim3A_2100 = vector.broadcast %broadcast_in_dim3A_2099 : i32 to vector<16xi32>
          %broadcast_in_dim3A_2101 = vector.shape_cast %broadcast_in_dim3A_2100 : vector<16xi32> to vector<16x1xi32>
          %gather3A_2102 = vector.shape_cast %broadcast_in_dim3A_2101 : vector<16x1xi32> to vector<16xi32>
          %gather3A_2103 = tpu.dynamic_gather %sub3A_234[%gather3A_2102] in [0] : vector<16xf32>, vector<16xi32> -> vector<16xf32>
          %broadcast_in_dim3A_2104 = arith.constant 13 : i32
          %broadcast_in_dim3A_2105 = vector.broadcast %broadcast_in_dim3A_2104 : i32 to vector<16xi32>
          %broadcast_in_dim3A_2106 = vector.shape_cast %broadcast_in_dim3A_2105 : vector<16xi32> to vector<16x1xi32>
          %gather3A_2107 = vector.shape_cast %broadcast_in_dim3A_2106 : vector<16x1xi32> to vector<16xi32>
          %gather3A_2108 = tpu.dynamic_gather %sub3A_235[%gather3A_2107] in [0] : vector<16xf32>, vector<16xi32> -> vector<16xf32>
          %mul3A_2109 = arith.mulf %gather3A_2103, %get3A_2092 : vector<16xf32>
          %add3A_2110 = arith.addf %add3A_2080, %mul3A_2109 : vector<16xf32>
          %mul3A_2111 = arith.mulf %gather3A_2103, %get3A_2098 : vector<16xf32>
          %add3A_2112 = arith.addf %add3A_2082, %mul3A_2111 : vector<16xf32>
          %mul3A_2113 = arith.mulf %gather3A_2108, %get3A_2092 : vector<16xf32>
          %add3A_2114 = arith.addf %add3A_2084, %mul3A_2113 : vector<16xf32>
          %mul3A_2115 = arith.mulf %gather3A_2108, %get3A_2098 : vector<16xf32>
          %add3A_2116 = arith.addf %add3A_2086, %mul3A_2115 : vector<16xf32>
          %get3A_2117 = arith.constant 1 : i32
          %get3A_2118 = arith.index_cast %get3A_2117 : i32 to index
          %get3A_2119 = arith.index_cast %scan3A_158 : i32 to index
          %get3A_2120 = arith.constant 1984 : index
          %get3A_2121 = tpu.vector_load %arg17[%get3A_2118, %get3A_2119, %get3A_2120] {strides = array<i32>} : memref<2x8x2176xf32, #tpu.memory_space<vmem>>, vector<1x1x16xf32>,
          %get3A_2122 = vector.shape_cast %get3A_2121 : vector<1x1x16xf32> to vector<16xf32>
          %get3A_2123 = arith.constant 1 : i32
          %get3A_2124 = arith.index_cast %get3A_2123 : i32 to index
          %get3A_2125 = arith.index_cast %scan3A_158 : i32 to index
          %get3A_2126 = arith.constant 2000 : index
          %get3A_2127 = tpu.vector_load %arg17[%get3A_2124, %get3A_2125, %get3A_2126] {strides = array<i32>} : memref<2x8x2176xf32, #tpu.memory_space<vmem>>, vector<1x1x16xf32>,
          %get3A_2128 = vector.shape_cast %get3A_2127 : vector<1x1x16xf32> to vector<16xf32>
          %broadcast_in_dim3A_2129 = arith.constant 14 : i32
          %broadcast_in_dim3A_2130 = vector.broadcast %broadcast_in_dim3A_2129 : i32 to vector<16xi32>
          %broadcast_in_dim3A_2131 = vector.shape_cast %broadcast_in_dim3A_2130 : vector<16xi32> to vector<16x1xi32>
          %gather3A_2132 = vector.shape_cast %broadcast_in_dim3A_2131 : vector<16x1xi32> to vector<16xi32>
          %gather3A_2133 = tpu.dynamic_gather %sub3A_234[%gather3A_2132] in [0] : vector<16xf32>, vector<16xi32> -> vector<16xf32>
          %broadcast_in_dim3A_2134 = arith.constant 14 : i32
          %broadcast_in_dim3A_2135 = vector.broadcast %broadcast_in_dim3A_2134 : i32 to vector<16xi32>
          %broadcast_in_dim3A_2136 = vector.shape_cast %broadcast_in_dim3A_2135 : vector<16xi32> to vector<16x1xi32>
          %gather3A_2137 = vector.shape_cast %broadcast_in_dim3A_2136 : vector<16x1xi32> to vector<16xi32>
          %gather3A_2138 = tpu.dynamic_gather %sub3A_235[%gather3A_2137] in [0] : vector<16xf32>, vector<16xi32> -> vector<16xf32>
          %mul3A_2139 = arith.mulf %gather3A_2133, %get3A_2122 : vector<16xf32>
          %add3A_2140 = arith.addf %add3A_2110, %mul3A_2139 : vector<16xf32>
          %mul3A_2141 = arith.mulf %gather3A_2133, %get3A_2128 : vector<16xf32>
          %add3A_2142 = arith.addf %add3A_2112, %mul3A_2141 : vector<16xf32>
          %mul3A_2143 = arith.mulf %gather3A_2138, %get3A_2122 : vector<16xf32>
          %add3A_2144 = arith.addf %add3A_2114, %mul3A_2143 : vector<16xf32>
          %mul3A_2145 = arith.mulf %gather3A_2138, %get3A_2128 : vector<16xf32>
          %add3A_2146 = arith.addf %add3A_2116, %mul3A_2145 : vector<16xf32>
          %get3A_2147 = arith.constant 1 : i32
          %get3A_2148 = arith.index_cast %get3A_2147 : i32 to index
          %get3A_2149 = arith.index_cast %scan3A_158 : i32 to index
          %get3A_2150 = arith.constant 2016 : index
          %get3A_2151 = tpu.vector_load %arg17[%get3A_2148, %get3A_2149, %get3A_2150] {strides = array<i32>} : memref<2x8x2176xf32, #tpu.memory_space<vmem>>, vector<1x1x16xf32>,
          %get3A_2152 = vector.shape_cast %get3A_2151 : vector<1x1x16xf32> to vector<16xf32>
          %get3A_2153 = arith.constant 1 : i32
          %get3A_2154 = arith.index_cast %get3A_2153 : i32 to index
          %get3A_2155 = arith.index_cast %scan3A_158 : i32 to index
          %get3A_2156 = arith.constant 2032 : index
          %get3A_2157 = tpu.vector_load %arg17[%get3A_2154, %get3A_2155, %get3A_2156] {strides = array<i32>} : memref<2x8x2176xf32, #tpu.memory_space<vmem>>, vector<1x1x16xf32>,
          %get3A_2158 = vector.shape_cast %get3A_2157 : vector<1x1x16xf32> to vector<16xf32>
          %broadcast_in_dim3A_2159 = arith.constant 15 : i32
          %broadcast_in_dim3A_2160 = vector.broadcast %broadcast_in_dim3A_2159 : i32 to vector<16xi32>
          %broadcast_in_dim3A_2161 = vector.shape_cast %broadcast_in_dim3A_2160 : vector<16xi32> to vector<16x1xi32>
          %gather3A_2162 = vector.shape_cast %broadcast_in_dim3A_2161 : vector<16x1xi32> to vector<16xi32>
          %gather3A_2163 = tpu.dynamic_gather %sub3A_234[%gather3A_2162] in [0] : vector<16xf32>, vector<16xi32> -> vector<16xf32>
          %broadcast_in_dim3A_2164 = arith.constant 15 : i32
          %broadcast_in_dim3A_2165 = vector.broadcast %broadcast_in_dim3A_2164 : i32 to vector<16xi32>
          %broadcast_in_dim3A_2166 = vector.shape_cast %broadcast_in_dim3A_2165 : vector<16xi32> to vector<16x1xi32>
          %gather3A_2167 = vector.shape_cast %broadcast_in_dim3A_2166 : vector<16x1xi32> to vector<16xi32>
          %gather3A_2168 = tpu.dynamic_gather %sub3A_235[%gather3A_2167] in [0] : vector<16xf32>, vector<16xi32> -> vector<16xf32>
          %mul3A_2169 = arith.mulf %gather3A_2163, %get3A_2152 : vector<16xf32>
          %add3A_2170 = arith.addf %add3A_2140, %mul3A_2169 : vector<16xf32>
          %mul3A_2171 = arith.mulf %gather3A_2163, %get3A_2158 : vector<16xf32>
          %add3A_2172 = arith.addf %add3A_2142, %mul3A_2171 : vector<16xf32>
          %mul3A_2173 = arith.mulf %gather3A_2168, %get3A_2152 : vector<16xf32>
          %add3A_2174 = arith.addf %add3A_2144, %mul3A_2173 : vector<16xf32>
          %mul3A_2175 = arith.mulf %gather3A_2168, %get3A_2158 : vector<16xf32>
          %add3A_2176 = arith.addf %add3A_2146, %mul3A_2175 : vector<16xf32>
          %mul3A_2177 = arith.mulf %add3A_2170, %add3A_2170 : vector<16xf32>
          %mul3A_2178 = arith.mulf %add3A_2172, %add3A_2172 : vector<16xf32>
          %add3A_2179 = arith.addf %mul3A_2177, %mul3A_2178 : vector<16xf32>
          %mul3A_2180 = arith.mulf %add3A_2174, %add3A_2174 : vector<16xf32>
          %sub3A_2181 = arith.subf %add3A_2179, %mul3A_2180 : vector<16xf32>
          %mul3A_2182 = arith.mulf %add3A_2176, %add3A_2176 : vector<16xf32>
          %sub3A_2183 = arith.subf %sub3A_2181, %mul3A_2182 : vector<16xf32>
          %swap3A_2184 = arith.index_cast %add3A_163 : i32 to index
          %swap3A_2185 = arith.constant 0 : index
          %swap3A_2186 = tpu.vector_load %arg18[%swap3A_2184, %swap3A_2185] {strides = array<i32>} : memref<128x16xf32, #tpu.memory_space<vmem>>, vector<1x16xf32>,
          %swap3A_2187 = vector.shape_cast %swap3A_2186 : vector<1x16xf32> to vector<16xf32>
          %swap3A_2188 = vector.shape_cast %sub3A_2183 : vector<16xf32> to vector<1x16xf32>
          tpu.vector_store %arg18[%swap3A_2184, %swap3A_2185], %swap3A_2188 {strides = array<i32>} : memref<128x16xf32, #tpu.memory_space<vmem>>, vector<1x16xf32>,
          scf.yield %add3A_241, %add3A_257 : vector<16xf32>, vector<16xf32>
        }
        %scan3A_157 = arith.constant 8 : i32
        scf.yield %scan3A_156#0, %scan3A_156#1 : vector<16xf32>, vector<16xf32>
      }
      %scan3A_93 = arith.constant 8 : i32
      "tpu.region"() ({
        %run_scoped3A = tpu.sem_alloc : memref<!tpu.dma_semaphore, #tpu.memory_space<semaphore_mem>>
        %dma_start3A_94 = arith.constant 0 : i32
        %dma_start3A_95 = tpu.memref_slice %arg8[%add3A_45, %dma_start3A_94] : memref<16384x16xf32, #tpu.memory_space<hbm>> -> memref<128x16xf32, #tpu.memory_space<hbm>>
        %dma_start3A_96 = arith.constant 0 : i32
        %dma_start3A_97 = tpu.memref_slice %arg8[%add3A_45, %dma_start3A_96] : memref<16384x16xf32, #tpu.memory_space<hbm>> -> memref<128x16xf32, #tpu.memory_space<hbm>>
        tpu.enqueue_dma source(%arg18 : memref<128x16xf32, #tpu.memory_space<vmem>>) target(%dma_start3A_97 : memref<128x16xf32, #tpu.memory_space<hbm>>) target_semaphore(%run_scoped3A : memref<!tpu.dma_semaphore, #tpu.memory_space<semaphore_mem>>)
        %dma_wait3A_98 = arith.constant 0 : i32
        %dma_wait3A_99 = tpu.memref_slice %arg8[%add3A_45, %dma_wait3A_98] : memref<16384x16xf32, #tpu.memory_space<hbm>> -> memref<128x16xf32, #tpu.memory_space<hbm>>
        %dma_wait3A_100 = arith.constant 0 : i32
        %dma_wait3A_101 = tpu.memref_slice %arg8[%add3A_45, %dma_wait3A_100] : memref<16384x16xf32, #tpu.memory_space<hbm>> -> memref<128x16xf32, #tpu.memory_space<hbm>>
        tpu.wait_dma2 semaphore(%run_scoped3A : memref<!tpu.dma_semaphore, #tpu.memory_space<semaphore_mem>>) src(%arg18 : memref<128x16xf32, #tpu.memory_space<vmem>>) dst(%dma_wait3A_101 : memref<128x16xf32, #tpu.memory_space<hbm>>)
        tpu.yield
      }) : () -> ()
      scf.yield %scan3A_92#0, %scan3A_92#1 : vector<16xf32>, vector<16xf32>
    }
    %scan3A_8 = arith.constant 4 : i32
    %swap3A = arith.constant 0 : index
    %swap3A_9 = tpu.vector_load %arg19[%swap3A] {strides = array<i32>} : memref<128xf32, #tpu.memory_space<vmem>>, vector<16xf32>,
    %swap3A_10 = vector.shape_cast %swap3A_9 : vector<16xf32> to vector<16xf32>
    %swap3A_11 = vector.shape_cast %scan3A_7#0 : vector<16xf32> to vector<16xf32>
    tpu.vector_store %arg19[%swap3A], %swap3A_11 {strides = array<i32>} : memref<128xf32, #tpu.memory_space<vmem>>, vector<16xf32>,
    %swap3A_12 = arith.constant 16 : index
    %swap3A_13 = tpu.vector_load %arg19[%swap3A_12] {strides = array<i32>} : memref<128xf32, #tpu.memory_space<vmem>>, vector<16xf32>,
    %swap3A_14 = vector.shape_cast %swap3A_13 : vector<16xf32> to vector<16xf32>
    %swap3A_15 = vector.shape_cast %scan3A_7#1 : vector<16xf32> to vector<16xf32>
    tpu.vector_store %arg19[%swap3A_12], %swap3A_15 {strides = array<i32>} : memref<128xf32, #tpu.memory_space<vmem>>, vector<16xf32>,
    %swap3A_16 = arith.constant 32 : index
    %swap3A_17 = tpu.vector_load %arg19[%swap3A_16] {strides = array<i32>} : memref<128xf32, #tpu.memory_space<vmem>>, vector<16xf32>,
    %swap3A_18 = vector.shape_cast %swap3A_17 : vector<16xf32> to vector<16xf32>
    %swap3A_19 = vector.shape_cast %broadcast_in_dim3A_3 : vector<16xf32> to vector<16xf32>
    tpu.vector_store %arg19[%swap3A_16], %swap3A_19 {strides = array<i32>} : memref<128xf32, #tpu.memory_space<vmem>>, vector<16xf32>,
    %swap3A_20 = arith.constant 48 : index
    %swap3A_21 = tpu.vector_load %arg19[%swap3A_20] {strides = array<i32>} : memref<128xf32, #tpu.memory_space<vmem>>, vector<16xf32>,
    %swap3A_22 = vector.shape_cast %swap3A_21 : vector<16xf32> to vector<16xf32>
    %swap3A_23 = vector.shape_cast %broadcast_in_dim3A_3 : vector<16xf32> to vector<16xf32>
    tpu.vector_store %arg19[%swap3A_20], %swap3A_23 {strides = array<i32>} : memref<128xf32, #tpu.memory_space<vmem>>, vector<16xf32>,
    %swap3A_24 = arith.constant 64 : index
    %swap3A_25 = tpu.vector_load %arg19[%swap3A_24] {strides = array<i32>} : memref<128xf32, #tpu.memory_space<vmem>>, vector<16xf32>,
    %swap3A_26 = vector.shape_cast %swap3A_25 : vector<16xf32> to vector<16xf32>
    %swap3A_27 = vector.shape_cast %broadcast_in_dim3A_3 : vector<16xf32> to vector<16xf32>
    tpu.vector_store %arg19[%swap3A_24], %swap3A_27 {strides = array<i32>} : memref<128xf32, #tpu.memory_space<vmem>>, vector<16xf32>,
    %swap3A_28 = arith.constant 80 : index
    %swap3A_29 = tpu.vector_load %arg19[%swap3A_28] {strides = array<i32>} : memref<128xf32, #tpu.memory_space<vmem>>, vector<16xf32>,
    %swap3A_30 = vector.shape_cast %swap3A_29 : vector<16xf32> to vector<16xf32>
    %swap3A_31 = vector.shape_cast %broadcast_in_dim3A_3 : vector<16xf32> to vector<16xf32>
    tpu.vector_store %arg19[%swap3A_28], %swap3A_31 {strides = array<i32>} : memref<128xf32, #tpu.memory_space<vmem>>, vector<16xf32>,
    %swap3A_32 = arith.constant 96 : index
    %swap3A_33 = tpu.vector_load %arg19[%swap3A_32] {strides = array<i32>} : memref<128xf32, #tpu.memory_space<vmem>>, vector<16xf32>,
    %swap3A_34 = vector.shape_cast %swap3A_33 : vector<16xf32> to vector<16xf32>
    %swap3A_35 = vector.shape_cast %broadcast_in_dim3A_3 : vector<16xf32> to vector<16xf32>
    tpu.vector_store %arg19[%swap3A_32], %swap3A_35 {strides = array<i32>} : memref<128xf32, #tpu.memory_space<vmem>>, vector<16xf32>,
    %swap3A_36 = arith.constant 112 : index
    %swap3A_37 = tpu.vector_load %arg19[%swap3A_36] {strides = array<i32>} : memref<128xf32, #tpu.memory_space<vmem>>, vector<16xf32>,
    %swap3A_38 = vector.shape_cast %swap3A_37 : vector<16xf32> to vector<16xf32>
    %swap3A_39 = vector.shape_cast %broadcast_in_dim3A_3 : vector<16xf32> to vector<16xf32>
    tpu.vector_store %arg19[%swap3A_36], %swap3A_39 {strides = array<i32>} : memref<128xf32, #tpu.memory_space<vmem>>, vector<16xf32>,
    "tpu.region"() ({
      %run_scoped3A = tpu.sem_alloc : memref<!tpu.dma_semaphore, #tpu.memory_space<semaphore_mem>>
      %dma_start3A = arith.constant 0 : i32
      %dma_start3A_40 = tpu.memref_slice %arg9[%add3A, %dma_start3A] : memref<32x128xf32, #tpu.memory_space<hbm>> -> memref<1x128xf32, #tpu.memory_space<hbm>>
      %dma_start3A_41 = tpu.memref_squeeze %dma_start3A_40 : memref<1x128xf32, #tpu.memory_space<hbm>> -> memref<128xf32, #tpu.memory_space<hbm>>
      %dma_start3A_42 = arith.constant 0 : i32
      %dma_start3A_43 = tpu.memref_slice %arg9[%add3A, %dma_start3A_42] : memref<32x128xf32, #tpu.memory_space<hbm>> -> memref<1x128xf32, #tpu.memory_space<hbm>>
      %dma_start3A_44 = tpu.memref_squeeze %dma_start3A_43 : memref<1x128xf32, #tpu.memory_space<hbm>> -> memref<128xf32, #tpu.memory_space<hbm>>
      tpu.enqueue_dma source(%arg19 : memref<128xf32, #tpu.memory_space<vmem>>) target(%dma_start3A_44 : memref<128xf32, #tpu.memory_space<hbm>>) target_semaphore(%run_scoped3A : memref<!tpu.dma_semaphore, #tpu.memory_space<semaphore_mem>>)
      %dma_wait3A = arith.constant 0 : i32
      %dma_wait3A_45 = tpu.memref_slice %arg9[%add3A, %dma_wait3A] : memref<32x128xf32, #tpu.memory_space<hbm>> -> memref<1x128xf32, #tpu.memory_space<hbm>>
      %dma_wait3A_46 = tpu.memref_squeeze %dma_wait3A_45 : memref<1x128xf32, #tpu.memory_space<hbm>> -> memref<128xf32, #tpu.memory_space<hbm>>
      %dma_wait3A_47 = arith.constant 0 : i32
      %dma_wait3A_48 = tpu.memref_slice %arg9[%add3A, %dma_wait3A_47] : memref<32x128xf32, #tpu.memory_space<hbm>> -> memref<1x128xf32, #tpu.memory_space<hbm>>
      %dma_wait3A_49 = tpu.memref_squeeze %dma_wait3A_48 : memref<1x128xf32, #tpu.memory_space<hbm>> -> memref<128xf32, #tpu.memory_space<hbm>>
      tpu.wait_dma2 semaphore(%run_scoped3A : memref<!tpu.dma_semaphore, #tpu.memory_space<semaphore_mem>>) src(%arg19 : memref<128xf32, #tpu.memory_space<vmem>>) dst(%dma_wait3A_49 : memref<128xf32, #tpu.memory_space<hbm>>)
      tpu.yield
    }) : () -> ()
    return
  }
}

module attributes {stable_mosaic.version = 14 : i64} {
  func.func @_tc_body(%arg0: memref<16384x16xf32, #tpu.memory_space<vmem>>, %arg1: memref<32x128xf32, #tpu.memory_space<vmem>>, %arg2: memref<1x1xf32, #tpu.memory_space<smem>>) attributes {dimension_semantics = [], scalar_prefetch = 0 : i64, scratch_operands = 0 : i64, tpu.core_type = #tpu.core_type<tc>} {
    %get3A = arith.constant 0 : index
    %get3A_0 = arith.constant 0 : index
    %get3A_1 = vector.load %arg0[%get3A, %get3A_0] : memref<16384x16xf32, #tpu.memory_space<vmem>>, vector<16384x16xf32>
    %reduce_sum3A = arith.constant dense<0.000000e+00> : vector<16384xf32>
    %reduce_sum3A_2 = vector.multi_reduction <add>, %get3A_1, %reduce_sum3A [1] : vector<16384x16xf32> to vector<16384xf32>
    %broadcast_in_dim3A = vector.shape_cast %reduce_sum3A_2 : vector<16384xf32> to vector<16384x1xf32>
    %mul3A = arith.constant 5.000000e-01 : f32
    %mul3A_3 = vector.broadcast %mul3A : f32 to vector<16384x1xf32>
    %mul3A_4 = arith.mulf %mul3A_3, %broadcast_in_dim3A : vector<16384x1xf32>
    %neg3A = arith.constant 0.000000e+00 : f32
    %neg3A_5 = vector.broadcast %neg3A : f32 to vector<16384x1xf32>
    %neg3A_6 = arith.subf %neg3A_5, %mul3A_4 : vector<16384x1xf32>
    %max3A = arith.constant 0.000000e+00 : f32
    %max3A_7 = vector.broadcast %max3A : f32 to vector<16384x1xf32>
    %max3A_8 = arith.maximumf %neg3A_6, %max3A_7 : vector<16384x1xf32>
    %abs3A = math.absf %neg3A_6 : vector<16384x1xf32>
    %neg3A_9 = arith.constant 0.000000e+00 : f32
    %neg3A_10 = vector.broadcast %neg3A_9 : f32 to vector<16384x1xf32>
    %neg3A_11 = arith.subf %neg3A_10, %abs3A : vector<16384x1xf32>
    %exp3A = math.exp %neg3A_11 : vector<16384x1xf32>
    %log1p3A = math.log1p %exp3A : vector<16384x1xf32>
    %add3A = arith.addf %max3A_8, %log1p3A : vector<16384x1xf32>
    %reduce_sum3A_12 = vector.shape_cast %add3A : vector<16384x1xf32> to vector<1x16384x1xf32>
    %reduce_sum3A_13 = arith.constant dense<0.000000e+00> : vector<1xf32>
    %reduce_sum3A_14 = vector.multi_reduction <add>, %reduce_sum3A_12, %reduce_sum3A_13 [1, 2] : vector<1x16384x1xf32> to vector<1xf32>
    %reduce_sum3A_15 = vector.shape_cast %reduce_sum3A_14 : vector<1xf32> to vector<1x1x1xf32>
    %reduce_sum3A_16 = vector.extract %reduce_sum3A_15[0, 0, 0] : f32 from vector<1x1x1xf32>
    %mul3A_17 = arith.constant 6.10351563E-5 : f32
    %mul3A_18 = arith.mulf %reduce_sum3A_16, %mul3A_17 : f32
    %get3A_19 = arith.constant 0 : index
    %get3A_20 = arith.constant 0 : index
    %get3A_21 = vector.load %arg1[%get3A_19, %get3A_20] : memref<32x128xf32, #tpu.memory_space<vmem>>, vector<32x128xf32>
    %reduce_sum3A_22 = vector.shape_cast %get3A_21 : vector<32x128xf32> to vector<1x32x128xf32>
    %reduce_sum3A_23 = arith.constant dense<0.000000e+00> : vector<1xf32>
    %reduce_sum3A_24 = vector.multi_reduction <add>, %reduce_sum3A_22, %reduce_sum3A_23 [1, 2] : vector<1x32x128xf32> to vector<1xf32>
    %reduce_sum3A_25 = vector.shape_cast %reduce_sum3A_24 : vector<1xf32> to vector<1x1x1xf32>
    %reduce_sum3A_26 = vector.extract %reduce_sum3A_25[0, 0, 0] : f32 from vector<1x1x1xf32>
    %mul3A_27 = arith.constant 3.05175781E-5 : f32
    %mul3A_28 = arith.mulf %reduce_sum3A_26, %mul3A_27 : f32
    %mul3A_29 = arith.constant 0.00999999977 : f32
    %mul3A_30 = arith.mulf %mul3A_29, %mul3A_28 : f32
    %add3A_31 = arith.addf %mul3A_18, %mul3A_30 : f32
    %swap3A = arith.constant 0 : index
    %swap3A_32 = arith.constant 0 : index
    %swap3A_33 = memref.load %arg2[%swap3A, %swap3A_32] : memref<1x1xf32, #tpu.memory_space<smem>>
    memref.store %add3A_31, %arg2[%swap3A, %swap3A_32] : memref<1x1xf32, #tpu.memory_space<smem>>
    return
  }
}

</mosaic_0001>

<sc_bundles>
// kernel: kernel.4.cloned.1.call-start
scs
__scs_entry_jumppad:
0x0: {  	(pc) =	sbr.rel $0x88, $3  }
0x1: {  	(tag) =	ssettag $0x0;
	lr =	simm.s32 $0x1  }
0x2: {  	[smem:$0x3F9A] =	sst lr;
	_ =	strace $0xD0000000  }
0x3: {  	_ = 	snop  }
0x4: {  	_ = 	snop  }
0x5: {  	_ = 	snop  }
0x6: {  	_ = 	snop  }
0x7: {  	_ = 	snop  }
__scs_overlays_trampoline_lowered:
0x8: {  	[smem:$0x3FA9] =	sst s0  }
0x9: {  	[smem:$0x3FAA] =	sst s1  }
0xa: {  	[smem:$0x3FAB] =	sst s2  }
0xb: {  	[smem:$0x3FAC] =	sst s3  }
0xc: {  	[smem:$0x3FAD] =	sst s4  }
0xd: {  	[smem:$0x3FAE] =	sst s5  }
0xe: {  	[smem:$0x3FAF] =	sst s6  }
0xf: {  	[smem:$0x3FB0] =	sst s7  }
0x10: {  	[smem:$0x3FB1] =	sst s8  }
0x11: {  	[smem:$0x3FB2] =	sst s9;
	s0 =	simm.s32 @!p0 $0x0  }
0x12: {  	s1 =	sld [smem:$0x3F98];
	s0 =	simm.s32 @p0 $0x1  }
0x13: {  	[smem:$0x3FB3] =	sst s0;
	s0 =	simm.s32 @!p1 $0x0  }
0x14: {  	s2 =	sld [smem:$0x3F97];
	s0 =	simm.s32 @p1 $0x1  }
0x15: {  	[smem:$0x3FB4] =	sst s0;
	s0 =	simm.s32 @!p2 $0x0  }
0x16: {  	s3 =	sld [smem:$0x3FDB];
	s0 =	simm.s32 @p2 $0x1  }
0x17: {  	s4 =	simm.s32 $0x1BF5;
	[smem:$0x3FB6] =	sst s0  }
0x18: {  	s0 =	sld [smem:$0x3F99];
	_ =	swait.ge [sflag:s4], $0x0  }
0x19: {  	s7 =	sld [smem:$0x3F9A]  }
0x1a: {  	s8 =	sadd.s32 $0xFFFFE003, lr  }
0x1b: {  	s9 =	sadd.s32 $0xFFFFFEF7, lr;
	s5 =	simm.s32 $0xFFFFFFFF;
	p2 =	slt.u32 s8, $0xFFFFF086  }
0x1c: {  	p1 =	slt.u32 s9, $0xF7A;
	s5 =	simm.s32 @!p2 $0x0  }
0x1d: {  	s5 =	simm.s32 @p1 $0x1;
	p0 =	seq.s32 s7, s2  }
0x1e: {  	s7 =	smul.u32 @!p0 $0xF7A, s2;
	p2 =	seq.s32 @!p0 s5, $0x0  }
0x1f: {  	s9 =	smul.u32 $0xF7A, s1;
	s8 =	simm.s32 @!p0 $0x1BF5;
	p2 =	por !p2, p0  }
0x20: {  	[sflag:s8] =	ssyncset.s32 @!p0 $0xFFFFF086;
	s6 =	sadd.s32 @!p0 s3, s7;
	s7 =	simm.s32 @!p0 $0x108  }
0x21: {  	s3 =	sadd.s32 s3, s9;
	s6 =	sadd.s32 @!p0 $0x88, s6;
	s7 =	simm.s32 @p2 $0x1082  }
0x22: {  	[simem:s7], [sflag:s8] =	dma.local @!p0 [hbm:s6], $0xF7A  }
0x23: {  	s9 =	sor.u32 $0xD0000000, s2;
	s6 =	simm.s32 $0x108;
	_ =	swait.ge @!p0 [sflag:s8], $0x0  }
0x24: {  	s3 =	sadd.s32 $0x88, s3;
	s6 =	simm.s32 @!p1 $0x1082;
	[sflag:s4] =	ssyncset.s32 $0xFFFFF086  }
0x25: {  	[simem:s6], [sflag:s4] =	dma.local [hbm:s3], $0xF7A  }
0x26: {  	[smem:$0x3F9A] =	sst s1;
	(tag) =	ssettag s2;
	_ =	strace s9  }
0x27: {  	s1 =	sld [smem:$0x3FAA]  }
0x28: {  	s2 =	sld [smem:$0x3FAB]  }
0x29: {  	s4 =	sld [smem:$0x3FAD]  }
0x2a: {  	p0 =	seq.s32 s5, $0x0;
	s5 =	sld [smem:$0x3FAE]  }
0x2b: {  	s6 =	sld [smem:$0x3FAF]  }
0x2c: {  	s7 =	sld [smem:$0x3FB0]  }
0x2d: {  	s3 =	simm.s32 $0x108;
	s8 =	sld [smem:$0x3FB1]  }
0x2e: {  	s3 =	simm.s32 @!p0 $0x1082;
	s9 =	sld [smem:$0x3FB2]  }
0x2f: {  	lr =	sadd.s32 s0, s3;
	s0 =	sld [smem:$0x3FA9]  }
0x30: {  	s3 =	sld [smem:$0x3FAC]  }
0x31: {  	[smem:$0x3FB5] =	sst s10  }
0x32: {  	s10 =	sld [smem:$0x3FB3];
	_ =	sdelay $0x3  }
0x33: {  	p0 =	seq.s32 s10, $0x1;
	s10 =	sld [smem:$0x3FB5];
	_ =	sdelay $0x3  }
0x34: {  	[smem:$0x3FB5] =	sst s10  }
0x35: {  	s10 =	sld [smem:$0x3FB4];
	_ =	sdelay $0x3  }
0x36: {  	p1 =	seq.s32 s10, $0x1;
	s10 =	sld [smem:$0x3FB5];
	_ =	sdelay $0x3  }
0x37: {  	[smem:$0x3FB5] =	sst s10  }
0x38: {  	s10 =	sld [smem:$0x3FB6]  }
0x39: {  	_ = 	snop;
	(pc) =	sbr.ind lr, $3  }
0x3a: {  	_ = 	snop  }
0x3b: {  	_ = 	snop  }
0x3c: {  	p2 =	seq.s32 s10, $0x1;
	s10 =	sld [smem:$0x3FB5]  }
0x3d: {  	_ =	shalt  }
0x3e: {  	_ =	shalt  }
0x3f: {  	_ =	shalt  }
0x40: {  	_ =	shalt  }
0x41: {  	_ =	shalt  }
0x42: {  	_ =	shalt  }
0x43: {  	_ =	shalt  }
0x44: {  	_ =	shalt  }
0x45: {  	_ =	shalt  }
0x46: {  	_ =	shalt  }
0x47: {  	_ =	shalt  }
0x48: {  	_ =	shalt  }
0x49: {  	_ =	shalt  }
0x4a: {  	_ =	shalt  }
0x4b: {  	_ =	shalt  }
0x4c: {  	_ =	shalt  }
0x4d: {  	_ =	shalt  }
0x4e: {  	_ =	shalt  }
0x4f: {  	_ =	shalt  }
0x50: {  	_ =	shalt  }
0x51: {  	_ =	shalt  }
0x52: {  	_ =	shalt  }
0x53: {  	_ =	shalt  }
0x54: {  	_ =	shalt  }
0x55: {  	_ =	shalt  }
0x56: {  	_ =	shalt  }
0x57: {  	_ =	shalt  }
0x58: {  	_ =	shalt  }
0x59: {  	_ =	shalt  }
0x5a: {  	_ =	shalt  }
0x5b: {  	_ =	shalt  }
0x5c: {  	_ =	shalt  }
0x5d: {  	_ =	shalt  }
0x5e: {  	_ =	shalt  }
0x5f: {  	_ =	shalt  }
0x60: {  	_ =	shalt  }
0x61: {  	_ =	shalt  }
0x62: {  	_ =	shalt  }
0x63: {  	_ =	shalt  }
0x64: {  	_ =	shalt  }
0x65: {  	_ =	shalt  }
0x66: {  	_ =	shalt  }
0x67: {  	_ =	shalt  }
0x68: {  	_ =	shalt  }
0x69: {  	_ =	shalt  }
0x6a: {  	_ =	shalt  }
0x6b: {  	_ =	shalt  }
0x6c: {  	_ =	shalt  }
0x6d: {  	_ =	shalt  }
0x6e: {  	_ =	shalt  }
0x6f: {  	_ =	shalt  }
0x70: {  	_ =	shalt  }
0x71: {  	_ =	shalt  }
0x72: {  	_ =	shalt  }
0x73: {  	_ =	shalt  }
0x74: {  	_ =	shalt  }
0x75: {  	_ =	shalt  }
0x76: {  	_ =	shalt  }
0x77: {  	_ =	shalt  }
0x78: {  	_ =	shalt  }
0x79: {  	_ =	shalt  }
0x7a: {  	_ =	shalt  }
0x7b: {  	_ =	shalt  }
0x7c: {  	_ =	shalt  }
0x7d: {  	_ =	shalt  }
0x7e: {  	_ =	shalt  }
0x7f: {  	_ =	shalt  }
0x80: {  	_ =	shalt  }
0x81: {  	_ =	shalt  }
0x82: {  	_ =	shalt  }
0x83: {  	_ =	shalt  }
0x84: {  	_ =	shalt  }
0x85: {  	_ =	shalt  }
0x86: {  	_ =	shalt  }
0x87: {  	_ =	shalt  }
.Lfunc_end0:
.L_simem_size_0:
called_computation_lowered:
.L_overlay_start_0:
0x88: {  	s2 =	sld [smem:$0x3FD9]  }
0x89: {  	s3 =	sld [smem:$0x3FFE];
	_ =	sdelay $0x1  }
0x8a: {  	s1 =	srdreg.scid  }
0x8b: {  	s0 =	sand.u32 $0x1, s1  }
0x8c: {  	s17 =	sshll.u32 s0, $0xA;
	s2 =	sadd.s32 s3, s2  }
0x8d: {  	s2 =	sadd.s32 s2, s17  }
0x8e: {  	[smem:$0x3FC1] =	sst s2  }
0x8f: {  	_ = 	snop  }
0x90: {  	s2 =	sld [smem:$0x3FC9]  }
0x91: {  	s18 =	sld [smem:$0x3FC8]  }
0x92: {  	s4 =	sld [smem:$0x3FC7]  }
0x93: {  	s5 =	sld [smem:$0x3FC6];
	(tm) =	ssettm $0x1  }
0x94: {  	s6 =	sld [smem:$0x3FFB];
	_ =	sdelay $0x3  }
0x95: {  	_ =	strace s6  }
0x96: {  	s6 =	sld [smem:$0x3FFC];
	_ =	sdelay $0x3  }
0x97: {  	_ =	strace s6  }
0x98: {  	s6 =	sld [smem:$0x3FFD];
	_ =	sdelay $0x3  }
0x99: {  	_ =	strace s6  }
0x9a: {  	_ =	strace $0x8FFFFFFF  }
0x9b: {  	s19 =	sld [smem:$0x3FDB];
	_ =	sdelay $0x1  }
0x9c: {  	s7 =	simm.s32 $_scs_section_size  }
0x9d: {  	s8 =	simm.s32 $_size__tile_overlayer_lowered;
	s9 =	simm.s32 $_tile_overlayer_lowered  }
0x9e: {  	s22 =	simm.s32 $0x1BFF;
	s21 =	sshll.u32 s9, $0x1;
	s6 =	sadd.s32 s7, s19  }
0x9f: {  	s10 =	simm.s32 $0x0;
	s20 =	sshll.u32 s8, $0x1;
	s8 =	sadd.s32 s21, s6  }
0xa0: {  	[timem:s10], [sflag:s22] =	dma.local [hbm:s8], s20  }
0xa1: {  	_ =	swait.ge [sflag:s22], s20  }
0xa2: {  	s7 =	ssub.s32 $0x0, s20;
	[sflag:s22] =	ssyncset.done $0x0  }
0xa3: {  	[sflag:s22] =	ssyncadd.s32 s7;
	_ =	sdelay $0x1  }
0xa4: {  	s23 =	simm.s32 $0x1B8B  }
0xa5: {  	_ =	swait.ge [sflag:s23], $0x1  }
0xa6: {  	[sflag:s23] =	ssyncset.done $0x0  }
0xa7: {  	s25 =	simm.s32 $0x1B8E;
	s24 =	sld [smem:$0x3FFE];
	[sflag:s23] =	ssyncadd.s32 $0xFFFFFFFF  }
0xa8: {  	s26 =	simm.s32 $execute0_lowered;
	[smem:$0x3FD2] =	sst s25  }
0xa9: {  	s8 =	sshll.u32 s26, $0x1;
	_ =	strace $0x80000046;
	[dreg:$0x1] =	wrdreg $0xFFFFFFFF  }
0xaa: {  	s28 =	simm.s32 $_size_execute0_lowered;
	s6 =	sadd.s32 s6, s8;
	[dreg:$0x0] =	wrdreg $0x0  }
0xab: {  	s8 =	sshll.u32 s28, $0x1;
	[dreg:$0x2] =	wrdreg s6  }
0xac: {  	[dreg:$0x3] =	wrdreg s8  }
0xad: {  	[dreg:$0x4] =	wrdreg $0xC0  }
0xae: {  	_ =	task [dreg:s10], $0x5FFFF  }
0xaf: {  	[dreg:$0x1] =	wrdreg $0xFFFFFFFF  }
0xb0: {  	[dreg:$0x0] =	wrdreg $0x60  }
0xb1: {  	[dreg:$0x2] =	wrdreg s2  }
0xb2: {  	[dreg:$0x3] =	wrdreg s18  }
0xb3: {  	[dreg:$0x4] =	wrdreg s4  }
0xb4: {  	[dreg:$0x5] =	wrdreg s5  }
0xb5: {  	[dreg:$0x6] =	wrdreg s24  }
0xb6: {  	[dreg:$0x7] =	wrdreg $0x9  }
0xb7: {  	_ =	task.clear_ibuf [dreg:s10], $0x8FFFF;
	_ =	strace $0x90000046  }
0xb8: {  	s29 =	simm.s32 $0x9;
	_ =	strace $0x80000048  }
0xb9: {  	_ =	swait.ge [sflag:s29], $0x1  }
0xba: {  	[sflag:s29] =	ssyncadd.s32 $0xFFFFFFFF  }
0xbb: {  	_ =	strace $0x90000048  }
0xbc: {  	_ =	sfence  }
0xbd: {  	s30 =	sld [smem:$0x0];
	_ =	sdelay $0x2  }
0xbe: {  	s31 =	sshll.u32 s1, $0xD;
	s1 =	sshrl.u32 s1, $0x2  }
0xbf: {  	s3 =	sand.u32 $0x4000, s31;
	s1 =	sadd.s32 s1, s30  }
0xc0: {  	s0 =	sor.u32 s3, s0;
	s1 =	sshll.u32 s1, $0x11  }
0xc1: {  	s0 =	sor.u32 s1, s0  }
0xc2: {  	s0 =	sadd.s32 $0x8F2B, s0  }
0xc3: {  	[sflag:s0] =	ssyncadd.remote.s32 $0x1  }
0xc4: {  	_ =	sfence.sel $0xFFFF  }
0xc5: {  	[dreg:$0x0] =	wrdreg $0xFFFFFFFF;
	(pc) =	sbr.abs _section_cstart, $3  }
0xc6: {  	[dreg:$0x1] =	wrdreg $0xFFFFFFFF  }
0xc7: {  	_ =	task.clear_ibuf [dreg:s10], $0x2FFFF;
	_ =	strace $0x9FFFFFFF  }
0xc8: {  	(tm) =	ssettm $0x7FFFFFFF  }
0xc9: {  	_ =	shalt  }
tec
execute0_lowered:
.L_overlay_start_1:
0x0: {  	(tag) =	ssettag $0x1  }
0x1: {  	s0 =	rddreg [dreg:$0x4];
	s1 =	simm.s32 $0x0  }
0x2: {  	s23 =	srdreg.scid;
	s2 =	stileid.u32;
	s28 =	simm.s32 $0x13E00  }
0x3: {  	s29 =	simm.s32 $0x14600;
	s30 =	simm.s32 $0x2;
	s31 =	simm.s32 $0x3  }
0x4: {  	s6 =	simm.s32 $0x0;
	[smem:$0x7FF] =	sst s1;
	s1 =	sand.u32 $0x1, s23  }
0x5: {  	s2 =	sshll.u32 s2, $0x1;
	s3 =	sadd.s32 $0x43800, s0;
	s8 =	sadd.s32 $0x1000, s0  }
0x6: {  	s5 =	sadd.s32 $0xF85C00, s0;
	s11 =	sadd.s32 $0x1100, s0;
	s12 =	sadd.s32 $0x1200, s0  }
0x7: {  	s13 =	sadd.s32 $0x1300, s0;
	s14 =	sadd.s32 $0x1400, s0;
	s15 =	sadd.s32 $0x1500, s0  }
0x8: {  	v0 =	vlaneseq.u32;
	vm0 =	vmmov $0xff;
	s16 =	sadd.s32 $0x1600, s0;
	s17 =	sadd.s32 $0x1700, s0;
	s18 =	sadd.s32 $0x1800, s0  }
0x9: {  	vm1 =	vmmov $0xffff;
	v2 =	vimm.s32 $0x0;
	v3 =	vimm.s32 $0x1;
	_ =	strace $0x80000047;
	[dreg:$0x6] =	wrdreg s3;
	s2 =	sor.u32 s1, s2  }
0xa: {  	v4 =	vimm.s32 $0x2;
	v5 =	vimm.s32 $0x3;
	v6 =	vimm.s32 $0x4;
	s1 =	ssub.s32 $0x2, s1;
	[dreg:$0x7] =	wrdreg s5;
	s24 =	sshll.u32 s2, $0x4  }
0xb: {  	v7 =	vimm.s32 $0x5;
	v8 =	vimm.s32 $0x6;
	v9 =	vimm.s32 $0x7;
	s4 =	sshrl.u32 s1, $0x1;
	s2 =	sshll.u32 s2, $0x9;
	s3 =	sadd.s32 s24, s0  }
0xc: {  	v10 =	vimm.s32 $0x8;
	v11 =	vimm.s32 $0x9;
	v12 =	vimm.s32 $0xA;
	s1 =	ssub.s32 s1, s4;
	[dreg:$0x8] =	wrdreg s2;
	s2 =	simm.s32 $0x11600  }
0xd: {  	v13 =	vimm.s32 $0xB;
	v14 =	vimm.s32 $0xC;
	v15 =	vimm.s32 $0xD;
	s4 =	simm.s32 $0x12600;
	s25 =	sadd.s32 $0xFC5C00, s3;
	s26 =	smax.u32 s1, $0x1  }
0xe: {  	v16 =	vimm.s32 $0xE;
	v17 =	vimm.s32 $0xF;
	v1 =	vshrl.u32 v0, $0x3;
	s1 =	simm.s32 $0x10E00;
	s3 =	simm.s32 $0x11E00;
	[dreg:$0x9] =	wrdreg s25  }
0xf: {  	v18 =	vimm.f32 $0.0e+00;
	v0 =	vand.u32 $0x7, v0;
	v1 =	vmul.u32 $0x8, v1;
	[dreg:$0xa] =	wrdreg s26;
	s25 =	simm.s32 $0x12E00;
	s26 =	simm.s32 $0x13600  }
.LBB2_1:
0x10: {  	[dreg:$0xb] =	wrdreg s6;
	v19 =	vimm.f32 $0.0e+00;
	v24 =	vimm.f32 $0.0e+00;
	s5 =	simm.s32 $0x0  }
.LBB2_2:
0x11: {  	[dreg:$0xc] =	wrdreg s5  }
0x12: {  	s0 =	sshll.u32 s5, $0x7;
	s10 =	rddreg [dreg:$0x8]  }
0x13: {  	s19 =	rddreg [dreg:$0x0];
	s0 =	sadd.s32 s10, s0  }
0x14: {  	s20 =	rddreg [dreg:$0x1];
	s5 =	sshrl.u32 s0, $0x3  }
0x15: {  	[dreg:$0xd] =	wrdreg s0;
	s0 =	simm.s32 $0x0;
	s6 =	sadd.s32 s19, s5  }
0x16: {  	[tilespmem:s0], [sflag:$0x1] =	stream.linear.gather [hbm4b:s6+s0], $0x80, $0x38;
	[tilespmem:$0x18A80] =	vst v63  }
0x17: {  	s7 =	simm.s32 $0x80;
	s21 =	rddreg [dreg:$0x2];
	s6 =	sadd.s32 s20, s5  }
0x18: {  	[tilespmem:s7], [sflag:$0x1] =	stream.linear.gather [hbm4b:s6+s0], $0x80, $0x38;
	[tilespmem:$0x18A80] =	vst v63  }
0x19: {  	s22 =	rddreg [dreg:$0x3];
	s19 =	simm.s32 $0x100;
	s6 =	sadd.s32 s21, s5  }
0x1a: {  	[tilespmem:s19], [sflag:$0x1] =	stream.linear.gather [hbm4b:s6+s0], $0x80, $0x38;
	[tilespmem:$0x18A80] =	vst v63  }
0x1b: {  	s23 =	simm.s32 $0x180;
	s20 =	simm.s32 $0x1;
	s5 =	sadd.s32 s22, s5  }
0x1c: {  	[tilespmem:s23], [sflag:$0x1] =	stream.linear.gather [hbm4b:s5+s0], $0x80, $0x38;
	[tilespmem:$0x18A80] =	vst v63  }
0x1d: {  	_ =	swait.ge [sflag:s20], $0x80  }
0x1e: {  	[sflag:s20] =	ssyncset.done $0x0  }
0x1f: {  	[sflag:s20] =	ssyncadd.s32 $0xFFFFFF80  }
0x20: {  	_ =	swait.ge [sflag:s20], $0x80  }
0x21: {  	[sflag:s20] =	ssyncset.done $0x0  }
0x22: {  	[sflag:s20] =	ssyncadd.s32 $0xFFFFFF80  }
0x23: {  	_ =	swait.ge [sflag:s20], $0x80  }
0x24: {  	[sflag:s20] =	ssyncset.done $0x0  }
0x25: {  	[sflag:s20] =	ssyncadd.s32 $0xFFFFFF80  }
0x26: {  	_ =	swait.ge [sflag:s20], $0x80  }
0x27: {  	[sflag:s20] =	ssyncset.done $0x0  }
0x28: {  	s9 =	simm.s32 $0x200;
	s24 =	rddreg [dreg:$0x6];
	[sflag:s20] =	ssyncadd.s32 $0xFFFFFF80  }
0x29: {  	[tilespmem:s9], [sflag:$0x1] =	stream.indirect.gather [hbm4b:s24+s7], $0x80, s0, s7, $0xb8;
	[tilespmem:$0x18A80] =	vst v63  }
0x2a: {  	s10 =	simm.s32 $0x4200  }
0x2b: {  	[tilespmem:s10], [sflag:$0x1] =	stream.indirect.gather [hbm4b:s24+s7], $0x80, s19, s7, $0xb8;
	[tilespmem:$0x18A80] =	vst v63  }
0x2c: {  	s22 =	simm.s32 $0x8200  }
0x2d: {  	[tilespmem:s22], [sflag:$0x1] =	stream.indirect.gather [hbm4b:s24+s7], $0x80, s23, s7, $0xb8;
	[tilespmem:$0x18A80] =	vst v63  }
0x2e: {  	v20 =	vld.msk [tilespmem:$0x80], $0xff;
	_ =	sdelay $0x4  }
0x2f: {  	v21 =	vshrl.u32 v20, $0x3  }
0x30: {  	v21 =	vmul.u32 $0x88, v21  }
0x31: {  	v20 =	vand.u32 $0x7, v20  }
0x32: {  	v20 =	vor.u32 v20, v21  }
0x33: {  	v20 =	vperm.xlane v20, v0;
	_ =	sdelay $0x1  }
0x34: {  	v20 =	vadd.s32 v1, v20;
	_ =	sdelay $0x3  }
0x35: {  	s21 =	simm.s32 $0xC200  }
0x36: {  	[tilespmem:s21], [sflag:$0x2] =	stream.indirect_vreg.gather [hbm4b:s8+s0], $0x80, v20, vm1, $0xb8;
	[tilespmem:$0x18A80] =	vst v63  }
0x37: {  	s23 =	simm.s32 $0xCA00  }
0x38: {  	[tilespmem:s23], [sflag:$0x2] =	stream.indirect_vreg.gather [hbm4b:s11+s0], $0x80, v20, vm1, $0xb8;
	[tilespmem:$0x18A80] =	vst v63  }
0x39: {  	s24 =	simm.s32 $0xD200  }
0x3a: {  	[tilespmem:s24], [sflag:$0x2] =	stream.indirect_vreg.gather [hbm4b:s12+s0], $0x80, v20, vm1, $0xb8;
	[tilespmem:$0x18A80] =	vst v63  }
0x3b: {  	s6 =	simm.s32 $0xDA00  }
0x3c: {  	[tilespmem:s6], [sflag:$0x2] =	stream.indirect_vreg.gather [hbm4b:s13+s0], $0x80, v20, vm1, $0xb8;
	[tilespmem:$0x18A80] =	vst v63  }
0x3d: {  	s7 =	simm.s32 $0xE200  }
0x3e: {  	[tilespmem:s7], [sflag:$0x2] =	stream.indirect_vreg.gather [hbm4b:s14+s0], $0x80, v20, vm1, $0xb8;
	[tilespmem:$0x18A80] =	vst v63  }
0x3f: {  	s19 =	simm.s32 $0xEA00  }
0x40: {  	[tilespmem:s19], [sflag:$0x2] =	stream.indirect_vreg.gather [hbm4b:s15+s0], $0x80, v20, vm1, $0xb8;
	[tilespmem:$0x18A80] =	vst v63  }
0x41: {  	s21 =	simm.s32 $0xF200  }
0x42: {  	[tilespmem:s21], [sflag:$0x2] =	stream.indirect_vreg.gather [hbm4b:s16+s0], $0x80, v20, vm1, $0xb8;
	[tilespmem:$0x18A80] =	vst v63  }
0x43: {  	s23 =	simm.s32 $0xFA00  }
0x44: {  	[tilespmem:s23], [sflag:$0x2] =	stream.indirect_vreg.gather [hbm4b:s17+s0], $0x80, v20, vm1, $0xb8;
	[tilespmem:$0x18A80] =	vst v63  }
0x45: {  	s24 =	simm.s32 $0x10200  }
0x46: {  	[tilespmem:s24], [sflag:$0x2] =	stream.indirect_vreg.gather [hbm4b:s18+s0], $0x80, v20, vm0, $0xb8;
	[tilespmem:$0x18A80] =	vst v63  }
0x47: {  	_ =	swait.ge [sflag:s20], $0x4000  }
0x48: {  	[sflag:s20] =	ssyncset.done $0x0  }
0x49: {  	[sflag:s20] =	ssyncadd.s32 $0xFFFFC000  }
0x4a: {  	_ =	swait.ge [sflag:s20], $0x4000  }
0x4b: {  	[sflag:s20] =	ssyncset.done $0x0  }
0x4c: {  	[sflag:s20] =	ssyncadd.s32 $0xFFFFC000  }
0x4d: {  	s5 =	simm.s32 $0x14E00;
	s6 =	simm.s32 $0x8630;
	_ =	swait.ge [sflag:s20], $0x4000  }
0x4e: {  	s7 =	simm.s32 $0x4630;
	s19 =	simm.s32 $0x0;
	[sflag:s20] =	ssyncset.done $0x0  }
0x4f: {  	s21 =	simm.s32 $0x600;
	s23 =	simm.s32 $0x14A00;
	[sflag:s20] =	ssyncadd.s32 $0xFFFFC000  }
.LBB2_3:
0x50: {  	s20 =	sshll.u32 s19, $0x4  }
0x51: {  	v20 =	vld.msk [tilespmem:s20+$0x88], $0xff;
	_ =	sdelay $0x4  }
0x52: {  	v21 =	vshrl.u32 v20, $0x3  }
0x53: {  	v21 =	vmul.u32 $0x88, v21  }
0x54: {  	v20 =	vand.u32 $0x7, v20  }
0x55: {  	v20 =	vor.u32 v20, v21  }
0x56: {  	v20 =	vperm.xlane v20, v0;
	_ =	sdelay $0x1  }
0x57: {  	v20 =	vadd.s32 v1, v20;
	_ =	sdelay $0x3  }
0x58: {  	s24 =	simm.s32 $0x10600  }
0x59: {  	[tilespmem:s24], [sflag:$0x3] =	stream.indirect_vreg.gather [hbm4b:s8+s0], $0x80, v20, vm1, $0xb8;
	[tilespmem:$0x18A80] =	vst v63  }
0x5a: {  	_ = 	snop  }
0x5b: {  	[tilespmem:s1], [sflag:$0x3] =	stream.indirect_vreg.gather [hbm4b:s11+s0], $0x80, v20, vm1, $0xb8;
	[tilespmem:$0x18A80] =	vst v63  }
0x5c: {  	_ = 	snop  }
0x5d: {  	[tilespmem:s2], [sflag:$0x3] =	stream.indirect_vreg.gather [hbm4b:s12+s0], $0x80, v20, vm1, $0xb8;
	[tilespmem:$0x18A80] =	vst v63  }
0x5e: {  	_ = 	snop  }
0x5f: {  	[tilespmem:s3], [sflag:$0x3] =	stream.indirect_vreg.gather [hbm4b:s13+s0], $0x80, v20, vm1, $0xb8;
	[tilespmem:$0x18A80] =	vst v63  }
0x60: {  	_ = 	snop  }
0x61: {  	[tilespmem:s4], [sflag:$0x3] =	stream.indirect_vreg.gather [hbm4b:s14+s0], $0x80, v20, vm1, $0xb8;
	[tilespmem:$0x18A80] =	vst v63  }
0x62: {  	_ = 	snop  }
0x63: {  	[tilespmem:s25], [sflag:$0x3] =	stream.indirect_vreg.gather [hbm4b:s15+s0], $0x80, v20, vm1, $0xb8;
	[tilespmem:$0x18A80] =	vst v63  }
0x64: {  	_ = 	snop  }
0x65: {  	[tilespmem:s26], [sflag:$0x3] =	stream.indirect_vreg.gather [hbm4b:s16+s0], $0x80, v20, vm1, $0xb8;
	[tilespmem:$0x18A80] =	vst v63  }
0x66: {  	_ = 	snop  }
0x67: {  	[tilespmem:s28], [sflag:$0x3] =	stream.indirect_vreg.gather [hbm4b:s17+s0], $0x80, v20, vm1, $0xb8;
	[tilespmem:$0x18A80] =	vst v63  }
0x68: {  	_ = 	snop  }
0x69: {  	[tilespmem:s29], [sflag:$0x3] =	stream.indirect_vreg.gather [hbm4b:s18+s0], $0x80, v20, vm0, $0xb8;
	v20 =	vmov s9;
	[tilespmem:$0x18A80] =	vst v63  }
0x6a: {  	_ =	swait.ge [sflag:s30], $0x4400  }
0x6b: {  	v21 =	vmov s10;
	[sflag:s30] =	ssyncset.done $0x0  }
0x6c: {  	v22 =	vmov s22;
	v23 =	vmov s23;
	s24 =	simm.s32 $0x0;
	[sflag:s30] =	ssyncadd.s32 $0xFFFFBC00  }
.LBB2_4:
0x6d: {  	s20 =	sshra.s32 s24, $0x2  }
0x6e: {  	v25 =	vld.idx.msk [tilespmem:v20+s20+$0x0 ss:$0x1], $0xffff;
	_ =	sdelay $0x1  }
0x6f: {  	v27 =	vld.idx.msk [tilespmem:v21+s20+$0x0 ss:$0x1], $0xffff;
	_ =	sdelay $0x1  }
0x70: {  	v28 =	vld.idx.msk [tilespmem:v22+s20+$0x0 ss:$0x1], $0xffff  }
0x71: {  	v26 =	vmul.f32 v25, v25  }
0x72: {  	v29 =	vld.idx.msk [tilespmem:v20+s20+$0x10 ss:$0x1], $0xffff  }
0x73: {  	v24 =	vadd.f32 v26, v24;
	v26 =	vmul.f32 v27, v27  }
0x74: {  	v32 =	vld.idx.msk [tilespmem:v21+s20+$0x10 ss:$0x1], $0xffff  }
0x75: {  	v24 =	vadd.f32 v26, v24;
	v26 =	vmul.f32 v28, v28  }
0x76: {  	v33 =	vld.idx.msk [tilespmem:v22+s20+$0x10 ss:$0x1], $0xffff  }
0x77: {  	v35 =	vld.idx.msk [tilespmem:v20+s20+$0x20 ss:$0x1], $0xffff;
	v24 =	vadd.f32 v26, v24;
	v26 =	vmul.f32 v29, v29;
	_ =	sdelay $0x1  }
0x78: {  	v36 =	vld.idx.msk [tilespmem:v21+s20+$0x20 ss:$0x1], $0xffff;
	v31 =	vmul.f32 v32, v32;
	v30 =	vadd.f32 v26, v24  }
0x79: {  	v38 =	vld [tilespmem:s20+$0xC200]  }
0x7a: {  	v39 =	vld [tilespmem:s20+$0xC210];
	v37 =	vmul.f32 v33, v33;
	v34 =	vadd.f32 v31, v30;
	v31 =	vsub.f32 v25, v27  }
0x7b: {  	v50 =	vld [tilespmem:s20+$0xC220];
	v48 =	vmul.f32 v35, v35;
	v33 =	vsub.f32 v29, v33;
	v30 =	vsub.f32 v25, v28  }
0x7c: {  	v40 =	vld [tilespmem:s20+$0xC230];
	v27 =	vadd.f32 v37, v34;
	v34 =	vsub.f32 v29, v32;
	v49 =	vperm.xlane v31, v2  }
0x7d: {  	v26 =	vld.idx.msk [tilespmem:v22+s20+$0x20 ss:$0x1], $0xffff;
	v29 =	vsub.f32 v35, v36;
	v36 =	vmul.f32 v36, v36;
	v51 =	vperm.xlane v30, v2  }
0x7e: {  	v42 =	vld [tilespmem:s20+$0xC240];
	v52 =	vperm.xlane v31, v3;
	v43 =	vperm.xlane v30, v3  }
0x7f: {  	v53 =	vld [tilespmem:s20+$0xC250];
	v54 =	vperm.xlane v31, v4;
	v56 =	vperm.xlane v30, v4  }
0x80: {  	v45 =	vld [tilespmem:s20+$0xC260];
	v60 =	vperm.xlane v31, v5;
	v62 =	vperm.xlane v30, v5  }
0x81: {  	v57 =	vld [tilespmem:s20+$0xC270];
	v41 =	vmul.f32 v49, v38;
	v32 =	vmul.f32 v49, v39  }
0x82: {  	v28 =	vsub.f32 v35, v26;
	v38 =	vmul.f32 v51, v38;
	v35 =	vmul.f32 v51, v39  }
0x83: {  	v24 =	vld [tilespmem:s20+$0x10200];
	v44 =	vmul.f32 v52, v50;
	v37 =	vmul.f32 v43, v50  }
0x84: {  	v25 =	vld [tilespmem:s20+$0x10210];
	v55 =	vmul.f32 v43, v40;
	v58 =	vmul.f32 v54, v42  }
0x85: {  	v59 =	vmul.f32 v56, v42;
	v39 =	vmul.f32 v56, v53  }
0x86: {  	v27 =	vadd.f32 v48, v27;
	v63 =	vmul.f32 v60, v45;
	v48 =	vmul.f32 v60, v57  }
0x87: {  	v46 =	vld [tilespmem:s20+$0xC600];
	v49 =	vperm.xlane v31, v6;
	v51 =	vmul.f32 v62, v45  }
0x88: {  	v61 =	vld [tilespmem:s20+$0xC610];
	v60 =	vperm.xlane v30, v7;
	v27 =	vadd.f32 v36, v27;
	v41 =	vadd.f32 v41, v24  }
0x89: {  	v32 =	vadd.f32 v32, v25;
	v38 =	vadd.f32 v38, v24;
	v36 =	vmul.f32 v52, v40  }
0x8a: {  	v47 =	vperm.xlane v34, v9;
	v35 =	vadd.f32 v35, v25;
	v41 =	vadd.f32 v44, v41  }
0x8b: {  	v52 =	vld [tilespmem:s20+$0xC630];
	v32 =	vadd.f32 v36, v32;
	v37 =	vadd.f32 v37, v38;
	v44 =	vmul.f32 v54, v53  }
0x8c: {  	v50 =	vld [tilespmem:s20+$0xC620];
	v35 =	vadd.f32 v55, v35;
	v53 =	vperm.xlane v30, v6;
	v54 =	vmul.f32 v49, v46  }
0x8d: {  	v55 =	vmul.f32 v49, v61;
	v38 =	vadd.f32 v58, v41;
	v32 =	vadd.f32 v44, v32  }
0x8e: {  	v36 =	vadd.f32 v59, v37;
	v37 =	vmul.f32 v62, v57;
	v56 =	vmul.f32 v53, v46  }
0x8f: {  	v35 =	vadd.f32 v39, v35;
	v57 =	vperm.xlane v31, v7;
	v58 =	vld [tilespmem:s20+$0xC640];
	v59 =	vmul.f32 v53, v61  }
0x90: {  	v61 =	vld [tilespmem:s20+$0xC650];
	v39 =	vmul.f32 v60, v52;
	v38 =	vadd.f32 v63, v38;
	v32 =	vadd.f32 v48, v32  }
0x91: {  	v36 =	vadd.f32 v51, v36;
	v62 =	vmul.f32 v57, v50;
	v42 =	vmul.f32 v57, v52  }
0x92: {  	v49 =	vld [tilespmem:s20+$0xC660];
	v35 =	vadd.f32 v37, v35;
	v63 =	vmul.f32 v60, v50;
	v48 =	vperm.xlane v31, v8  }
0x93: {  	v50 =	vld [tilespmem:s20+$0xC670];
	v51 =	vperm.xlane v30, v8;
	v38 =	vadd.f32 v54, v38;
	v32 =	vadd.f32 v55, v32  }
0x94: {  	v36 =	vadd.f32 v56, v36;
	v54 =	vperm.xlane v31, v9;
	v52 =	vmul.f32 v48, v58  }
0x95: {  	v57 =	vld [tilespmem:s20+$0xCA10];
	v35 =	vadd.f32 v59, v35;
	v53 =	vmul.f32 v48, v61;
	v56 =	vmul.f32 v51, v58  }
0x96: {  	v37 =	vmul.f32 v51, v61;
	v58 =	vperm.xlane v30, v9;
	v38 =	vadd.f32 v62, v38  }
0x97: {  	v55 =	vld [tilespmem:s20+$0xCA00];
	v32 =	vadd.f32 v42, v32;
	v59 =	vmul.f32 v54, v49;
	v62 =	vperm.xlane v31, v10  }
0x98: {  	v36 =	vadd.f32 v63, v36;
	v60 =	vmul.f32 v54, v50;
	v61 =	vmul.f32 v58, v49  }
0x99: {  	v35 =	vadd.f32 v39, v35;
	v63 =	vld [tilespmem:s20+$0xCA20];
	v48 =	vmul.f32 v58, v50;
	v49 =	vperm.xlane v30, v10  }
0x9a: {  	v38 =	vadd.f32 v52, v38;
	v32 =	vadd.f32 v53, v32;
	v43 =	vmul.f32 v62, v57  }
0x9b: {  	v50 =	vld [tilespmem:s20+$0xCA30];
	v36 =	vadd.f32 v56, v36;
	v53 =	vperm.xlane v31, v11;
	v56 =	vperm.xlane v30, v11  }
0x9c: {  	v54 =	vld [tilespmem:s20+$0xCA40];
	v35 =	vadd.f32 v37, v35;
	v51 =	vmul.f32 v62, v55;
	v52 =	vmul.f32 v49, v55  }
0x9d: {  	v39 =	vmul.f32 v49, v57;
	v38 =	vadd.f32 v59, v38;
	v32 =	vadd.f32 v60, v32  }
0x9e: {  	v55 =	vld [tilespmem:s20+$0xCA50];
	v36 =	vadd.f32 v61, v36;
	v59 =	vperm.xlane v31, v12;
	v57 =	vmul.f32 v53, v63  }
0x9f: {  	v62 =	vld [tilespmem:s20+$0xCA70];
	v35 =	vadd.f32 v48, v35;
	v61 =	vmul.f32 v56, v63;
	v63 =	vperm.xlane v30, v12  }
0xa0: {  	v38 =	vadd.f32 v51, v38;
	v32 =	vadd.f32 v43, v32;
	v58 =	vmul.f32 v53, v50  }
0xa1: {  	v60 =	vld [tilespmem:s20+$0xCA60];
	v36 =	vadd.f32 v52, v36;
	v37 =	vmul.f32 v56, v50;
	v48 =	vmul.f32 v59, v54  }
0xa2: {  	v35 =	vadd.f32 v39, v35;
	v51 =	vperm.xlane v31, v13;
	v50 =	vmul.f32 v63, v54  }
0xa3: {  	v52 =	vld [tilespmem:s20+$0xCE00];
	v54 =	vperm.xlane v30, v13;
	v38 =	vadd.f32 v57, v38;
	v49 =	vmul.f32 v59, v55  }
0xa4: {  	v32 =	vadd.f32 v58, v32;
	v53 =	vmul.f32 v63, v55;
	v43 =	vmul.f32 v51, v62  }
0xa5: {  	v36 =	vadd.f32 v61, v36;
	v58 =	vperm.xlane v31, v14;
	v61 =	vperm.xlane v30, v14  }
0xa6: {  	v35 =	vadd.f32 v37, v35;
	v55 =	vld [tilespmem:s20+$0xCE10];
	v56 =	vmul.f32 v51, v60;
	v57 =	vmul.f32 v54, v60  }
0xa7: {  	v59 =	vld [tilespmem:s20+$0xCE20];
	v39 =	vmul.f32 v54, v62;
	v38 =	vadd.f32 v48, v38;
	v32 =	vadd.f32 v49, v32  }
0xa8: {  	v36 =	vadd.f32 v50, v36;
	v48 =	vperm.xlane v31, v15;
	v62 =	vmul.f32 v58, v52  }
0xa9: {  	v60 =	vld [tilespmem:s20+$0xCE30];
	v35 =	vadd.f32 v53, v35;
	v50 =	vmul.f32 v61, v52;
	v52 =	vperm.xlane v30, v15  }
0xaa: {  	v51 =	vld [tilespmem:s20+$0xCE50];
	v38 =	vadd.f32 v56, v38;
	v56 =	vperm.xlane v31, v16;
	v31 =	vperm.xlane v31, v17  }
0xab: {  	v49 =	vld [tilespmem:s20+$0xCE40];
	v32 =	vadd.f32 v43, v32;
	v63 =	vmul.f32 v58, v55;
	v37 =	vmul.f32 v61, v55  }
0xac: {  	v36 =	vadd.f32 v57, v36;
	v53 =	vmul.f32 v48, v59;
	v55 =	vmul.f32 v52, v59  }
0xad: {  	v35 =	vadd.f32 v39, v35;
	v57 =	vld [tilespmem:s20+$0xCE60];
	v59 =	vperm.xlane v30, v16;
	v30 =	vperm.xlane v30, v17  }
0xae: {  	v38 =	vadd.f32 v62, v38;
	v54 =	vmul.f32 v48, v60;
	v58 =	vmul.f32 v52, v60  }
0xaf: {  	v36 =	vadd.f32 v50, v36;
	v43 =	vmul.f32 v56, v51;
	v50 =	vperm.xlane v34, v2  }
0xb0: {  	v60 =	vld [tilespmem:s20+$0xCE70];
	v32 =	vadd.f32 v63, v32;
	v35 =	vadd.f32 v37, v35;
	v61 =	vmul.f32 v56, v49  }
0xb1: {  	v48 =	vld [tilespmem:s20+$0xD210];
	v62 =	vmul.f32 v59, v49;
	v39 =	vmul.f32 v59, v51;
	v38 =	vadd.f32 v53, v38  }
0xb2: {  	v63 =	vld [tilespmem:s20+$0xD200];
	v36 =	vadd.f32 v55, v36;
	v32 =	vadd.f32 v54, v32;
	v49 =	vmul.f32 v31, v57  }
0xb3: {  	v51 =	vld [tilespmem:s20+$0xD220];
	v35 =	vadd.f32 v58, v35;
	v52 =	vmul.f32 v30, v57;
	v54 =	vperm.xlane v33, v2  }
0xb4: {  	v53 =	vld [tilespmem:s20+$0xD230];
	v58 =	vperm.xlane v34, v3;
	v38 =	vadd.f32 v61, v38;
	v36 =	vadd.f32 v62, v36  }
0xb5: {  	v32 =	vadd.f32 v43, v32;
	v31 =	vmul.f32 v31, v60;
	v30 =	vmul.f32 v30, v60  }
0xb6: {  	v35 =	vadd.f32 v39, v35;
	v56 =	vmul.f32 v50, v48;
	v60 =	vperm.xlane v33, v3  }
0xb7: {  	v59 =	vld [tilespmem:s20+$0xD240];
	v37 =	vadd.f32 v49, v38;
	v55 =	vmul.f32 v50, v63;
	v57 =	vmul.f32 v54, v63  }
0xb8: {  	v61 =	vld [tilespmem:s20+$0xD250];
	v62 =	vmul.f32 v58, v51;
	v31 =	vadd.f32 v31, v32;
	v32 =	vmul.f32 v54, v48  }
0xb9: {  	v36 =	vadd.f32 v52, v36;
	v39 =	vmul.f32 v58, v53;
	v63 =	vmul.f32 v60, v51  }
0xba: {  	v49 =	vld [tilespmem:s20+$0xD260];
	v30 =	vadd.f32 v30, v35;
	v48 =	vperm.xlane v34, v4;
	v35 =	vmul.f32 v60, v53  }
0xbb: {  	v50 =	vld [tilespmem:s20+$0xD270];
	v51 =	vperm.xlane v33, v4;
	v54 =	vperm.xlane v34, v5;
	v37 =	vadd.f32 v55, v37  }
0xbc: {  	v58 =	vperm.xlane v33, v5;
	v36 =	vadd.f32 v57, v36;
	v31 =	vadd.f32 v56, v31  }
0xbd: {  	v30 =	vadd.f32 v32, v30;
	v52 =	vmul.f32 v48, v59;
	v53 =	vmul.f32 v48, v61  }
0xbe: {  	v55 =	vld [tilespmem:s20+$0xD600];
	v56 =	vmul.f32 v51, v59;
	v48 =	vperm.xlane v33, v6;
	v37 =	vadd.f32 v62, v37  }
0xbf: {  	v57 =	vld [tilespmem:s20+$0xD610];
	v32 =	vadd.f32 v63, v36;
	v36 =	vmul.f32 v51, v61;
	v62 =	vperm.xlane v34, v6  }
0xc0: {  	v31 =	vadd.f32 v39, v31;
	v59 =	vmul.f32 v54, v49;
	v60 =	vmul.f32 v54, v50  }
0xc1: {  	v30 =	vadd.f32 v35, v30;
	v61 =	vmul.f32 v58, v49;
	v35 =	vmul.f32 v58, v50  }
0xc2: {  	v63 =	vld [tilespmem:s20+$0xD620];
	v58 =	vperm.xlane v34, v8;
	v37 =	vadd.f32 v52, v37;
	v32 =	vadd.f32 v56, v32  }
0xc3: {  	v49 =	vld [tilespmem:s20+$0xD630];
	v52 =	vperm.xlane v34, v7;
	v31 =	vadd.f32 v53, v31;
	v50 =	vmul.f32 v62, v55  }
0xc4: {  	v54 =	vld [tilespmem:s20+$0xD650];
	v30 =	vadd.f32 v36, v30;
	v41 =	vmul.f32 v62, v57;
	v51 =	vmul.f32 v48, v55  }
0xc5: {  	v53 =	vld [tilespmem:s20+$0xD640];
	v36 =	vmul.f32 v48, v57;
	v55 =	vperm.xlane v33, v7;
	v37 =	vadd.f32 v59, v37  }
0xc6: {  	v62 =	vperm.xlane v33, v8;
	v48 =	vld [tilespmem:s20+$0xDA00];
	v32 =	vadd.f32 v61, v32;
	v31 =	vadd.f32 v60, v31  }
0xc7: {  	v59 =	vld [tilespmem:s20+$0xD660];
	v30 =	vadd.f32 v35, v30;
	v56 =	vmul.f32 v52, v63;
	v60 =	vmul.f32 v55, v63  }
0xc8: {  	v61 =	vld [tilespmem:s20+$0xD670];
	v37 =	vadd.f32 v50, v37;
	v57 =	vmul.f32 v52, v49;
	v35 =	vmul.f32 v55, v49  }
0xc9: {  	v32 =	vadd.f32 v51, v32;
	v45 =	vmul.f32 v58, v54;
	v49 =	vmul.f32 v62, v54  }
0xca: {  	v50 =	vperm.xlane v33, v9;
	v54 =	vperm.xlane v34, v10;
	v31 =	vadd.f32 v41, v31  }
0xcb: {  	v51 =	vld [tilespmem:s20+$0xDA10];
	v30 =	vadd.f32 v36, v30;
	v63 =	vmul.f32 v58, v53;
	v46 =	vmul.f32 v62, v53  }
0xcc: {  	v32 =	vadd.f32 v60, v32;
	v58 =	vmul.f32 v54, v48;
	v60 =	vperm.xlane v34, v11  }
0xcd: {  	v55 =	vld [tilespmem:s20+$0xDA20];
	v37 =	vadd.f32 v56, v37;
	v52 =	vmul.f32 v47, v59;
	v41 =	vmul.f32 v47, v61  }
0xce: {  	v31 =	vadd.f32 v57, v31;
	v53 =	vmul.f32 v50, v59;
	v36 =	vmul.f32 v50, v61  }
0xcf: {  	v30 =	vadd.f32 v35, v30;
	v57 =	vperm.xlane v33, v10;
	v47 =	vperm.xlane v33, v11  }
0xd0: {  	v56 =	vld [tilespmem:s20+$0xDA30];
	v37 =	vadd.f32 v63, v37;
	v32 =	vadd.f32 v46, v32;
	v59 =	vmul.f32 v54, v51  }
0xd1: {  	v61 =	vld [tilespmem:s20+$0xDA40];
	v31 =	vadd.f32 v45, v31;
	v62 =	vmul.f32 v57, v48;
	v35 =	vmul.f32 v57, v51  }
0xd2: {  	v30 =	vadd.f32 v49, v30;
	v48 =	vmul.f32 v60, v55;
	v50 =	vmul.f32 v47, v55  }
0xd3: {  	v63 =	vld [tilespmem:s20+$0xDA50];
	v51 =	vperm.xlane v34, v12;
	v57 =	vperm.xlane v34, v13;
	v37 =	vadd.f32 v52, v37  }
0xd4: {  	v43 =	vld [tilespmem:s20+$0xDA60];
	v32 =	vadd.f32 v53, v32;
	v53 =	vperm.xlane v33, v12;
	v31 =	vadd.f32 v41, v31  }
0xd5: {  	v54 =	vld [tilespmem:s20+$0xDA70];
	v30 =	vadd.f32 v36, v30;
	v49 =	vmul.f32 v60, v56;
	v52 =	vmul.f32 v47, v56  }
0xd6: {  	v37 =	vadd.f32 v58, v37;
	v32 =	vadd.f32 v62, v32;
	v55 =	vmul.f32 v51, v61  }
0xd7: {  	v56 =	vmul.f32 v53, v61;
	v58 =	vld [tilespmem:s20+$0xDE00];
	v62 =	vperm.xlane v33, v13;
	v31 =	vadd.f32 v59, v31  }
0xd8: {  	v61 =	vld [tilespmem:s20+$0xDE10];
	v30 =	vadd.f32 v35, v30;
	v41 =	vmul.f32 v51, v63;
	v60 =	vmul.f32 v53, v63  }
0xd9: {  	v63 =	vmul.f32 v57, v43;
	v37 =	vadd.f32 v48, v37;
	v32 =	vadd.f32 v50, v32  }
0xda: {  	v51 =	vld [tilespmem:s20+$0xDE20];
	v50 =	vperm.xlane v34, v14;
	v35 =	vmul.f32 v62, v54;
	v31 =	vadd.f32 v49, v31  }
0xdb: {  	v53 =	vld [tilespmem:s20+$0xDE30];
	v30 =	vadd.f32 v52, v30;
	v49 =	vmul.f32 v57, v54;
	v52 =	vmul.f32 v62, v43  }
0xdc: {  	v54 =	vperm.xlane v33, v14;
	v37 =	vadd.f32 v55, v37;
	v32 =	vadd.f32 v56, v32  }
0xdd: {  	v59 =	vadd.f32 v41, v31;
	v55 =	vmul.f32 v50, v58;
	v56 =	vmul.f32 v50, v61  }
0xde: {  	v48 =	vadd.f32 v60, v30;
	v31 =	vld.idx.msk [tilespmem:v20+s20+$0x30 ss:$0x1], $0xffff;
	v57 =	vmul.f32 v54, v58;
	v58 =	vperm.xlane v34, v15  }
0xdf: {  	v30 =	vld.idx.msk [tilespmem:v21+s20+$0x30 ss:$0x1], $0xffff;
	v36 =	vmul.f32 v54, v61;
	v60 =	vperm.xlane v33, v15;
	v37 =	vadd.f32 v63, v37  }
0xe0: {  	v61 =	vld [tilespmem:s20+$0xDE50];
	v32 =	vadd.f32 v52, v32;
	v62 =	vmul.f32 v58, v51;
	v42 =	vmul.f32 v58, v53  }
0xe1: {  	v50 =	vld [tilespmem:s20+$0xDE70];
	v35 =	vadd.f32 v35, v48;
	v63 =	vmul.f32 v60, v51;
	v48 =	vperm.xlane v34, v16  }
0xe2: {  	v40 =	vadd.f32 v49, v59;
	v59 =	vld [tilespmem:s20+$0xDE40];
	v38 =	vmul.f32 v60, v53;
	v51 =	vperm.xlane v33, v16  }
0xe3: {  	v49 =	vld [tilespmem:s20+$0xDE60];
	v34 =	vperm.xlane v34, v17;
	v33 =	vperm.xlane v33, v17  }
0xe4: {  	v60 =	vperm.xlane v29, v2;
	v37 =	vadd.f32 v55, v37;
	v32 =	vadd.f32 v57, v32  }
0xe5: {  	v55 =	vld [tilespmem:s20+$0xE200];
	v39 =	vadd.f32 v56, v40;
	v35 =	vadd.f32 v36, v35;
	v53 =	vmul.f32 v48, v61  }
0xe6: {  	v57 =	vld [tilespmem:s20+$0xE210];
	v36 =	vadd.f32 v63, v32;
	v56 =	vmul.f32 v51, v61;
	v63 =	vperm.xlane v28, v2  }
0xe7: {  	v37 =	vadd.f32 v62, v37;
	v52 =	vmul.f32 v48, v59;
	v54 =	vmul.f32 v51, v59  }
0xe8: {  	v32 =	vsub.f32 v31, v30;
	v58 =	vmul.f32 v34, v49;
	v34 =	vmul.f32 v34, v50  }
0xe9: {  	v61 =	vld [tilespmem:s20+$0xE220];
	v39 =	vadd.f32 v42, v39;
	v59 =	vmul.f32 v33, v49;
	v33 =	vmul.f32 v33, v50  }
0xea: {  	v62 =	vld [tilespmem:s20+$0xE230];
	v35 =	vadd.f32 v38, v35;
	v48 =	vperm.xlane v29, v3;
	v46 =	vmul.f32 v60, v55  }
0xeb: {  	v38 =	vadd.f32 v53, v39;
	v47 =	vmul.f32 v60, v57;
	v50 =	vmul.f32 v63, v55  }
0xec: {  	v49 =	vld [tilespmem:s20+$0xE240];
	v35 =	vadd.f32 v56, v35;
	v39 =	vmul.f32 v63, v57;
	v56 =	vperm.xlane v29, v4  }
0xed: {  	v51 =	vld [tilespmem:s20+$0xE250];
	v37 =	vadd.f32 v52, v37;
	v36 =	vadd.f32 v54, v36;
	v52 =	vperm.xlane v28, v3  }
0xee: {  	v34 =	vadd.f32 v34, v38;
	v33 =	vadd.f32 v33, v35;
	v53 =	vmul.f32 v48, v61  }
0xef: {  	v54 =	vmul.f32 v48, v62;
	v37 =	vadd.f32 v58, v37;
	v55 =	vmul.f32 v52, v61  }
0xf0: {  	v57 =	vld [tilespmem:s20+$0xE260];
	v36 =	vadd.f32 v59, v36;
	v35 =	vmul.f32 v52, v62;
	v58 =	vperm.xlane v28, v4  }
0xf1: {  	v63 =	vld [tilespmem:s20+$0xE600];
	v62 =	vperm.xlane v29, v5;
	v52 =	vperm.xlane v29, v6;
	v34 =	vadd.f32 v47, v34  }
0xf2: {  	v48 =	vld [tilespmem:s20+$0xE610];
	v33 =	vadd.f32 v39, v33;
	v60 =	vmul.f32 v56, v49;
	v42 =	vmul.f32 v56, v51  }
0xf3: {  	v59 =	vld [tilespmem:s20+$0xE270];
	v56 =	vperm.xlane v28, v6;
	v37 =	vadd.f32 v46, v37;
	v61 =	vmul.f32 v58, v49  }
0xf4: {  	v36 =	vadd.f32 v50, v36;
	v38 =	vmul.f32 v58, v51;
	v49 =	vperm.xlane v28, v5  }
0xf5: {  	v50 =	vmul.f32 v62, v57;
	v34 =	vadd.f32 v54, v34;
	v33 =	vadd.f32 v35, v33  }
0xf6: {  	v37 =	vadd.f32 v53, v37;
	v36 =	vadd.f32 v55, v36;
	v54 =	vmul.f32 v49, v57  }
0xf7: {  	v53 =	vld [tilespmem:s20+$0xE620];
	v57 =	vmul.f32 v52, v63;
	v58 =	vmul.f32 v52, v48;
	v34 =	vadd.f32 v42, v34  }
0xf8: {  	v55 =	vld [tilespmem:s20+$0xE630];
	v51 =	vmul.f32 v62, v59;
	v62 =	vmul.f32 v56, v48;
	v37 =	vadd.f32 v60, v37  }
0xf9: {  	v35 =	vadd.f32 v61, v36;
	v36 =	vmul.f32 v49, v59;
	v59 =	vmul.f32 v56, v63  }
0xfa: {  	v33 =	vadd.f32 v38, v33;
	v48 =	vld [tilespmem:s20+$0xE650];
	v60 =	vperm.xlane v29, v7;
	v63 =	vperm.xlane v28, v7  }
0xfb: {  	v61 =	vld [tilespmem:s20+$0xE640];
	v34 =	vadd.f32 v51, v34;
	v51 =	vperm.xlane v29, v8;
	v37 =	vadd.f32 v50, v37  }
0xfc: {  	v35 =	vadd.f32 v54, v35;
	v33 =	vadd.f32 v36, v33;
	v54 =	vperm.xlane v28, v8  }
0xfd: {  	v52 =	vld [tilespmem:s20+$0xE660];
	v34 =	vadd.f32 v58, v34;
	v49 =	vmul.f32 v60, v53;
	v42 =	vmul.f32 v60, v55  }
0xfe: {  	v50 =	vmul.f32 v63, v53;
	v38 =	vmul.f32 v63, v55;
	v37 =	vadd.f32 v57, v37  }
0xff: {  	v53 =	vld [tilespmem:s20+$0xE670];
	v35 =	vadd.f32 v59, v35;
	v56 =	vmul.f32 v51, v48;
	v57 =	vperm.xlane v29, v9  }
0x100: {  	v58 =	vld [tilespmem:s20+$0xEA00];
	v33 =	vadd.f32 v62, v33;
	v36 =	vmul.f32 v54, v48;
	v55 =	vmul.f32 v51, v61  }
0x101: {  	v60 =	vld [tilespmem:s20+$0xEA10];
	v34 =	vadd.f32 v42, v34;
	v59 =	vmul.f32 v54, v61;
	v61 =	vperm.xlane v28, v9  }
0x102: {  	v37 =	vadd.f32 v49, v37;
	v35 =	vadd.f32 v50, v35;
	v62 =	vmul.f32 v57, v52  }
0x103: {  	v33 =	vadd.f32 v38, v33;
	v49 =	vperm.xlane v29, v10;
	v48 =	vmul.f32 v61, v52  }
0x104: {  	v50 =	vld [tilespmem:s20+$0xEA20];
	v34 =	vadd.f32 v56, v34;
	v52 =	vperm.xlane v28, v10;
	v56 =	vperm.xlane v29, v11  }
0x105: {  	v37 =	vadd.f32 v55, v37;
	v63 =	vmul.f32 v57, v53;
	v51 =	vmul.f32 v61, v53  }
0x106: {  	v35 =	vadd.f32 v59, v35;
	v54 =	vmul.f32 v49, v58;
	v42 =	vmul.f32 v49, v60  }
0x107: {  	v33 =	vadd.f32 v36, v33;
	v53 =	vld [tilespmem:s20+$0xEA30];
	v59 =	vperm.xlane v28, v11;
	v55 =	vmul.f32 v52, v58  }
0x108: {  	v57 =	vld [tilespmem:s20+$0xEA40];
	v38 =	vmul.f32 v52, v60;
	v37 =	vadd.f32 v62, v37;
	v34 =	vadd.f32 v63, v34  }
0x109: {  	v58 =	vld [tilespmem:s20+$0xEA50];
	v35 =	vadd.f32 v48, v35;
	v62 =	vperm.xlane v29, v12;
	v60 =	vmul.f32 v56, v50  }
0x10a: {  	v49 =	vld [tilespmem:s20+$0xEA70];
	v33 =	vadd.f32 v51, v33;
	v48 =	vmul.f32 v59, v50;
	v50 =	vperm.xlane v28, v12  }
0x10b: {  	v63 =	vld [tilespmem:s20+$0xEA60];
	v37 =	vadd.f32 v54, v37;
	v34 =	vadd.f32 v42, v34;
	v54 =	vperm.xlane v29, v13  }
0x10c: {  	v35 =	vadd.f32 v55, v35;
	v61 =	vmul.f32 v56, v53;
	v36 =	vmul.f32 v59, v53  }
0x10d: {  	v33 =	vadd.f32 v38, v33;
	v51 =	vmul.f32 v62, v57;
	v53 =	vmul.f32 v50, v57  }
0x10e: {  	v57 =	vperm.xlane v28, v13;
	v37 =	vadd.f32 v60, v37;
	v52 =	vmul.f32 v62, v58  }
0x10f: {  	v55 =	vld [tilespmem:s20+$0xEE00];
	v35 =	vadd.f32 v48, v35;
	v56 =	vmul.f32 v50, v58;
	v42 =	vmul.f32 v54, v49  }
0x110: {  	v48 =	vperm.xlane v28, v14;
	v34 =	vadd.f32 v61, v34;
	v59 =	vmul.f32 v54, v63  }
0x111: {  	v58 =	vld [tilespmem:s20+$0xEE10];
	v33 =	vadd.f32 v36, v33;
	v60 =	vmul.f32 v57, v63;
	v61 =	vperm.xlane v29, v14  }
0x112: {  	v62 =	vld [tilespmem:s20+$0xEE20];
	v38 =	vmul.f32 v57, v49;
	v54 =	vperm.xlane v28, v15;
	v37 =	vadd.f32 v51, v37  }
0x113: {  	v35 =	vadd.f32 v53, v35;
	v51 =	vperm.xlane v29, v15;
	v34 =	vadd.f32 v52, v34  }
0x114: {  	v63 =	vld [tilespmem:s20+$0xEE30];
	v36 =	vadd.f32 v56, v33;
	v49 =	vmul.f32 v61, v55;
	v52 =	vmul.f32 v48, v55  }
0x115: {  	v53 =	vld [tilespmem:s20+$0xEE40];
	v37 =	vadd.f32 v59, v37;
	v59 =	vperm.xlane v29, v16;
	v29 =	vperm.xlane v29, v17  }
0x116: {  	v33 =	vld.idx.msk [tilespmem:v22+s20+$0x30 ss:$0x1], $0xffff;
	v35 =	vadd.f32 v60, v35;
	v50 =	vmul.f32 v61, v58;
	v40 =	vmul.f32 v48, v58  }
0x117: {  	v56 =	vld [tilespmem:s20+$0xEE50];
	v34 =	vadd.f32 v42, v34;
	v55 =	vmul.f32 v51, v62;
	v58 =	vmul.f32 v54, v62  }
0x118: {  	v36 =	vadd.f32 v38, v36;
	v62 =	vperm.xlane v28, v16;
	v28 =	vperm.xlane v28, v17  }
0x119: {  	v60 =	vld [tilespmem:s20+$0xEE60];
	v37 =	vadd.f32 v49, v37;
	v35 =	vadd.f32 v52, v35;
	v57 =	vmul.f32 v51, v63  }
0x11a: {  	v61 =	vld [tilespmem:s20+$0xEE70];
	v39 =	vmul.f32 v54, v63;
	v38 =	vadd.f32 v50, v34;
	v63 =	vmul.f32 v59, v53  }
0x11b: {  	v49 =	vld [tilespmem:s20+$0xF200];
	v36 =	vadd.f32 v40, v36;
	v41 =	vmul.f32 v62, v53;
	v53 =	vperm.xlane v32, v2  }
0x11c: {  	v54 =	vld [tilespmem:s20+$0xF220];
	v37 =	vadd.f32 v55, v37;
	v34 =	vsub.f32 v31, v33;
	v48 =	vmul.f32 v59, v56  }
0x11d: {  	v50 =	vld [tilespmem:s20+$0xF210];
	v35 =	vadd.f32 v58, v35;
	v42 =	vmul.f32 v62, v56;
	v59 =	vperm.xlane v32, v3  }
0x11e: {  	v38 =	vadd.f32 v57, v38;
	v36 =	vadd.f32 v39, v36;
	v51 =	vmul.f32 v29, v60  }
0x11f: {  	v52 =	vmul.f32 v28, v60;
	v37 =	vadd.f32 v63, v37;
	v29 =	vmul.f32 v29, v61  }
0x120: {  	v35 =	vadd.f32 v41, v35;
	v28 =	vmul.f32 v28, v61;
	v55 =	vperm.xlane v34, v2  }
0x121: {  	v56 =	vld [tilespmem:s20+$0xF230];
	v62 =	vperm.xlane v34, v3;
	v38 =	vadd.f32 v48, v38;
	v57 =	vmul.f32 v53, v49  }
0x122: {  	v60 =	vld [tilespmem:s20+$0xF240];
	v36 =	vadd.f32 v42, v36;
	v63 =	vmul.f32 v59, v54;
	v41 =	vmul.f32 v53, v50  }
0x123: {  	v37 =	vadd.f32 v51, v37;
	v58 =	vmul.f32 v55, v49;
	v49 =	vperm.xlane v32, v4  }
0x124: {  	v61 =	vld [tilespmem:s20+$0xF250];
	v35 =	vadd.f32 v52, v35;
	v51 =	vmul.f32 v62, v54;
	v53 =	vperm.xlane v34, v4  }
0x125: {  	v29 =	vadd.f32 v29, v38;
	v28 =	vadd.f32 v28, v36;
	v38 =	vmul.f32 v55, v50  }
0x126: {  	v52 =	vld [tilespmem:s20+$0xF270];
	v48 =	vmul.f32 v59, v56;
	v36 =	vmul.f32 v62, v56;
	v37 =	vadd.f32 v57, v37  }
0x127: {  	v35 =	vadd.f32 v58, v35;
	v54 =	vmul.f32 v49, v60;
	v56 =	vmul.f32 v53, v60  }
0x128: {  	v50 =	vld [tilespmem:s20+$0xF260];
	v57 =	vperm.xlane v32, v5;
	v60 =	vperm.xlane v34, v5;
	v29 =	vadd.f32 v41, v29  }
0x129: {  	v58 =	vld [tilespmem:s20+$0xF600];
	v28 =	vadd.f32 v38, v28;
	v55 =	vmul.f32 v49, v61;
	v59 =	vmul.f32 v53, v61  }
0x12a: {  	v37 =	vadd.f32 v63, v37;
	v35 =	vadd.f32 v51, v35;
	v51 =	vperm.xlane v34, v6  }
0x12b: {  	v61 =	vld [tilespmem:s20+$0xF610];
	v29 =	vadd.f32 v48, v29;
	v28 =	vadd.f32 v36, v28;
	v42 =	vmul.f32 v57, v52  }
0x12c: {  	v49 =	vld [tilespmem:s20+$0xF620];
	v48 =	vperm.xlane v32, v6;
	v38 =	vmul.f32 v60, v52;
	v37 =	vadd.f32 v54, v37  }
0x12d: {  	v35 =	vadd.f32 v56, v35;
	v62 =	vmul.f32 v57, v50;
	v63 =	vmul.f32 v60, v50  }
0x12e: {  	v54 =	vperm.xlane v32, v7;
	v29 =	vadd.f32 v55, v29;
	v52 =	vmul.f32 v48, v58  }
0x12f: {  	v50 =	vld [tilespmem:s20+$0xF630];
	v28 =	vadd.f32 v59, v28;
	v56 =	vmul.f32 v51, v58;
	v58 =	vperm.xlane v34, v7  }
0x130: {  	v57 =	vld [tilespmem:s20+$0xF650];
	v37 =	vadd.f32 v62, v37;
	v53 =	vmul.f32 v48, v61;
	v36 =	vmul.f32 v51, v61  }
0x131: {  	v35 =	vadd.f32 v63, v35;
	v59 =	vmul.f32 v54, v49;
	v62 =	vperm.xlane v32, v8  }
0x132: {  	v55 =	vld [tilespmem:s20+$0xF640];
	v29 =	vadd.f32 v42, v29;
	v28 =	vadd.f32 v38, v28;
	v61 =	vmul.f32 v58, v49  }
0x133: {  	v49 =	vperm.xlane v34, v8;
	v37 =	vadd.f32 v52, v37;
	v35 =	vadd.f32 v56, v35  }
0x134: {  	v63 =	vld [tilespmem:s20+$0xF660];
	v56 =	vperm.xlane v34, v9;
	v29 =	vadd.f32 v53, v29;
	v60 =	vmul.f32 v54, v50  }
0x135: {  	v28 =	vadd.f32 v36, v28;
	v48 =	vmul.f32 v58, v50;
	v42 =	vmul.f32 v62, v57  }
0x136: {  	v50 =	vld [tilespmem:s20+$0xF670];
	v53 =	vperm.xlane v32, v9;
	v38 =	vmul.f32 v49, v57;
	v37 =	vadd.f32 v59, v37  }
0x137: {  	v54 =	vld [tilespmem:s20+$0xFA00];
	v35 =	vadd.f32 v61, v35;
	v51 =	vmul.f32 v62, v55;
	v52 =	vmul.f32 v49, v55  }
0x138: {  	v55 =	vld [tilespmem:s20+$0xFA10];
	v59 =	vperm.xlane v32, v10;
	v49 =	vperm.xlane v32, v11;
	v29 =	vadd.f32 v60, v29  }
0x139: {  	v62 =	vld [tilespmem:s20+$0xFA30];
	v28 =	vadd.f32 v48, v28;
	v57 =	vmul.f32 v53, v63;
	v61 =	vmul.f32 v56, v63  }
0x13a: {  	v63 =	vperm.xlane v34, v10;
	v35 =	vadd.f32 v52, v35;
	v52 =	vperm.xlane v34, v11  }
0x13b: {  	v60 =	vld [tilespmem:s20+$0xFA20];
	v37 =	vadd.f32 v51, v37;
	v58 =	vmul.f32 v53, v50;
	v36 =	vmul.f32 v56, v50  }
0x13c: {  	v29 =	vadd.f32 v42, v29;
	v46 =	vmul.f32 v59, v54;
	v48 =	vmul.f32 v63, v54  }
0x13d: {  	v28 =	vadd.f32 v38, v28;
	v50 =	vld [tilespmem:s20+$0xFA40];
	v56 =	vperm.xlane v32, v12;
	v47 =	vmul.f32 v59, v55  }
0x13e: {  	v37 =	vadd.f32 v57, v37;
	v53 =	vld [tilespmem:s20+$0xFA50];
	v51 =	vmul.f32 v63, v55;
	v42 =	vmul.f32 v49, v62  }
0x13f: {  	v35 =	vadd.f32 v61, v35;
	v38 =	vmul.f32 v52, v62;
	v59 =	vperm.xlane v34, v12  }
0x140: {  	v57 =	vld [tilespmem:s20+$0xFA60];
	v29 =	vadd.f32 v58, v29;
	v37 =	vadd.f32 v46, v37;
	v54 =	vmul.f32 v49, v60  }
0x141: {  	v62 =	vperm.xlane v32, v13;
	v63 =	vld [tilespmem:s20+$0xFE00];
	v28 =	vadd.f32 v36, v28;
	v35 =	vadd.f32 v48, v35  }
0x142: {  	v55 =	vmul.f32 v52, v60;
	v58 =	vld [tilespmem:s20+$0xFA70];
	v37 =	vadd.f32 v54, v37;
	v54 =	vperm.xlane v32, v14  }
0x143: {  	v29 =	vadd.f32 v47, v29;
	v60 =	vmul.f32 v56, v50;
	v61 =	vmul.f32 v56, v53  }
0x144: {  	v49 =	vld [tilespmem:s20+$0xFE10];
	v28 =	vadd.f32 v51, v28;
	v48 =	vmul.f32 v59, v50;
	v36 =	vmul.f32 v59, v53  }
0x145: {  	v35 =	vadd.f32 v55, v35;
	v50 =	vperm.xlane v34, v13;
	v51 =	vmul.f32 v62, v57  }
0x146: {  	v29 =	vadd.f32 v42, v29;
	v28 =	vadd.f32 v38, v28;
	v59 =	vmul.f32 v54, v63  }
0x147: {  	v55 =	vld [tilespmem:s20+$0xFE20];
	v37 =	vadd.f32 v60, v37;
	v52 =	vmul.f32 v62, v58;
	v53 =	vmul.f32 v50, v57  }
0x148: {  	v35 =	vadd.f32 v48, v35;
	v56 =	vmul.f32 v50, v58;
	v57 =	vperm.xlane v34, v14  }
0x149: {  	v42 =	vmul.f32 v54, v49;
	v48 =	vperm.xlane v34, v15;
	v29 =	vadd.f32 v61, v29  }
0x14a: {  	v58 =	vld [tilespmem:s20+$0xFE30];
	v28 =	vadd.f32 v36, v28;
	v61 =	vperm.xlane v32, v15;
	v37 =	vadd.f32 v51, v37  }
0x14b: {  	v62 =	vld [tilespmem:s20+$0xFE40];
	v35 =	vadd.f32 v53, v35;
	v60 =	vmul.f32 v57, v63;
	v38 =	vmul.f32 v57, v49  }
0x14c: {  	v63 =	vld [tilespmem:s20+$0xFE50];
	v54 =	vmul.f32 v48, v55;
	v29 =	vadd.f32 v52, v29;
	v49 =	vmul.f32 v61, v55  }
0x14d: {  	v50 =	vld [tilespmem:s20+$0xFE60];
	v28 =	vadd.f32 v56, v28;
	v52 =	vperm.xlane v32, v16;
	v55 =	vperm.xlane v34, v16  }
0x14e: {  	v53 =	vld [tilespmem:s20+$0xFE70];
	v32 =	vperm.xlane v32, v17;
	v34 =	vperm.xlane v34, v17;
	v37 =	vadd.f32 v59, v37  }
0x14f: {  	v35 =	vadd.f32 v60, v35;
	v29 =	vadd.f32 v42, v29;
	v51 =	vmul.f32 v61, v58  }
0x150: {  	v28 =	vadd.f32 v38, v28;
	v36 =	vmul.f32 v48, v58;
	v56 =	vmul.f32 v52, v62  }
0x151: {  	v37 =	vadd.f32 v49, v37;
	v29 =	vadd.f32 v51, v29;
	v57 =	vmul.f32 v52, v63  }
0x152: {  	v58 =	vmul.f32 v55, v62;
	v59 =	vmul.f32 v32, v50;
	v35 =	vadd.f32 v54, v35  }
0x153: {  	v32 =	vmul.f32 v32, v53;
	v37 =	vadd.f32 v56, v37;
	v29 =	vadd.f32 v57, v29  }
0x154: {  	v28 =	vadd.f32 v36, v28;
	v60 =	vmul.f32 v55, v63;
	v35 =	vadd.f32 v58, v35  }
0x155: {  	v61 =	vmul.f32 v34, v50;
	v37 =	vadd.f32 v59, v37;
	v29 =	vadd.f32 v32, v29  }
0x156: {  	v26 =	vmul.f32 v26, v26;
	v34 =	vmul.f32 v34, v53;
	v28 =	vadd.f32 v60, v28  }
0x157: {  	v32 =	vadd.f32 v61, v35;
	v62 =	vmul.f32 v37, v37;
	v29 =	vmul.f32 v29, v29  }
0x158: {  	v26 =	vadd.f32 v26, v27;
	v27 =	vmul.f32 v31, v31  }
0x159: {  	v28 =	vadd.f32 v34, v28;
	v63 =	vmul.f32 v32, v32;
	v29 =	vadd.f32 v29, v62  }
0x15a: {  	p0 =	sne.s32 s24, $0xE00;
	v24 =	vmul.f32 v24, v24;
	v26 =	vadd.f32 v27, v26  }
.Ltmp0:
0x15b: {  	v27 =	vmul.f32 v30, v30;
	v28 =	vmul.f32 v28, v28;
	v29 =	vsub.f32 v29, v63;
	(pc) =	sbr.rel @p0 .LBB2_4-.Ltmp0, $3  }
0x15c: {  	v25 =	vmul.f32 v25, v25;
	v19 =	vadd.f32 v24, v19  }
0x15d: {  	v26 =	vadd.f32 v27, v26;
	v27 =	vmul.f32 v33, v33;
	v28 =	vsub.f32 v29, v28;
	_ =	sdelay $0x1  }
0x15e: {  	s24 =	sadd.s32 $0x200, s24;
	v19 =	vadd.f32 v25, v19;
	v24 =	vadd.f32 v27, v26;
	[tilespmem:v23+s20+$0x0 ss:$0x1] =	vst.idx.msk $0xffff, v28  }
0x15f: {  	p0 =	seq.s32 s19, $0x7  }
0x160: {  	s20 =	sshll.u32 @!p0 s19, $0x4  }
0x161: {  	s20 =	sand.u32 @!p0 $0x3FFFFFF0, s20  }
0x162: {  	v20 =	vld.msk @!p0 [tilespmem:s20+$0x90], $0xff;
	_ =	sdelay $0x4  }
0x163: {  	v21 =	vshrl.u32 @!p0 v20, $0x3  }
0x164: {  	v21 =	vmul.u32 @!p0 $0x88, v21  }
0x165: {  	v22 =	vlaneseq.u32 @!p0;
	v20 =	vand.u32 @!p0 $0x7, v20  }
0x166: {  	v20 =	vor.u32 @!p0 v20, v21;
	v21 =	vand.u32 @!p0 $0x7, v22;
	v22 =	vshrl.u32 @!p0 v22, $0x3  }
0x167: {  	v20 =	vperm.xlane @!p0 v20, v21;
	v21 =	vmul.u32 @!p0 $0x8, v22;
	_ =	sdelay $0x1  }
0x168: {  	v20 =	vadd.s32 @!p0 v21, v20;
	_ =	sdelay $0x3  }
0x169: {  	vm2 =	vmmov @!p0 $0xffff;
	s24 =	simm.s32 @!p0 $0xC200;
	s20 =	simm.s32 @!p0 $0x0  }
0x16a: {  	[tilespmem:s24], [sflag:$0x2] =	stream.indirect_vreg.gather @!p0 [hbm4b:s8+s20], $0x80, v20, vm2, $0xb8;
	[tilespmem:$0x18A80] =	vst v63  }
0x16b: {  	s24 =	simm.s32 @!p0 $0xCA00  }
0x16c: {  	[tilespmem:s24], [sflag:$0x2] =	stream.indirect_vreg.gather @!p0 [hbm4b:s11+s20], $0x80, v20, vm2, $0xb8;
	[tilespmem:$0x18A80] =	vst v63  }
0x16d: {  	s24 =	simm.s32 @!p0 $0xD200  }
0x16e: {  	[tilespmem:s24], [sflag:$0x2] =	stream.indirect_vreg.gather @!p0 [hbm4b:s12+s20], $0x80, v20, vm2, $0xb8;
	[tilespmem:$0x18A80] =	vst v63  }
0x16f: {  	s24 =	simm.s32 @!p0 $0xDA00  }
0x170: {  	[tilespmem:s24], [sflag:$0x2] =	stream.indirect_vreg.gather @!p0 [hbm4b:s13+s20], $0x80, v20, vm2, $0xb8;
	[tilespmem:$0x18A80] =	vst v63  }
0x171: {  	s24 =	simm.s32 @!p0 $0xE200  }
0x172: {  	[tilespmem:s24], [sflag:$0x2] =	stream.indirect_vreg.gather @!p0 [hbm4b:s14+s20], $0x80, v20, vm2, $0xb8;
	[tilespmem:$0x18A80] =	vst v63  }
0x173: {  	s24 =	simm.s32 @!p0 $0xEA00  }
0x174: {  	[tilespmem:s24], [sflag:$0x2] =	stream.indirect_vreg.gather @!p0 [hbm4b:s15+s20], $0x80, v20, vm2, $0xb8;
	[tilespmem:$0x18A80] =	vst v63  }
0x175: {  	s24 =	simm.s32 @!p0 $0xF200  }
0x176: {  	[tilespmem:s24], [sflag:$0x2] =	stream.indirect_vreg.gather @!p0 [hbm4b:s16+s20], $0x80, v20, vm2, $0xb8;
	[tilespmem:$0x18A80] =	vst v63  }
0x177: {  	s24 =	simm.s32 @!p0 $0xFA00  }
0x178: {  	[tilespmem:s24], [sflag:$0x2] =	stream.indirect_vreg.gather @!p0 [hbm4b:s17+s20], $0x80, v20, vm2, $0xb8;
	[tilespmem:$0x18A80] =	vst v63  }
0x179: {  	vm2 =	vmmov @!p0 $0xff;
	s24 =	simm.s32 @!p0 $0x10200  }
0x17a: {  	[tilespmem:s24], [sflag:$0x2] =	stream.indirect_vreg.gather @!p0 [hbm4b:s18+s20], $0x80, v20, vm2, $0xb8;
	v20 =	vmov s21;
	[tilespmem:$0x18A80] =	vst v63  }
0x17b: {  	_ =	swait.ge [sflag:s31], $0x4400  }
0x17c: {  	v21 =	vmov s7;
	[sflag:s31] =	ssyncset.done $0x0  }
0x17d: {  	v23 =	vmov s5;
	v22 =	vmov s6;
	s24 =	simm.s32 $0x0;
	[sflag:s31] =	ssyncadd.s32 $0xFFFFBC00  }
.LBB2_6:
0x17e: {  	s20 =	sshra.s32 s24, $0x2  }
0x17f: {  	v25 =	vld.idx.msk [tilespmem:v20+s20+$0x0 ss:$0x1], $0xffff;
	_ =	sdelay $0x1  }
0x180: {  	v27 =	vld.idx.msk [tilespmem:v21+s20+$0xFFFFFFD0 ss:$0x1], $0xffff;
	_ =	sdelay $0x1  }
0x181: {  	v28 =	vld.idx.msk [tilespmem:v22+s20+$0xFFFFFFD0 ss:$0x1], $0xffff  }
0x182: {  	v26 =	vmul.f32 v25, v25  }
0x183: {  	v29 =	vld.idx.msk [tilespmem:v20+s20+$0x10 ss:$0x1], $0xffff  }
0x184: {  	v24 =	vadd.f32 v26, v24;
	v26 =	vmul.f32 v27, v27  }
0x185: {  	v32 =	vld.idx.msk [tilespmem:v21+s20+$0xFFFFFFE0 ss:$0x1], $0xffff  }
0x186: {  	v24 =	vadd.f32 v26, v24;
	v26 =	vmul.f32 v28, v28  }
0x187: {  	v33 =	vld.idx.msk [tilespmem:v22+s20+$0xFFFFFFE0 ss:$0x1], $0xffff  }
0x188: {  	v35 =	vld.idx.msk [tilespmem:v20+s20+$0x20 ss:$0x1], $0xffff;
	v24 =	vadd.f32 v26, v24;
	v26 =	vmul.f32 v29, v29;
	_ =	sdelay $0x1  }
0x189: {  	v36 =	vld.idx.msk [tilespmem:v21+s20+$0xFFFFFFF0 ss:$0x1], $0xffff;
	v31 =	vmul.f32 v32, v32;
	v30 =	vadd.f32 v26, v24  }
0x18a: {  	v38 =	vld [tilespmem:s20+$0x10600]  }
0x18b: {  	v39 =	vld [tilespmem:s20+$0x10610];
	v37 =	vmul.f32 v33, v33;
	v34 =	vadd.f32 v31, v30;
	v31 =	vsub.f32 v25, v27  }
0x18c: {  	v50 =	vld [tilespmem:s20+$0x10620];
	v48 =	vmul.f32 v35, v35;
	v33 =	vsub.f32 v29, v33;
	v30 =	vsub.f32 v25, v28  }
0x18d: {  	v40 =	vld [tilespmem:s20+$0x10630];
	v27 =	vadd.f32 v37, v34;
	v34 =	vsub.f32 v29, v32;
	v49 =	vperm.xlane v31, v2  }
0x18e: {  	v26 =	vld.idx.msk [tilespmem:v22+s20+$0xFFFFFFF0 ss:$0x1], $0xffff;
	v29 =	vsub.f32 v35, v36;
	v36 =	vmul.f32 v36, v36;
	v51 =	vperm.xlane v30, v2  }
0x18f: {  	v42 =	vld [tilespmem:s20+$0x10640];
	v52 =	vperm.xlane v31, v3;
	v43 =	vperm.xlane v30, v3  }
0x190: {  	v53 =	vld [tilespmem:s20+$0x10650];
	v54 =	vperm.xlane v31, v4;
	v56 =	vperm.xlane v30, v4  }
0x191: {  	v45 =	vld [tilespmem:s20+$0x10660];
	v60 =	vperm.xlane v31, v5;
	v62 =	vperm.xlane v30, v5  }
0x192: {  	v57 =	vld [tilespmem:s20+$0x10670];
	v41 =	vmul.f32 v49, v38;
	v32 =	vmul.f32 v49, v39  }
0x193: {  	v28 =	vsub.f32 v35, v26;
	v38 =	vmul.f32 v51, v38;
	v35 =	vmul.f32 v51, v39  }
0x194: {  	v24 =	vld [tilespmem:s20+$0x14600];
	v44 =	vmul.f32 v52, v50;
	v37 =	vmul.f32 v43, v50  }
0x195: {  	v25 =	vld [tilespmem:s20+$0x14610];
	v55 =	vmul.f32 v43, v40;
	v58 =	vmul.f32 v54, v42  }
0x196: {  	v59 =	vmul.f32 v56, v42;
	v39 =	vmul.f32 v56, v53  }
0x197: {  	v27 =	vadd.f32 v48, v27;
	v63 =	vmul.f32 v60, v45;
	v48 =	vmul.f32 v60, v57  }
0x198: {  	v46 =	vld [tilespmem:s20+$0x10A00];
	v49 =	vperm.xlane v31, v6;
	v51 =	vmul.f32 v62, v45  }
0x199: {  	v61 =	vld [tilespmem:s20+$0x10A10];
	v60 =	vperm.xlane v30, v7;
	v27 =	vadd.f32 v36, v27;
	v41 =	vadd.f32 v41, v24  }
0x19a: {  	v32 =	vadd.f32 v32, v25;
	v38 =	vadd.f32 v38, v24;
	v36 =	vmul.f32 v52, v40  }
0x19b: {  	v47 =	vperm.xlane v34, v9;
	v35 =	vadd.f32 v35, v25;
	v41 =	vadd.f32 v44, v41  }
0x19c: {  	v52 =	vld [tilespmem:s20+$0x10A30];
	v32 =	vadd.f32 v36, v32;
	v37 =	vadd.f32 v37, v38;
	v44 =	vmul.f32 v54, v53  }
0x19d: {  	v50 =	vld [tilespmem:s20+$0x10A20];
	v35 =	vadd.f32 v55, v35;
	v53 =	vperm.xlane v30, v6;
	v54 =	vmul.f32 v49, v46  }
0x19e: {  	v55 =	vmul.f32 v49, v61;
	v38 =	vadd.f32 v58, v41;
	v32 =	vadd.f32 v44, v32  }
0x19f: {  	v36 =	vadd.f32 v59, v37;
	v37 =	vmul.f32 v62, v57;
	v56 =	vmul.f32 v53, v46  }
0x1a0: {  	v35 =	vadd.f32 v39, v35;
	v57 =	vperm.xlane v31, v7;
	v58 =	vld [tilespmem:s20+$0x10A40];
	v59 =	vmul.f32 v53, v61  }
0x1a1: {  	v61 =	vld [tilespmem:s20+$0x10A50];
	v39 =	vmul.f32 v60, v52;
	v38 =	vadd.f32 v63, v38;
	v32 =	vadd.f32 v48, v32  }
0x1a2: {  	v36 =	vadd.f32 v51, v36;
	v62 =	vmul.f32 v57, v50;
	v42 =	vmul.f32 v57, v52  }
0x1a3: {  	v49 =	vld [tilespmem:s20+$0x10A60];
	v35 =	vadd.f32 v37, v35;
	v63 =	vmul.f32 v60, v50;
	v48 =	vperm.xlane v31, v8  }
0x1a4: {  	v50 =	vld [tilespmem:s20+$0x10A70];
	v51 =	vperm.xlane v30, v8;
	v38 =	vadd.f32 v54, v38;
	v32 =	vadd.f32 v55, v32  }
0x1a5: {  	v36 =	vadd.f32 v56, v36;
	v54 =	vperm.xlane v31, v9;
	v52 =	vmul.f32 v48, v58  }
0x1a6: {  	v57 =	vld [tilespmem:s20+$0x10E10];
	v35 =	vadd.f32 v59, v35;
	v53 =	vmul.f32 v48, v61;
	v56 =	vmul.f32 v51, v58  }
0x1a7: {  	v37 =	vmul.f32 v51, v61;
	v58 =	vperm.xlane v30, v9;
	v38 =	vadd.f32 v62, v38  }
0x1a8: {  	v55 =	vld [tilespmem:s20+$0x10E00];
	v32 =	vadd.f32 v42, v32;
	v59 =	vmul.f32 v54, v49;
	v62 =	vperm.xlane v31, v10  }
0x1a9: {  	v36 =	vadd.f32 v63, v36;
	v60 =	vmul.f32 v54, v50;
	v61 =	vmul.f32 v58, v49  }
0x1aa: {  	v35 =	vadd.f32 v39, v35;
	v63 =	vld [tilespmem:s20+$0x10E20];
	v48 =	vmul.f32 v58, v50;
	v49 =	vperm.xlane v30, v10  }
0x1ab: {  	v38 =	vadd.f32 v52, v38;
	v32 =	vadd.f32 v53, v32;
	v43 =	vmul.f32 v62, v57  }
0x1ac: {  	v50 =	vld [tilespmem:s20+$0x10E30];
	v36 =	vadd.f32 v56, v36;
	v53 =	vperm.xlane v31, v11;
	v56 =	vperm.xlane v30, v11  }
0x1ad: {  	v54 =	vld [tilespmem:s20+$0x10E40];
	v35 =	vadd.f32 v37, v35;
	v51 =	vmul.f32 v62, v55;
	v52 =	vmul.f32 v49, v55  }
0x1ae: {  	v39 =	vmul.f32 v49, v57;
	v38 =	vadd.f32 v59, v38;
	v32 =	vadd.f32 v60, v32  }
0x1af: {  	v55 =	vld [tilespmem:s20+$0x10E50];
	v36 =	vadd.f32 v61, v36;
	v59 =	vperm.xlane v31, v12;
	v57 =	vmul.f32 v53, v63  }
0x1b0: {  	v62 =	vld [tilespmem:s20+$0x10E70];
	v35 =	vadd.f32 v48, v35;
	v61 =	vmul.f32 v56, v63;
	v63 =	vperm.xlane v30, v12  }
0x1b1: {  	v38 =	vadd.f32 v51, v38;
	v32 =	vadd.f32 v43, v32;
	v58 =	vmul.f32 v53, v50  }
0x1b2: {  	v60 =	vld [tilespmem:s20+$0x10E60];
	v36 =	vadd.f32 v52, v36;
	v37 =	vmul.f32 v56, v50;
	v48 =	vmul.f32 v59, v54  }
0x1b3: {  	v35 =	vadd.f32 v39, v35;
	v51 =	vperm.xlane v31, v13;
	v50 =	vmul.f32 v63, v54  }
0x1b4: {  	v52 =	vld [tilespmem:s20+$0x11200];
	v54 =	vperm.xlane v30, v13;
	v38 =	vadd.f32 v57, v38;
	v49 =	vmul.f32 v59, v55  }
0x1b5: {  	v32 =	vadd.f32 v58, v32;
	v53 =	vmul.f32 v63, v55;
	v43 =	vmul.f32 v51, v62  }
0x1b6: {  	v36 =	vadd.f32 v61, v36;
	v58 =	vperm.xlane v31, v14;
	v61 =	vperm.xlane v30, v14  }
0x1b7: {  	v35 =	vadd.f32 v37, v35;
	v55 =	vld [tilespmem:s20+$0x11210];
	v56 =	vmul.f32 v51, v60;
	v57 =	vmul.f32 v54, v60  }
0x1b8: {  	v59 =	vld [tilespmem:s20+$0x11220];
	v39 =	vmul.f32 v54, v62;
	v38 =	vadd.f32 v48, v38;
	v32 =	vadd.f32 v49, v32  }
0x1b9: {  	v36 =	vadd.f32 v50, v36;
	v48 =	vperm.xlane v31, v15;
	v62 =	vmul.f32 v58, v52  }
0x1ba: {  	v60 =	vld [tilespmem:s20+$0x11230];
	v35 =	vadd.f32 v53, v35;
	v50 =	vmul.f32 v61, v52;
	v52 =	vperm.xlane v30, v15  }
0x1bb: {  	v51 =	vld [tilespmem:s20+$0x11250];
	v38 =	vadd.f32 v56, v38;
	v56 =	vperm.xlane v31, v16;
	v31 =	vperm.xlane v31, v17  }
0x1bc: {  	v49 =	vld [tilespmem:s20+$0x11240];
	v32 =	vadd.f32 v43, v32;
	v63 =	vmul.f32 v58, v55;
	v37 =	vmul.f32 v61, v55  }
0x1bd: {  	v36 =	vadd.f32 v57, v36;
	v53 =	vmul.f32 v48, v59;
	v55 =	vmul.f32 v52, v59  }
0x1be: {  	v35 =	vadd.f32 v39, v35;
	v57 =	vld [tilespmem:s20+$0x11260];
	v59 =	vperm.xlane v30, v16;
	v30 =	vperm.xlane v30, v17  }
0x1bf: {  	v38 =	vadd.f32 v62, v38;
	v54 =	vmul.f32 v48, v60;
	v58 =	vmul.f32 v52, v60  }
0x1c0: {  	v36 =	vadd.f32 v50, v36;
	v43 =	vmul.f32 v56, v51;
	v50 =	vperm.xlane v34, v2  }
0x1c1: {  	v60 =	vld [tilespmem:s20+$0x11270];
	v32 =	vadd.f32 v63, v32;
	v35 =	vadd.f32 v37, v35;
	v61 =	vmul.f32 v56, v49  }
0x1c2: {  	v48 =	vld [tilespmem:s20+$0x11610];
	v62 =	vmul.f32 v59, v49;
	v39 =	vmul.f32 v59, v51;
	v38 =	vadd.f32 v53, v38  }
0x1c3: {  	v63 =	vld [tilespmem:s20+$0x11600];
	v36 =	vadd.f32 v55, v36;
	v32 =	vadd.f32 v54, v32;
	v49 =	vmul.f32 v31, v57  }
0x1c4: {  	v51 =	vld [tilespmem:s20+$0x11620];
	v35 =	vadd.f32 v58, v35;
	v52 =	vmul.f32 v30, v57;
	v54 =	vperm.xlane v33, v2  }
0x1c5: {  	v53 =	vld [tilespmem:s20+$0x11630];
	v58 =	vperm.xlane v34, v3;
	v38 =	vadd.f32 v61, v38;
	v36 =	vadd.f32 v62, v36  }
0x1c6: {  	v32 =	vadd.f32 v43, v32;
	v31 =	vmul.f32 v31, v60;
	v30 =	vmul.f32 v30, v60  }
0x1c7: {  	v35 =	vadd.f32 v39, v35;
	v56 =	vmul.f32 v50, v48;
	v60 =	vperm.xlane v33, v3  }
0x1c8: {  	v59 =	vld [tilespmem:s20+$0x11640];
	v37 =	vadd.f32 v49, v38;
	v55 =	vmul.f32 v50, v63;
	v57 =	vmul.f32 v54, v63  }
0x1c9: {  	v61 =	vld [tilespmem:s20+$0x11650];
	v62 =	vmul.f32 v58, v51;
	v31 =	vadd.f32 v31, v32;
	v32 =	vmul.f32 v54, v48  }
0x1ca: {  	v36 =	vadd.f32 v52, v36;
	v39 =	vmul.f32 v58, v53;
	v63 =	vmul.f32 v60, v51  }
0x1cb: {  	v49 =	vld [tilespmem:s20+$0x11660];
	v30 =	vadd.f32 v30, v35;
	v48 =	vperm.xlane v34, v4;
	v35 =	vmul.f32 v60, v53  }
0x1cc: {  	v50 =	vld [tilespmem:s20+$0x11670];
	v51 =	vperm.xlane v33, v4;
	v54 =	vperm.xlane v34, v5;
	v37 =	vadd.f32 v55, v37  }
0x1cd: {  	v58 =	vperm.xlane v33, v5;
	v36 =	vadd.f32 v57, v36;
	v31 =	vadd.f32 v56, v31  }
0x1ce: {  	v30 =	vadd.f32 v32, v30;
	v52 =	vmul.f32 v48, v59;
	v53 =	vmul.f32 v48, v61  }
0x1cf: {  	v55 =	vld [tilespmem:s20+$0x11A00];
	v56 =	vmul.f32 v51, v59;
	v48 =	vperm.xlane v33, v6;
	v37 =	vadd.f32 v62, v37  }
0x1d0: {  	v57 =	vld [tilespmem:s20+$0x11A10];
	v32 =	vadd.f32 v63, v36;
	v36 =	vmul.f32 v51, v61;
	v62 =	vperm.xlane v34, v6  }
0x1d1: {  	v31 =	vadd.f32 v39, v31;
	v59 =	vmul.f32 v54, v49;
	v60 =	vmul.f32 v54, v50  }
0x1d2: {  	v30 =	vadd.f32 v35, v30;
	v61 =	vmul.f32 v58, v49;
	v35 =	vmul.f32 v58, v50  }
0x1d3: {  	v63 =	vld [tilespmem:s20+$0x11A20];
	v58 =	vperm.xlane v34, v8;
	v37 =	vadd.f32 v52, v37;
	v32 =	vadd.f32 v56, v32  }
0x1d4: {  	v49 =	vld [tilespmem:s20+$0x11A30];
	v52 =	vperm.xlane v34, v7;
	v31 =	vadd.f32 v53, v31;
	v50 =	vmul.f32 v62, v55  }
0x1d5: {  	v54 =	vld [tilespmem:s20+$0x11A50];
	v30 =	vadd.f32 v36, v30;
	v41 =	vmul.f32 v62, v57;
	v51 =	vmul.f32 v48, v55  }
0x1d6: {  	v53 =	vld [tilespmem:s20+$0x11A40];
	v36 =	vmul.f32 v48, v57;
	v55 =	vperm.xlane v33, v7;
	v37 =	vadd.f32 v59, v37  }
0x1d7: {  	v62 =	vperm.xlane v33, v8;
	v48 =	vld [tilespmem:s20+$0x11E00];
	v32 =	vadd.f32 v61, v32;
	v31 =	vadd.f32 v60, v31  }
0x1d8: {  	v59 =	vld [tilespmem:s20+$0x11A60];
	v30 =	vadd.f32 v35, v30;
	v56 =	vmul.f32 v52, v63;
	v60 =	vmul.f32 v55, v63  }
0x1d9: {  	v61 =	vld [tilespmem:s20+$0x11A70];
	v37 =	vadd.f32 v50, v37;
	v57 =	vmul.f32 v52, v49;
	v35 =	vmul.f32 v55, v49  }
0x1da: {  	v32 =	vadd.f32 v51, v32;
	v45 =	vmul.f32 v58, v54;
	v49 =	vmul.f32 v62, v54  }
0x1db: {  	v50 =	vperm.xlane v33, v9;
	v54 =	vperm.xlane v34, v10;
	v31 =	vadd.f32 v41, v31  }
0x1dc: {  	v51 =	vld [tilespmem:s20+$0x11E10];
	v30 =	vadd.f32 v36, v30;
	v63 =	vmul.f32 v58, v53;
	v46 =	vmul.f32 v62, v53  }
0x1dd: {  	v32 =	vadd.f32 v60, v32;
	v58 =	vmul.f32 v54, v48;
	v60 =	vperm.xlane v34, v11  }
0x1de: {  	v55 =	vld [tilespmem:s20+$0x11E20];
	v37 =	vadd.f32 v56, v37;
	v52 =	vmul.f32 v47, v59;
	v41 =	vmul.f32 v47, v61  }
0x1df: {  	v31 =	vadd.f32 v57, v31;
	v53 =	vmul.f32 v50, v59;
	v36 =	vmul.f32 v50, v61  }
0x1e0: {  	v30 =	vadd.f32 v35, v30;
	v57 =	vperm.xlane v33, v10;
	v47 =	vperm.xlane v33, v11  }
0x1e1: {  	v56 =	vld [tilespmem:s20+$0x11E30];
	v37 =	vadd.f32 v63, v37;
	v32 =	vadd.f32 v46, v32;
	v59 =	vmul.f32 v54, v51  }
0x1e2: {  	v61 =	vld [tilespmem:s20+$0x11E40];
	v31 =	vadd.f32 v45, v31;
	v62 =	vmul.f32 v57, v48;
	v35 =	vmul.f32 v57, v51  }
0x1e3: {  	v30 =	vadd.f32 v49, v30;
	v48 =	vmul.f32 v60, v55;
	v50 =	vmul.f32 v47, v55  }
0x1e4: {  	v63 =	vld [tilespmem:s20+$0x11E50];
	v51 =	vperm.xlane v34, v12;
	v57 =	vperm.xlane v34, v13;
	v37 =	vadd.f32 v52, v37  }
0x1e5: {  	v43 =	vld [tilespmem:s20+$0x11E60];
	v32 =	vadd.f32 v53, v32;
	v53 =	vperm.xlane v33, v12;
	v31 =	vadd.f32 v41, v31  }
0x1e6: {  	v54 =	vld [tilespmem:s20+$0x11E70];
	v30 =	vadd.f32 v36, v30;
	v49 =	vmul.f32 v60, v56;
	v52 =	vmul.f32 v47, v56  }
0x1e7: {  	v37 =	vadd.f32 v58, v37;
	v32 =	vadd.f32 v62, v32;
	v55 =	vmul.f32 v51, v61  }
0x1e8: {  	v56 =	vmul.f32 v53, v61;
	v58 =	vld [tilespmem:s20+$0x12200];
	v62 =	vperm.xlane v33, v13;
	v31 =	vadd.f32 v59, v31  }
0x1e9: {  	v61 =	vld [tilespmem:s20+$0x12210];
	v30 =	vadd.f32 v35, v30;
	v41 =	vmul.f32 v51, v63;
	v60 =	vmul.f32 v53, v63  }
0x1ea: {  	v63 =	vmul.f32 v57, v43;
	v37 =	vadd.f32 v48, v37;
	v32 =	vadd.f32 v50, v32  }
0x1eb: {  	v51 =	vld [tilespmem:s20+$0x12220];
	v50 =	vperm.xlane v34, v14;
	v35 =	vmul.f32 v62, v54;
	v31 =	vadd.f32 v49, v31  }
0x1ec: {  	v53 =	vld [tilespmem:s20+$0x12230];
	v30 =	vadd.f32 v52, v30;
	v49 =	vmul.f32 v57, v54;
	v52 =	vmul.f32 v62, v43  }
0x1ed: {  	v54 =	vperm.xlane v33, v14;
	v37 =	vadd.f32 v55, v37;
	v32 =	vadd.f32 v56, v32  }
0x1ee: {  	v59 =	vadd.f32 v41, v31;
	v55 =	vmul.f32 v50, v58;
	v56 =	vmul.f32 v50, v61  }
0x1ef: {  	v48 =	vadd.f32 v60, v30;
	v31 =	vld.idx.msk [tilespmem:v20+s20+$0x30 ss:$0x1], $0xffff;
	v57 =	vmul.f32 v54, v58;
	v58 =	vperm.xlane v34, v15  }
0x1f0: {  	v30 =	vld.idx.msk [tilespmem:v21+s20+$0x0 ss:$0x1], $0xffff;
	v36 =	vmul.f32 v54, v61;
	v60 =	vperm.xlane v33, v15;
	v37 =	vadd.f32 v63, v37  }
0x1f1: {  	v61 =	vld [tilespmem:s20+$0x12250];
	v32 =	vadd.f32 v52, v32;
	v62 =	vmul.f32 v58, v51;
	v42 =	vmul.f32 v58, v53  }
0x1f2: {  	v50 =	vld [tilespmem:s20+$0x12270];
	v35 =	vadd.f32 v35, v48;
	v63 =	vmul.f32 v60, v51;
	v48 =	vperm.xlane v34, v16  }
0x1f3: {  	v40 =	vadd.f32 v49, v59;
	v59 =	vld [tilespmem:s20+$0x12240];
	v38 =	vmul.f32 v60, v53;
	v51 =	vperm.xlane v33, v16  }
0x1f4: {  	v49 =	vld [tilespmem:s20+$0x12260];
	v34 =	vperm.xlane v34, v17;
	v33 =	vperm.xlane v33, v17  }
0x1f5: {  	v60 =	vperm.xlane v29, v2;
	v37 =	vadd.f32 v55, v37;
	v32 =	vadd.f32 v57, v32  }
0x1f6: {  	v55 =	vld [tilespmem:s20+$0x12600];
	v39 =	vadd.f32 v56, v40;
	v35 =	vadd.f32 v36, v35;
	v53 =	vmul.f32 v48, v61  }
0x1f7: {  	v57 =	vld [tilespmem:s20+$0x12610];
	v36 =	vadd.f32 v63, v32;
	v56 =	vmul.f32 v51, v61;
	v63 =	vperm.xlane v28, v2  }
0x1f8: {  	v37 =	vadd.f32 v62, v37;
	v52 =	vmul.f32 v48, v59;
	v54 =	vmul.f32 v51, v59  }
0x1f9: {  	v32 =	vsub.f32 v31, v30;
	v58 =	vmul.f32 v34, v49;
	v34 =	vmul.f32 v34, v50  }
0x1fa: {  	v61 =	vld [tilespmem:s20+$0x12620];
	v39 =	vadd.f32 v42, v39;
	v59 =	vmul.f32 v33, v49;
	v33 =	vmul.f32 v33, v50  }
0x1fb: {  	v62 =	vld [tilespmem:s20+$0x12630];
	v35 =	vadd.f32 v38, v35;
	v48 =	vperm.xlane v29, v3;
	v46 =	vmul.f32 v60, v55  }
0x1fc: {  	v38 =	vadd.f32 v53, v39;
	v47 =	vmul.f32 v60, v57;
	v50 =	vmul.f32 v63, v55  }
0x1fd: {  	v49 =	vld [tilespmem:s20+$0x12640];
	v35 =	vadd.f32 v56, v35;
	v39 =	vmul.f32 v63, v57;
	v56 =	vperm.xlane v29, v4  }
0x1fe: {  	v51 =	vld [tilespmem:s20+$0x12650];
	v37 =	vadd.f32 v52, v37;
	v36 =	vadd.f32 v54, v36;
	v52 =	vperm.xlane v28, v3  }
0x1ff: {  	v34 =	vadd.f32 v34, v38;
	v33 =	vadd.f32 v33, v35;
	v53 =	vmul.f32 v48, v61  }
0x200: {  	v54 =	vmul.f32 v48, v62;
	v37 =	vadd.f32 v58, v37;
	v55 =	vmul.f32 v52, v61  }
0x201: {  	v57 =	vld [tilespmem:s20+$0x12660];
	v36 =	vadd.f32 v59, v36;
	v35 =	vmul.f32 v52, v62;
	v58 =	vperm.xlane v28, v4  }
0x202: {  	v63 =	vld [tilespmem:s20+$0x12A00];
	v62 =	vperm.xlane v29, v5;
	v52 =	vperm.xlane v29, v6;
	v34 =	vadd.f32 v47, v34  }
0x203: {  	v48 =	vld [tilespmem:s20+$0x12A10];
	v33 =	vadd.f32 v39, v33;
	v60 =	vmul.f32 v56, v49;
	v42 =	vmul.f32 v56, v51  }
0x204: {  	v59 =	vld [tilespmem:s20+$0x12670];
	v56 =	vperm.xlane v28, v6;
	v37 =	vadd.f32 v46, v37;
	v61 =	vmul.f32 v58, v49  }
0x205: {  	v36 =	vadd.f32 v50, v36;
	v38 =	vmul.f32 v58, v51;
	v49 =	vperm.xlane v28, v5  }
0x206: {  	v50 =	vmul.f32 v62, v57;
	v34 =	vadd.f32 v54, v34;
	v33 =	vadd.f32 v35, v33  }
0x207: {  	v37 =	vadd.f32 v53, v37;
	v36 =	vadd.f32 v55, v36;
	v54 =	vmul.f32 v49, v57  }
0x208: {  	v53 =	vld [tilespmem:s20+$0x12A20];
	v57 =	vmul.f32 v52, v63;
	v58 =	vmul.f32 v52, v48;
	v34 =	vadd.f32 v42, v34  }
0x209: {  	v55 =	vld [tilespmem:s20+$0x12A30];
	v51 =	vmul.f32 v62, v59;
	v62 =	vmul.f32 v56, v48;
	v37 =	vadd.f32 v60, v37  }
0x20a: {  	v35 =	vadd.f32 v61, v36;
	v36 =	vmul.f32 v49, v59;
	v59 =	vmul.f32 v56, v63  }
0x20b: {  	v33 =	vadd.f32 v38, v33;
	v48 =	vld [tilespmem:s20+$0x12A50];
	v60 =	vperm.xlane v29, v7;
	v63 =	vperm.xlane v28, v7  }
0x20c: {  	v61 =	vld [tilespmem:s20+$0x12A40];
	v34 =	vadd.f32 v51, v34;
	v51 =	vperm.xlane v29, v8;
	v37 =	vadd.f32 v50, v37  }
0x20d: {  	v35 =	vadd.f32 v54, v35;
	v33 =	vadd.f32 v36, v33;
	v54 =	vperm.xlane v28, v8  }
0x20e: {  	v52 =	vld [tilespmem:s20+$0x12A60];
	v34 =	vadd.f32 v58, v34;
	v49 =	vmul.f32 v60, v53;
	v42 =	vmul.f32 v60, v55  }
0x20f: {  	v50 =	vmul.f32 v63, v53;
	v38 =	vmul.f32 v63, v55;
	v37 =	vadd.f32 v57, v37  }
0x210: {  	v53 =	vld [tilespmem:s20+$0x12A70];
	v35 =	vadd.f32 v59, v35;
	v56 =	vmul.f32 v51, v48;
	v57 =	vperm.xlane v29, v9  }
0x211: {  	v58 =	vld [tilespmem:s20+$0x12E00];
	v33 =	vadd.f32 v62, v33;
	v36 =	vmul.f32 v54, v48;
	v55 =	vmul.f32 v51, v61  }
0x212: {  	v60 =	vld [tilespmem:s20+$0x12E10];
	v34 =	vadd.f32 v42, v34;
	v59 =	vmul.f32 v54, v61;
	v61 =	vperm.xlane v28, v9  }
0x213: {  	v37 =	vadd.f32 v49, v37;
	v35 =	vadd.f32 v50, v35;
	v62 =	vmul.f32 v57, v52  }
0x214: {  	v33 =	vadd.f32 v38, v33;
	v49 =	vperm.xlane v29, v10;
	v48 =	vmul.f32 v61, v52  }
0x215: {  	v50 =	vld [tilespmem:s20+$0x12E20];
	v34 =	vadd.f32 v56, v34;
	v52 =	vperm.xlane v28, v10;
	v56 =	vperm.xlane v29, v11  }
0x216: {  	v37 =	vadd.f32 v55, v37;
	v63 =	vmul.f32 v57, v53;
	v51 =	vmul.f32 v61, v53  }
0x217: {  	v35 =	vadd.f32 v59, v35;
	v54 =	vmul.f32 v49, v58;
	v42 =	vmul.f32 v49, v60  }
0x218: {  	v33 =	vadd.f32 v36, v33;
	v53 =	vld [tilespmem:s20+$0x12E30];
	v59 =	vperm.xlane v28, v11;
	v55 =	vmul.f32 v52, v58  }
0x219: {  	v57 =	vld [tilespmem:s20+$0x12E40];
	v38 =	vmul.f32 v52, v60;
	v37 =	vadd.f32 v62, v37;
	v34 =	vadd.f32 v63, v34  }
0x21a: {  	v58 =	vld [tilespmem:s20+$0x12E50];
	v35 =	vadd.f32 v48, v35;
	v62 =	vperm.xlane v29, v12;
	v60 =	vmul.f32 v56, v50  }
0x21b: {  	v49 =	vld [tilespmem:s20+$0x12E70];
	v33 =	vadd.f32 v51, v33;
	v48 =	vmul.f32 v59, v50;
	v50 =	vperm.xlane v28, v12  }
0x21c: {  	v63 =	vld [tilespmem:s20+$0x12E60];
	v37 =	vadd.f32 v54, v37;
	v34 =	vadd.f32 v42, v34;
	v54 =	vperm.xlane v29, v13  }
0x21d: {  	v35 =	vadd.f32 v55, v35;
	v61 =	vmul.f32 v56, v53;
	v36 =	vmul.f32 v59, v53  }
0x21e: {  	v33 =	vadd.f32 v38, v33;
	v51 =	vmul.f32 v62, v57;
	v53 =	vmul.f32 v50, v57  }
0x21f: {  	v57 =	vperm.xlane v28, v13;
	v37 =	vadd.f32 v60, v37;
	v52 =	vmul.f32 v62, v58  }
0x220: {  	v55 =	vld [tilespmem:s20+$0x13200];
	v35 =	vadd.f32 v48, v35;
	v56 =	vmul.f32 v50, v58;
	v42 =	vmul.f32 v54, v49  }
0x221: {  	v48 =	vperm.xlane v28, v14;
	v34 =	vadd.f32 v61, v34;
	v59 =	vmul.f32 v54, v63  }
0x222: {  	v58 =	vld [tilespmem:s20+$0x13210];
	v33 =	vadd.f32 v36, v33;
	v60 =	vmul.f32 v57, v63;
	v61 =	vperm.xlane v29, v14  }
0x223: {  	v62 =	vld [tilespmem:s20+$0x13220];
	v38 =	vmul.f32 v57, v49;
	v54 =	vperm.xlane v28, v15;
	v37 =	vadd.f32 v51, v37  }
0x224: {  	v35 =	vadd.f32 v53, v35;
	v51 =	vperm.xlane v29, v15;
	v34 =	vadd.f32 v52, v34  }
0x225: {  	v63 =	vld [tilespmem:s20+$0x13230];
	v36 =	vadd.f32 v56, v33;
	v49 =	vmul.f32 v61, v55;
	v52 =	vmul.f32 v48, v55  }
0x226: {  	v53 =	vld [tilespmem:s20+$0x13240];
	v37 =	vadd.f32 v59, v37;
	v59 =	vperm.xlane v29, v16;
	v29 =	vperm.xlane v29, v17  }
0x227: {  	v33 =	vld.idx.msk [tilespmem:v22+s20+$0x0 ss:$0x1], $0xffff;
	v35 =	vadd.f32 v60, v35;
	v50 =	vmul.f32 v61, v58;
	v40 =	vmul.f32 v48, v58  }
0x228: {  	v56 =	vld [tilespmem:s20+$0x13250];
	v34 =	vadd.f32 v42, v34;
	v55 =	vmul.f32 v51, v62;
	v58 =	vmul.f32 v54, v62  }
0x229: {  	v36 =	vadd.f32 v38, v36;
	v62 =	vperm.xlane v28, v16;
	v28 =	vperm.xlane v28, v17  }
0x22a: {  	v60 =	vld [tilespmem:s20+$0x13260];
	v37 =	vadd.f32 v49, v37;
	v35 =	vadd.f32 v52, v35;
	v57 =	vmul.f32 v51, v63  }
0x22b: {  	v61 =	vld [tilespmem:s20+$0x13270];
	v39 =	vmul.f32 v54, v63;
	v38 =	vadd.f32 v50, v34;
	v63 =	vmul.f32 v59, v53  }
0x22c: {  	v49 =	vld [tilespmem:s20+$0x13600];
	v36 =	vadd.f32 v40, v36;
	v41 =	vmul.f32 v62, v53;
	v53 =	vperm.xlane v32, v2  }
0x22d: {  	v54 =	vld [tilespmem:s20+$0x13620];
	v37 =	vadd.f32 v55, v37;
	v34 =	vsub.f32 v31, v33;
	v48 =	vmul.f32 v59, v56  }
0x22e: {  	v50 =	vld [tilespmem:s20+$0x13610];
	v35 =	vadd.f32 v58, v35;
	v42 =	vmul.f32 v62, v56;
	v59 =	vperm.xlane v32, v3  }
0x22f: {  	v38 =	vadd.f32 v57, v38;
	v36 =	vadd.f32 v39, v36;
	v51 =	vmul.f32 v29, v60  }
0x230: {  	v52 =	vmul.f32 v28, v60;
	v37 =	vadd.f32 v63, v37;
	v29 =	vmul.f32 v29, v61  }
0x231: {  	v35 =	vadd.f32 v41, v35;
	v28 =	vmul.f32 v28, v61;
	v55 =	vperm.xlane v34, v2  }
0x232: {  	v56 =	vld [tilespmem:s20+$0x13630];
	v62 =	vperm.xlane v34, v3;
	v38 =	vadd.f32 v48, v38;
	v57 =	vmul.f32 v53, v49  }
0x233: {  	v60 =	vld [tilespmem:s20+$0x13640];
	v36 =	vadd.f32 v42, v36;
	v63 =	vmul.f32 v59, v54;
	v41 =	vmul.f32 v53, v50  }
0x234: {  	v37 =	vadd.f32 v51, v37;
	v58 =	vmul.f32 v55, v49;
	v49 =	vperm.xlane v32, v4  }
0x235: {  	v61 =	vld [tilespmem:s20+$0x13650];
	v35 =	vadd.f32 v52, v35;
	v51 =	vmul.f32 v62, v54;
	v53 =	vperm.xlane v34, v4  }
0x236: {  	v29 =	vadd.f32 v29, v38;
	v28 =	vadd.f32 v28, v36;
	v38 =	vmul.f32 v55, v50  }
0x237: {  	v52 =	vld [tilespmem:s20+$0x13670];
	v48 =	vmul.f32 v59, v56;
	v36 =	vmul.f32 v62, v56;
	v37 =	vadd.f32 v57, v37  }
0x238: {  	v35 =	vadd.f32 v58, v35;
	v54 =	vmul.f32 v49, v60;
	v56 =	vmul.f32 v53, v60  }
0x239: {  	v50 =	vld [tilespmem:s20+$0x13660];
	v57 =	vperm.xlane v32, v5;
	v60 =	vperm.xlane v34, v5;
	v29 =	vadd.f32 v41, v29  }
0x23a: {  	v58 =	vld [tilespmem:s20+$0x13A00];
	v28 =	vadd.f32 v38, v28;
	v55 =	vmul.f32 v49, v61;
	v59 =	vmul.f32 v53, v61  }
0x23b: {  	v37 =	vadd.f32 v63, v37;
	v35 =	vadd.f32 v51, v35;
	v51 =	vperm.xlane v34, v6  }
0x23c: {  	v61 =	vld [tilespmem:s20+$0x13A10];
	v29 =	vadd.f32 v48, v29;
	v28 =	vadd.f32 v36, v28;
	v42 =	vmul.f32 v57, v52  }
0x23d: {  	v49 =	vld [tilespmem:s20+$0x13A20];
	v48 =	vperm.xlane v32, v6;
	v38 =	vmul.f32 v60, v52;
	v37 =	vadd.f32 v54, v37  }
0x23e: {  	v35 =	vadd.f32 v56, v35;
	v62 =	vmul.f32 v57, v50;
	v63 =	vmul.f32 v60, v50  }
0x23f: {  	v54 =	vperm.xlane v32, v7;
	v29 =	vadd.f32 v55, v29;
	v52 =	vmul.f32 v48, v58  }
0x240: {  	v50 =	vld [tilespmem:s20+$0x13A30];
	v28 =	vadd.f32 v59, v28;
	v56 =	vmul.f32 v51, v58;
	v58 =	vperm.xlane v34, v7  }
0x241: {  	v57 =	vld [tilespmem:s20+$0x13A50];
	v37 =	vadd.f32 v62, v37;
	v53 =	vmul.f32 v48, v61;
	v36 =	vmul.f32 v51, v61  }
0x242: {  	v35 =	vadd.f32 v63, v35;
	v59 =	vmul.f32 v54, v49;
	v62 =	vperm.xlane v32, v8  }
0x243: {  	v55 =	vld [tilespmem:s20+$0x13A40];
	v29 =	vadd.f32 v42, v29;
	v28 =	vadd.f32 v38, v28;
	v61 =	vmul.f32 v58, v49  }
0x244: {  	v49 =	vperm.xlane v34, v8;
	v37 =	vadd.f32 v52, v37;
	v35 =	vadd.f32 v56, v35  }
0x245: {  	v63 =	vld [tilespmem:s20+$0x13A60];
	v56 =	vperm.xlane v34, v9;
	v29 =	vadd.f32 v53, v29;
	v60 =	vmul.f32 v54, v50  }
0x246: {  	v28 =	vadd.f32 v36, v28;
	v48 =	vmul.f32 v58, v50;
	v42 =	vmul.f32 v62, v57  }
0x247: {  	v50 =	vld [tilespmem:s20+$0x13A70];
	v53 =	vperm.xlane v32, v9;
	v38 =	vmul.f32 v49, v57;
	v37 =	vadd.f32 v59, v37  }
0x248: {  	v54 =	vld [tilespmem:s20+$0x13E00];
	v35 =	vadd.f32 v61, v35;
	v51 =	vmul.f32 v62, v55;
	v52 =	vmul.f32 v49, v55  }
0x249: {  	v55 =	vld [tilespmem:s20+$0x13E10];
	v59 =	vperm.xlane v32, v10;
	v49 =	vperm.xlane v32, v11;
	v29 =	vadd.f32 v60, v29  }
0x24a: {  	v62 =	vld [tilespmem:s20+$0x13E30];
	v28 =	vadd.f32 v48, v28;
	v57 =	vmul.f32 v53, v63;
	v61 =	vmul.f32 v56, v63  }
0x24b: {  	v63 =	vperm.xlane v34, v10;
	v35 =	vadd.f32 v52, v35;
	v52 =	vperm.xlane v34, v11  }
0x24c: {  	v60 =	vld [tilespmem:s20+$0x13E20];
	v37 =	vadd.f32 v51, v37;
	v58 =	vmul.f32 v53, v50;
	v36 =	vmul.f32 v56, v50  }
0x24d: {  	v29 =	vadd.f32 v42, v29;
	v46 =	vmul.f32 v59, v54;
	v48 =	vmul.f32 v63, v54  }
0x24e: {  	v28 =	vadd.f32 v38, v28;
	v50 =	vld [tilespmem:s20+$0x13E40];
	v56 =	vperm.xlane v32, v12;
	v47 =	vmul.f32 v59, v55  }
0x24f: {  	v37 =	vadd.f32 v57, v37;
	v53 =	vld [tilespmem:s20+$0x13E50];
	v51 =	vmul.f32 v63, v55;
	v42 =	vmul.f32 v49, v62  }
0x250: {  	v35 =	vadd.f32 v61, v35;
	v38 =	vmul.f32 v52, v62;
	v59 =	vperm.xlane v34, v12  }
0x251: {  	v57 =	vld [tilespmem:s20+$0x13E60];
	v29 =	vadd.f32 v58, v29;
	v37 =	vadd.f32 v46, v37;
	v54 =	vmul.f32 v49, v60  }
0x252: {  	v62 =	vperm.xlane v32, v13;
	v63 =	vld [tilespmem:s20+$0x14200];
	v28 =	vadd.f32 v36, v28;
	v35 =	vadd.f32 v48, v35  }
0x253: {  	v55 =	vmul.f32 v52, v60;
	v58 =	vld [tilespmem:s20+$0x13E70];
	v37 =	vadd.f32 v54, v37;
	v54 =	vperm.xlane v32, v14  }
0x254: {  	v29 =	vadd.f32 v47, v29;
	v60 =	vmul.f32 v56, v50;
	v61 =	vmul.f32 v56, v53  }
0x255: {  	v49 =	vld [tilespmem:s20+$0x14210];
	v28 =	vadd.f32 v51, v28;
	v48 =	vmul.f32 v59, v50;
	v36 =	vmul.f32 v59, v53  }
0x256: {  	v35 =	vadd.f32 v55, v35;
	v50 =	vperm.xlane v34, v13;
	v51 =	vmul.f32 v62, v57  }
0x257: {  	v29 =	vadd.f32 v42, v29;
	v28 =	vadd.f32 v38, v28;
	v59 =	vmul.f32 v54, v63  }
0x258: {  	v55 =	vld [tilespmem:s20+$0x14220];
	v37 =	vadd.f32 v60, v37;
	v52 =	vmul.f32 v62, v58;
	v53 =	vmul.f32 v50, v57  }
0x259: {  	v35 =	vadd.f32 v48, v35;
	v56 =	vmul.f32 v50, v58;
	v57 =	vperm.xlane v34, v14  }
0x25a: {  	v42 =	vmul.f32 v54, v49;
	v48 =	vperm.xlane v34, v15;
	v29 =	vadd.f32 v61, v29  }
0x25b: {  	v58 =	vld [tilespmem:s20+$0x14230];
	v28 =	vadd.f32 v36, v28;
	v61 =	vperm.xlane v32, v15;
	v37 =	vadd.f32 v51, v37  }
0x25c: {  	v62 =	vld [tilespmem:s20+$0x14240];
	v35 =	vadd.f32 v53, v35;
	v60 =	vmul.f32 v57, v63;
	v38 =	vmul.f32 v57, v49  }
0x25d: {  	v63 =	vld [tilespmem:s20+$0x14250];
	v54 =	vmul.f32 v48, v55;
	v29 =	vadd.f32 v52, v29;
	v49 =	vmul.f32 v61, v55  }
0x25e: {  	v50 =	vld [tilespmem:s20+$0x14260];
	v28 =	vadd.f32 v56, v28;
	v52 =	vperm.xlane v32, v16;
	v55 =	vperm.xlane v34, v16  }
0x25f: {  	v53 =	vld [tilespmem:s20+$0x14270];
	v32 =	vperm.xlane v32, v17;
	v34 =	vperm.xlane v34, v17;
	v37 =	vadd.f32 v59, v37  }
0x260: {  	v35 =	vadd.f32 v60, v35;
	v29 =	vadd.f32 v42, v29;
	v51 =	vmul.f32 v61, v58  }
0x261: {  	v28 =	vadd.f32 v38, v28;
	v36 =	vmul.f32 v48, v58;
	v56 =	vmul.f32 v52, v62  }
0x262: {  	v37 =	vadd.f32 v49, v37;
	v29 =	vadd.f32 v51, v29;
	v57 =	vmul.f32 v52, v63  }
0x263: {  	v58 =	vmul.f32 v55, v62;
	v59 =	vmul.f32 v32, v50;
	v35 =	vadd.f32 v54, v35  }
0x264: {  	v32 =	vmul.f32 v32, v53;
	v37 =	vadd.f32 v56, v37;
	v29 =	vadd.f32 v57, v29  }
0x265: {  	v28 =	vadd.f32 v36, v28;
	v60 =	vmul.f32 v55, v63;
	v35 =	vadd.f32 v58, v35  }
0x266: {  	v61 =	vmul.f32 v34, v50;
	v37 =	vadd.f32 v59, v37;
	v29 =	vadd.f32 v32, v29  }
0x267: {  	v26 =	vmul.f32 v26, v26;
	v34 =	vmul.f32 v34, v53;
	v28 =	vadd.f32 v60, v28  }
0x268: {  	v32 =	vadd.f32 v61, v35;
	v62 =	vmul.f32 v37, v37;
	v29 =	vmul.f32 v29, v29  }
0x269: {  	v26 =	vadd.f32 v26, v27;
	v27 =	vmul.f32 v31, v31  }
0x26a: {  	v28 =	vadd.f32 v34, v28;
	v63 =	vmul.f32 v32, v32;
	v29 =	vadd.f32 v29, v62  }
0x26b: {  	p0 =	sne.s32 s24, $0xE00;
	v24 =	vmul.f32 v24, v24;
	v26 =	vadd.f32 v27, v26  }
.Ltmp1:
0x26c: {  	v27 =	vmul.f32 v30, v30;
	v28 =	vmul.f32 v28, v28;
	v29 =	vsub.f32 v29, v63;
	(pc) =	sbr.rel @p0 .LBB2_6-.Ltmp1, $3  }
0x26d: {  	v25 =	vmul.f32 v25, v25;
	v19 =	vadd.f32 v24, v19  }
0x26e: {  	v26 =	vadd.f32 v27, v26;
	v27 =	vmul.f32 v33, v33;
	v28 =	vsub.f32 v29, v28;
	_ =	sdelay $0x1  }
0x26f: {  	s24 =	sadd.s32 $0x200, s24;
	v19 =	vadd.f32 v25, v19;
	v24 =	vadd.f32 v27, v26;
	[tilespmem:v23+s20+$0x0 ss:$0x1] =	vst.idx.msk $0xffff, v28  }
0x270: {  	s19 =	sadd.s32 $0x1, s19  }
0x271: {  	p0 =	sne.s32 s19, $0x8  }
.Ltmp2:
0x272: {  	_ = 	snop;
	(pc) =	sbr.rel @p0 .LBB2_3-.Ltmp2, $4  }
0x273: {  	_ = 	snop  }
0x274: {  	s9 =	sadd.s32 $0x800, s9;
	s10 =	sadd.s32 $0x800, s10  }
0x275: {  	s22 =	sadd.s32 $0x800, s22;
	s23 =	sadd.s32 $0x800, s23;
	s5 =	sadd.s32 $0x800, s5  }
0x276: {  	s21 =	sadd.s32 $0x800, s21;
	s7 =	sadd.s32 $0x800, s7;
	s6 =	sadd.s32 $0x800, s6  }
0x277: {  	s0 =	rddreg [dreg:$0xd]  }
0x278: {  	s5 =	rddreg [dreg:$0x7];
	s22 =	simm.s32 $0x0;
	s0 =	sshll.u32 s0, $0x4  }
0x279: {  	s6 =	simm.s32 $0x14A00;
	s23 =	simm.s32 $0x4;
	s0 =	sadd.s32 s5, s0  }
0x27a: {  	[hbm4b:s0+s22] =	stream.linear.scatter [tilespmem:s6], [sflag:$0x4], $0x4000, $0x38;
	[tilespmem:$0x18A80] =	vst v63  }
0x27b: {  	_ =	swait.ge [sflag:s23], $0x4000  }
0x27c: {  	s24 =	rddreg [dreg:$0xc]  }
0x27d: {  	s5 =	sadd.s32 $0x1, s24  }
0x27e: {  	p0 =	sne.s32 s5, $0x4  }
.Ltmp3:
0x27f: {  	_ = 	snop;
	(pc) =	sbr.rel @p0 .LBB2_2-.Ltmp3, $3  }
0x280: {  	_ =	sdelay $0x1  }
0x281: {  	[sflag:s23] =	ssyncset.done $0x0  }
0x282: {  	[sflag:s23] =	ssyncadd.s32 $0xFFFFC000  }
0x283: {  	[tilespmem:$0x18A00] =	vst v24  }
0x284: {  	[tilespmem:$0x18A10] =	vst v19  }
0x285: {  	[tilespmem:$0x18A20] =	vst v18  }
0x286: {  	[tilespmem:$0x18A30] =	vst v18  }
0x287: {  	[tilespmem:$0x18A40] =	vst v18  }
0x288: {  	[tilespmem:$0x18A50] =	vst v18  }
0x289: {  	[tilespmem:$0x18A60] =	vst v18;
	s0 =	simm.s32 $0x0  }
0x28a: {  	[tilespmem:$0x18A70] =	vst v18;
	s5 =	rddreg [dreg:$0x9];
	s6 =	simm.s32 $0x18A00;
	s22 =	simm.s32 $0x4  }
0x28b: {  	[hbm4b:s5+s0] =	stream.linear.scatter [tilespmem:s6], [sflag:$0x4], $0x80, $0x38;
	[tilespmem:$0x18A80] =	vst v63  }
0x28c: {  	_ =	swait.ge [sflag:s22], $0x80  }
0x28d: {  	s23 =	rddreg [dreg:$0xb]  }
0x28e: {  	s24 =	rddreg [dreg:$0xa];
	s6 =	sadd.s32 $0x1, s23  }
0x28f: {  	p0 =	sne.s32 s6, s24  }
.Ltmp4:
0x290: {  	_ = 	snop;
	(pc) =	sbr.rel @p0 .LBB2_1-.Ltmp4, $3  }
0x291: {  	_ =	sdelay $0x1  }
0x292: {  	[sflag:s22] =	ssyncset.done $0x0  }
0x293: {  	[sflag:s22] =	ssyncadd.s32 $0xFFFFFF80  }
0x294: {  	_ =	sfence.sel $0x180000  }
0x295: {  	[bflag:$0x0] =	sbarrier.arrive $0xFFFF  }
0x296: {  	_ =	strace $0x90000047  }
0x297: {  	s0 =	stileid.u32;
	[bflag:$0x2] =	sbarrier.arrive $0xFFFF  }
0x298: {  	p0 =	sne.s32 s0, $0x0;
	s0 =	rddreg [dreg:$0x5]  }
0x299: {  	s0 =	sadd.s32 @!p0 $0x100000, s0  }
0x29a: {  	[sflag:s0] =	ssyncadd.tile.s32 @!p0 $0x1;
	_ =	shalt  }
.Lfunc_end2:
_tile_overlayer_lowered:
.L_overlay_start_2:
0x29b: {  	(tag) =	ssettag $0x2  }
0x29c: {  	s0 =	rddreg [dreg:$0x0];
	s2 =	stileid.u32  }
0x29d: {  	s1 =	rddreg [dreg:$0x1];
	p0 =	sne.s32 s2, $0x0  }
0x29e: {  	s3 =	rddreg [dreg:$0x2];
	[bflag:$0x3] =	sbarrier.arrive $0xFFFF;
	s2 =	simm.s32 @!p0 $0x1C04  }
0x29f: {  	[timem:s3], [sflag:s2] =	dma.local @!p0 [hbm:s0], s1  }
0x2a0: {  	s0 =	simm.s32 @!p0 $0x4  }
0x2a1: {  	_ =	swait.ge @!p0 [sflag:s0], s1  }
0x2a2: {  	s1 =	ssub.s32 @!p0 $0x0, s1;
	[sflag:s0] =	ssyncset.done @!p0 $0x0  }
0x2a3: {  	[sflag:s0] =	ssyncadd.s32 @!p0 s1  }
0x2a4: {  	[bflag:$0x3] =	sbarrier.arrive $0xFFFF  }
0x2a5: {  	_ =	shalt  }

</sc_bundles>
